<compile_context>
chip_gen: v7x
topology: tpu7x:2x2x1
jax: 0.10.2.dev20260603
libtpu: 0.0.44.dev20260713+nightly
codegen_flags: <defaults>
</compile_context>

<pallas_src>
import functools

import jax
import jax.numpy as jnp
from jax import lax
from jax.experimental import pallas as pl
from jax.experimental.pallas import tpu as pltpu
from jax.experimental.pallas import tpu_sc as plsc

N_NODES = 10000
N_EDGES = 320000
D = 128
NUM_GRAPHS = 128
NUM_CONV = 3
NUM_FC = 2
EPS = 1e-5

NC = 2
NS = 16
NW = NC * NS
EPT = N_EDGES // NW
CH = 128
NPAIR = 39
CHT = EPT - 2 * NPAIR * CH
ECH = 64
NG = 39
NPAD = 10112
RPT = NPAD // NS

_mesh = plsc.VectorSubcoreMesh(core_axis_name="c", subcore_axis_name="s")


@functools.partial(
    pl.kernel,
    mesh=_mesh,
    out_type=jax.ShapeDtypeStruct((NC, NPAD, D), jnp.float32),
    scratch_types=[
        pltpu.VMEM((CH,), jnp.int32),
        pltpu.VMEM((CH,), jnp.int32),
        pltpu.VMEM((CHT,), jnp.int32),
        pltpu.VMEM((CH, D), jnp.float32),
        pltpu.VMEM_SHARED((NPAD, D), jnp.float32),
        pltpu.SemaphoreType.DMA,
        pltpu.SemaphoreType.DMA,
    ],
)
def _deg_kernel(dst_hbm, ones_hbm, zeros_hbm, out_hbm, dst0, dst1, dstt, onesv,
                acc, s0, s1):
    c = lax.axis_index("c")
    s = lax.axis_index("s")
    wid = c * NS + s

    row0 = s * RPT
    pltpu.sync_copy(ones_hbm, onesv)
    pltpu.sync_copy(zeros_hbm, acc.at[pl.ds(row0, RPT)])
    plsc.subcore_barrier()

    def body(k, carry):
        b0 = wid * EPT + (2 * k) * CH
        pltpu.sync_copy(dst_hbm.at[pl.ds(b0, CH)], dst0)
        cs0 = pltpu.async_copy(onesv, acc.at[dst0], s0, add=True)
        pltpu.sync_copy(dst_hbm.at[pl.ds(b0 + CH, CH)], dst1)
        cs1 = pltpu.async_copy(onesv, acc.at[dst1], s1, add=True)
        cs0.wait()
        cs1.wait()
        return carry

    lax.fori_loop(0, NPAIR, body, 0)
    base = wid * EPT + 2 * NPAIR * CH
    pltpu.sync_copy(dst_hbm.at[pl.ds(base, CHT)], dstt)
    pltpu.sync_copy(onesv.at[pl.ds(0, CHT)], acc.at[dstt], add=True)
    plsc.subcore_barrier()

    off = 0
    for n in (CH,) * (RPT // CH) + ((RPT % CH),):
        if n:
            pltpu.sync_copy(acc.at[pl.ds(row0 + off, n)], onesv.at[pl.ds(0, n)])
            pltpu.sync_copy(onesv.at[pl.ds(0, n)],
                            out_hbm.at[c, pl.ds(row0 + off, n)])
            off += n


@functools.partial(
    pl.kernel,
    mesh=_mesh,
    out_type=jax.ShapeDtypeStruct((NC, NPAD, D), jnp.float32),
    scratch_types=(
        [pltpu.VMEM((EPT,), jnp.int32)]
        + [pltpu.VMEM((ECH,), jnp.int32) for _ in range(4)]
        + [pltpu.VMEM((CHT,), jnp.int32)]
        + [pltpu.VMEM((ECH, D), jnp.float32) for _ in range(4)]
        + [pltpu.VMEM_SHARED((NPAD, D), jnp.float32)]
        + [pltpu.SemaphoreType.DMA for _ in range(8)]
    ),
)
def _edge_kernel(src_hbm, dst_hbm, y_hbm, zeros_hbm, out_hbm,
                 srcall, d0, d1, d2, d3, dstt, r0, r1, r2, r3, acc,
                 g0, g1, g2, g3, s0, s1, s2, s3):
    c = lax.axis_index("c")
    s = lax.axis_index("s")
    wid = c * NS + s
    dd = [d0, d1, d2, d3]
    rr = [r0, r1, r2, r3]
    gg = [g0, g1, g2, g3]
    ss = [s0, s1, s2, s3]

    row0 = s * RPT
    pltpu.sync_copy(src_hbm.at[pl.ds(wid * EPT, EPT)], srcall)
    pltpu.sync_copy(zeros_hbm, acc.at[pl.ds(row0, RPT)])
    plsc.subcore_barrier()

    def gat(eoff, j):
        return pltpu.async_copy(
            y_hbm.at[srcall.at[pl.ds(eoff, ECH)]], rr[j], gg[j])

    for j in range(4):
        pltpu.sync_copy(dst_hbm.at[pl.ds(wid * EPT + j * ECH, ECH)], dd[j])
        gat(j * ECH, j)

    def body(k, carry):
        cs = []
        for j in range(4):
            pltpu.make_async_copy(
                y_hbm.at[srcall.at[pl.ds(j * ECH, ECH)]], rr[j], gg[j]).wait()
            cs.append(pltpu.async_copy(rr[j], acc.at[dd[j]], ss[j], add=True))
        for j in range(4):
            cs[j].wait()
            e = (4 * (k + 1) + j) * ECH
            pltpu.sync_copy(dst_hbm.at[pl.ds(wid * EPT + e, ECH)], dd[j])
            gat(e, j)
        return carry

    lax.fori_loop(0, NG - 1, body, 0)
    for j in range(4):
        pltpu.make_async_copy(
            y_hbm.at[srcall.at[pl.ds(j * ECH, ECH)]], rr[j], gg[j]).wait()
        pltpu.sync_copy(rr[j], acc.at[dd[j]], add=True)
    base = 4 * NG * ECH
    pltpu.sync_copy(dst_hbm.at[pl.ds(wid * EPT + base, CHT)], dstt)
    pltpu.async_copy(y_hbm.at[srcall.at[pl.ds(base, CHT)]],
                     r0.at[pl.ds(0, CHT)], g0).wait()
    pltpu.sync_copy(r0.at[pl.ds(0, CHT)], acc.at[dstt], add=True)
    plsc.subcore_barrier()

    off = 0
    for n in (ECH,) * (RPT // ECH) + ((RPT % ECH),):
        if n:
            pltpu.sync_copy(acc.at[pl.ds(row0 + off, n)], r0.at[pl.ds(0, n)])
            pltpu.sync_copy(r0.at[pl.ds(0, n)], out_hbm.at[c, pl.ds(row0 + off, n)])
            off += n


def _bn(x, g, b):
    mu = jnp.mean(x, axis=0, keepdims=True)
    xc = x - mu
    var = jnp.mean(xc * xc, axis=0, keepdims=True)
    return xc * lax.rsqrt(var + EPS) * g[None, :] + b[None, :]


def _pre_body(x_ref, g_ref, b_ref, W_ref, bb_ref, degw_ref, h_ref, dinv_ref):
    x = x_ref[...]
    xn = _bn(x, g_ref[...], b_ref[...])
    h = jnp.maximum(jnp.dot(xn, W_ref[...], preferred_element_type=jnp.float32)
                    + bb_ref[...][None, :], 0.0)
    h_ref[...] = h
    deg = degw_ref[0, :N_NODES, 0] + degw_ref[1, :N_NODES, 0] + 1.0
    dinv_ref[...] = lax.rsqrt(deg)[:, None]


def _pre_call(x, g, b, W, bb, degw):
    return pl.pallas_call(
        _pre_body,
        out_shape=(
            jax.ShapeDtypeStruct((N_NODES, D), jnp.float32),
            jax.ShapeDtypeStruct((N_NODES, 1), jnp.float32),
        ),
    )(x, g, b, W, bb, degw)


def _prep_body(h_ref, g_ref, b_ref, W_ref, dinv_ref, y_ref):
    xn = _bn(h_ref[...], g_ref[...], b_ref[...])
    y_ref[...] = dinv_ref[...] * jnp.dot(xn, W_ref[...],
                                         preferred_element_type=jnp.float32)


def _prep_call(h, g, b, W, dinv):
    return pl.pallas_call(
        _prep_body,
        out_shape=jax.ShapeDtypeStruct((N_NODES, D), jnp.float32),
    )(h, g, b, W, dinv)


def _combine_body(h_ref, y_ref, parts_ref, dinv_ref, b_ref, o_ref):
    srow = parts_ref[0, :N_NODES, :] + parts_ref[1, :N_NODES, :] + y_ref[...]
    o_ref[...] = h_ref[...] + jnp.maximum(
        dinv_ref[...] * srow + b_ref[...][None, :], 0.0)


def _combine_call(h, y, parts, dinv, b):
    return pl.pallas_call(
        _combine_body,
        out_shape=jax.ShapeDtypeStruct((N_NODES, D), jnp.float32),
    )(h, y, parts, dinv, b)


def _post_body(h_ref, batch_ref, fg_ref, fb_ref, fW_ref, fbb_ref,
               gh_ref, bh_ref, o_ref):
    batch = batch_ref[...]
    gid = lax.broadcasted_iota(jnp.int32, (N_NODES, NUM_GRAPHS), 1)
    onehot = (batch[:, None] == gid).astype(jnp.float32)
    p = lax.dot_general(onehot, h_ref[...], (((0,), (0,)), ((), ())),
                        preferred_element_type=jnp.float32)
    for i in range(NUM_FC):
        xn = _bn(p, fg_ref[i], fb_ref[i])
        p = jnp.maximum(jnp.dot(xn, fW_ref[i],
                                preferred_element_type=jnp.float32)
                        + fbb_ref[i][None, :], 0.0)
    o_ref[...] = _bn(p, gh_ref[...], bh_ref[...])


def _post_call(h, batch, fg, fb, fW, fbb, gh, bh):
    return pl.pallas_call(
        _post_body,
        out_shape=jax.ShapeDtypeStruct((NUM_GRAPHS, D), jnp.float32),
    )(h, batch, fg, fb, fW, fbb, gh, bh)


def kernel(x, edge_index, batch, gamma_feat, beta_feat, W_feat, b_feat,
           conv_gamma, conv_beta, conv_W, conv_b,
           fc_gamma, fc_beta, fc_W, fc_b, gamma_hidden, beta_hidden):
    src = edge_index[0].astype(jnp.int32)
    dst = edge_index[1].astype(jnp.int32)
    batch = batch.astype(jnp.int32)

    zrows = jnp.zeros((RPT, D), jnp.float32)
    degw = _deg_kernel(dst, jnp.ones((CH, D), jnp.float32), zrows)
    h, dinv = _pre_call(x, gamma_feat, beta_feat, W_feat, b_feat, degw)
    for i in range(NUM_CONV):
        y = _prep_call(h, conv_gamma[i], conv_beta[i], conv_W[i], dinv)
        parts = _edge_kernel(src, dst, y, zrows)
        h = _combine_call(h, y, parts, dinv, conv_b[i])
    return _post_call(h, batch, fc_gamma, fc_beta, fc_W, fc_b,
                      gamma_hidden, beta_hidden)

# --- scband reference (transcript-rebuilt; emitter-appended) ---
"""Pipeline reference for scband-res-gcn-69965017252460 (READ-ONLY COPY).

The authoritative reference and input builder live on the scoring server;
editing this copy changes nothing except your own understanding.
"""

import jax, jax.numpy as jnp
import numpy as np

N_NODES = 10000
N_EDGES = 320000
D = 128
NUM_GRAPHS = 128
NUM_CONV = 3
NUM_FC = 2
EPS = 1e-5


def _bn(x, gamma, beta):
    mu = jnp.mean(x, axis=0)
    var = jnp.var(x, axis=0)
    return (x - mu) / jnp.sqrt(var + EPS) * gamma + beta


def _gcn_conv(x, edge_index, W, b):
    # PyG GCNConv: x' = D^{-1/2} (A + I) D^{-1/2} (x W) + b
    n = x.shape[0]
    xw = x @ W
    loop = jnp.arange(n, dtype=edge_index.dtype)
    src = jnp.concatenate([edge_index[0], loop])
    dst = jnp.concatenate([edge_index[1], loop])
    deg = jnp.zeros((n,), jnp.float32).at[dst].add(1.0)
    dinv = jnp.where(deg > 0, 1.0 / jnp.sqrt(deg), 0.0)
    norm = dinv[src] * dinv[dst]
    msg = xw[src] * norm[:, None]
    out = jnp.zeros_like(xw).at[dst].add(msg)
    return out + b


def setup_inputs(seed: int = 0):
    key = jax.random.key(seed)
    ks = jax.random.split(key, 10)
    s = 1.0 / np.sqrt(D)
    x = jax.random.normal(ks[0], (N_NODES, D), dtype=jnp.float32)
    edge_index = jax.random.randint(ks[1], (2, N_EDGES), 0, N_NODES)
    batch = jnp.sort(jax.random.randint(ks[2], (N_NODES,), 0, NUM_GRAPHS))
    return {
        'x': x,
        'edge_index': edge_index,
        'batch': batch,
        'gamma_feat': jnp.ones((D,), jnp.float32),
        'beta_feat': jnp.zeros((D,), jnp.float32),
        'W_feat': jax.random.uniform(ks[3], (D, D), jnp.float32, -s, s),
        'b_feat': jax.random.uniform(ks[4], (D,), jnp.float32, -s, s),
        'conv_gamma': jnp.ones((NUM_CONV, D), jnp.float32),
        'conv_beta': jnp.zeros((NUM_CONV, D), jnp.float32),
        'conv_W': jax.random.uniform(ks[5], (NUM_CONV, D, D), jnp.float32, -s, s),
        'conv_b': jnp.zeros((NUM_CONV, D), jnp.float32),
        'fc_gamma': jnp.ones((NUM_FC, D), jnp.float32),
        'fc_beta': jnp.zeros((NUM_FC, D), jnp.float32),
        'fc_W': jax.random.uniform(ks[6], (NUM_FC, D, D), jnp.float32, -s, s),
        'fc_b': jax.random.uniform(ks[7], (NUM_FC, D), jnp.float32, -s, s),
        'gamma_hidden': jnp.ones((D,), jnp.float32),
        'beta_hidden': jnp.zeros((D,), jnp.float32),
    }


def reference(x, edge_index, batch, gamma_feat, beta_feat, W_feat, b_feat,
              conv_gamma, conv_beta, conv_W, conv_b,
              fc_gamma, fc_beta, fc_W, fc_b,
              gamma_hidden, beta_hidden):
    x = _bn(x, gamma_feat, beta_feat)
    x = jax.nn.relu(x @ W_feat + b_feat)
    for i in range(NUM_CONV):
        x_ = _bn(x, conv_gamma[i], conv_beta[i])
        x_ = jax.nn.relu(_gcn_conv(x_, edge_index, conv_W[i], conv_b[i]))
        x = x + x_  # residual=True
    x = jax.ops.segment_sum(x, batch, num_segments=NUM_GRAPHS)  # global_add_pool
    for i in range(NUM_FC):
        x_ = _bn(x, fc_gamma[i], fc_beta[i])
        x = jax.nn.relu(x_ @ fc_W[i] + fc_b[i])
    x = _bn(x, gamma_hidden, beta_hidden)
    return x

if __name__ == "__main__":
    import jax
    _d = setup_inputs()
    print(jax.jit(kernel)(*tuple(_d.values())))

</pallas_src>

<mosaic_0001>
#map = affine_map<(d0, d1) -> (0)>
#map1 = affine_map<(d0, d1) -> (0, 0)>
#map2 = affine_map<(d0, d1) -> (0, 0, 0)>
module attributes {stable_mosaic.version = 14 : i64} {
  func.func @_deg_kernel(%arg0: i32, %arg1: i32, %arg2: memref<320000xi32, #tpu.memory_space<hbm>>, %arg3: memref<128x128xf32, #tpu.memory_space<hbm>>, %arg4: memref<632x128xf32, #tpu.memory_space<hbm>>, %arg5: memref<2x10112x128xf32, #tpu.memory_space<hbm>>, %arg6: memref<128xi32, #tpu.memory_space<vmem>>, %arg7: memref<128xi32, #tpu.memory_space<vmem>>, %arg8: memref<16xi32, #tpu.memory_space<vmem>>, %arg9: memref<128x128xf32, #tpu.memory_space<vmem>>, %arg10: memref<10112x128xf32, #tpu.memory_space<vmem_shared>>, %arg11: memref<!tpu.dma_semaphore, #tpu.memory_space<semaphore_mem>>, %arg12: memref<!tpu.dma_semaphore, #tpu.memory_space<semaphore_mem>>) attributes {dimension_semantics = [#tpu.dimension_semantics<core_parallel>, #tpu.dimension_semantics<subcore_parallel>], iteration_bounds = array<i64: 2, 16>, scalar_prefetch = 0 : i64, scratch_operands = 7 : i64, tpu.core_type = #tpu.core_type<sc_vector_subcore>, window_params = [{transform_indices = #map}, {transform_indices = #map1}, {transform_indices = #map1}, {transform_indices = #map2}]} {
    %mul3A = arith.constant 16 : i32
    %mul3A_0 = arith.muli %arg0, %mul3A : i32
    %add3A = arith.addi %mul3A_0, %arg1 : i32
    %mul3A_1 = arith.constant 632 : i32
    %mul3A_2 = arith.muli %arg1, %mul3A_1 : i32
    "tpu.region"() ({
      %run_scoped3A = tpu.sem_alloc : memref<!tpu.dma_semaphore, #tpu.memory_space<semaphore_mem>>
      tpu.enqueue_dma source(%arg3 : memref<128x128xf32, #tpu.memory_space<hbm>>) target(%arg9 : memref<128x128xf32, #tpu.memory_space<vmem>>) target_semaphore(%run_scoped3A : memref<!tpu.dma_semaphore, #tpu.memory_space<semaphore_mem>>)
      tpu.wait_dma2 semaphore(%run_scoped3A : memref<!tpu.dma_semaphore, #tpu.memory_space<semaphore_mem>>) src(%arg3 : memref<128x128xf32, #tpu.memory_space<hbm>>) dst(%arg9 : memref<128x128xf32, #tpu.memory_space<vmem>>)
      tpu.yield
    }) : () -> ()
    "tpu.region"() ({
      %run_scoped3A = tpu.sem_alloc : memref<!tpu.dma_semaphore, #tpu.memory_space<semaphore_mem>>
      %dma_start3A = arith.constant 0 : i32
      %dma_start3A_33 = tpu.memref_slice %arg10[%mul3A_2, %dma_start3A] : memref<10112x128xf32, #tpu.memory_space<vmem_shared>> -> memref<632x128xf32, #tpu.memory_space<vmem_shared>>
      tpu.enqueue_dma source(%arg4 : memref<632x128xf32, #tpu.memory_space<hbm>>) target(%dma_start3A_33 : memref<632x128xf32, #tpu.memory_space<vmem_shared>>) target_semaphore(%run_scoped3A : memref<!tpu.dma_semaphore, #tpu.memory_space<semaphore_mem>>)
      %dma_wait3A = arith.constant 0 : i32
      %dma_wait3A_34 = tpu.memref_slice %arg10[%mul3A_2, %dma_wait3A] : memref<10112x128xf32, #tpu.memory_space<vmem_shared>> -> memref<632x128xf32, #tpu.memory_space<vmem_shared>>
      tpu.wait_dma2 semaphore(%run_scoped3A : memref<!tpu.dma_semaphore, #tpu.memory_space<semaphore_mem>>) src(%arg4 : memref<632x128xf32, #tpu.memory_space<hbm>>) dst(%dma_wait3A_34 : memref<632x128xf32, #tpu.memory_space<vmem_shared>>)
      tpu.yield
    }) : () -> ()
    %barrier3A = arith.constant 0 : index
    tpu.barrier barrier_id(%barrier3A)
    %scan3A = arith.constant 0 : i32
    %scan3A_3 = arith.constant 0 : i32
    %scan3A_4 = arith.constant 39 : i32
    %scan3A_5 = arith.addi %scan3A_3, %scan3A_4 : i32
    %scan3A_6 = arith.constant 1 : i32
    scf.for %scan3A_33 = %scan3A_3 to %scan3A_5 step %scan3A_6  : i32 {
      %mul3A_34 = arith.constant 10000 : i32
      %mul3A_35 = arith.muli %add3A, %mul3A_34 : i32
      %mul3A_36 = arith.constant 2 : i32
      %mul3A_37 = arith.muli %mul3A_36, %scan3A_33 : i32
      %mul3A_38 = arith.constant 128 : i32
      %mul3A_39 = arith.muli %mul3A_37, %mul3A_38 : i32
      %add3A_40 = arith.addi %mul3A_35, %mul3A_39 : i32
      "tpu.region"() ({
        %run_scoped3A = tpu.sem_alloc : memref<!tpu.dma_semaphore, #tpu.memory_space<semaphore_mem>>
        %dma_start3A_53 = tpu.memref_slice %arg2[%add3A_40] : memref<320000xi32, #tpu.memory_space<hbm>> -> memref<128xi32, #tpu.memory_space<hbm>>
        %dma_start3A_54 = tpu.memref_slice %arg2[%add3A_40] : memref<320000xi32, #tpu.memory_space<hbm>> -> memref<128xi32, #tpu.memory_space<hbm>>
        tpu.enqueue_dma source(%dma_start3A_54 : memref<128xi32, #tpu.memory_space<hbm>>) target(%arg6 : memref<128xi32, #tpu.memory_space<vmem>>) target_semaphore(%run_scoped3A : memref<!tpu.dma_semaphore, #tpu.memory_space<semaphore_mem>>)
        %dma_wait3A_55 = tpu.memref_slice %arg2[%add3A_40] : memref<320000xi32, #tpu.memory_space<hbm>> -> memref<128xi32, #tpu.memory_space<hbm>>
        %dma_wait3A_56 = tpu.memref_slice %arg2[%add3A_40] : memref<320000xi32, #tpu.memory_space<hbm>> -> memref<128xi32, #tpu.memory_space<hbm>>
        tpu.wait_dma2 semaphore(%run_scoped3A : memref<!tpu.dma_semaphore, #tpu.memory_space<semaphore_mem>>) src(%dma_wait3A_56 : memref<128xi32, #tpu.memory_space<hbm>>) dst(%arg6 : memref<128xi32, #tpu.memory_space<vmem>>)
        tpu.yield
      }) : () -> ()
      %dma_start3A = arith.constant 0 : i32
      %dma_start3A_41 = arith.constant 0 : i32
      %dma_start3A_42 = tpu.memref_slice %arg10[%dma_start3A, %dma_start3A_41] : memref<10112x128xf32, #tpu.memory_space<vmem_shared>> -> memref<10112x128xf32, #tpu.memory_space<vmem_shared>>
      tpu.enqueue_indirect_dma source(%arg9 : memref<128x128xf32, #tpu.memory_space<vmem>>) target(%dma_start3A_42 : memref<10112x128xf32, #tpu.memory_space<vmem_shared>>) offsets(%arg6 : memref<128xi32, #tpu.memory_space<vmem>>) semaphore(%arg11 : memref<!tpu.dma_semaphore, #tpu.memory_space<semaphore_mem>>) {add = true}
      %add3A_43 = arith.constant 128 : i32
      %add3A_44 = arith.addi %add3A_40, %add3A_43 : i32
      "tpu.region"() ({
        %run_scoped3A = tpu.sem_alloc : memref<!tpu.dma_semaphore, #tpu.memory_space<semaphore_mem>>
        %dma_start3A_53 = tpu.memref_slice %arg2[%add3A_44] : memref<320000xi32, #tpu.memory_space<hbm>> -> memref<128xi32, #tpu.memory_space<hbm>>
        %dma_start3A_54 = tpu.memref_slice %arg2[%add3A_44] : memref<320000xi32, #tpu.memory_space<hbm>> -> memref<128xi32, #tpu.memory_space<hbm>>
        tpu.enqueue_dma source(%dma_start3A_54 : memref<128xi32, #tpu.memory_space<hbm>>) target(%arg7 : memref<128xi32, #tpu.memory_space<vmem>>) target_semaphore(%run_scoped3A : memref<!tpu.dma_semaphore, #tpu.memory_space<semaphore_mem>>)
        %dma_wait3A_55 = tpu.memref_slice %arg2[%add3A_44] : memref<320000xi32, #tpu.memory_space<hbm>> -> memref<128xi32, #tpu.memory_space<hbm>>
        %dma_wait3A_56 = tpu.memref_slice %arg2[%add3A_44] : memref<320000xi32, #tpu.memory_space<hbm>> -> memref<128xi32, #tpu.memory_space<hbm>>
        tpu.wait_dma2 semaphore(%run_scoped3A : memref<!tpu.dma_semaphore, #tpu.memory_space<semaphore_mem>>) src(%dma_wait3A_56 : memref<128xi32, #tpu.memory_space<hbm>>) dst(%arg7 : memref<128xi32, #tpu.memory_space<vmem>>)
        tpu.yield
      }) : () -> ()
      %dma_start3A_45 = arith.constant 0 : i32
      %dma_start3A_46 = arith.constant 0 : i32
      %dma_start3A_47 = tpu.memref_slice %arg10[%dma_start3A_45, %dma_start3A_46] : memref<10112x128xf32, #tpu.memory_space<vmem_shared>> -> memref<10112x128xf32, #tpu.memory_space<vmem_shared>>
      tpu.enqueue_indirect_dma source(%arg9 : memref<128x128xf32, #tpu.memory_space<vmem>>) target(%dma_start3A_47 : memref<10112x128xf32, #tpu.memory_space<vmem_shared>>) offsets(%arg7 : memref<128xi32, #tpu.memory_space<vmem>>) semaphore(%arg12 : memref<!tpu.dma_semaphore, #tpu.memory_space<semaphore_mem>>) {add = true}
      %dma_wait3A = arith.constant 0 : i32
      %dma_wait3A_48 = arith.constant 0 : i32
      %dma_wait3A_49 = tpu.memref_slice %arg10[%dma_wait3A, %dma_wait3A_48] : memref<10112x128xf32, #tpu.memory_space<vmem_shared>> -> memref<10112x128xf32, #tpu.memory_space<vmem_shared>>
      tpu.wait_indirect_dma semaphore(%arg11 : memref<!tpu.dma_semaphore, #tpu.memory_space<semaphore_mem>>) src(%arg9 : memref<128x128xf32, #tpu.memory_space<vmem>>) dst(%dma_wait3A_49 : memref<10112x128xf32, #tpu.memory_space<vmem_shared>>)
      %dma_wait3A_50 = arith.constant 0 : i32
      %dma_wait3A_51 = arith.constant 0 : i32
      %dma_wait3A_52 = tpu.memref_slice %arg10[%dma_wait3A_50, %dma_wait3A_51] : memref<10112x128xf32, #tpu.memory_space<vmem_shared>> -> memref<10112x128xf32, #tpu.memory_space<vmem_shared>>
      tpu.wait_indirect_dma semaphore(%arg12 : memref<!tpu.dma_semaphore, #tpu.memory_space<semaphore_mem>>) src(%arg9 : memref<128x128xf32, #tpu.memory_space<vmem>>) dst(%dma_wait3A_52 : memref<10112x128xf32, #tpu.memory_space<vmem_shared>>)
    }
    %scan3A_7 = arith.constant 39 : i32
    %mul3A_8 = arith.constant 10000 : i32
    %mul3A_9 = arith.muli %add3A, %mul3A_8 : i32
    %add3A_10 = arith.constant 9984 : i32
    %add3A_11 = arith.addi %mul3A_9, %add3A_10 : i32
    "tpu.region"() ({
      %run_scoped3A = tpu.sem_alloc : memref<!tpu.dma_semaphore, #tpu.memory_space<semaphore_mem>>
      %dma_start3A = tpu.memref_slice %arg2[%add3A_11] : memref<320000xi32, #tpu.memory_space<hbm>> -> memref<16xi32, #tpu.memory_space<hbm>>
      %dma_start3A_33 = tpu.memref_slice %arg2[%add3A_11] : memref<320000xi32, #tpu.memory_space<hbm>> -> memref<16xi32, #tpu.memory_space<hbm>>
      tpu.enqueue_dma source(%dma_start3A_33 : memref<16xi32, #tpu.memory_space<hbm>>) target(%arg8 : memref<16xi32, #tpu.memory_space<vmem>>) target_semaphore(%run_scoped3A : memref<!tpu.dma_semaphore, #tpu.memory_space<semaphore_mem>>)
      %dma_wait3A = tpu.memref_slice %arg2[%add3A_11] : memref<320000xi32, #tpu.memory_space<hbm>> -> memref<16xi32, #tpu.memory_space<hbm>>
      %dma_wait3A_34 = tpu.memref_slice %arg2[%add3A_11] : memref<320000xi32, #tpu.memory_space<hbm>> -> memref<16xi32, #tpu.memory_space<hbm>>
      tpu.wait_dma2 semaphore(%run_scoped3A : memref<!tpu.dma_semaphore, #tpu.memory_space<semaphore_mem>>) src(%dma_wait3A_34 : memref<16xi32, #tpu.memory_space<hbm>>) dst(%arg8 : memref<16xi32, #tpu.memory_space<vmem>>)
      tpu.yield
    }) : () -> ()
    "tpu.region"() ({
      %run_scoped3A = tpu.sem_alloc : memref<!tpu.dma_semaphore, #tpu.memory_space<semaphore_mem>>
      %dma_start3A = arith.constant 0 : i32
      %dma_start3A_33 = arith.constant 0 : i32
      %dma_start3A_34 = tpu.memref_slice %arg9[%dma_start3A, %dma_start3A_33] : memref<128x128xf32, #tpu.memory_space<vmem>> -> memref<16x128xf32, #tpu.memory_space<vmem>>
      %dma_start3A_35 = arith.constant 0 : i32
      %dma_start3A_36 = arith.constant 0 : i32
      %dma_start3A_37 = tpu.memref_slice %arg10[%dma_start3A_35, %dma_start3A_36] : memref<10112x128xf32, #tpu.memory_space<vmem_shared>> -> memref<10112x128xf32, #tpu.memory_space<vmem_shared>>
      tpu.enqueue_indirect_dma source(%dma_start3A_34 : memref<16x128xf32, #tpu.memory_space<vmem>>) target(%dma_start3A_37 : memref<10112x128xf32, #tpu.memory_space<vmem_shared>>) offsets(%arg8 : memref<16xi32, #tpu.memory_space<vmem>>) semaphore(%run_scoped3A : memref<!tpu.dma_semaphore, #tpu.memory_space<semaphore_mem>>) {add = true}
      %dma_wait3A = arith.constant 0 : i32
      %dma_wait3A_38 = arith.constant 0 : i32
      %dma_wait3A_39 = tpu.memref_slice %arg9[%dma_wait3A, %dma_wait3A_38] : memref<128x128xf32, #tpu.memory_space<vmem>> -> memref<16x128xf32, #tpu.memory_space<vmem>>
      %dma_wait3A_40 = arith.constant 0 : i32
      %dma_wait3A_41 = arith.constant 0 : i32
      %dma_wait3A_42 = tpu.memref_slice %arg10[%dma_wait3A_40, %dma_wait3A_41] : memref<10112x128xf32, #tpu.memory_space<vmem_shared>> -> memref<10112x128xf32, #tpu.memory_space<vmem_shared>>
      tpu.wait_indirect_dma semaphore(%run_scoped3A : memref<!tpu.dma_semaphore, #tpu.memory_space<semaphore_mem>>) src(%dma_wait3A_39 : memref<16x128xf32, #tpu.memory_space<vmem>>) dst(%dma_wait3A_42 : memref<10112x128xf32, #tpu.memory_space<vmem_shared>>)
      tpu.yield
    }) : () -> ()
    %barrier3A_12 = arith.constant 0 : index
    tpu.barrier barrier_id(%barrier3A_12)
    %add3A_13 = arith.constant 0 : i32
    %add3A_14 = arith.addi %mul3A_2, %add3A_13 : i32
    "tpu.region"() ({
      %run_scoped3A = tpu.sem_alloc : memref<!tpu.dma_semaphore, #tpu.memory_space<semaphore_mem>>
      %dma_start3A = arith.constant 0 : i32
      %dma_start3A_33 = arith.constant 0 : i32
      %dma_start3A_34 = tpu.memref_slice %arg9[%dma_start3A, %dma_start3A_33] : memref<128x128xf32, #tpu.memory_space<vmem>> -> memref<128x128xf32, #tpu.memory_space<vmem>>
      %dma_start3A_35 = arith.constant 0 : i32
      %dma_start3A_36 = tpu.memref_slice %arg10[%add3A_14, %dma_start3A_35] : memref<10112x128xf32, #tpu.memory_space<vmem_shared>> -> memref<128x128xf32, #tpu.memory_space<vmem_shared>>
      %dma_start3A_37 = arith.constant 0 : i32
      %dma_start3A_38 = arith.constant 0 : i32
      %dma_start3A_39 = tpu.memref_slice %arg9[%dma_start3A_37, %dma_start3A_38] : memref<128x128xf32, #tpu.memory_space<vmem>> -> memref<128x128xf32, #tpu.memory_space<vmem>>
      %dma_start3A_40 = arith.constant 0 : i32
      %dma_start3A_41 = tpu.memref_slice %arg10[%add3A_14, %dma_start3A_40] : memref<10112x128xf32, #tpu.memory_space<vmem_shared>> -> memref<128x128xf32, #tpu.memory_space<vmem_shared>>
      tpu.enqueue_dma source(%dma_start3A_41 : memref<128x128xf32, #tpu.memory_space<vmem_shared>>) target(%dma_start3A_39 : memref<128x128xf32, #tpu.memory_space<vmem>>) target_semaphore(%run_scoped3A : memref<!tpu.dma_semaphore, #tpu.memory_space<semaphore_mem>>)
      %dma_wait3A = arith.constant 0 : i32
      %dma_wait3A_42 = arith.constant 0 : i32
      %dma_wait3A_43 = tpu.memref_slice %arg9[%dma_wait3A, %dma_wait3A_42] : memref<128x128xf32, #tpu.memory_space<vmem>> -> memref<128x128xf32, #tpu.memory_space<vmem>>
      %dma_wait3A_44 = arith.constant 0 : i32
      %dma_wait3A_45 = tpu.memref_slice %arg10[%add3A_14, %dma_wait3A_44] : memref<10112x128xf32, #tpu.memory_space<vmem_shared>> -> memref<128x128xf32, #tpu.memory_space<vmem_shared>>
      %dma_wait3A_46 = arith.constant 0 : i32
      %dma_wait3A_47 = arith.constant 0 : i32
      %dma_wait3A_48 = tpu.memref_slice %arg9[%dma_wait3A_46, %dma_wait3A_47] : memref<128x128xf32, #tpu.memory_space<vmem>> -> memref<128x128xf32, #tpu.memory_space<vmem>>
      %dma_wait3A_49 = arith.constant 0 : i32
      %dma_wait3A_50 = tpu.memref_slice %arg10[%add3A_14, %dma_wait3A_49] : memref<10112x128xf32, #tpu.memory_space<vmem_shared>> -> memref<128x128xf32, #tpu.memory_space<vmem_shared>>
      tpu.wait_dma2 semaphore(%run_scoped3A : memref<!tpu.dma_semaphore, #tpu.memory_space<semaphore_mem>>) src(%dma_wait3A_50 : memref<128x128xf32, #tpu.memory_space<vmem_shared>>) dst(%dma_wait3A_48 : memref<128x128xf32, #tpu.memory_space<vmem>>)
      tpu.yield
    }) : () -> ()
    %add3A_15 = arith.constant 0 : i32
    %add3A_16 = arith.addi %mul3A_2, %add3A_15 : i32
    "tpu.region"() ({
      %run_scoped3A = tpu.sem_alloc : memref<!tpu.dma_semaphore, #tpu.memory_space<semaphore_mem>>
      %dma_start3A = arith.constant 0 : i32
      %dma_start3A_33 = arith.constant 0 : i32
      %dma_start3A_34 = tpu.memref_slice %arg9[%dma_start3A, %dma_start3A_33] : memref<128x128xf32, #tpu.memory_space<vmem>> -> memref<128x128xf32, #tpu.memory_space<vmem>>
      %dma_start3A_35 = arith.constant 0 : i32
      %dma_start3A_36 = tpu.memref_slice %arg5[%arg0, %add3A_16, %dma_start3A_35] : memref<2x10112x128xf32, #tpu.memory_space<hbm>> -> memref<1x128x128xf32, #tpu.memory_space<hbm>>
      %dma_start3A_37 = tpu.memref_squeeze %dma_start3A_36 : memref<1x128x128xf32, #tpu.memory_space<hbm>> -> memref<128x128xf32, #tpu.memory_space<hbm>>
      %dma_start3A_38 = arith.constant 0 : i32
      %dma_start3A_39 = tpu.memref_slice %arg5[%arg0, %add3A_16, %dma_start3A_38] : memref<2x10112x128xf32, #tpu.memory_space<hbm>> -> memref<1x128x128xf32, #tpu.memory_space<hbm>>
      %dma_start3A_40 = tpu.memref_squeeze %dma_start3A_39 : memref<1x128x128xf32, #tpu.memory_space<hbm>> -> memref<128x128xf32, #tpu.memory_space<hbm>>
      %dma_start3A_41 = arith.constant 0 : i32
      %dma_start3A_42 = arith.constant 0 : i32
      %dma_start3A_43 = tpu.memref_slice %arg9[%dma_start3A_41, %dma_start3A_42] : memref<128x128xf32, #tpu.memory_space<vmem>> -> memref<128x128xf32, #tpu.memory_space<vmem>>
      tpu.enqueue_dma source(%dma_start3A_43 : memref<128x128xf32, #tpu.memory_space<vmem>>) target(%dma_start3A_40 : memref<128x128xf32, #tpu.memory_space<hbm>>) target_semaphore(%run_scoped3A : memref<!tpu.dma_semaphore, #tpu.memory_space<semaphore_mem>>)
      %dma_wait3A = arith.constant 0 : i32
      %dma_wait3A_44 = arith.constant 0 : i32
      %dma_wait3A_45 = tpu.memref_slice %arg9[%dma_wait3A, %dma_wait3A_44] : memref<128x128xf32, #tpu.memory_space<vmem>> -> memref<128x128xf32, #tpu.memory_space<vmem>>
      %dma_wait3A_46 = arith.constant 0 : i32
      %dma_wait3A_47 = tpu.memref_slice %arg5[%arg0, %add3A_16, %dma_wait3A_46] : memref<2x10112x128xf32, #tpu.memory_space<hbm>> -> memref<1x128x128xf32, #tpu.memory_space<hbm>>
      %dma_wait3A_48 = tpu.memref_squeeze %dma_wait3A_47 : memref<1x128x128xf32, #tpu.memory_space<hbm>> -> memref<128x128xf32, #tpu.memory_space<hbm>>
      %dma_wait3A_49 = arith.constant 0 : i32
      %dma_wait3A_50 = tpu.memref_slice %arg5[%arg0, %add3A_16, %dma_wait3A_49] : memref<2x10112x128xf32, #tpu.memory_space<hbm>> -> memref<1x128x128xf32, #tpu.memory_space<hbm>>
      %dma_wait3A_51 = tpu.memref_squeeze %dma_wait3A_50 : memref<1x128x128xf32, #tpu.memory_space<hbm>> -> memref<128x128xf32, #tpu.memory_space<hbm>>
      %dma_wait3A_52 = arith.constant 0 : i32
      %dma_wait3A_53 = arith.constant 0 : i32
      %dma_wait3A_54 = tpu.memref_slice %arg9[%dma_wait3A_52, %dma_wait3A_53] : memref<128x128xf32, #tpu.memory_space<vmem>> -> memref<128x128xf32, #tpu.memory_space<vmem>>
      tpu.wait_dma2 semaphore(%run_scoped3A : memref<!tpu.dma_semaphore, #tpu.memory_space<semaphore_mem>>) src(%dma_wait3A_54 : memref<128x128xf32, #tpu.memory_space<vmem>>) dst(%dma_wait3A_51 : memref<128x128xf32, #tpu.memory_space<hbm>>)
      tpu.yield
    }) : () -> ()
    %add3A_17 = arith.constant 128 : i32
    %add3A_18 = arith.addi %mul3A_2, %add3A_17 : i32
    "tpu.region"() ({
      %run_scoped3A = tpu.sem_alloc : memref<!tpu.dma_semaphore, #tpu.memory_space<semaphore_mem>>
      %dma_start3A = arith.constant 0 : i32
      %dma_start3A_33 = arith.constant 0 : i32
      %dma_start3A_34 = tpu.memref_slice %arg9[%dma_start3A, %dma_start3A_33] : memref<128x128xf32, #tpu.memory_space<vmem>> -> memref<128x128xf32, #tpu.memory_space<vmem>>
      %dma_start3A_35 = arith.constant 0 : i32
      %dma_start3A_36 = tpu.memref_slice %arg10[%add3A_18, %dma_start3A_35] : memref<10112x128xf32, #tpu.memory_space<vmem_shared>> -> memref<128x128xf32, #tpu.memory_space<vmem_shared>>
      %dma_start3A_37 = arith.constant 0 : i32
      %dma_start3A_38 = arith.constant 0 : i32
      %dma_start3A_39 = tpu.memref_slice %arg9[%dma_start3A_37, %dma_start3A_38] : memref<128x128xf32, #tpu.memory_space<vmem>> -> memref<128x128xf32, #tpu.memory_space<vmem>>
      %dma_start3A_40 = arith.constant 0 : i32
      %dma_start3A_41 = tpu.memref_slice %arg10[%add3A_18, %dma_start3A_40] : memref<10112x128xf32, #tpu.memory_space<vmem_shared>> -> memref<128x128xf32, #tpu.memory_space<vmem_shared>>
      tpu.enqueue_dma source(%dma_start3A_41 : memref<128x128xf32, #tpu.memory_space<vmem_shared>>) target(%dma_start3A_39 : memref<128x128xf32, #tpu.memory_space<vmem>>) target_semaphore(%run_scoped3A : memref<!tpu.dma_semaphore, #tpu.memory_space<semaphore_mem>>)
      %dma_wait3A = arith.constant 0 : i32
      %dma_wait3A_42 = arith.constant 0 : i32
      %dma_wait3A_43 = tpu.memref_slice %arg9[%dma_wait3A, %dma_wait3A_42] : memref<128x128xf32, #tpu.memory_space<vmem>> -> memref<128x128xf32, #tpu.memory_space<vmem>>
      %dma_wait3A_44 = arith.constant 0 : i32
      %dma_wait3A_45 = tpu.memref_slice %arg10[%add3A_18, %dma_wait3A_44] : memref<10112x128xf32, #tpu.memory_space<vmem_shared>> -> memref<128x128xf32, #tpu.memory_space<vmem_shared>>
      %dma_wait3A_46 = arith.constant 0 : i32
      %dma_wait3A_47 = arith.constant 0 : i32
      %dma_wait3A_48 = tpu.memref_slice %arg9[%dma_wait3A_46, %dma_wait3A_47] : memref<128x128xf32, #tpu.memory_space<vmem>> -> memref<128x128xf32, #tpu.memory_space<vmem>>
      %dma_wait3A_49 = arith.constant 0 : i32
      %dma_wait3A_50 = tpu.memref_slice %arg10[%add3A_18, %dma_wait3A_49] : memref<10112x128xf32, #tpu.memory_space<vmem_shared>> -> memref<128x128xf32, #tpu.memory_space<vmem_shared>>
      tpu.wait_dma2 semaphore(%run_scoped3A : memref<!tpu.dma_semaphore, #tpu.memory_space<semaphore_mem>>) src(%dma_wait3A_50 : memref<128x128xf32, #tpu.memory_space<vmem_shared>>) dst(%dma_wait3A_48 : memref<128x128xf32, #tpu.memory_space<vmem>>)
      tpu.yield
    }) : () -> ()
    %add3A_19 = arith.constant 128 : i32
    %add3A_20 = arith.addi %mul3A_2, %add3A_19 : i32
    "tpu.region"() ({
      %run_scoped3A = tpu.sem_alloc : memref<!tpu.dma_semaphore, #tpu.memory_space<semaphore_mem>>
      %dma_start3A = arith.constant 0 : i32
      %dma_start3A_33 = arith.constant 0 : i32
      %dma_start3A_34 = tpu.memref_slice %arg9[%dma_start3A, %dma_start3A_33] : memref<128x128xf32, #tpu.memory_space<vmem>> -> memref<128x128xf32, #tpu.memory_space<vmem>>
      %dma_start3A_35 = arith.constant 0 : i32
      %dma_start3A_36 = tpu.memref_slice %arg5[%arg0, %add3A_20, %dma_start3A_35] : memref<2x10112x128xf32, #tpu.memory_space<hbm>> -> memref<1x128x128xf32, #tpu.memory_space<hbm>>
      %dma_start3A_37 = tpu.memref_squeeze %dma_start3A_36 : memref<1x128x128xf32, #tpu.memory_space<hbm>> -> memref<128x128xf32, #tpu.memory_space<hbm>>
      %dma_start3A_38 = arith.constant 0 : i32
      %dma_start3A_39 = tpu.memref_slice %arg5[%arg0, %add3A_20, %dma_start3A_38] : memref<2x10112x128xf32, #tpu.memory_space<hbm>> -> memref<1x128x128xf32, #tpu.memory_space<hbm>>
      %dma_start3A_40 = tpu.memref_squeeze %dma_start3A_39 : memref<1x128x128xf32, #tpu.memory_space<hbm>> -> memref<128x128xf32, #tpu.memory_space<hbm>>
      %dma_start3A_41 = arith.constant 0 : i32
      %dma_start3A_42 = arith.constant 0 : i32
      %dma_start3A_43 = tpu.memref_slice %arg9[%dma_start3A_41, %dma_start3A_42] : memref<128x128xf32, #tpu.memory_space<vmem>> -> memref<128x128xf32, #tpu.memory_space<vmem>>
      tpu.enqueue_dma source(%dma_start3A_43 : memref<128x128xf32, #tpu.memory_space<vmem>>) target(%dma_start3A_40 : memref<128x128xf32, #tpu.memory_space<hbm>>) target_semaphore(%run_scoped3A : memref<!tpu.dma_semaphore, #tpu.memory_space<semaphore_mem>>)
      %dma_wait3A = arith.constant 0 : i32
      %dma_wait3A_44 = arith.constant 0 : i32
      %dma_wait3A_45 = tpu.memref_slice %arg9[%dma_wait3A, %dma_wait3A_44] : memref<128x128xf32, #tpu.memory_space<vmem>> -> memref<128x128xf32, #tpu.memory_space<vmem>>
      %dma_wait3A_46 = arith.constant 0 : i32
      %dma_wait3A_47 = tpu.memref_slice %arg5[%arg0, %add3A_20, %dma_wait3A_46] : memref<2x10112x128xf32, #tpu.memory_space<hbm>> -> memref<1x128x128xf32, #tpu.memory_space<hbm>>
      %dma_wait3A_48 = tpu.memref_squeeze %dma_wait3A_47 : memref<1x128x128xf32, #tpu.memory_space<hbm>> -> memref<128x128xf32, #tpu.memory_space<hbm>>
      %dma_wait3A_49 = arith.constant 0 : i32
      %dma_wait3A_50 = tpu.memref_slice %arg5[%arg0, %add3A_20, %dma_wait3A_49] : memref<2x10112x128xf32, #tpu.memory_space<hbm>> -> memref<1x128x128xf32, #tpu.memory_space<hbm>>
      %dma_wait3A_51 = tpu.memref_squeeze %dma_wait3A_50 : memref<1x128x128xf32, #tpu.memory_space<hbm>> -> memref<128x128xf32, #tpu.memory_space<hbm>>
      %dma_wait3A_52 = arith.constant 0 : i32
      %dma_wait3A_53 = arith.constant 0 : i32
      %dma_wait3A_54 = tpu.memref_slice %arg9[%dma_wait3A_52, %dma_wait3A_53] : memref<128x128xf32, #tpu.memory_space<vmem>> -> memref<128x128xf32, #tpu.memory_space<vmem>>
      tpu.wait_dma2 semaphore(%run_scoped3A : memref<!tpu.dma_semaphore, #tpu.memory_space<semaphore_mem>>) src(%dma_wait3A_54 : memref<128x128xf32, #tpu.memory_space<vmem>>) dst(%dma_wait3A_51 : memref<128x128xf32, #tpu.memory_space<hbm>>)
      tpu.yield
    }) : () -> ()
    %add3A_21 = arith.constant 256 : i32
    %add3A_22 = arith.addi %mul3A_2, %add3A_21 : i32
    "tpu.region"() ({
      %run_scoped3A = tpu.sem_alloc : memref<!tpu.dma_semaphore, #tpu.memory_space<semaphore_mem>>
      %dma_start3A = arith.constant 0 : i32
      %dma_start3A_33 = arith.constant 0 : i32
      %dma_start3A_34 = tpu.memref_slice %arg9[%dma_start3A, %dma_start3A_33] : memref<128x128xf32, #tpu.memory_space<vmem>> -> memref<128x128xf32, #tpu.memory_space<vmem>>
      %dma_start3A_35 = arith.constant 0 : i32
      %dma_start3A_36 = tpu.memref_slice %arg10[%add3A_22, %dma_start3A_35] : memref<10112x128xf32, #tpu.memory_space<vmem_shared>> -> memref<128x128xf32, #tpu.memory_space<vmem_shared>>
      %dma_start3A_37 = arith.constant 0 : i32
      %dma_start3A_38 = arith.constant 0 : i32
      %dma_start3A_39 = tpu.memref_slice %arg9[%dma_start3A_37, %dma_start3A_38] : memref<128x128xf32, #tpu.memory_space<vmem>> -> memref<128x128xf32, #tpu.memory_space<vmem>>
      %dma_start3A_40 = arith.constant 0 : i32
      %dma_start3A_41 = tpu.memref_slice %arg10[%add3A_22, %dma_start3A_40] : memref<10112x128xf32, #tpu.memory_space<vmem_shared>> -> memref<128x128xf32, #tpu.memory_space<vmem_shared>>
      tpu.enqueue_dma source(%dma_start3A_41 : memref<128x128xf32, #tpu.memory_space<vmem_shared>>) target(%dma_start3A_39 : memref<128x128xf32, #tpu.memory_space<vmem>>) target_semaphore(%run_scoped3A : memref<!tpu.dma_semaphore, #tpu.memory_space<semaphore_mem>>)
      %dma_wait3A = arith.constant 0 : i32
      %dma_wait3A_42 = arith.constant 0 : i32
      %dma_wait3A_43 = tpu.memref_slice %arg9[%dma_wait3A, %dma_wait3A_42] : memref<128x128xf32, #tpu.memory_space<vmem>> -> memref<128x128xf32, #tpu.memory_space<vmem>>
      %dma_wait3A_44 = arith.constant 0 : i32
      %dma_wait3A_45 = tpu.memref_slice %arg10[%add3A_22, %dma_wait3A_44] : memref<10112x128xf32, #tpu.memory_space<vmem_shared>> -> memref<128x128xf32, #tpu.memory_space<vmem_shared>>
      %dma_wait3A_46 = arith.constant 0 : i32
      %dma_wait3A_47 = arith.constant 0 : i32
      %dma_wait3A_48 = tpu.memref_slice %arg9[%dma_wait3A_46, %dma_wait3A_47] : memref<128x128xf32, #tpu.memory_space<vmem>> -> memref<128x128xf32, #tpu.memory_space<vmem>>
      %dma_wait3A_49 = arith.constant 0 : i32
      %dma_wait3A_50 = tpu.memref_slice %arg10[%add3A_22, %dma_wait3A_49] : memref<10112x128xf32, #tpu.memory_space<vmem_shared>> -> memref<128x128xf32, #tpu.memory_space<vmem_shared>>
      tpu.wait_dma2 semaphore(%run_scoped3A : memref<!tpu.dma_semaphore, #tpu.memory_space<semaphore_mem>>) src(%dma_wait3A_50 : memref<128x128xf32, #tpu.memory_space<vmem_shared>>) dst(%dma_wait3A_48 : memref<128x128xf32, #tpu.memory_space<vmem>>)
      tpu.yield
    }) : () -> ()
    %add3A_23 = arith.constant 256 : i32
    %add3A_24 = arith.addi %mul3A_2, %add3A_23 : i32
    "tpu.region"() ({
      %run_scoped3A = tpu.sem_alloc : memref<!tpu.dma_semaphore, #tpu.memory_space<semaphore_mem>>
      %dma_start3A = arith.constant 0 : i32
      %dma_start3A_33 = arith.constant 0 : i32
      %dma_start3A_34 = tpu.memref_slice %arg9[%dma_start3A, %dma_start3A_33] : memref<128x128xf32, #tpu.memory_space<vmem>> -> memref<128x128xf32, #tpu.memory_space<vmem>>
      %dma_start3A_35 = arith.constant 0 : i32
      %dma_start3A_36 = tpu.memref_slice %arg5[%arg0, %add3A_24, %dma_start3A_35] : memref<2x10112x128xf32, #tpu.memory_space<hbm>> -> memref<1x128x128xf32, #tpu.memory_space<hbm>>
      %dma_start3A_37 = tpu.memref_squeeze %dma_start3A_36 : memref<1x128x128xf32, #tpu.memory_space<hbm>> -> memref<128x128xf32, #tpu.memory_space<hbm>>
      %dma_start3A_38 = arith.constant 0 : i32
      %dma_start3A_39 = tpu.memref_slice %arg5[%arg0, %add3A_24, %dma_start3A_38] : memref<2x10112x128xf32, #tpu.memory_space<hbm>> -> memref<1x128x128xf32, #tpu.memory_space<hbm>>
      %dma_start3A_40 = tpu.memref_squeeze %dma_start3A_39 : memref<1x128x128xf32, #tpu.memory_space<hbm>> -> memref<128x128xf32, #tpu.memory_space<hbm>>
      %dma_start3A_41 = arith.constant 0 : i32
      %dma_start3A_42 = arith.constant 0 : i32
      %dma_start3A_43 = tpu.memref_slice %arg9[%dma_start3A_41, %dma_start3A_42] : memref<128x128xf32, #tpu.memory_space<vmem>> -> memref<128x128xf32, #tpu.memory_space<vmem>>
      tpu.enqueue_dma source(%dma_start3A_43 : memref<128x128xf32, #tpu.memory_space<vmem>>) target(%dma_start3A_40 : memref<128x128xf32, #tpu.memory_space<hbm>>) target_semaphore(%run_scoped3A : memref<!tpu.dma_semaphore, #tpu.memory_space<semaphore_mem>>)
      %dma_wait3A = arith.constant 0 : i32
      %dma_wait3A_44 = arith.constant 0 : i32
      %dma_wait3A_45 = tpu.memref_slice %arg9[%dma_wait3A, %dma_wait3A_44] : memref<128x128xf32, #tpu.memory_space<vmem>> -> memref<128x128xf32, #tpu.memory_space<vmem>>
      %dma_wait3A_46 = arith.constant 0 : i32
      %dma_wait3A_47 = tpu.memref_slice %arg5[%arg0, %add3A_24, %dma_wait3A_46] : memref<2x10112x128xf32, #tpu.memory_space<hbm>> -> memref<1x128x128xf32, #tpu.memory_space<hbm>>
      %dma_wait3A_48 = tpu.memref_squeeze %dma_wait3A_47 : memref<1x128x128xf32, #tpu.memory_space<hbm>> -> memref<128x128xf32, #tpu.memory_space<hbm>>
      %dma_wait3A_49 = arith.constant 0 : i32
      %dma_wait3A_50 = tpu.memref_slice %arg5[%arg0, %add3A_24, %dma_wait3A_49] : memref<2x10112x128xf32, #tpu.memory_space<hbm>> -> memref<1x128x128xf32, #tpu.memory_space<hbm>>
      %dma_wait3A_51 = tpu.memref_squeeze %dma_wait3A_50 : memref<1x128x128xf32, #tpu.memory_space<hbm>> -> memref<128x128xf32, #tpu.memory_space<hbm>>
      %dma_wait3A_52 = arith.constant 0 : i32
      %dma_wait3A_53 = arith.constant 0 : i32
      %dma_wait3A_54 = tpu.memref_slice %arg9[%dma_wait3A_52, %dma_wait3A_53] : memref<128x128xf32, #tpu.memory_space<vmem>> -> memref<128x128xf32, #tpu.memory_space<vmem>>
      tpu.wait_dma2 semaphore(%run_scoped3A : memref<!tpu.dma_semaphore, #tpu.memory_space<semaphore_mem>>) src(%dma_wait3A_54 : memref<128x128xf32, #tpu.memory_space<vmem>>) dst(%dma_wait3A_51 : memref<128x128xf32, #tpu.memory_space<hbm>>)
      tpu.yield
    }) : () -> ()
    %add3A_25 = arith.constant 384 : i32
    %add3A_26 = arith.addi %mul3A_2, %add3A_25 : i32
    "tpu.region"() ({
      %run_scoped3A = tpu.sem_alloc : memref<!tpu.dma_semaphore, #tpu.memory_space<semaphore_mem>>
      %dma_start3A = arith.constant 0 : i32
      %dma_start3A_33 = arith.constant 0 : i32
      %dma_start3A_34 = tpu.memref_slice %arg9[%dma_start3A, %dma_start3A_33] : memref<128x128xf32, #tpu.memory_space<vmem>> -> memref<128x128xf32, #tpu.memory_space<vmem>>
      %dma_start3A_35 = arith.constant 0 : i32
      %dma_start3A_36 = tpu.memref_slice %arg10[%add3A_26, %dma_start3A_35] : memref<10112x128xf32, #tpu.memory_space<vmem_shared>> -> memref<128x128xf32, #tpu.memory_space<vmem_shared>>
      %dma_start3A_37 = arith.constant 0 : i32
      %dma_start3A_38 = arith.constant 0 : i32
      %dma_start3A_39 = tpu.memref_slice %arg9[%dma_start3A_37, %dma_start3A_38] : memref<128x128xf32, #tpu.memory_space<vmem>> -> memref<128x128xf32, #tpu.memory_space<vmem>>
      %dma_start3A_40 = arith.constant 0 : i32
      %dma_start3A_41 = tpu.memref_slice %arg10[%add3A_26, %dma_start3A_40] : memref<10112x128xf32, #tpu.memory_space<vmem_shared>> -> memref<128x128xf32, #tpu.memory_space<vmem_shared>>
      tpu.enqueue_dma source(%dma_start3A_41 : memref<128x128xf32, #tpu.memory_space<vmem_shared>>) target(%dma_start3A_39 : memref<128x128xf32, #tpu.memory_space<vmem>>) target_semaphore(%run_scoped3A : memref<!tpu.dma_semaphore, #tpu.memory_space<semaphore_mem>>)
      %dma_wait3A = arith.constant 0 : i32
      %dma_wait3A_42 = arith.constant 0 : i32
      %dma_wait3A_43 = tpu.memref_slice %arg9[%dma_wait3A, %dma_wait3A_42] : memref<128x128xf32, #tpu.memory_space<vmem>> -> memref<128x128xf32, #tpu.memory_space<vmem>>
      %dma_wait3A_44 = arith.constant 0 : i32
      %dma_wait3A_45 = tpu.memref_slice %arg10[%add3A_26, %dma_wait3A_44] : memref<10112x128xf32, #tpu.memory_space<vmem_shared>> -> memref<128x128xf32, #tpu.memory_space<vmem_shared>>
      %dma_wait3A_46 = arith.constant 0 : i32
      %dma_wait3A_47 = arith.constant 0 : i32
      %dma_wait3A_48 = tpu.memref_slice %arg9[%dma_wait3A_46, %dma_wait3A_47] : memref<128x128xf32, #tpu.memory_space<vmem>> -> memref<128x128xf32, #tpu.memory_space<vmem>>
      %dma_wait3A_49 = arith.constant 0 : i32
      %dma_wait3A_50 = tpu.memref_slice %arg10[%add3A_26, %dma_wait3A_49] : memref<10112x128xf32, #tpu.memory_space<vmem_shared>> -> memref<128x128xf32, #tpu.memory_space<vmem_shared>>
      tpu.wait_dma2 semaphore(%run_scoped3A : memref<!tpu.dma_semaphore, #tpu.memory_space<semaphore_mem>>) src(%dma_wait3A_50 : memref<128x128xf32, #tpu.memory_space<vmem_shared>>) dst(%dma_wait3A_48 : memref<128x128xf32, #tpu.memory_space<vmem>>)
      tpu.yield
    }) : () -> ()
    %add3A_27 = arith.constant 384 : i32
    %add3A_28 = arith.addi %mul3A_2, %add3A_27 : i32
    "tpu.region"() ({
      %run_scoped3A = tpu.sem_alloc : memref<!tpu.dma_semaphore, #tpu.memory_space<semaphore_mem>>
      %dma_start3A = arith.constant 0 : i32
      %dma_start3A_33 = arith.constant 0 : i32
      %dma_start3A_34 = tpu.memref_slice %arg9[%dma_start3A, %dma_start3A_33] : memref<128x128xf32, #tpu.memory_space<vmem>> -> memref<128x128xf32, #tpu.memory_space<vmem>>
      %dma_start3A_35 = arith.constant 0 : i32
      %dma_start3A_36 = tpu.memref_slice %arg5[%arg0, %add3A_28, %dma_start3A_35] : memref<2x10112x128xf32, #tpu.memory_space<hbm>> -> memref<1x128x128xf32, #tpu.memory_space<hbm>>
      %dma_start3A_37 = tpu.memref_squeeze %dma_start3A_36 : memref<1x128x128xf32, #tpu.memory_space<hbm>> -> memref<128x128xf32, #tpu.memory_space<hbm>>
      %dma_start3A_38 = arith.constant 0 : i32
      %dma_start3A_39 = tpu.memref_slice %arg5[%arg0, %add3A_28, %dma_start3A_38] : memref<2x10112x128xf32, #tpu.memory_space<hbm>> -> memref<1x128x128xf32, #tpu.memory_space<hbm>>
      %dma_start3A_40 = tpu.memref_squeeze %dma_start3A_39 : memref<1x128x128xf32, #tpu.memory_space<hbm>> -> memref<128x128xf32, #tpu.memory_space<hbm>>
      %dma_start3A_41 = arith.constant 0 : i32
      %dma_start3A_42 = arith.constant 0 : i32
      %dma_start3A_43 = tpu.memref_slice %arg9[%dma_start3A_41, %dma_start3A_42] : memref<128x128xf32, #tpu.memory_space<vmem>> -> memref<128x128xf32, #tpu.memory_space<vmem>>
      tpu.enqueue_dma source(%dma_start3A_43 : memref<128x128xf32, #tpu.memory_space<vmem>>) target(%dma_start3A_40 : memref<128x128xf32, #tpu.memory_space<hbm>>) target_semaphore(%run_scoped3A : memref<!tpu.dma_semaphore, #tpu.memory_space<semaphore_mem>>)
      %dma_wait3A = arith.constant 0 : i32
      %dma_wait3A_44 = arith.constant 0 : i32
      %dma_wait3A_45 = tpu.memref_slice %arg9[%dma_wait3A, %dma_wait3A_44] : memref<128x128xf32, #tpu.memory_space<vmem>> -> memref<128x128xf32, #tpu.memory_space<vmem>>
      %dma_wait3A_46 = arith.constant 0 : i32
      %dma_wait3A_47 = tpu.memref_slice %arg5[%arg0, %add3A_28, %dma_wait3A_46] : memref<2x10112x128xf32, #tpu.memory_space<hbm>> -> memref<1x128x128xf32, #tpu.memory_space<hbm>>
      %dma_wait3A_48 = tpu.memref_squeeze %dma_wait3A_47 : memref<1x128x128xf32, #tpu.memory_space<hbm>> -> memref<128x128xf32, #tpu.memory_space<hbm>>
      %dma_wait3A_49 = arith.constant 0 : i32
      %dma_wait3A_50 = tpu.memref_slice %arg5[%arg0, %add3A_28, %dma_wait3A_49] : memref<2x10112x128xf32, #tpu.memory_space<hbm>> -> memref<1x128x128xf32, #tpu.memory_space<hbm>>
      %dma_wait3A_51 = tpu.memref_squeeze %dma_wait3A_50 : memref<1x128x128xf32, #tpu.memory_space<hbm>> -> memref<128x128xf32, #tpu.memory_space<hbm>>
      %dma_wait3A_52 = arith.constant 0 : i32
      %dma_wait3A_53 = arith.constant 0 : i32
      %dma_wait3A_54 = tpu.memref_slice %arg9[%dma_wait3A_52, %dma_wait3A_53] : memref<128x128xf32, #tpu.memory_space<vmem>> -> memref<128x128xf32, #tpu.memory_space<vmem>>
      tpu.wait_dma2 semaphore(%run_scoped3A : memref<!tpu.dma_semaphore, #tpu.memory_space<semaphore_mem>>) src(%dma_wait3A_54 : memref<128x128xf32, #tpu.memory_space<vmem>>) dst(%dma_wait3A_51 : memref<128x128xf32, #tpu.memory_space<hbm>>)
      tpu.yield
    }) : () -> ()
    %add3A_29 = arith.constant 512 : i32
    %add3A_30 = arith.addi %mul3A_2, %add3A_29 : i32
    "tpu.region"() ({
      %run_scoped3A = tpu.sem_alloc : memref<!tpu.dma_semaphore, #tpu.memory_space<semaphore_mem>>
      %dma_start3A = arith.constant 0 : i32
      %dma_start3A_33 = arith.constant 0 : i32
      %dma_start3A_34 = tpu.memref_slice %arg9[%dma_start3A, %dma_start3A_33] : memref<128x128xf32, #tpu.memory_space<vmem>> -> memref<120x128xf32, #tpu.memory_space<vmem>>
      %dma_start3A_35 = arith.constant 0 : i32
      %dma_start3A_36 = tpu.memref_slice %arg10[%add3A_30, %dma_start3A_35] : memref<10112x128xf32, #tpu.memory_space<vmem_shared>> -> memref<120x128xf32, #tpu.memory_space<vmem_shared>>
      %dma_start3A_37 = arith.constant 0 : i32
      %dma_start3A_38 = arith.constant 0 : i32
      %dma_start3A_39 = tpu.memref_slice %arg9[%dma_start3A_37, %dma_start3A_38] : memref<128x128xf32, #tpu.memory_space<vmem>> -> memref<120x128xf32, #tpu.memory_space<vmem>>
      %dma_start3A_40 = arith.constant 0 : i32
      %dma_start3A_41 = tpu.memref_slice %arg10[%add3A_30, %dma_start3A_40] : memref<10112x128xf32, #tpu.memory_space<vmem_shared>> -> memref<120x128xf32, #tpu.memory_space<vmem_shared>>
      tpu.enqueue_dma source(%dma_start3A_41 : memref<120x128xf32, #tpu.memory_space<vmem_shared>>) target(%dma_start3A_39 : memref<120x128xf32, #tpu.memory_space<vmem>>) target_semaphore(%run_scoped3A : memref<!tpu.dma_semaphore, #tpu.memory_space<semaphore_mem>>)
      %dma_wait3A = arith.constant 0 : i32
      %dma_wait3A_42 = arith.constant 0 : i32
      %dma_wait3A_43 = tpu.memref_slice %arg9[%dma_wait3A, %dma_wait3A_42] : memref<128x128xf32, #tpu.memory_space<vmem>> -> memref<120x128xf32, #tpu.memory_space<vmem>>
      %dma_wait3A_44 = arith.constant 0 : i32
      %dma_wait3A_45 = tpu.memref_slice %arg10[%add3A_30, %dma_wait3A_44] : memref<10112x128xf32, #tpu.memory_space<vmem_shared>> -> memref<120x128xf32, #tpu.memory_space<vmem_shared>>
      %dma_wait3A_46 = arith.constant 0 : i32
      %dma_wait3A_47 = arith.constant 0 : i32
      %dma_wait3A_48 = tpu.memref_slice %arg9[%dma_wait3A_46, %dma_wait3A_47] : memref<128x128xf32, #tpu.memory_space<vmem>> -> memref<120x128xf32, #tpu.memory_space<vmem>>
      %dma_wait3A_49 = arith.constant 0 : i32
      %dma_wait3A_50 = tpu.memref_slice %arg10[%add3A_30, %dma_wait3A_49] : memref<10112x128xf32, #tpu.memory_space<vmem_shared>> -> memref<120x128xf32, #tpu.memory_space<vmem_shared>>
      tpu.wait_dma2 semaphore(%run_scoped3A : memref<!tpu.dma_semaphore, #tpu.memory_space<semaphore_mem>>) src(%dma_wait3A_50 : memref<120x128xf32, #tpu.memory_space<vmem_shared>>) dst(%dma_wait3A_48 : memref<120x128xf32, #tpu.memory_space<vmem>>)
      tpu.yield
    }) : () -> ()
    %add3A_31 = arith.constant 512 : i32
    %add3A_32 = arith.addi %mul3A_2, %add3A_31 : i32
    "tpu.region"() ({
      %run_scoped3A = tpu.sem_alloc : memref<!tpu.dma_semaphore, #tpu.memory_space<semaphore_mem>>
      %dma_start3A = arith.constant 0 : i32
      %dma_start3A_33 = arith.constant 0 : i32
      %dma_start3A_34 = tpu.memref_slice %arg9[%dma_start3A, %dma_start3A_33] : memref<128x128xf32, #tpu.memory_space<vmem>> -> memref<120x128xf32, #tpu.memory_space<vmem>>
      %dma_start3A_35 = arith.constant 0 : i32
      %dma_start3A_36 = tpu.memref_slice %arg5[%arg0, %add3A_32, %dma_start3A_35] : memref<2x10112x128xf32, #tpu.memory_space<hbm>> -> memref<1x120x128xf32, #tpu.memory_space<hbm>>
      %dma_start3A_37 = tpu.memref_squeeze %dma_start3A_36 : memref<1x120x128xf32, #tpu.memory_space<hbm>> -> memref<120x128xf32, #tpu.memory_space<hbm>>
      %dma_start3A_38 = arith.constant 0 : i32
      %dma_start3A_39 = tpu.memref_slice %arg5[%arg0, %add3A_32, %dma_start3A_38] : memref<2x10112x128xf32, #tpu.memory_space<hbm>> -> memref<1x120x128xf32, #tpu.memory_space<hbm>>
      %dma_start3A_40 = tpu.memref_squeeze %dma_start3A_39 : memref<1x120x128xf32, #tpu.memory_space<hbm>> -> memref<120x128xf32, #tpu.memory_space<hbm>>
      %dma_start3A_41 = arith.constant 0 : i32
      %dma_start3A_42 = arith.constant 0 : i32
      %dma_start3A_43 = tpu.memref_slice %arg9[%dma_start3A_41, %dma_start3A_42] : memref<128x128xf32, #tpu.memory_space<vmem>> -> memref<120x128xf32, #tpu.memory_space<vmem>>
      tpu.enqueue_dma source(%dma_start3A_43 : memref<120x128xf32, #tpu.memory_space<vmem>>) target(%dma_start3A_40 : memref<120x128xf32, #tpu.memory_space<hbm>>) target_semaphore(%run_scoped3A : memref<!tpu.dma_semaphore, #tpu.memory_space<semaphore_mem>>)
      %dma_wait3A = arith.constant 0 : i32
      %dma_wait3A_44 = arith.constant 0 : i32
      %dma_wait3A_45 = tpu.memref_slice %arg9[%dma_wait3A, %dma_wait3A_44] : memref<128x128xf32, #tpu.memory_space<vmem>> -> memref<120x128xf32, #tpu.memory_space<vmem>>
      %dma_wait3A_46 = arith.constant 0 : i32
      %dma_wait3A_47 = tpu.memref_slice %arg5[%arg0, %add3A_32, %dma_wait3A_46] : memref<2x10112x128xf32, #tpu.memory_space<hbm>> -> memref<1x120x128xf32, #tpu.memory_space<hbm>>
      %dma_wait3A_48 = tpu.memref_squeeze %dma_wait3A_47 : memref<1x120x128xf32, #tpu.memory_space<hbm>> -> memref<120x128xf32, #tpu.memory_space<hbm>>
      %dma_wait3A_49 = arith.constant 0 : i32
      %dma_wait3A_50 = tpu.memref_slice %arg5[%arg0, %add3A_32, %dma_wait3A_49] : memref<2x10112x128xf32, #tpu.memory_space<hbm>> -> memref<1x120x128xf32, #tpu.memory_space<hbm>>
      %dma_wait3A_51 = tpu.memref_squeeze %dma_wait3A_50 : memref<1x120x128xf32, #tpu.memory_space<hbm>> -> memref<120x128xf32, #tpu.memory_space<hbm>>
      %dma_wait3A_52 = arith.constant 0 : i32
      %dma_wait3A_53 = arith.constant 0 : i32
      %dma_wait3A_54 = tpu.memref_slice %arg9[%dma_wait3A_52, %dma_wait3A_53] : memref<128x128xf32, #tpu.memory_space<vmem>> -> memref<120x128xf32, #tpu.memory_space<vmem>>
      tpu.wait_dma2 semaphore(%run_scoped3A : memref<!tpu.dma_semaphore, #tpu.memory_space<semaphore_mem>>) src(%dma_wait3A_54 : memref<120x128xf32, #tpu.memory_space<vmem>>) dst(%dma_wait3A_51 : memref<120x128xf32, #tpu.memory_space<hbm>>)
      tpu.yield
    }) : () -> ()
    return
  }
}

#map = affine_map<(d0, d1) -> (0)>
#map1 = affine_map<(d0, d1) -> (0, 0)>
#map2 = affine_map<(d0, d1) -> (0, 0, 0)>
module attributes {stable_mosaic.version = 14 : i64} {
  func.func @_edge_kernel(%arg0: i32, %arg1: i32, %arg2: memref<320000xi32, #tpu.memory_space<hbm>>, %arg3: memref<320000xi32, #tpu.memory_space<hbm>>, %arg4: memref<10000x128xf32, #tpu.memory_space<hbm>>, %arg5: memref<632x128xf32, #tpu.memory_space<hbm>>, %arg6: memref<2x10112x128xf32, #tpu.memory_space<hbm>>, %arg7: memref<10000xi32, #tpu.memory_space<vmem>>, %arg8: memref<64xi32, #tpu.memory_space<vmem>>, %arg9: memref<64xi32, #tpu.memory_space<vmem>>, %arg10: memref<64xi32, #tpu.memory_space<vmem>>, %arg11: memref<64xi32, #tpu.memory_space<vmem>>, %arg12: memref<16xi32, #tpu.memory_space<vmem>>, %arg13: memref<64x128xf32, #tpu.memory_space<vmem>>, %arg14: memref<64x128xf32, #tpu.memory_space<vmem>>, %arg15: memref<64x128xf32, #tpu.memory_space<vmem>>, %arg16: memref<64x128xf32, #tpu.memory_space<vmem>>, %arg17: memref<10112x128xf32, #tpu.memory_space<vmem_shared>>, %arg18: memref<!tpu.dma_semaphore, #tpu.memory_space<semaphore_mem>>, %arg19: memref<!tpu.dma_semaphore, #tpu.memory_space<semaphore_mem>>, %arg20: memref<!tpu.dma_semaphore, #tpu.memory_space<semaphore_mem>>, %arg21: memref<!tpu.dma_semaphore, #tpu.memory_space<semaphore_mem>>, %arg22: memref<!tpu.dma_semaphore, #tpu.memory_space<semaphore_mem>>, %arg23: memref<!tpu.dma_semaphore, #tpu.memory_space<semaphore_mem>>, %arg24: memref<!tpu.dma_semaphore, #tpu.memory_space<semaphore_mem>>, %arg25: memref<!tpu.dma_semaphore, #tpu.memory_space<semaphore_mem>>) attributes {dimension_semantics = [#tpu.dimension_semantics<core_parallel>, #tpu.dimension_semantics<subcore_parallel>], iteration_bounds = array<i64: 2, 16>, scalar_prefetch = 0 : i64, scratch_operands = 19 : i64, tpu.core_type = #tpu.core_type<sc_vector_subcore>, window_params = [{transform_indices = #map}, {transform_indices = #map}, {transform_indices = #map1}, {transform_indices = #map1}, {transform_indices = #map2}]} {
    %mul3A = arith.constant 16 : i32
    %mul3A_0 = arith.muli %arg0, %mul3A : i32
    %add3A = arith.addi %mul3A_0, %arg1 : i32
    %mul3A_1 = arith.constant 632 : i32
    %mul3A_2 = arith.muli %arg1, %mul3A_1 : i32
    %mul3A_3 = arith.constant 10000 : i32
    %mul3A_4 = arith.muli %add3A, %mul3A_3 : i32
    "tpu.region"() ({
      %run_scoped3A = tpu.sem_alloc : memref<!tpu.dma_semaphore, #tpu.memory_space<semaphore_mem>>
      %dma_start3A_125 = tpu.memref_slice %arg2[%mul3A_4] : memref<320000xi32, #tpu.memory_space<hbm>> -> memref<10000xi32, #tpu.memory_space<hbm>>
      %dma_start3A_126 = tpu.memref_slice %arg2[%mul3A_4] : memref<320000xi32, #tpu.memory_space<hbm>> -> memref<10000xi32, #tpu.memory_space<hbm>>
      tpu.enqueue_dma source(%dma_start3A_126 : memref<10000xi32, #tpu.memory_space<hbm>>) target(%arg7 : memref<10000xi32, #tpu.memory_space<vmem>>) target_semaphore(%run_scoped3A : memref<!tpu.dma_semaphore, #tpu.memory_space<semaphore_mem>>)
      %dma_wait3A_127 = tpu.memref_slice %arg2[%mul3A_4] : memref<320000xi32, #tpu.memory_space<hbm>> -> memref<10000xi32, #tpu.memory_space<hbm>>
      %dma_wait3A_128 = tpu.memref_slice %arg2[%mul3A_4] : memref<320000xi32, #tpu.memory_space<hbm>> -> memref<10000xi32, #tpu.memory_space<hbm>>
      tpu.wait_dma2 semaphore(%run_scoped3A : memref<!tpu.dma_semaphore, #tpu.memory_space<semaphore_mem>>) src(%dma_wait3A_128 : memref<10000xi32, #tpu.memory_space<hbm>>) dst(%arg7 : memref<10000xi32, #tpu.memory_space<vmem>>)
      tpu.yield
    }) : () -> ()
    "tpu.region"() ({
      %run_scoped3A = tpu.sem_alloc : memref<!tpu.dma_semaphore, #tpu.memory_space<semaphore_mem>>
      %dma_start3A_125 = arith.constant 0 : i32
      %dma_start3A_126 = tpu.memref_slice %arg17[%mul3A_2, %dma_start3A_125] : memref<10112x128xf32, #tpu.memory_space<vmem_shared>> -> memref<632x128xf32, #tpu.memory_space<vmem_shared>>
      tpu.enqueue_dma source(%arg5 : memref<632x128xf32, #tpu.memory_space<hbm>>) target(%dma_start3A_126 : memref<632x128xf32, #tpu.memory_space<vmem_shared>>) target_semaphore(%run_scoped3A : memref<!tpu.dma_semaphore, #tpu.memory_space<semaphore_mem>>)
      %dma_wait3A_127 = arith.constant 0 : i32
      %dma_wait3A_128 = tpu.memref_slice %arg17[%mul3A_2, %dma_wait3A_127] : memref<10112x128xf32, #tpu.memory_space<vmem_shared>> -> memref<632x128xf32, #tpu.memory_space<vmem_shared>>
      tpu.wait_dma2 semaphore(%run_scoped3A : memref<!tpu.dma_semaphore, #tpu.memory_space<semaphore_mem>>) src(%arg5 : memref<632x128xf32, #tpu.memory_space<hbm>>) dst(%dma_wait3A_128 : memref<632x128xf32, #tpu.memory_space<vmem_shared>>)
      tpu.yield
    }) : () -> ()
    %barrier3A = arith.constant 0 : index
    tpu.barrier barrier_id(%barrier3A)
    %mul3A_5 = arith.constant 10000 : i32
    %mul3A_6 = arith.muli %add3A, %mul3A_5 : i32
    %add3A_7 = arith.constant 0 : i32
    %add3A_8 = arith.addi %mul3A_6, %add3A_7 : i32
    "tpu.region"() ({
      %run_scoped3A = tpu.sem_alloc : memref<!tpu.dma_semaphore, #tpu.memory_space<semaphore_mem>>
      %dma_start3A_125 = tpu.memref_slice %arg3[%add3A_8] : memref<320000xi32, #tpu.memory_space<hbm>> -> memref<64xi32, #tpu.memory_space<hbm>>
      %dma_start3A_126 = tpu.memref_slice %arg3[%add3A_8] : memref<320000xi32, #tpu.memory_space<hbm>> -> memref<64xi32, #tpu.memory_space<hbm>>
      tpu.enqueue_dma source(%dma_start3A_126 : memref<64xi32, #tpu.memory_space<hbm>>) target(%arg8 : memref<64xi32, #tpu.memory_space<vmem>>) target_semaphore(%run_scoped3A : memref<!tpu.dma_semaphore, #tpu.memory_space<semaphore_mem>>)
      %dma_wait3A_127 = tpu.memref_slice %arg3[%add3A_8] : memref<320000xi32, #tpu.memory_space<hbm>> -> memref<64xi32, #tpu.memory_space<hbm>>
      %dma_wait3A_128 = tpu.memref_slice %arg3[%add3A_8] : memref<320000xi32, #tpu.memory_space<hbm>> -> memref<64xi32, #tpu.memory_space<hbm>>
      tpu.wait_dma2 semaphore(%run_scoped3A : memref<!tpu.dma_semaphore, #tpu.memory_space<semaphore_mem>>) src(%dma_wait3A_128 : memref<64xi32, #tpu.memory_space<hbm>>) dst(%arg8 : memref<64xi32, #tpu.memory_space<vmem>>)
      tpu.yield
    }) : () -> ()
    %dma_start3A = arith.constant 0 : i32
    %dma_start3A_9 = tpu.memref_slice %arg7[%dma_start3A] : memref<10000xi32, #tpu.memory_space<vmem>> -> memref<64xi32, #tpu.memory_space<vmem>>
    %dma_start3A_10 = arith.constant 0 : i32
    %dma_start3A_11 = arith.constant 0 : i32
    %dma_start3A_12 = tpu.memref_slice %arg4[%dma_start3A_10, %dma_start3A_11] : memref<10000x128xf32, #tpu.memory_space<hbm>> -> memref<10000x128xf32, #tpu.memory_space<hbm>>
    tpu.enqueue_indirect_dma source(%dma_start3A_12 : memref<10000x128xf32, #tpu.memory_space<hbm>>) target(%arg13 : memref<64x128xf32, #tpu.memory_space<vmem>>) offsets(%dma_start3A_9 : memref<64xi32, #tpu.memory_space<vmem>>) semaphore(%arg18 : memref<!tpu.dma_semaphore, #tpu.memory_space<semaphore_mem>>)
    %mul3A_13 = arith.constant 10000 : i32
    %mul3A_14 = arith.muli %add3A, %mul3A_13 : i32
    %add3A_15 = arith.constant 64 : i32
    %add3A_16 = arith.addi %mul3A_14, %add3A_15 : i32
    "tpu.region"() ({
      %run_scoped3A = tpu.sem_alloc : memref<!tpu.dma_semaphore, #tpu.memory_space<semaphore_mem>>
      %dma_start3A_125 = tpu.memref_slice %arg3[%add3A_16] : memref<320000xi32, #tpu.memory_space<hbm>> -> memref<64xi32, #tpu.memory_space<hbm>>
      %dma_start3A_126 = tpu.memref_slice %arg3[%add3A_16] : memref<320000xi32, #tpu.memory_space<hbm>> -> memref<64xi32, #tpu.memory_space<hbm>>
      tpu.enqueue_dma source(%dma_start3A_126 : memref<64xi32, #tpu.memory_space<hbm>>) target(%arg9 : memref<64xi32, #tpu.memory_space<vmem>>) target_semaphore(%run_scoped3A : memref<!tpu.dma_semaphore, #tpu.memory_space<semaphore_mem>>)
      %dma_wait3A_127 = tpu.memref_slice %arg3[%add3A_16] : memref<320000xi32, #tpu.memory_space<hbm>> -> memref<64xi32, #tpu.memory_space<hbm>>
      %dma_wait3A_128 = tpu.memref_slice %arg3[%add3A_16] : memref<320000xi32, #tpu.memory_space<hbm>> -> memref<64xi32, #tpu.memory_space<hbm>>
      tpu.wait_dma2 semaphore(%run_scoped3A : memref<!tpu.dma_semaphore, #tpu.memory_space<semaphore_mem>>) src(%dma_wait3A_128 : memref<64xi32, #tpu.memory_space<hbm>>) dst(%arg9 : memref<64xi32, #tpu.memory_space<vmem>>)
      tpu.yield
    }) : () -> ()
    %dma_start3A_17 = arith.constant 64 : i32
    %dma_start3A_18 = tpu.memref_slice %arg7[%dma_start3A_17] : memref<10000xi32, #tpu.memory_space<vmem>> -> memref<64xi32, #tpu.memory_space<vmem>>
    %dma_start3A_19 = arith.constant 0 : i32
    %dma_start3A_20 = arith.constant 0 : i32
    %dma_start3A_21 = tpu.memref_slice %arg4[%dma_start3A_19, %dma_start3A_20] : memref<10000x128xf32, #tpu.memory_space<hbm>> -> memref<10000x128xf32, #tpu.memory_space<hbm>>
    tpu.enqueue_indirect_dma source(%dma_start3A_21 : memref<10000x128xf32, #tpu.memory_space<hbm>>) target(%arg14 : memref<64x128xf32, #tpu.memory_space<vmem>>) offsets(%dma_start3A_18 : memref<64xi32, #tpu.memory_space<vmem>>) semaphore(%arg19 : memref<!tpu.dma_semaphore, #tpu.memory_space<semaphore_mem>>)
    %mul3A_22 = arith.constant 10000 : i32
    %mul3A_23 = arith.muli %add3A, %mul3A_22 : i32
    %add3A_24 = arith.constant 128 : i32
    %add3A_25 = arith.addi %mul3A_23, %add3A_24 : i32
    "tpu.region"() ({
      %run_scoped3A = tpu.sem_alloc : memref<!tpu.dma_semaphore, #tpu.memory_space<semaphore_mem>>
      %dma_start3A_125 = tpu.memref_slice %arg3[%add3A_25] : memref<320000xi32, #tpu.memory_space<hbm>> -> memref<64xi32, #tpu.memory_space<hbm>>
      %dma_start3A_126 = tpu.memref_slice %arg3[%add3A_25] : memref<320000xi32, #tpu.memory_space<hbm>> -> memref<64xi32, #tpu.memory_space<hbm>>
      tpu.enqueue_dma source(%dma_start3A_126 : memref<64xi32, #tpu.memory_space<hbm>>) target(%arg10 : memref<64xi32, #tpu.memory_space<vmem>>) target_semaphore(%run_scoped3A : memref<!tpu.dma_semaphore, #tpu.memory_space<semaphore_mem>>)
      %dma_wait3A_127 = tpu.memref_slice %arg3[%add3A_25] : memref<320000xi32, #tpu.memory_space<hbm>> -> memref<64xi32, #tpu.memory_space<hbm>>
      %dma_wait3A_128 = tpu.memref_slice %arg3[%add3A_25] : memref<320000xi32, #tpu.memory_space<hbm>> -> memref<64xi32, #tpu.memory_space<hbm>>
      tpu.wait_dma2 semaphore(%run_scoped3A : memref<!tpu.dma_semaphore, #tpu.memory_space<semaphore_mem>>) src(%dma_wait3A_128 : memref<64xi32, #tpu.memory_space<hbm>>) dst(%arg10 : memref<64xi32, #tpu.memory_space<vmem>>)
      tpu.yield
    }) : () -> ()
    %dma_start3A_26 = arith.constant 128 : i32
    %dma_start3A_27 = tpu.memref_slice %arg7[%dma_start3A_26] : memref<10000xi32, #tpu.memory_space<vmem>> -> memref<64xi32, #tpu.memory_space<vmem>>
    %dma_start3A_28 = arith.constant 0 : i32
    %dma_start3A_29 = arith.constant 0 : i32
    %dma_start3A_30 = tpu.memref_slice %arg4[%dma_start3A_28, %dma_start3A_29] : memref<10000x128xf32, #tpu.memory_space<hbm>> -> memref<10000x128xf32, #tpu.memory_space<hbm>>
    tpu.enqueue_indirect_dma source(%dma_start3A_30 : memref<10000x128xf32, #tpu.memory_space<hbm>>) target(%arg15 : memref<64x128xf32, #tpu.memory_space<vmem>>) offsets(%dma_start3A_27 : memref<64xi32, #tpu.memory_space<vmem>>) semaphore(%arg20 : memref<!tpu.dma_semaphore, #tpu.memory_space<semaphore_mem>>)
    %mul3A_31 = arith.constant 10000 : i32
    %mul3A_32 = arith.muli %add3A, %mul3A_31 : i32
    %add3A_33 = arith.constant 192 : i32
    %add3A_34 = arith.addi %mul3A_32, %add3A_33 : i32
    "tpu.region"() ({
      %run_scoped3A = tpu.sem_alloc : memref<!tpu.dma_semaphore, #tpu.memory_space<semaphore_mem>>
      %dma_start3A_125 = tpu.memref_slice %arg3[%add3A_34] : memref<320000xi32, #tpu.memory_space<hbm>> -> memref<64xi32, #tpu.memory_space<hbm>>
      %dma_start3A_126 = tpu.memref_slice %arg3[%add3A_34] : memref<320000xi32, #tpu.memory_space<hbm>> -> memref<64xi32, #tpu.memory_space<hbm>>
      tpu.enqueue_dma source(%dma_start3A_126 : memref<64xi32, #tpu.memory_space<hbm>>) target(%arg11 : memref<64xi32, #tpu.memory_space<vmem>>) target_semaphore(%run_scoped3A : memref<!tpu.dma_semaphore, #tpu.memory_space<semaphore_mem>>)
      %dma_wait3A_127 = tpu.memref_slice %arg3[%add3A_34] : memref<320000xi32, #tpu.memory_space<hbm>> -> memref<64xi32, #tpu.memory_space<hbm>>
      %dma_wait3A_128 = tpu.memref_slice %arg3[%add3A_34] : memref<320000xi32, #tpu.memory_space<hbm>> -> memref<64xi32, #tpu.memory_space<hbm>>
      tpu.wait_dma2 semaphore(%run_scoped3A : memref<!tpu.dma_semaphore, #tpu.memory_space<semaphore_mem>>) src(%dma_wait3A_128 : memref<64xi32, #tpu.memory_space<hbm>>) dst(%arg11 : memref<64xi32, #tpu.memory_space<vmem>>)
      tpu.yield
    }) : () -> ()
    %dma_start3A_35 = arith.constant 192 : i32
    %dma_start3A_36 = tpu.memref_slice %arg7[%dma_start3A_35] : memref<10000xi32, #tpu.memory_space<vmem>> -> memref<64xi32, #tpu.memory_space<vmem>>
    %dma_start3A_37 = arith.constant 0 : i32
    %dma_start3A_38 = arith.constant 0 : i32
    %dma_start3A_39 = tpu.memref_slice %arg4[%dma_start3A_37, %dma_start3A_38] : memref<10000x128xf32, #tpu.memory_space<hbm>> -> memref<10000x128xf32, #tpu.memory_space<hbm>>
    tpu.enqueue_indirect_dma source(%dma_start3A_39 : memref<10000x128xf32, #tpu.memory_space<hbm>>) target(%arg16 : memref<64x128xf32, #tpu.memory_space<vmem>>) offsets(%dma_start3A_36 : memref<64xi32, #tpu.memory_space<vmem>>) semaphore(%arg21 : memref<!tpu.dma_semaphore, #tpu.memory_space<semaphore_mem>>)
    %scan3A = arith.constant 0 : i32
    %scan3A_40 = arith.constant 0 : i32
    %scan3A_41 = arith.constant 38 : i32
    %scan3A_42 = arith.addi %scan3A_40, %scan3A_41 : i32
    %scan3A_43 = arith.constant 1 : i32
    scf.for %scan3A_125 = %scan3A_40 to %scan3A_42 step %scan3A_43  : i32 {
      %dma_wait3A_126 = arith.constant 0 : i32
      %dma_wait3A_127 = tpu.memref_slice %arg7[%dma_wait3A_126] : memref<10000xi32, #tpu.memory_space<vmem>> -> memref<64xi32, #tpu.memory_space<vmem>>
      %dma_wait3A_128 = arith.constant 0 : i32
      %dma_wait3A_129 = arith.constant 0 : i32
      %dma_wait3A_130 = tpu.memref_slice %arg4[%dma_wait3A_128, %dma_wait3A_129] : memref<10000x128xf32, #tpu.memory_space<hbm>> -> memref<10000x128xf32, #tpu.memory_space<hbm>>
      tpu.wait_indirect_dma semaphore(%arg18 : memref<!tpu.dma_semaphore, #tpu.memory_space<semaphore_mem>>) src(%dma_wait3A_130 : memref<10000x128xf32, #tpu.memory_space<hbm>>) dst(%arg13 : memref<64x128xf32, #tpu.memory_space<vmem>>)
      %dma_start3A_131 = arith.constant 0 : i32
      %dma_start3A_132 = arith.constant 0 : i32
      %dma_start3A_133 = tpu.memref_slice %arg17[%dma_start3A_131, %dma_start3A_132] : memref<10112x128xf32, #tpu.memory_space<vmem_shared>> -> memref<10112x128xf32, #tpu.memory_space<vmem_shared>>
      tpu.enqueue_indirect_dma source(%arg13 : memref<64x128xf32, #tpu.memory_space<vmem>>) target(%dma_start3A_133 : memref<10112x128xf32, #tpu.memory_space<vmem_shared>>) offsets(%arg8 : memref<64xi32, #tpu.memory_space<vmem>>) semaphore(%arg22 : memref<!tpu.dma_semaphore, #tpu.memory_space<semaphore_mem>>) {add = true}
      %dma_wait3A_134 = arith.constant 64 : i32
      %dma_wait3A_135 = tpu.memref_slice %arg7[%dma_wait3A_134] : memref<10000xi32, #tpu.memory_space<vmem>> -> memref<64xi32, #tpu.memory_space<vmem>>
      %dma_wait3A_136 = arith.constant 0 : i32
      %dma_wait3A_137 = arith.constant 0 : i32
      %dma_wait3A_138 = tpu.memref_slice %arg4[%dma_wait3A_136, %dma_wait3A_137] : memref<10000x128xf32, #tpu.memory_space<hbm>> -> memref<10000x128xf32, #tpu.memory_space<hbm>>
      tpu.wait_indirect_dma semaphore(%arg19 : memref<!tpu.dma_semaphore, #tpu.memory_space<semaphore_mem>>) src(%dma_wait3A_138 : memref<10000x128xf32, #tpu.memory_space<hbm>>) dst(%arg14 : memref<64x128xf32, #tpu.memory_space<vmem>>)
      %dma_start3A_139 = arith.constant 0 : i32
      %dma_start3A_140 = arith.constant 0 : i32
      %dma_start3A_141 = tpu.memref_slice %arg17[%dma_start3A_139, %dma_start3A_140] : memref<10112x128xf32, #tpu.memory_space<vmem_shared>> -> memref<10112x128xf32, #tpu.memory_space<vmem_shared>>
      tpu.enqueue_indirect_dma source(%arg14 : memref<64x128xf32, #tpu.memory_space<vmem>>) target(%dma_start3A_141 : memref<10112x128xf32, #tpu.memory_space<vmem_shared>>) offsets(%arg9 : memref<64xi32, #tpu.memory_space<vmem>>) semaphore(%arg23 : memref<!tpu.dma_semaphore, #tpu.memory_space<semaphore_mem>>) {add = true}
      %dma_wait3A_142 = arith.constant 128 : i32
      %dma_wait3A_143 = tpu.memref_slice %arg7[%dma_wait3A_142] : memref<10000xi32, #tpu.memory_space<vmem>> -> memref<64xi32, #tpu.memory_space<vmem>>
      %dma_wait3A_144 = arith.constant 0 : i32
      %dma_wait3A_145 = arith.constant 0 : i32
      %dma_wait3A_146 = tpu.memref_slice %arg4[%dma_wait3A_144, %dma_wait3A_145] : memref<10000x128xf32, #tpu.memory_space<hbm>> -> memref<10000x128xf32, #tpu.memory_space<hbm>>
      tpu.wait_indirect_dma semaphore(%arg20 : memref<!tpu.dma_semaphore, #tpu.memory_space<semaphore_mem>>) src(%dma_wait3A_146 : memref<10000x128xf32, #tpu.memory_space<hbm>>) dst(%arg15 : memref<64x128xf32, #tpu.memory_space<vmem>>)
      %dma_start3A_147 = arith.constant 0 : i32
      %dma_start3A_148 = arith.constant 0 : i32
      %dma_start3A_149 = tpu.memref_slice %arg17[%dma_start3A_147, %dma_start3A_148] : memref<10112x128xf32, #tpu.memory_space<vmem_shared>> -> memref<10112x128xf32, #tpu.memory_space<vmem_shared>>
      tpu.enqueue_indirect_dma source(%arg15 : memref<64x128xf32, #tpu.memory_space<vmem>>) target(%dma_start3A_149 : memref<10112x128xf32, #tpu.memory_space<vmem_shared>>) offsets(%arg10 : memref<64xi32, #tpu.memory_space<vmem>>) semaphore(%arg24 : memref<!tpu.dma_semaphore, #tpu.memory_space<semaphore_mem>>) {add = true}
      %dma_wait3A_150 = arith.constant 192 : i32
      %dma_wait3A_151 = tpu.memref_slice %arg7[%dma_wait3A_150] : memref<10000xi32, #tpu.memory_space<vmem>> -> memref<64xi32, #tpu.memory_space<vmem>>
      %dma_wait3A_152 = arith.constant 0 : i32
      %dma_wait3A_153 = arith.constant 0 : i32
      %dma_wait3A_154 = tpu.memref_slice %arg4[%dma_wait3A_152, %dma_wait3A_153] : memref<10000x128xf32, #tpu.memory_space<hbm>> -> memref<10000x128xf32, #tpu.memory_space<hbm>>
      tpu.wait_indirect_dma semaphore(%arg21 : memref<!tpu.dma_semaphore, #tpu.memory_space<semaphore_mem>>) src(%dma_wait3A_154 : memref<10000x128xf32, #tpu.memory_space<hbm>>) dst(%arg16 : memref<64x128xf32, #tpu.memory_space<vmem>>)
      %dma_start3A_155 = arith.constant 0 : i32
      %dma_start3A_156 = arith.constant 0 : i32
      %dma_start3A_157 = tpu.memref_slice %arg17[%dma_start3A_155, %dma_start3A_156] : memref<10112x128xf32, #tpu.memory_space<vmem_shared>> -> memref<10112x128xf32, #tpu.memory_space<vmem_shared>>
      tpu.enqueue_indirect_dma source(%arg16 : memref<64x128xf32, #tpu.memory_space<vmem>>) target(%dma_start3A_157 : memref<10112x128xf32, #tpu.memory_space<vmem_shared>>) offsets(%arg11 : memref<64xi32, #tpu.memory_space<vmem>>) semaphore(%arg25 : memref<!tpu.dma_semaphore, #tpu.memory_space<semaphore_mem>>) {add = true}
      %dma_wait3A_158 = arith.constant 0 : i32
      %dma_wait3A_159 = arith.constant 0 : i32
      %dma_wait3A_160 = tpu.memref_slice %arg17[%dma_wait3A_158, %dma_wait3A_159] : memref<10112x128xf32, #tpu.memory_space<vmem_shared>> -> memref<10112x128xf32, #tpu.memory_space<vmem_shared>>
      tpu.wait_indirect_dma semaphore(%arg22 : memref<!tpu.dma_semaphore, #tpu.memory_space<semaphore_mem>>) src(%arg13 : memref<64x128xf32, #tpu.memory_space<vmem>>) dst(%dma_wait3A_160 : memref<10112x128xf32, #tpu.memory_space<vmem_shared>>)
      %add3A_161 = arith.constant 1 : i32
      %add3A_162 = arith.addi %scan3A_125, %add3A_161 : i32
      %mul3A_163 = arith.constant 4 : i32
      %mul3A_164 = arith.muli %mul3A_163, %add3A_162 : i32
      %add3A_165 = arith.constant 0 : i32
      %add3A_166 = arith.addi %mul3A_164, %add3A_165 : i32
      %mul3A_167 = arith.constant 64 : i32
      %mul3A_168 = arith.muli %add3A_166, %mul3A_167 : i32
      %mul3A_169 = arith.constant 10000 : i32
      %mul3A_170 = arith.muli %add3A, %mul3A_169 : i32
      %add3A_171 = arith.addi %mul3A_170, %mul3A_168 : i32
      "tpu.region"() ({
        %run_scoped3A = tpu.sem_alloc : memref<!tpu.dma_semaphore, #tpu.memory_space<semaphore_mem>>
        %dma_start3A_230 = tpu.memref_slice %arg3[%add3A_171] : memref<320000xi32, #tpu.memory_space<hbm>> -> memref<64xi32, #tpu.memory_space<hbm>>
        %dma_start3A_231 = tpu.memref_slice %arg3[%add3A_171] : memref<320000xi32, #tpu.memory_space<hbm>> -> memref<64xi32, #tpu.memory_space<hbm>>
        tpu.enqueue_dma source(%dma_start3A_231 : memref<64xi32, #tpu.memory_space<hbm>>) target(%arg8 : memref<64xi32, #tpu.memory_space<vmem>>) target_semaphore(%run_scoped3A : memref<!tpu.dma_semaphore, #tpu.memory_space<semaphore_mem>>)
        %dma_wait3A_232 = tpu.memref_slice %arg3[%add3A_171] : memref<320000xi32, #tpu.memory_space<hbm>> -> memref<64xi32, #tpu.memory_space<hbm>>
        %dma_wait3A_233 = tpu.memref_slice %arg3[%add3A_171] : memref<320000xi32, #tpu.memory_space<hbm>> -> memref<64xi32, #tpu.memory_space<hbm>>
        tpu.wait_dma2 semaphore(%run_scoped3A : memref<!tpu.dma_semaphore, #tpu.memory_space<semaphore_mem>>) src(%dma_wait3A_233 : memref<64xi32, #tpu.memory_space<hbm>>) dst(%arg8 : memref<64xi32, #tpu.memory_space<vmem>>)
        tpu.yield
      }) : () -> ()
      %dma_start3A_172 = tpu.memref_slice %arg7[%mul3A_168] : memref<10000xi32, #tpu.memory_space<vmem>> -> memref<64xi32, #tpu.memory_space<vmem>>
      %dma_start3A_173 = arith.constant 0 : i32
      %dma_start3A_174 = arith.constant 0 : i32
      %dma_start3A_175 = tpu.memref_slice %arg4[%dma_start3A_173, %dma_start3A_174] : memref<10000x128xf32, #tpu.memory_space<hbm>> -> memref<10000x128xf32, #tpu.memory_space<hbm>>
      tpu.enqueue_indirect_dma source(%dma_start3A_175 : memref<10000x128xf32, #tpu.memory_space<hbm>>) target(%arg13 : memref<64x128xf32, #tpu.memory_space<vmem>>) offsets(%dma_start3A_172 : memref<64xi32, #tpu.memory_space<vmem>>) semaphore(%arg18 : memref<!tpu.dma_semaphore, #tpu.memory_space<semaphore_mem>>)
      %dma_wait3A_176 = arith.constant 0 : i32
      %dma_wait3A_177 = arith.constant 0 : i32
      %dma_wait3A_178 = tpu.memref_slice %arg17[%dma_wait3A_176, %dma_wait3A_177] : memref<10112x128xf32, #tpu.memory_space<vmem_shared>> -> memref<10112x128xf32, #tpu.memory_space<vmem_shared>>
      tpu.wait_indirect_dma semaphore(%arg23 : memref<!tpu.dma_semaphore, #tpu.memory_space<semaphore_mem>>) src(%arg14 : memref<64x128xf32, #tpu.memory_space<vmem>>) dst(%dma_wait3A_178 : memref<10112x128xf32, #tpu.memory_space<vmem_shared>>)
      %add3A_179 = arith.constant 1 : i32
      %add3A_180 = arith.addi %scan3A_125, %add3A_179 : i32
      %mul3A_181 = arith.constant 4 : i32
      %mul3A_182 = arith.muli %mul3A_181, %add3A_180 : i32
      %add3A_183 = arith.constant 1 : i32
      %add3A_184 = arith.addi %mul3A_182, %add3A_183 : i32
      %mul3A_185 = arith.constant 64 : i32
      %mul3A_186 = arith.muli %add3A_184, %mul3A_185 : i32
      %mul3A_187 = arith.constant 10000 : i32
      %mul3A_188 = arith.muli %add3A, %mul3A_187 : i32
      %add3A_189 = arith.addi %mul3A_188, %mul3A_186 : i32
      "tpu.region"() ({
        %run_scoped3A = tpu.sem_alloc : memref<!tpu.dma_semaphore, #tpu.memory_space<semaphore_mem>>
        %dma_start3A_230 = tpu.memref_slice %arg3[%add3A_189] : memref<320000xi32, #tpu.memory_space<hbm>> -> memref<64xi32, #tpu.memory_space<hbm>>
        %dma_start3A_231 = tpu.memref_slice %arg3[%add3A_189] : memref<320000xi32, #tpu.memory_space<hbm>> -> memref<64xi32, #tpu.memory_space<hbm>>
        tpu.enqueue_dma source(%dma_start3A_231 : memref<64xi32, #tpu.memory_space<hbm>>) target(%arg9 : memref<64xi32, #tpu.memory_space<vmem>>) target_semaphore(%run_scoped3A : memref<!tpu.dma_semaphore, #tpu.memory_space<semaphore_mem>>)
        %dma_wait3A_232 = tpu.memref_slice %arg3[%add3A_189] : memref<320000xi32, #tpu.memory_space<hbm>> -> memref<64xi32, #tpu.memory_space<hbm>>
        %dma_wait3A_233 = tpu.memref_slice %arg3[%add3A_189] : memref<320000xi32, #tpu.memory_space<hbm>> -> memref<64xi32, #tpu.memory_space<hbm>>
        tpu.wait_dma2 semaphore(%run_scoped3A : memref<!tpu.dma_semaphore, #tpu.memory_space<semaphore_mem>>) src(%dma_wait3A_233 : memref<64xi32, #tpu.memory_space<hbm>>) dst(%arg9 : memref<64xi32, #tpu.memory_space<vmem>>)
        tpu.yield
      }) : () -> ()
      %dma_start3A_190 = tpu.memref_slice %arg7[%mul3A_186] : memref<10000xi32, #tpu.memory_space<vmem>> -> memref<64xi32, #tpu.memory_space<vmem>>
      %dma_start3A_191 = arith.constant 0 : i32
      %dma_start3A_192 = arith.constant 0 : i32
      %dma_start3A_193 = tpu.memref_slice %arg4[%dma_start3A_191, %dma_start3A_192] : memref<10000x128xf32, #tpu.memory_space<hbm>> -> memref<10000x128xf32, #tpu.memory_space<hbm>>
      tpu.enqueue_indirect_dma source(%dma_start3A_193 : memref<10000x128xf32, #tpu.memory_space<hbm>>) target(%arg14 : memref<64x128xf32, #tpu.memory_space<vmem>>) offsets(%dma_start3A_190 : memref<64xi32, #tpu.memory_space<vmem>>) semaphore(%arg19 : memref<!tpu.dma_semaphore, #tpu.memory_space<semaphore_mem>>)
      %dma_wait3A_194 = arith.constant 0 : i32
      %dma_wait3A_195 = arith.constant 0 : i32
      %dma_wait3A_196 = tpu.memref_slice %arg17[%dma_wait3A_194, %dma_wait3A_195] : memref<10112x128xf32, #tpu.memory_space<vmem_shared>> -> memref<10112x128xf32, #tpu.memory_space<vmem_shared>>
      tpu.wait_indirect_dma semaphore(%arg24 : memref<!tpu.dma_semaphore, #tpu.memory_space<semaphore_mem>>) src(%arg15 : memref<64x128xf32, #tpu.memory_space<vmem>>) dst(%dma_wait3A_196 : memref<10112x128xf32, #tpu.memory_space<vmem_shared>>)
      %add3A_197 = arith.constant 1 : i32
      %add3A_198 = arith.addi %scan3A_125, %add3A_197 : i32
      %mul3A_199 = arith.constant 4 : i32
      %mul3A_200 = arith.muli %mul3A_199, %add3A_198 : i32
      %add3A_201 = arith.constant 2 : i32
      %add3A_202 = arith.addi %mul3A_200, %add3A_201 : i32
      %mul3A_203 = arith.constant 64 : i32
      %mul3A_204 = arith.muli %add3A_202, %mul3A_203 : i32
      %mul3A_205 = arith.constant 10000 : i32
      %mul3A_206 = arith.muli %add3A, %mul3A_205 : i32
      %add3A_207 = arith.addi %mul3A_206, %mul3A_204 : i32
      "tpu.region"() ({
        %run_scoped3A = tpu.sem_alloc : memref<!tpu.dma_semaphore, #tpu.memory_space<semaphore_mem>>
        %dma_start3A_230 = tpu.memref_slice %arg3[%add3A_207] : memref<320000xi32, #tpu.memory_space<hbm>> -> memref<64xi32, #tpu.memory_space<hbm>>
        %dma_start3A_231 = tpu.memref_slice %arg3[%add3A_207] : memref<320000xi32, #tpu.memory_space<hbm>> -> memref<64xi32, #tpu.memory_space<hbm>>
        tpu.enqueue_dma source(%dma_start3A_231 : memref<64xi32, #tpu.memory_space<hbm>>) target(%arg10 : memref<64xi32, #tpu.memory_space<vmem>>) target_semaphore(%run_scoped3A : memref<!tpu.dma_semaphore, #tpu.memory_space<semaphore_mem>>)
        %dma_wait3A_232 = tpu.memref_slice %arg3[%add3A_207] : memref<320000xi32, #tpu.memory_space<hbm>> -> memref<64xi32, #tpu.memory_space<hbm>>
        %dma_wait3A_233 = tpu.memref_slice %arg3[%add3A_207] : memref<320000xi32, #tpu.memory_space<hbm>> -> memref<64xi32, #tpu.memory_space<hbm>>
        tpu.wait_dma2 semaphore(%run_scoped3A : memref<!tpu.dma_semaphore, #tpu.memory_space<semaphore_mem>>) src(%dma_wait3A_233 : memref<64xi32, #tpu.memory_space<hbm>>) dst(%arg10 : memref<64xi32, #tpu.memory_space<vmem>>)
        tpu.yield
      }) : () -> ()
      %dma_start3A_208 = tpu.memref_slice %arg7[%mul3A_204] : memref<10000xi32, #tpu.memory_space<vmem>> -> memref<64xi32, #tpu.memory_space<vmem>>
      %dma_start3A_209 = arith.constant 0 : i32
      %dma_start3A_210 = arith.constant 0 : i32
      %dma_start3A_211 = tpu.memref_slice %arg4[%dma_start3A_209, %dma_start3A_210] : memref<10000x128xf32, #tpu.memory_space<hbm>> -> memref<10000x128xf32, #tpu.memory_space<hbm>>
      tpu.enqueue_indirect_dma source(%dma_start3A_211 : memref<10000x128xf32, #tpu.memory_space<hbm>>) target(%arg15 : memref<64x128xf32, #tpu.memory_space<vmem>>) offsets(%dma_start3A_208 : memref<64xi32, #tpu.memory_space<vmem>>) semaphore(%arg20 : memref<!tpu.dma_semaphore, #tpu.memory_space<semaphore_mem>>)
      %dma_wait3A_212 = arith.constant 0 : i32
      %dma_wait3A_213 = arith.constant 0 : i32
      %dma_wait3A_214 = tpu.memref_slice %arg17[%dma_wait3A_212, %dma_wait3A_213] : memref<10112x128xf32, #tpu.memory_space<vmem_shared>> -> memref<10112x128xf32, #tpu.memory_space<vmem_shared>>
      tpu.wait_indirect_dma semaphore(%arg25 : memref<!tpu.dma_semaphore, #tpu.memory_space<semaphore_mem>>) src(%arg16 : memref<64x128xf32, #tpu.memory_space<vmem>>) dst(%dma_wait3A_214 : memref<10112x128xf32, #tpu.memory_space<vmem_shared>>)
      %add3A_215 = arith.constant 1 : i32
      %add3A_216 = arith.addi %scan3A_125, %add3A_215 : i32
      %mul3A_217 = arith.constant 4 : i32
      %mul3A_218 = arith.muli %mul3A_217, %add3A_216 : i32
      %add3A_219 = arith.constant 3 : i32
      %add3A_220 = arith.addi %mul3A_218, %add3A_219 : i32
      %mul3A_221 = arith.constant 64 : i32
      %mul3A_222 = arith.muli %add3A_220, %mul3A_221 : i32
      %mul3A_223 = arith.constant 10000 : i32
      %mul3A_224 = arith.muli %add3A, %mul3A_223 : i32
      %add3A_225 = arith.addi %mul3A_224, %mul3A_222 : i32
      "tpu.region"() ({
        %run_scoped3A = tpu.sem_alloc : memref<!tpu.dma_semaphore, #tpu.memory_space<semaphore_mem>>
        %dma_start3A_230 = tpu.memref_slice %arg3[%add3A_225] : memref<320000xi32, #tpu.memory_space<hbm>> -> memref<64xi32, #tpu.memory_space<hbm>>
        %dma_start3A_231 = tpu.memref_slice %arg3[%add3A_225] : memref<320000xi32, #tpu.memory_space<hbm>> -> memref<64xi32, #tpu.memory_space<hbm>>
        tpu.enqueue_dma source(%dma_start3A_231 : memref<64xi32, #tpu.memory_space<hbm>>) target(%arg11 : memref<64xi32, #tpu.memory_space<vmem>>) target_semaphore(%run_scoped3A : memref<!tpu.dma_semaphore, #tpu.memory_space<semaphore_mem>>)
        %dma_wait3A_232 = tpu.memref_slice %arg3[%add3A_225] : memref<320000xi32, #tpu.memory_space<hbm>> -> memref<64xi32, #tpu.memory_space<hbm>>
        %dma_wait3A_233 = tpu.memref_slice %arg3[%add3A_225] : memref<320000xi32, #tpu.memory_space<hbm>> -> memref<64xi32, #tpu.memory_space<hbm>>
        tpu.wait_dma2 semaphore(%run_scoped3A : memref<!tpu.dma_semaphore, #tpu.memory_space<semaphore_mem>>) src(%dma_wait3A_233 : memref<64xi32, #tpu.memory_space<hbm>>) dst(%arg11 : memref<64xi32, #tpu.memory_space<vmem>>)
        tpu.yield
      }) : () -> ()
      %dma_start3A_226 = tpu.memref_slice %arg7[%mul3A_222] : memref<10000xi32, #tpu.memory_space<vmem>> -> memref<64xi32, #tpu.memory_space<vmem>>
      %dma_start3A_227 = arith.constant 0 : i32
      %dma_start3A_228 = arith.constant 0 : i32
      %dma_start3A_229 = tpu.memref_slice %arg4[%dma_start3A_227, %dma_start3A_228] : memref<10000x128xf32, #tpu.memory_space<hbm>> -> memref<10000x128xf32, #tpu.memory_space<hbm>>
      tpu.enqueue_indirect_dma source(%dma_start3A_229 : memref<10000x128xf32, #tpu.memory_space<hbm>>) target(%arg16 : memref<64x128xf32, #tpu.memory_space<vmem>>) offsets(%dma_start3A_226 : memref<64xi32, #tpu.memory_space<vmem>>) semaphore(%arg21 : memref<!tpu.dma_semaphore, #tpu.memory_space<semaphore_mem>>)
    }
    %scan3A_44 = arith.constant 38 : i32
    %dma_wait3A = arith.constant 0 : i32
    %dma_wait3A_45 = tpu.memref_slice %arg7[%dma_wait3A] : memref<10000xi32, #tpu.memory_space<vmem>> -> memref<64xi32, #tpu.memory_space<vmem>>
    %dma_wait3A_46 = arith.constant 0 : i32
    %dma_wait3A_47 = arith.constant 0 : i32
    %dma_wait3A_48 = tpu.memref_slice %arg4[%dma_wait3A_46, %dma_wait3A_47] : memref<10000x128xf32, #tpu.memory_space<hbm>> -> memref<10000x128xf32, #tpu.memory_space<hbm>>
    tpu.wait_indirect_dma semaphore(%arg18 : memref<!tpu.dma_semaphore, #tpu.memory_space<semaphore_mem>>) src(%dma_wait3A_48 : memref<10000x128xf32, #tpu.memory_space<hbm>>) dst(%arg13 : memref<64x128xf32, #tpu.memory_space<vmem>>)
    "tpu.region"() ({
      %run_scoped3A = tpu.sem_alloc : memref<!tpu.dma_semaphore, #tpu.memory_space<semaphore_mem>>
      %dma_start3A_125 = arith.constant 0 : i32
      %dma_start3A_126 = arith.constant 0 : i32
      %dma_start3A_127 = tpu.memref_slice %arg17[%dma_start3A_125, %dma_start3A_126] : memref<10112x128xf32, #tpu.memory_space<vmem_shared>> -> memref<10112x128xf32, #tpu.memory_space<vmem_shared>>
      tpu.enqueue_indirect_dma source(%arg13 : memref<64x128xf32, #tpu.memory_space<vmem>>) target(%dma_start3A_127 : memref<10112x128xf32, #tpu.memory_space<vmem_shared>>) offsets(%arg8 : memref<64xi32, #tpu.memory_space<vmem>>) semaphore(%run_scoped3A : memref<!tpu.dma_semaphore, #tpu.memory_space<semaphore_mem>>) {add = true}
      %dma_wait3A_128 = arith.constant 0 : i32
      %dma_wait3A_129 = arith.constant 0 : i32
      %dma_wait3A_130 = tpu.memref_slice %arg17[%dma_wait3A_128, %dma_wait3A_129] : memref<10112x128xf32, #tpu.memory_space<vmem_shared>> -> memref<10112x128xf32, #tpu.memory_space<vmem_shared>>
      tpu.wait_indirect_dma semaphore(%run_scoped3A : memref<!tpu.dma_semaphore, #tpu.memory_space<semaphore_mem>>) src(%arg13 : memref<64x128xf32, #tpu.memory_space<vmem>>) dst(%dma_wait3A_130 : memref<10112x128xf32, #tpu.memory_space<vmem_shared>>)
      tpu.yield
    }) : () -> ()
    %dma_wait3A_49 = arith.constant 64 : i32
    %dma_wait3A_50 = tpu.memref_slice %arg7[%dma_wait3A_49] : memref<10000xi32, #tpu.memory_space<vmem>> -> memref<64xi32, #tpu.memory_space<vmem>>
    %dma_wait3A_51 = arith.constant 0 : i32
    %dma_wait3A_52 = arith.constant 0 : i32
    %dma_wait3A_53 = tpu.memref_slice %arg4[%dma_wait3A_51, %dma_wait3A_52] : memref<10000x128xf32, #tpu.memory_space<hbm>> -> memref<10000x128xf32, #tpu.memory_space<hbm>>
    tpu.wait_indirect_dma semaphore(%arg19 : memref<!tpu.dma_semaphore, #tpu.memory_space<semaphore_mem>>) src(%dma_wait3A_53 : memref<10000x128xf32, #tpu.memory_space<hbm>>) dst(%arg14 : memref<64x128xf32, #tpu.memory_space<vmem>>)
    "tpu.region"() ({
      %run_scoped3A = tpu.sem_alloc : memref<!tpu.dma_semaphore, #tpu.memory_space<semaphore_mem>>
      %dma_start3A_125 = arith.constant 0 : i32
      %dma_start3A_126 = arith.constant 0 : i32
      %dma_start3A_127 = tpu.memref_slice %arg17[%dma_start3A_125, %dma_start3A_126] : memref<10112x128xf32, #tpu.memory_space<vmem_shared>> -> memref<10112x128xf32, #tpu.memory_space<vmem_shared>>
      tpu.enqueue_indirect_dma source(%arg14 : memref<64x128xf32, #tpu.memory_space<vmem>>) target(%dma_start3A_127 : memref<10112x128xf32, #tpu.memory_space<vmem_shared>>) offsets(%arg9 : memref<64xi32, #tpu.memory_space<vmem>>) semaphore(%run_scoped3A : memref<!tpu.dma_semaphore, #tpu.memory_space<semaphore_mem>>) {add = true}
      %dma_wait3A_128 = arith.constant 0 : i32
      %dma_wait3A_129 = arith.constant 0 : i32
      %dma_wait3A_130 = tpu.memref_slice %arg17[%dma_wait3A_128, %dma_wait3A_129] : memref<10112x128xf32, #tpu.memory_space<vmem_shared>> -> memref<10112x128xf32, #tpu.memory_space<vmem_shared>>
      tpu.wait_indirect_dma semaphore(%run_scoped3A : memref<!tpu.dma_semaphore, #tpu.memory_space<semaphore_mem>>) src(%arg14 : memref<64x128xf32, #tpu.memory_space<vmem>>) dst(%dma_wait3A_130 : memref<10112x128xf32, #tpu.memory_space<vmem_shared>>)
      tpu.yield
    }) : () -> ()
    %dma_wait3A_54 = arith.constant 128 : i32
    %dma_wait3A_55 = tpu.memref_slice %arg7[%dma_wait3A_54] : memref<10000xi32, #tpu.memory_space<vmem>> -> memref<64xi32, #tpu.memory_space<vmem>>
    %dma_wait3A_56 = arith.constant 0 : i32
    %dma_wait3A_57 = arith.constant 0 : i32
    %dma_wait3A_58 = tpu.memref_slice %arg4[%dma_wait3A_56, %dma_wait3A_57] : memref<10000x128xf32, #tpu.memory_space<hbm>> -> memref<10000x128xf32, #tpu.memory_space<hbm>>
    tpu.wait_indirect_dma semaphore(%arg20 : memref<!tpu.dma_semaphore, #tpu.memory_space<semaphore_mem>>) src(%dma_wait3A_58 : memref<10000x128xf32, #tpu.memory_space<hbm>>) dst(%arg15 : memref<64x128xf32, #tpu.memory_space<vmem>>)
    "tpu.region"() ({
      %run_scoped3A = tpu.sem_alloc : memref<!tpu.dma_semaphore, #tpu.memory_space<semaphore_mem>>
      %dma_start3A_125 = arith.constant 0 : i32
      %dma_start3A_126 = arith.constant 0 : i32
      %dma_start3A_127 = tpu.memref_slice %arg17[%dma_start3A_125, %dma_start3A_126] : memref<10112x128xf32, #tpu.memory_space<vmem_shared>> -> memref<10112x128xf32, #tpu.memory_space<vmem_shared>>
      tpu.enqueue_indirect_dma source(%arg15 : memref<64x128xf32, #tpu.memory_space<vmem>>) target(%dma_start3A_127 : memref<10112x128xf32, #tpu.memory_space<vmem_shared>>) offsets(%arg10 : memref<64xi32, #tpu.memory_space<vmem>>) semaphore(%run_scoped3A : memref<!tpu.dma_semaphore, #tpu.memory_space<semaphore_mem>>) {add = true}
      %dma_wait3A_128 = arith.constant 0 : i32
      %dma_wait3A_129 = arith.constant 0 : i32
      %dma_wait3A_130 = tpu.memref_slice %arg17[%dma_wait3A_128, %dma_wait3A_129] : memref<10112x128xf32, #tpu.memory_space<vmem_shared>> -> memref<10112x128xf32, #tpu.memory_space<vmem_shared>>
      tpu.wait_indirect_dma semaphore(%run_scoped3A : memref<!tpu.dma_semaphore, #tpu.memory_space<semaphore_mem>>) src(%arg15 : memref<64x128xf32, #tpu.memory_space<vmem>>) dst(%dma_wait3A_130 : memref<10112x128xf32, #tpu.memory_space<vmem_shared>>)
      tpu.yield
    }) : () -> ()
    %dma_wait3A_59 = arith.constant 192 : i32
    %dma_wait3A_60 = tpu.memref_slice %arg7[%dma_wait3A_59] : memref<10000xi32, #tpu.memory_space<vmem>> -> memref<64xi32, #tpu.memory_space<vmem>>
    %dma_wait3A_61 = arith.constant 0 : i32
    %dma_wait3A_62 = arith.constant 0 : i32
    %dma_wait3A_63 = tpu.memref_slice %arg4[%dma_wait3A_61, %dma_wait3A_62] : memref<10000x128xf32, #tpu.memory_space<hbm>> -> memref<10000x128xf32, #tpu.memory_space<hbm>>
    tpu.wait_indirect_dma semaphore(%arg21 : memref<!tpu.dma_semaphore, #tpu.memory_space<semaphore_mem>>) src(%dma_wait3A_63 : memref<10000x128xf32, #tpu.memory_space<hbm>>) dst(%arg16 : memref<64x128xf32, #tpu.memory_space<vmem>>)
    "tpu.region"() ({
      %run_scoped3A = tpu.sem_alloc : memref<!tpu.dma_semaphore, #tpu.memory_space<semaphore_mem>>
      %dma_start3A_125 = arith.constant 0 : i32
      %dma_start3A_126 = arith.constant 0 : i32
      %dma_start3A_127 = tpu.memref_slice %arg17[%dma_start3A_125, %dma_start3A_126] : memref<10112x128xf32, #tpu.memory_space<vmem_shared>> -> memref<10112x128xf32, #tpu.memory_space<vmem_shared>>
      tpu.enqueue_indirect_dma source(%arg16 : memref<64x128xf32, #tpu.memory_space<vmem>>) target(%dma_start3A_127 : memref<10112x128xf32, #tpu.memory_space<vmem_shared>>) offsets(%arg11 : memref<64xi32, #tpu.memory_space<vmem>>) semaphore(%run_scoped3A : memref<!tpu.dma_semaphore, #tpu.memory_space<semaphore_mem>>) {add = true}
      %dma_wait3A_128 = arith.constant 0 : i32
      %dma_wait3A_129 = arith.constant 0 : i32
      %dma_wait3A_130 = tpu.memref_slice %arg17[%dma_wait3A_128, %dma_wait3A_129] : memref<10112x128xf32, #tpu.memory_space<vmem_shared>> -> memref<10112x128xf32, #tpu.memory_space<vmem_shared>>
      tpu.wait_indirect_dma semaphore(%run_scoped3A : memref<!tpu.dma_semaphore, #tpu.memory_space<semaphore_mem>>) src(%arg16 : memref<64x128xf32, #tpu.memory_space<vmem>>) dst(%dma_wait3A_130 : memref<10112x128xf32, #tpu.memory_space<vmem_shared>>)
      tpu.yield
    }) : () -> ()
    %mul3A_64 = arith.constant 10000 : i32
    %mul3A_65 = arith.muli %add3A, %mul3A_64 : i32
    %add3A_66 = arith.constant 9984 : i32
    %add3A_67 = arith.addi %mul3A_65, %add3A_66 : i32
    "tpu.region"() ({
      %run_scoped3A = tpu.sem_alloc : memref<!tpu.dma_semaphore, #tpu.memory_space<semaphore_mem>>
      %dma_start3A_125 = tpu.memref_slice %arg3[%add3A_67] : memref<320000xi32, #tpu.memory_space<hbm>> -> memref<16xi32, #tpu.memory_space<hbm>>
      %dma_start3A_126 = tpu.memref_slice %arg3[%add3A_67] : memref<320000xi32, #tpu.memory_space<hbm>> -> memref<16xi32, #tpu.memory_space<hbm>>
      tpu.enqueue_dma source(%dma_start3A_126 : memref<16xi32, #tpu.memory_space<hbm>>) target(%arg12 : memref<16xi32, #tpu.memory_space<vmem>>) target_semaphore(%run_scoped3A : memref<!tpu.dma_semaphore, #tpu.memory_space<semaphore_mem>>)
      %dma_wait3A_127 = tpu.memref_slice %arg3[%add3A_67] : memref<320000xi32, #tpu.memory_space<hbm>> -> memref<16xi32, #tpu.memory_space<hbm>>
      %dma_wait3A_128 = tpu.memref_slice %arg3[%add3A_67] : memref<320000xi32, #tpu.memory_space<hbm>> -> memref<16xi32, #tpu.memory_space<hbm>>
      tpu.wait_dma2 semaphore(%run_scoped3A : memref<!tpu.dma_semaphore, #tpu.memory_space<semaphore_mem>>) src(%dma_wait3A_128 : memref<16xi32, #tpu.memory_space<hbm>>) dst(%arg12 : memref<16xi32, #tpu.memory_space<vmem>>)
      tpu.yield
    }) : () -> ()
    %dma_start3A_68 = arith.constant 0 : i32
    %dma_start3A_69 = arith.constant 0 : i32
    %dma_start3A_70 = tpu.memref_slice %arg13[%dma_start3A_68, %dma_start3A_69] : memref<64x128xf32, #tpu.memory_space<vmem>> -> memref<16x128xf32, #tpu.memory_space<vmem>>
    %dma_start3A_71 = arith.constant 9984 : i32
    %dma_start3A_72 = tpu.memref_slice %arg7[%dma_start3A_71] : memref<10000xi32, #tpu.memory_space<vmem>> -> memref<16xi32, #tpu.memory_space<vmem>>
    %dma_start3A_73 = arith.constant 0 : i32
    %dma_start3A_74 = arith.constant 0 : i32
    %dma_start3A_75 = tpu.memref_slice %arg4[%dma_start3A_73, %dma_start3A_74] : memref<10000x128xf32, #tpu.memory_space<hbm>> -> memref<10000x128xf32, #tpu.memory_space<hbm>>
    tpu.enqueue_indirect_dma source(%dma_start3A_75 : memref<10000x128xf32, #tpu.memory_space<hbm>>) target(%dma_start3A_70 : memref<16x128xf32, #tpu.memory_space<vmem>>) offsets(%dma_start3A_72 : memref<16xi32, #tpu.memory_space<vmem>>) semaphore(%arg18 : memref<!tpu.dma_semaphore, #tpu.memory_space<semaphore_mem>>)
    %dma_wait3A_76 = arith.constant 0 : i32
    %dma_wait3A_77 = arith.constant 0 : i32
    %dma_wait3A_78 = tpu.memref_slice %arg13[%dma_wait3A_76, %dma_wait3A_77] : memref<64x128xf32, #tpu.memory_space<vmem>> -> memref<16x128xf32, #tpu.memory_space<vmem>>
    %dma_wait3A_79 = arith.constant 9984 : i32
    %dma_wait3A_80 = tpu.memref_slice %arg7[%dma_wait3A_79] : memref<10000xi32, #tpu.memory_space<vmem>> -> memref<16xi32, #tpu.memory_space<vmem>>
    %dma_wait3A_81 = arith.constant 0 : i32
    %dma_wait3A_82 = arith.constant 0 : i32
    %dma_wait3A_83 = tpu.memref_slice %arg4[%dma_wait3A_81, %dma_wait3A_82] : memref<10000x128xf32, #tpu.memory_space<hbm>> -> memref<10000x128xf32, #tpu.memory_space<hbm>>
    tpu.wait_indirect_dma semaphore(%arg18 : memref<!tpu.dma_semaphore, #tpu.memory_space<semaphore_mem>>) src(%dma_wait3A_83 : memref<10000x128xf32, #tpu.memory_space<hbm>>) dst(%dma_wait3A_78 : memref<16x128xf32, #tpu.memory_space<vmem>>)
    "tpu.region"() ({
      %run_scoped3A = tpu.sem_alloc : memref<!tpu.dma_semaphore, #tpu.memory_space<semaphore_mem>>
      %dma_start3A_125 = arith.constant 0 : i32
      %dma_start3A_126 = arith.constant 0 : i32
      %dma_start3A_127 = tpu.memref_slice %arg13[%dma_start3A_125, %dma_start3A_126] : memref<64x128xf32, #tpu.memory_space<vmem>> -> memref<16x128xf32, #tpu.memory_space<vmem>>
      %dma_start3A_128 = arith.constant 0 : i32
      %dma_start3A_129 = arith.constant 0 : i32
      %dma_start3A_130 = tpu.memref_slice %arg17[%dma_start3A_128, %dma_start3A_129] : memref<10112x128xf32, #tpu.memory_space<vmem_shared>> -> memref<10112x128xf32, #tpu.memory_space<vmem_shared>>
      tpu.enqueue_indirect_dma source(%dma_start3A_127 : memref<16x128xf32, #tpu.memory_space<vmem>>) target(%dma_start3A_130 : memref<10112x128xf32, #tpu.memory_space<vmem_shared>>) offsets(%arg12 : memref<16xi32, #tpu.memory_space<vmem>>) semaphore(%run_scoped3A : memref<!tpu.dma_semaphore, #tpu.memory_space<semaphore_mem>>) {add = true}
      %dma_wait3A_131 = arith.constant 0 : i32
      %dma_wait3A_132 = arith.constant 0 : i32
      %dma_wait3A_133 = tpu.memref_slice %arg13[%dma_wait3A_131, %dma_wait3A_132] : memref<64x128xf32, #tpu.memory_space<vmem>> -> memref<16x128xf32, #tpu.memory_space<vmem>>
      %dma_wait3A_134 = arith.constant 0 : i32
      %dma_wait3A_135 = arith.constant 0 : i32
      %dma_wait3A_136 = tpu.memref_slice %arg17[%dma_wait3A_134, %dma_wait3A_135] : memref<10112x128xf32, #tpu.memory_space<vmem_shared>> -> memref<10112x128xf32, #tpu.memory_space<vmem_shared>>
      tpu.wait_indirect_dma semaphore(%run_scoped3A : memref<!tpu.dma_semaphore, #tpu.memory_space<semaphore_mem>>) src(%dma_wait3A_133 : memref<16x128xf32, #tpu.memory_space<vmem>>) dst(%dma_wait3A_136 : memref<10112x128xf32, #tpu.memory_space<vmem_shared>>)
      tpu.yield
    }) : () -> ()
    %barrier3A_84 = arith.constant 0 : index
    tpu.barrier barrier_id(%barrier3A_84)
    %add3A_85 = arith.constant 0 : i32
    %add3A_86 = arith.addi %mul3A_2, %add3A_85 : i32
    "tpu.region"() ({
      %run_scoped3A = tpu.sem_alloc : memref<!tpu.dma_semaphore, #tpu.memory_space<semaphore_mem>>
      %dma_start3A_125 = arith.constant 0 : i32
      %dma_start3A_126 = arith.constant 0 : i32
      %dma_start3A_127 = tpu.memref_slice %arg13[%dma_start3A_125, %dma_start3A_126] : memref<64x128xf32, #tpu.memory_space<vmem>> -> memref<64x128xf32, #tpu.memory_space<vmem>>
      %dma_start3A_128 = arith.constant 0 : i32
      %dma_start3A_129 = tpu.memref_slice %arg17[%add3A_86, %dma_start3A_128] : memref<10112x128xf32, #tpu.memory_space<vmem_shared>> -> memref<64x128xf32, #tpu.memory_space<vmem_shared>>
      %dma_start3A_130 = arith.constant 0 : i32
      %dma_start3A_131 = arith.constant 0 : i32
      %dma_start3A_132 = tpu.memref_slice %arg13[%dma_start3A_130, %dma_start3A_131] : memref<64x128xf32, #tpu.memory_space<vmem>> -> memref<64x128xf32, #tpu.memory_space<vmem>>
      %dma_start3A_133 = arith.constant 0 : i32
      %dma_start3A_134 = tpu.memref_slice %arg17[%add3A_86, %dma_start3A_133] : memref<10112x128xf32, #tpu.memory_space<vmem_shared>> -> memref<64x128xf32, #tpu.memory_space<vmem_shared>>
      tpu.enqueue_dma source(%dma_start3A_134 : memref<64x128xf32, #tpu.memory_space<vmem_shared>>) target(%dma_start3A_132 : memref<64x128xf32, #tpu.memory_space<vmem>>) target_semaphore(%run_scoped3A : memref<!tpu.dma_semaphore, #tpu.memory_space<semaphore_mem>>)
      %dma_wait3A_135 = arith.constant 0 : i32
      %dma_wait3A_136 = arith.constant 0 : i32
      %dma_wait3A_137 = tpu.memref_slice %arg13[%dma_wait3A_135, %dma_wait3A_136] : memref<64x128xf32, #tpu.memory_space<vmem>> -> memref<64x128xf32, #tpu.memory_space<vmem>>
      %dma_wait3A_138 = arith.constant 0 : i32
      %dma_wait3A_139 = tpu.memref_slice %arg17[%add3A_86, %dma_wait3A_138] : memref<10112x128xf32, #tpu.memory_space<vmem_shared>> -> memref<64x128xf32, #tpu.memory_space<vmem_shared>>
      %dma_wait3A_140 = arith.constant 0 : i32
      %dma_wait3A_141 = arith.constant 0 : i32
      %dma_wait3A_142 = tpu.memref_slice %arg13[%dma_wait3A_140, %dma_wait3A_141] : memref<64x128xf32, #tpu.memory_space<vmem>> -> memref<64x128xf32, #tpu.memory_space<vmem>>
      %dma_wait3A_143 = arith.constant 0 : i32
      %dma_wait3A_144 = tpu.memref_slice %arg17[%add3A_86, %dma_wait3A_143] : memref<10112x128xf32, #tpu.memory_space<vmem_shared>> -> memref<64x128xf32, #tpu.memory_space<vmem_shared>>
      tpu.wait_dma2 semaphore(%run_scoped3A : memref<!tpu.dma_semaphore, #tpu.memory_space<semaphore_mem>>) src(%dma_wait3A_144 : memref<64x128xf32, #tpu.memory_space<vmem_shared>>) dst(%dma_wait3A_142 : memref<64x128xf32, #tpu.memory_space<vmem>>)
      tpu.yield
    }) : () -> ()
    %add3A_87 = arith.constant 0 : i32
    %add3A_88 = arith.addi %mul3A_2, %add3A_87 : i32
    "tpu.region"() ({
      %run_scoped3A = tpu.sem_alloc : memref<!tpu.dma_semaphore, #tpu.memory_space<semaphore_mem>>
      %dma_start3A_125 = arith.constant 0 : i32
      %dma_start3A_126 = arith.constant 0 : i32
      %dma_start3A_127 = tpu.memref_slice %arg13[%dma_start3A_125, %dma_start3A_126] : memref<64x128xf32, #tpu.memory_space<vmem>> -> memref<64x128xf32, #tpu.memory_space<vmem>>
      %dma_start3A_128 = arith.constant 0 : i32
      %dma_start3A_129 = tpu.memref_slice %arg6[%arg0, %add3A_88, %dma_start3A_128] : memref<2x10112x128xf32, #tpu.memory_space<hbm>> -> memref<1x64x128xf32, #tpu.memory_space<hbm>>
      %dma_start3A_130 = tpu.memref_squeeze %dma_start3A_129 : memref<1x64x128xf32, #tpu.memory_space<hbm>> -> memref<64x128xf32, #tpu.memory_space<hbm>>
      %dma_start3A_131 = arith.constant 0 : i32
      %dma_start3A_132 = tpu.memref_slice %arg6[%arg0, %add3A_88, %dma_start3A_131] : memref<2x10112x128xf32, #tpu.memory_space<hbm>> -> memref<1x64x128xf32, #tpu.memory_space<hbm>>
      %dma_start3A_133 = tpu.memref_squeeze %dma_start3A_132 : memref<1x64x128xf32, #tpu.memory_space<hbm>> -> memref<64x128xf32, #tpu.memory_space<hbm>>
      %dma_start3A_134 = arith.constant 0 : i32
      %dma_start3A_135 = arith.constant 0 : i32
      %dma_start3A_136 = tpu.memref_slice %arg13[%dma_start3A_134, %dma_start3A_135] : memref<64x128xf32, #tpu.memory_space<vmem>> -> memref<64x128xf32, #tpu.memory_space<vmem>>
      tpu.enqueue_dma source(%dma_start3A_136 : memref<64x128xf32, #tpu.memory_space<vmem>>) target(%dma_start3A_133 : memref<64x128xf32, #tpu.memory_space<hbm>>) target_semaphore(%run_scoped3A : memref<!tpu.dma_semaphore, #tpu.memory_space<semaphore_mem>>)
      %dma_wait3A_137 = arith.constant 0 : i32
      %dma_wait3A_138 = arith.constant 0 : i32
      %dma_wait3A_139 = tpu.memref_slice %arg13[%dma_wait3A_137, %dma_wait3A_138] : memref<64x128xf32, #tpu.memory_space<vmem>> -> memref<64x128xf32, #tpu.memory_space<vmem>>
      %dma_wait3A_140 = arith.constant 0 : i32
      %dma_wait3A_141 = tpu.memref_slice %arg6[%arg0, %add3A_88, %dma_wait3A_140] : memref<2x10112x128xf32, #tpu.memory_space<hbm>> -> memref<1x64x128xf32, #tpu.memory_space<hbm>>
      %dma_wait3A_142 = tpu.memref_squeeze %dma_wait3A_141 : memref<1x64x128xf32, #tpu.memory_space<hbm>> -> memref<64x128xf32, #tpu.memory_space<hbm>>
      %dma_wait3A_143 = arith.constant 0 : i32
      %dma_wait3A_144 = tpu.memref_slice %arg6[%arg0, %add3A_88, %dma_wait3A_143] : memref<2x10112x128xf32, #tpu.memory_space<hbm>> -> memref<1x64x128xf32, #tpu.memory_space<hbm>>
      %dma_wait3A_145 = tpu.memref_squeeze %dma_wait3A_144 : memref<1x64x128xf32, #tpu.memory_space<hbm>> -> memref<64x128xf32, #tpu.memory_space<hbm>>
      %dma_wait3A_146 = arith.constant 0 : i32
      %dma_wait3A_147 = arith.constant 0 : i32
      %dma_wait3A_148 = tpu.memref_slice %arg13[%dma_wait3A_146, %dma_wait3A_147] : memref<64x128xf32, #tpu.memory_space<vmem>> -> memref<64x128xf32, #tpu.memory_space<vmem>>
      tpu.wait_dma2 semaphore(%run_scoped3A : memref<!tpu.dma_semaphore, #tpu.memory_space<semaphore_mem>>) src(%dma_wait3A_148 : memref<64x128xf32, #tpu.memory_space<vmem>>) dst(%dma_wait3A_145 : memref<64x128xf32, #tpu.memory_space<hbm>>)
      tpu.yield
    }) : () -> ()
    %add3A_89 = arith.constant 64 : i32
    %add3A_90 = arith.addi %mul3A_2, %add3A_89 : i32
    "tpu.region"() ({
      %run_scoped3A = tpu.sem_alloc : memref<!tpu.dma_semaphore, #tpu.memory_space<semaphore_mem>>
      %dma_start3A_125 = arith.constant 0 : i32
      %dma_start3A_126 = arith.constant 0 : i32
      %dma_start3A_127 = tpu.memref_slice %arg13[%dma_start3A_125, %dma_start3A_126] : memref<64x128xf32, #tpu.memory_space<vmem>> -> memref<64x128xf32, #tpu.memory_space<vmem>>
      %dma_start3A_128 = arith.constant 0 : i32
      %dma_start3A_129 = tpu.memref_slice %arg17[%add3A_90, %dma_start3A_128] : memref<10112x128xf32, #tpu.memory_space<vmem_shared>> -> memref<64x128xf32, #tpu.memory_space<vmem_shared>>
      %dma_start3A_130 = arith.constant 0 : i32
      %dma_start3A_131 = arith.constant 0 : i32
      %dma_start3A_132 = tpu.memref_slice %arg13[%dma_start3A_130, %dma_start3A_131] : memref<64x128xf32, #tpu.memory_space<vmem>> -> memref<64x128xf32, #tpu.memory_space<vmem>>
      %dma_start3A_133 = arith.constant 0 : i32
      %dma_start3A_134 = tpu.memref_slice %arg17[%add3A_90, %dma_start3A_133] : memref<10112x128xf32, #tpu.memory_space<vmem_shared>> -> memref<64x128xf32, #tpu.memory_space<vmem_shared>>
      tpu.enqueue_dma source(%dma_start3A_134 : memref<64x128xf32, #tpu.memory_space<vmem_shared>>) target(%dma_start3A_132 : memref<64x128xf32, #tpu.memory_space<vmem>>) target_semaphore(%run_scoped3A : memref<!tpu.dma_semaphore, #tpu.memory_space<semaphore_mem>>)
      %dma_wait3A_135 = arith.constant 0 : i32
      %dma_wait3A_136 = arith.constant 0 : i32
      %dma_wait3A_137 = tpu.memref_slice %arg13[%dma_wait3A_135, %dma_wait3A_136] : memref<64x128xf32, #tpu.memory_space<vmem>> -> memref<64x128xf32, #tpu.memory_space<vmem>>
      %dma_wait3A_138 = arith.constant 0 : i32
      %dma_wait3A_139 = tpu.memref_slice %arg17[%add3A_90, %dma_wait3A_138] : memref<10112x128xf32, #tpu.memory_space<vmem_shared>> -> memref<64x128xf32, #tpu.memory_space<vmem_shared>>
      %dma_wait3A_140 = arith.constant 0 : i32
      %dma_wait3A_141 = arith.constant 0 : i32
      %dma_wait3A_142 = tpu.memref_slice %arg13[%dma_wait3A_140, %dma_wait3A_141] : memref<64x128xf32, #tpu.memory_space<vmem>> -> memref<64x128xf32, #tpu.memory_space<vmem>>
      %dma_wait3A_143 = arith.constant 0 : i32
      %dma_wait3A_144 = tpu.memref_slice %arg17[%add3A_90, %dma_wait3A_143] : memref<10112x128xf32, #tpu.memory_space<vmem_shared>> -> memref<64x128xf32, #tpu.memory_space<vmem_shared>>
      tpu.wait_dma2 semaphore(%run_scoped3A : memref<!tpu.dma_semaphore, #tpu.memory_space<semaphore_mem>>) src(%dma_wait3A_144 : memref<64x128xf32, #tpu.memory_space<vmem_shared>>) dst(%dma_wait3A_142 : memref<64x128xf32, #tpu.memory_space<vmem>>)
      tpu.yield
    }) : () -> ()
    %add3A_91 = arith.constant 64 : i32
    %add3A_92 = arith.addi %mul3A_2, %add3A_91 : i32
    "tpu.region"() ({
      %run_scoped3A = tpu.sem_alloc : memref<!tpu.dma_semaphore, #tpu.memory_space<semaphore_mem>>
      %dma_start3A_125 = arith.constant 0 : i32
      %dma_start3A_126 = arith.constant 0 : i32
      %dma_start3A_127 = tpu.memref_slice %arg13[%dma_start3A_125, %dma_start3A_126] : memref<64x128xf32, #tpu.memory_space<vmem>> -> memref<64x128xf32, #tpu.memory_space<vmem>>
      %dma_start3A_128 = arith.constant 0 : i32
      %dma_start3A_129 = tpu.memref_slice %arg6[%arg0, %add3A_92, %dma_start3A_128] : memref<2x10112x128xf32, #tpu.memory_space<hbm>> -> memref<1x64x128xf32, #tpu.memory_space<hbm>>
      %dma_start3A_130 = tpu.memref_squeeze %dma_start3A_129 : memref<1x64x128xf32, #tpu.memory_space<hbm>> -> memref<64x128xf32, #tpu.memory_space<hbm>>
      %dma_start3A_131 = arith.constant 0 : i32
      %dma_start3A_132 = tpu.memref_slice %arg6[%arg0, %add3A_92, %dma_start3A_131] : memref<2x10112x128xf32, #tpu.memory_space<hbm>> -> memref<1x64x128xf32, #tpu.memory_space<hbm>>
      %dma_start3A_133 = tpu.memref_squeeze %dma_start3A_132 : memref<1x64x128xf32, #tpu.memory_space<hbm>> -> memref<64x128xf32, #tpu.memory_space<hbm>>
      %dma_start3A_134 = arith.constant 0 : i32
      %dma_start3A_135 = arith.constant 0 : i32
      %dma_start3A_136 = tpu.memref_slice %arg13[%dma_start3A_134, %dma_start3A_135] : memref<64x128xf32, #tpu.memory_space<vmem>> -> memref<64x128xf32, #tpu.memory_space<vmem>>
      tpu.enqueue_dma source(%dma_start3A_136 : memref<64x128xf32, #tpu.memory_space<vmem>>) target(%dma_start3A_133 : memref<64x128xf32, #tpu.memory_space<hbm>>) target_semaphore(%run_scoped3A : memref<!tpu.dma_semaphore, #tpu.memory_space<semaphore_mem>>)
      %dma_wait3A_137 = arith.constant 0 : i32
      %dma_wait3A_138 = arith.constant 0 : i32
      %dma_wait3A_139 = tpu.memref_slice %arg13[%dma_wait3A_137, %dma_wait3A_138] : memref<64x128xf32, #tpu.memory_space<vmem>> -> memref<64x128xf32, #tpu.memory_space<vmem>>
      %dma_wait3A_140 = arith.constant 0 : i32
      %dma_wait3A_141 = tpu.memref_slice %arg6[%arg0, %add3A_92, %dma_wait3A_140] : memref<2x10112x128xf32, #tpu.memory_space<hbm>> -> memref<1x64x128xf32, #tpu.memory_space<hbm>>
      %dma_wait3A_142 = tpu.memref_squeeze %dma_wait3A_141 : memref<1x64x128xf32, #tpu.memory_space<hbm>> -> memref<64x128xf32, #tpu.memory_space<hbm>>
      %dma_wait3A_143 = arith.constant 0 : i32
      %dma_wait3A_144 = tpu.memref_slice %arg6[%arg0, %add3A_92, %dma_wait3A_143] : memref<2x10112x128xf32, #tpu.memory_space<hbm>> -> memref<1x64x128xf32, #tpu.memory_space<hbm>>
      %dma_wait3A_145 = tpu.memref_squeeze %dma_wait3A_144 : memref<1x64x128xf32, #tpu.memory_space<hbm>> -> memref<64x128xf32, #tpu.memory_space<hbm>>
      %dma_wait3A_146 = arith.constant 0 : i32
      %dma_wait3A_147 = arith.constant 0 : i32
      %dma_wait3A_148 = tpu.memref_slice %arg13[%dma_wait3A_146, %dma_wait3A_147] : memref<64x128xf32, #tpu.memory_space<vmem>> -> memref<64x128xf32, #tpu.memory_space<vmem>>
      tpu.wait_dma2 semaphore(%run_scoped3A : memref<!tpu.dma_semaphore, #tpu.memory_space<semaphore_mem>>) src(%dma_wait3A_148 : memref<64x128xf32, #tpu.memory_space<vmem>>) dst(%dma_wait3A_145 : memref<64x128xf32, #tpu.memory_space<hbm>>)
      tpu.yield
    }) : () -> ()
    %add3A_93 = arith.constant 128 : i32
    %add3A_94 = arith.addi %mul3A_2, %add3A_93 : i32
    "tpu.region"() ({
      %run_scoped3A = tpu.sem_alloc : memref<!tpu.dma_semaphore, #tpu.memory_space<semaphore_mem>>
      %dma_start3A_125 = arith.constant 0 : i32
      %dma_start3A_126 = arith.constant 0 : i32
      %dma_start3A_127 = tpu.memref_slice %arg13[%dma_start3A_125, %dma_start3A_126] : memref<64x128xf32, #tpu.memory_space<vmem>> -> memref<64x128xf32, #tpu.memory_space<vmem>>
      %dma_start3A_128 = arith.constant 0 : i32
      %dma_start3A_129 = tpu.memref_slice %arg17[%add3A_94, %dma_start3A_128] : memref<10112x128xf32, #tpu.memory_space<vmem_shared>> -> memref<64x128xf32, #tpu.memory_space<vmem_shared>>
      %dma_start3A_130 = arith.constant 0 : i32
      %dma_start3A_131 = arith.constant 0 : i32
      %dma_start3A_132 = tpu.memref_slice %arg13[%dma_start3A_130, %dma_start3A_131] : memref<64x128xf32, #tpu.memory_space<vmem>> -> memref<64x128xf32, #tpu.memory_space<vmem>>
      %dma_start3A_133 = arith.constant 0 : i32
      %dma_start3A_134 = tpu.memref_slice %arg17[%add3A_94, %dma_start3A_133] : memref<10112x128xf32, #tpu.memory_space<vmem_shared>> -> memref<64x128xf32, #tpu.memory_space<vmem_shared>>
      tpu.enqueue_dma source(%dma_start3A_134 : memref<64x128xf32, #tpu.memory_space<vmem_shared>>) target(%dma_start3A_132 : memref<64x128xf32, #tpu.memory_space<vmem>>) target_semaphore(%run_scoped3A : memref<!tpu.dma_semaphore, #tpu.memory_space<semaphore_mem>>)
      %dma_wait3A_135 = arith.constant 0 : i32
      %dma_wait3A_136 = arith.constant 0 : i32
      %dma_wait3A_137 = tpu.memref_slice %arg13[%dma_wait3A_135, %dma_wait3A_136] : memref<64x128xf32, #tpu.memory_space<vmem>> -> memref<64x128xf32, #tpu.memory_space<vmem>>
      %dma_wait3A_138 = arith.constant 0 : i32
      %dma_wait3A_139 = tpu.memref_slice %arg17[%add3A_94, %dma_wait3A_138] : memref<10112x128xf32, #tpu.memory_space<vmem_shared>> -> memref<64x128xf32, #tpu.memory_space<vmem_shared>>
      %dma_wait3A_140 = arith.constant 0 : i32
      %dma_wait3A_141 = arith.constant 0 : i32
      %dma_wait3A_142 = tpu.memref_slice %arg13[%dma_wait3A_140, %dma_wait3A_141] : memref<64x128xf32, #tpu.memory_space<vmem>> -> memref<64x128xf32, #tpu.memory_space<vmem>>
      %dma_wait3A_143 = arith.constant 0 : i32
      %dma_wait3A_144 = tpu.memref_slice %arg17[%add3A_94, %dma_wait3A_143] : memref<10112x128xf32, #tpu.memory_space<vmem_shared>> -> memref<64x128xf32, #tpu.memory_space<vmem_shared>>
      tpu.wait_dma2 semaphore(%run_scoped3A : memref<!tpu.dma_semaphore, #tpu.memory_space<semaphore_mem>>) src(%dma_wait3A_144 : memref<64x128xf32, #tpu.memory_space<vmem_shared>>) dst(%dma_wait3A_142 : memref<64x128xf32, #tpu.memory_space<vmem>>)
      tpu.yield
    }) : () -> ()
    %add3A_95 = arith.constant 128 : i32
    %add3A_96 = arith.addi %mul3A_2, %add3A_95 : i32
    "tpu.region"() ({
      %run_scoped3A = tpu.sem_alloc : memref<!tpu.dma_semaphore, #tpu.memory_space<semaphore_mem>>
      %dma_start3A_125 = arith.constant 0 : i32
      %dma_start3A_126 = arith.constant 0 : i32
      %dma_start3A_127 = tpu.memref_slice %arg13[%dma_start3A_125, %dma_start3A_126] : memref<64x128xf32, #tpu.memory_space<vmem>> -> memref<64x128xf32, #tpu.memory_space<vmem>>
      %dma_start3A_128 = arith.constant 0 : i32
      %dma_start3A_129 = tpu.memref_slice %arg6[%arg0, %add3A_96, %dma_start3A_128] : memref<2x10112x128xf32, #tpu.memory_space<hbm>> -> memref<1x64x128xf32, #tpu.memory_space<hbm>>
      %dma_start3A_130 = tpu.memref_squeeze %dma_start3A_129 : memref<1x64x128xf32, #tpu.memory_space<hbm>> -> memref<64x128xf32, #tpu.memory_space<hbm>>
      %dma_start3A_131 = arith.constant 0 : i32
      %dma_start3A_132 = tpu.memref_slice %arg6[%arg0, %add3A_96, %dma_start3A_131] : memref<2x10112x128xf32, #tpu.memory_space<hbm>> -> memref<1x64x128xf32, #tpu.memory_space<hbm>>
      %dma_start3A_133 = tpu.memref_squeeze %dma_start3A_132 : memref<1x64x128xf32, #tpu.memory_space<hbm>> -> memref<64x128xf32, #tpu.memory_space<hbm>>
      %dma_start3A_134 = arith.constant 0 : i32
      %dma_start3A_135 = arith.constant 0 : i32
      %dma_start3A_136 = tpu.memref_slice %arg13[%dma_start3A_134, %dma_start3A_135] : memref<64x128xf32, #tpu.memory_space<vmem>> -> memref<64x128xf32, #tpu.memory_space<vmem>>
      tpu.enqueue_dma source(%dma_start3A_136 : memref<64x128xf32, #tpu.memory_space<vmem>>) target(%dma_start3A_133 : memref<64x128xf32, #tpu.memory_space<hbm>>) target_semaphore(%run_scoped3A : memref<!tpu.dma_semaphore, #tpu.memory_space<semaphore_mem>>)
      %dma_wait3A_137 = arith.constant 0 : i32
      %dma_wait3A_138 = arith.constant 0 : i32
      %dma_wait3A_139 = tpu.memref_slice %arg13[%dma_wait3A_137, %dma_wait3A_138] : memref<64x128xf32, #tpu.memory_space<vmem>> -> memref<64x128xf32, #tpu.memory_space<vmem>>
      %dma_wait3A_140 = arith.constant 0 : i32
      %dma_wait3A_141 = tpu.memref_slice %arg6[%arg0, %add3A_96, %dma_wait3A_140] : memref<2x10112x128xf32, #tpu.memory_space<hbm>> -> memref<1x64x128xf32, #tpu.memory_space<hbm>>
      %dma_wait3A_142 = tpu.memref_squeeze %dma_wait3A_141 : memref<1x64x128xf32, #tpu.memory_space<hbm>> -> memref<64x128xf32, #tpu.memory_space<hbm>>
      %dma_wait3A_143 = arith.constant 0 : i32
      %dma_wait3A_144 = tpu.memref_slice %arg6[%arg0, %add3A_96, %dma_wait3A_143] : memref<2x10112x128xf32, #tpu.memory_space<hbm>> -> memref<1x64x128xf32, #tpu.memory_space<hbm>>
      %dma_wait3A_145 = tpu.memref_squeeze %dma_wait3A_144 : memref<1x64x128xf32, #tpu.memory_space<hbm>> -> memref<64x128xf32, #tpu.memory_space<hbm>>
      %dma_wait3A_146 = arith.constant 0 : i32
      %dma_wait3A_147 = arith.constant 0 : i32
      %dma_wait3A_148 = tpu.memref_slice %arg13[%dma_wait3A_146, %dma_wait3A_147] : memref<64x128xf32, #tpu.memory_space<vmem>> -> memref<64x128xf32, #tpu.memory_space<vmem>>
      tpu.wait_dma2 semaphore(%run_scoped3A : memref<!tpu.dma_semaphore, #tpu.memory_space<semaphore_mem>>) src(%dma_wait3A_148 : memref<64x128xf32, #tpu.memory_space<vmem>>) dst(%dma_wait3A_145 : memref<64x128xf32, #tpu.memory_space<hbm>>)
      tpu.yield
    }) : () -> ()
    %add3A_97 = arith.constant 192 : i32
    %add3A_98 = arith.addi %mul3A_2, %add3A_97 : i32
    "tpu.region"() ({
      %run_scoped3A = tpu.sem_alloc : memref<!tpu.dma_semaphore, #tpu.memory_space<semaphore_mem>>
      %dma_start3A_125 = arith.constant 0 : i32
      %dma_start3A_126 = arith.constant 0 : i32
      %dma_start3A_127 = tpu.memref_slice %arg13[%dma_start3A_125, %dma_start3A_126] : memref<64x128xf32, #tpu.memory_space<vmem>> -> memref<64x128xf32, #tpu.memory_space<vmem>>
      %dma_start3A_128 = arith.constant 0 : i32
      %dma_start3A_129 = tpu.memref_slice %arg17[%add3A_98, %dma_start3A_128] : memref<10112x128xf32, #tpu.memory_space<vmem_shared>> -> memref<64x128xf32, #tpu.memory_space<vmem_shared>>
      %dma_start3A_130 = arith.constant 0 : i32
      %dma_start3A_131 = arith.constant 0 : i32
      %dma_start3A_132 = tpu.memref_slice %arg13[%dma_start3A_130, %dma_start3A_131] : memref<64x128xf32, #tpu.memory_space<vmem>> -> memref<64x128xf32, #tpu.memory_space<vmem>>
      %dma_start3A_133 = arith.constant 0 : i32
      %dma_start3A_134 = tpu.memref_slice %arg17[%add3A_98, %dma_start3A_133] : memref<10112x128xf32, #tpu.memory_space<vmem_shared>> -> memref<64x128xf32, #tpu.memory_space<vmem_shared>>
      tpu.enqueue_dma source(%dma_start3A_134 : memref<64x128xf32, #tpu.memory_space<vmem_shared>>) target(%dma_start3A_132 : memref<64x128xf32, #tpu.memory_space<vmem>>) target_semaphore(%run_scoped3A : memref<!tpu.dma_semaphore, #tpu.memory_space<semaphore_mem>>)
      %dma_wait3A_135 = arith.constant 0 : i32
      %dma_wait3A_136 = arith.constant 0 : i32
      %dma_wait3A_137 = tpu.memref_slice %arg13[%dma_wait3A_135, %dma_wait3A_136] : memref<64x128xf32, #tpu.memory_space<vmem>> -> memref<64x128xf32, #tpu.memory_space<vmem>>
      %dma_wait3A_138 = arith.constant 0 : i32
      %dma_wait3A_139 = tpu.memref_slice %arg17[%add3A_98, %dma_wait3A_138] : memref<10112x128xf32, #tpu.memory_space<vmem_shared>> -> memref<64x128xf32, #tpu.memory_space<vmem_shared>>
      %dma_wait3A_140 = arith.constant 0 : i32
      %dma_wait3A_141 = arith.constant 0 : i32
      %dma_wait3A_142 = tpu.memref_slice %arg13[%dma_wait3A_140, %dma_wait3A_141] : memref<64x128xf32, #tpu.memory_space<vmem>> -> memref<64x128xf32, #tpu.memory_space<vmem>>
      %dma_wait3A_143 = arith.constant 0 : i32
      %dma_wait3A_144 = tpu.memref_slice %arg17[%add3A_98, %dma_wait3A_143] : memref<10112x128xf32, #tpu.memory_space<vmem_shared>> -> memref<64x128xf32, #tpu.memory_space<vmem_shared>>
      tpu.wait_dma2 semaphore(%run_scoped3A : memref<!tpu.dma_semaphore, #tpu.memory_space<semaphore_mem>>) src(%dma_wait3A_144 : memref<64x128xf32, #tpu.memory_space<vmem_shared>>) dst(%dma_wait3A_142 : memref<64x128xf32, #tpu.memory_space<vmem>>)
      tpu.yield
    }) : () -> ()
    %add3A_99 = arith.constant 192 : i32
    %add3A_100 = arith.addi %mul3A_2, %add3A_99 : i32
    "tpu.region"() ({
      %run_scoped3A = tpu.sem_alloc : memref<!tpu.dma_semaphore, #tpu.memory_space<semaphore_mem>>
      %dma_start3A_125 = arith.constant 0 : i32
      %dma_start3A_126 = arith.constant 0 : i32
      %dma_start3A_127 = tpu.memref_slice %arg13[%dma_start3A_125, %dma_start3A_126] : memref<64x128xf32, #tpu.memory_space<vmem>> -> memref<64x128xf32, #tpu.memory_space<vmem>>
      %dma_start3A_128 = arith.constant 0 : i32
      %dma_start3A_129 = tpu.memref_slice %arg6[%arg0, %add3A_100, %dma_start3A_128] : memref<2x10112x128xf32, #tpu.memory_space<hbm>> -> memref<1x64x128xf32, #tpu.memory_space<hbm>>
      %dma_start3A_130 = tpu.memref_squeeze %dma_start3A_129 : memref<1x64x128xf32, #tpu.memory_space<hbm>> -> memref<64x128xf32, #tpu.memory_space<hbm>>
      %dma_start3A_131 = arith.constant 0 : i32
      %dma_start3A_132 = tpu.memref_slice %arg6[%arg0, %add3A_100, %dma_start3A_131] : memref<2x10112x128xf32, #tpu.memory_space<hbm>> -> memref<1x64x128xf32, #tpu.memory_space<hbm>>
      %dma_start3A_133 = tpu.memref_squeeze %dma_start3A_132 : memref<1x64x128xf32, #tpu.memory_space<hbm>> -> memref<64x128xf32, #tpu.memory_space<hbm>>
      %dma_start3A_134 = arith.constant 0 : i32
      %dma_start3A_135 = arith.constant 0 : i32
      %dma_start3A_136 = tpu.memref_slice %arg13[%dma_start3A_134, %dma_start3A_135] : memref<64x128xf32, #tpu.memory_space<vmem>> -> memref<64x128xf32, #tpu.memory_space<vmem>>
      tpu.enqueue_dma source(%dma_start3A_136 : memref<64x128xf32, #tpu.memory_space<vmem>>) target(%dma_start3A_133 : memref<64x128xf32, #tpu.memory_space<hbm>>) target_semaphore(%run_scoped3A : memref<!tpu.dma_semaphore, #tpu.memory_space<semaphore_mem>>)
      %dma_wait3A_137 = arith.constant 0 : i32
      %dma_wait3A_138 = arith.constant 0 : i32
      %dma_wait3A_139 = tpu.memref_slice %arg13[%dma_wait3A_137, %dma_wait3A_138] : memref<64x128xf32, #tpu.memory_space<vmem>> -> memref<64x128xf32, #tpu.memory_space<vmem>>
      %dma_wait3A_140 = arith.constant 0 : i32
      %dma_wait3A_141 = tpu.memref_slice %arg6[%arg0, %add3A_100, %dma_wait3A_140] : memref<2x10112x128xf32, #tpu.memory_space<hbm>> -> memref<1x64x128xf32, #tpu.memory_space<hbm>>
      %dma_wait3A_142 = tpu.memref_squeeze %dma_wait3A_141 : memref<1x64x128xf32, #tpu.memory_space<hbm>> -> memref<64x128xf32, #tpu.memory_space<hbm>>
      %dma_wait3A_143 = arith.constant 0 : i32
      %dma_wait3A_144 = tpu.memref_slice %arg6[%arg0, %add3A_100, %dma_wait3A_143] : memref<2x10112x128xf32, #tpu.memory_space<hbm>> -> memref<1x64x128xf32, #tpu.memory_space<hbm>>
      %dma_wait3A_145 = tpu.memref_squeeze %dma_wait3A_144 : memref<1x64x128xf32, #tpu.memory_space<hbm>> -> memref<64x128xf32, #tpu.memory_space<hbm>>
      %dma_wait3A_146 = arith.constant 0 : i32
      %dma_wait3A_147 = arith.constant 0 : i32
      %dma_wait3A_148 = tpu.memref_slice %arg13[%dma_wait3A_146, %dma_wait3A_147] : memref<64x128xf32, #tpu.memory_space<vmem>> -> memref<64x128xf32, #tpu.memory_space<vmem>>
      tpu.wait_dma2 semaphore(%run_scoped3A : memref<!tpu.dma_semaphore, #tpu.memory_space<semaphore_mem>>) src(%dma_wait3A_148 : memref<64x128xf32, #tpu.memory_space<vmem>>) dst(%dma_wait3A_145 : memref<64x128xf32, #tpu.memory_space<hbm>>)
      tpu.yield
    }) : () -> ()
    %add3A_101 = arith.constant 256 : i32
    %add3A_102 = arith.addi %mul3A_2, %add3A_101 : i32
    "tpu.region"() ({
      %run_scoped3A = tpu.sem_alloc : memref<!tpu.dma_semaphore, #tpu.memory_space<semaphore_mem>>
      %dma_start3A_125 = arith.constant 0 : i32
      %dma_start3A_126 = arith.constant 0 : i32
      %dma_start3A_127 = tpu.memref_slice %arg13[%dma_start3A_125, %dma_start3A_126] : memref<64x128xf32, #tpu.memory_space<vmem>> -> memref<64x128xf32, #tpu.memory_space<vmem>>
      %dma_start3A_128 = arith.constant 0 : i32
      %dma_start3A_129 = tpu.memref_slice %arg17[%add3A_102, %dma_start3A_128] : memref<10112x128xf32, #tpu.memory_space<vmem_shared>> -> memref<64x128xf32, #tpu.memory_space<vmem_shared>>
      %dma_start3A_130 = arith.constant 0 : i32
      %dma_start3A_131 = arith.constant 0 : i32
      %dma_start3A_132 = tpu.memref_slice %arg13[%dma_start3A_130, %dma_start3A_131] : memref<64x128xf32, #tpu.memory_space<vmem>> -> memref<64x128xf32, #tpu.memory_space<vmem>>
      %dma_start3A_133 = arith.constant 0 : i32
      %dma_start3A_134 = tpu.memref_slice %arg17[%add3A_102, %dma_start3A_133] : memref<10112x128xf32, #tpu.memory_space<vmem_shared>> -> memref<64x128xf32, #tpu.memory_space<vmem_shared>>
      tpu.enqueue_dma source(%dma_start3A_134 : memref<64x128xf32, #tpu.memory_space<vmem_shared>>) target(%dma_start3A_132 : memref<64x128xf32, #tpu.memory_space<vmem>>) target_semaphore(%run_scoped3A : memref<!tpu.dma_semaphore, #tpu.memory_space<semaphore_mem>>)
      %dma_wait3A_135 = arith.constant 0 : i32
      %dma_wait3A_136 = arith.constant 0 : i32
      %dma_wait3A_137 = tpu.memref_slice %arg13[%dma_wait3A_135, %dma_wait3A_136] : memref<64x128xf32, #tpu.memory_space<vmem>> -> memref<64x128xf32, #tpu.memory_space<vmem>>
      %dma_wait3A_138 = arith.constant 0 : i32
      %dma_wait3A_139 = tpu.memref_slice %arg17[%add3A_102, %dma_wait3A_138] : memref<10112x128xf32, #tpu.memory_space<vmem_shared>> -> memref<64x128xf32, #tpu.memory_space<vmem_shared>>
      %dma_wait3A_140 = arith.constant 0 : i32
      %dma_wait3A_141 = arith.constant 0 : i32
      %dma_wait3A_142 = tpu.memref_slice %arg13[%dma_wait3A_140, %dma_wait3A_141] : memref<64x128xf32, #tpu.memory_space<vmem>> -> memref<64x128xf32, #tpu.memory_space<vmem>>
      %dma_wait3A_143 = arith.constant 0 : i32
      %dma_wait3A_144 = tpu.memref_slice %arg17[%add3A_102, %dma_wait3A_143] : memref<10112x128xf32, #tpu.memory_space<vmem_shared>> -> memref<64x128xf32, #tpu.memory_space<vmem_shared>>
      tpu.wait_dma2 semaphore(%run_scoped3A : memref<!tpu.dma_semaphore, #tpu.memory_space<semaphore_mem>>) src(%dma_wait3A_144 : memref<64x128xf32, #tpu.memory_space<vmem_shared>>) dst(%dma_wait3A_142 : memref<64x128xf32, #tpu.memory_space<vmem>>)
      tpu.yield
    }) : () -> ()
    %add3A_103 = arith.constant 256 : i32
    %add3A_104 = arith.addi %mul3A_2, %add3A_103 : i32
    "tpu.region"() ({
      %run_scoped3A = tpu.sem_alloc : memref<!tpu.dma_semaphore, #tpu.memory_space<semaphore_mem>>
      %dma_start3A_125 = arith.constant 0 : i32
      %dma_start3A_126 = arith.constant 0 : i32
      %dma_start3A_127 = tpu.memref_slice %arg13[%dma_start3A_125, %dma_start3A_126] : memref<64x128xf32, #tpu.memory_space<vmem>> -> memref<64x128xf32, #tpu.memory_space<vmem>>
      %dma_start3A_128 = arith.constant 0 : i32
      %dma_start3A_129 = tpu.memref_slice %arg6[%arg0, %add3A_104, %dma_start3A_128] : memref<2x10112x128xf32, #tpu.memory_space<hbm>> -> memref<1x64x128xf32, #tpu.memory_space<hbm>>
      %dma_start3A_130 = tpu.memref_squeeze %dma_start3A_129 : memref<1x64x128xf32, #tpu.memory_space<hbm>> -> memref<64x128xf32, #tpu.memory_space<hbm>>
      %dma_start3A_131 = arith.constant 0 : i32
      %dma_start3A_132 = tpu.memref_slice %arg6[%arg0, %add3A_104, %dma_start3A_131] : memref<2x10112x128xf32, #tpu.memory_space<hbm>> -> memref<1x64x128xf32, #tpu.memory_space<hbm>>
      %dma_start3A_133 = tpu.memref_squeeze %dma_start3A_132 : memref<1x64x128xf32, #tpu.memory_space<hbm>> -> memref<64x128xf32, #tpu.memory_space<hbm>>
      %dma_start3A_134 = arith.constant 0 : i32
      %dma_start3A_135 = arith.constant 0 : i32
      %dma_start3A_136 = tpu.memref_slice %arg13[%dma_start3A_134, %dma_start3A_135] : memref<64x128xf32, #tpu.memory_space<vmem>> -> memref<64x128xf32, #tpu.memory_space<vmem>>
      tpu.enqueue_dma source(%dma_start3A_136 : memref<64x128xf32, #tpu.memory_space<vmem>>) target(%dma_start3A_133 : memref<64x128xf32, #tpu.memory_space<hbm>>) target_semaphore(%run_scoped3A : memref<!tpu.dma_semaphore, #tpu.memory_space<semaphore_mem>>)
      %dma_wait3A_137 = arith.constant 0 : i32
      %dma_wait3A_138 = arith.constant 0 : i32
      %dma_wait3A_139 = tpu.memref_slice %arg13[%dma_wait3A_137, %dma_wait3A_138] : memref<64x128xf32, #tpu.memory_space<vmem>> -> memref<64x128xf32, #tpu.memory_space<vmem>>
      %dma_wait3A_140 = arith.constant 0 : i32
      %dma_wait3A_141 = tpu.memref_slice %arg6[%arg0, %add3A_104, %dma_wait3A_140] : memref<2x10112x128xf32, #tpu.memory_space<hbm>> -> memref<1x64x128xf32, #tpu.memory_space<hbm>>
      %dma_wait3A_142 = tpu.memref_squeeze %dma_wait3A_141 : memref<1x64x128xf32, #tpu.memory_space<hbm>> -> memref<64x128xf32, #tpu.memory_space<hbm>>
      %dma_wait3A_143 = arith.constant 0 : i32
      %dma_wait3A_144 = tpu.memref_slice %arg6[%arg0, %add3A_104, %dma_wait3A_143] : memref<2x10112x128xf32, #tpu.memory_space<hbm>> -> memref<1x64x128xf32, #tpu.memory_space<hbm>>
      %dma_wait3A_145 = tpu.memref_squeeze %dma_wait3A_144 : memref<1x64x128xf32, #tpu.memory_space<hbm>> -> memref<64x128xf32, #tpu.memory_space<hbm>>
      %dma_wait3A_146 = arith.constant 0 : i32
      %dma_wait3A_147 = arith.constant 0 : i32
      %dma_wait3A_148 = tpu.memref_slice %arg13[%dma_wait3A_146, %dma_wait3A_147] : memref<64x128xf32, #tpu.memory_space<vmem>> -> memref<64x128xf32, #tpu.memory_space<vmem>>
      tpu.wait_dma2 semaphore(%run_scoped3A : memref<!tpu.dma_semaphore, #tpu.memory_space<semaphore_mem>>) src(%dma_wait3A_148 : memref<64x128xf32, #tpu.memory_space<vmem>>) dst(%dma_wait3A_145 : memref<64x128xf32, #tpu.memory_space<hbm>>)
      tpu.yield
    }) : () -> ()
    %add3A_105 = arith.constant 320 : i32
    %add3A_106 = arith.addi %mul3A_2, %add3A_105 : i32
    "tpu.region"() ({
      %run_scoped3A = tpu.sem_alloc : memref<!tpu.dma_semaphore, #tpu.memory_space<semaphore_mem>>
      %dma_start3A_125 = arith.constant 0 : i32
      %dma_start3A_126 = arith.constant 0 : i32
      %dma_start3A_127 = tpu.memref_slice %arg13[%dma_start3A_125, %dma_start3A_126] : memref<64x128xf32, #tpu.memory_space<vmem>> -> memref<64x128xf32, #tpu.memory_space<vmem>>
      %dma_start3A_128 = arith.constant 0 : i32
      %dma_start3A_129 = tpu.memref_slice %arg17[%add3A_106, %dma_start3A_128] : memref<10112x128xf32, #tpu.memory_space<vmem_shared>> -> memref<64x128xf32, #tpu.memory_space<vmem_shared>>
      %dma_start3A_130 = arith.constant 0 : i32
      %dma_start3A_131 = arith.constant 0 : i32
      %dma_start3A_132 = tpu.memref_slice %arg13[%dma_start3A_130, %dma_start3A_131] : memref<64x128xf32, #tpu.memory_space<vmem>> -> memref<64x128xf32, #tpu.memory_space<vmem>>
      %dma_start3A_133 = arith.constant 0 : i32
      %dma_start3A_134 = tpu.memref_slice %arg17[%add3A_106, %dma_start3A_133] : memref<10112x128xf32, #tpu.memory_space<vmem_shared>> -> memref<64x128xf32, #tpu.memory_space<vmem_shared>>
      tpu.enqueue_dma source(%dma_start3A_134 : memref<64x128xf32, #tpu.memory_space<vmem_shared>>) target(%dma_start3A_132 : memref<64x128xf32, #tpu.memory_space<vmem>>) target_semaphore(%run_scoped3A : memref<!tpu.dma_semaphore, #tpu.memory_space<semaphore_mem>>)
      %dma_wait3A_135 = arith.constant 0 : i32
      %dma_wait3A_136 = arith.constant 0 : i32
      %dma_wait3A_137 = tpu.memref_slice %arg13[%dma_wait3A_135, %dma_wait3A_136] : memref<64x128xf32, #tpu.memory_space<vmem>> -> memref<64x128xf32, #tpu.memory_space<vmem>>
      %dma_wait3A_138 = arith.constant 0 : i32
      %dma_wait3A_139 = tpu.memref_slice %arg17[%add3A_106, %dma_wait3A_138] : memref<10112x128xf32, #tpu.memory_space<vmem_shared>> -> memref<64x128xf32, #tpu.memory_space<vmem_shared>>
      %dma_wait3A_140 = arith.constant 0 : i32
      %dma_wait3A_141 = arith.constant 0 : i32
      %dma_wait3A_142 = tpu.memref_slice %arg13[%dma_wait3A_140, %dma_wait3A_141] : memref<64x128xf32, #tpu.memory_space<vmem>> -> memref<64x128xf32, #tpu.memory_space<vmem>>
      %dma_wait3A_143 = arith.constant 0 : i32
      %dma_wait3A_144 = tpu.memref_slice %arg17[%add3A_106, %dma_wait3A_143] : memref<10112x128xf32, #tpu.memory_space<vmem_shared>> -> memref<64x128xf32, #tpu.memory_space<vmem_shared>>
      tpu.wait_dma2 semaphore(%run_scoped3A : memref<!tpu.dma_semaphore, #tpu.memory_space<semaphore_mem>>) src(%dma_wait3A_144 : memref<64x128xf32, #tpu.memory_space<vmem_shared>>) dst(%dma_wait3A_142 : memref<64x128xf32, #tpu.memory_space<vmem>>)
      tpu.yield
    }) : () -> ()
    %add3A_107 = arith.constant 320 : i32
    %add3A_108 = arith.addi %mul3A_2, %add3A_107 : i32
    "tpu.region"() ({
      %run_scoped3A = tpu.sem_alloc : memref<!tpu.dma_semaphore, #tpu.memory_space<semaphore_mem>>
      %dma_start3A_125 = arith.constant 0 : i32
      %dma_start3A_126 = arith.constant 0 : i32
      %dma_start3A_127 = tpu.memref_slice %arg13[%dma_start3A_125, %dma_start3A_126] : memref<64x128xf32, #tpu.memory_space<vmem>> -> memref<64x128xf32, #tpu.memory_space<vmem>>
      %dma_start3A_128 = arith.constant 0 : i32
      %dma_start3A_129 = tpu.memref_slice %arg6[%arg0, %add3A_108, %dma_start3A_128] : memref<2x10112x128xf32, #tpu.memory_space<hbm>> -> memref<1x64x128xf32, #tpu.memory_space<hbm>>
      %dma_start3A_130 = tpu.memref_squeeze %dma_start3A_129 : memref<1x64x128xf32, #tpu.memory_space<hbm>> -> memref<64x128xf32, #tpu.memory_space<hbm>>
      %dma_start3A_131 = arith.constant 0 : i32
      %dma_start3A_132 = tpu.memref_slice %arg6[%arg0, %add3A_108, %dma_start3A_131] : memref<2x10112x128xf32, #tpu.memory_space<hbm>> -> memref<1x64x128xf32, #tpu.memory_space<hbm>>
      %dma_start3A_133 = tpu.memref_squeeze %dma_start3A_132 : memref<1x64x128xf32, #tpu.memory_space<hbm>> -> memref<64x128xf32, #tpu.memory_space<hbm>>
      %dma_start3A_134 = arith.constant 0 : i32
      %dma_start3A_135 = arith.constant 0 : i32
      %dma_start3A_136 = tpu.memref_slice %arg13[%dma_start3A_134, %dma_start3A_135] : memref<64x128xf32, #tpu.memory_space<vmem>> -> memref<64x128xf32, #tpu.memory_space<vmem>>
      tpu.enqueue_dma source(%dma_start3A_136 : memref<64x128xf32, #tpu.memory_space<vmem>>) target(%dma_start3A_133 : memref<64x128xf32, #tpu.memory_space<hbm>>) target_semaphore(%run_scoped3A : memref<!tpu.dma_semaphore, #tpu.memory_space<semaphore_mem>>)
      %dma_wait3A_137 = arith.constant 0 : i32
      %dma_wait3A_138 = arith.constant 0 : i32
      %dma_wait3A_139 = tpu.memref_slice %arg13[%dma_wait3A_137, %dma_wait3A_138] : memref<64x128xf32, #tpu.memory_space<vmem>> -> memref<64x128xf32, #tpu.memory_space<vmem>>
      %dma_wait3A_140 = arith.constant 0 : i32
      %dma_wait3A_141 = tpu.memref_slice %arg6[%arg0, %add3A_108, %dma_wait3A_140] : memref<2x10112x128xf32, #tpu.memory_space<hbm>> -> memref<1x64x128xf32, #tpu.memory_space<hbm>>
      %dma_wait3A_142 = tpu.memref_squeeze %dma_wait3A_141 : memref<1x64x128xf32, #tpu.memory_space<hbm>> -> memref<64x128xf32, #tpu.memory_space<hbm>>
      %dma_wait3A_143 = arith.constant 0 : i32
      %dma_wait3A_144 = tpu.memref_slice %arg6[%arg0, %add3A_108, %dma_wait3A_143] : memref<2x10112x128xf32, #tpu.memory_space<hbm>> -> memref<1x64x128xf32, #tpu.memory_space<hbm>>
      %dma_wait3A_145 = tpu.memref_squeeze %dma_wait3A_144 : memref<1x64x128xf32, #tpu.memory_space<hbm>> -> memref<64x128xf32, #tpu.memory_space<hbm>>
      %dma_wait3A_146 = arith.constant 0 : i32
      %dma_wait3A_147 = arith.constant 0 : i32
      %dma_wait3A_148 = tpu.memref_slice %arg13[%dma_wait3A_146, %dma_wait3A_147] : memref<64x128xf32, #tpu.memory_space<vmem>> -> memref<64x128xf32, #tpu.memory_space<vmem>>
      tpu.wait_dma2 semaphore(%run_scoped3A : memref<!tpu.dma_semaphore, #tpu.memory_space<semaphore_mem>>) src(%dma_wait3A_148 : memref<64x128xf32, #tpu.memory_space<vmem>>) dst(%dma_wait3A_145 : memref<64x128xf32, #tpu.memory_space<hbm>>)
      tpu.yield
    }) : () -> ()
    %add3A_109 = arith.constant 384 : i32
    %add3A_110 = arith.addi %mul3A_2, %add3A_109 : i32
    "tpu.region"() ({
      %run_scoped3A = tpu.sem_alloc : memref<!tpu.dma_semaphore, #tpu.memory_space<semaphore_mem>>
      %dma_start3A_125 = arith.constant 0 : i32
      %dma_start3A_126 = arith.constant 0 : i32
      %dma_start3A_127 = tpu.memref_slice %arg13[%dma_start3A_125, %dma_start3A_126] : memref<64x128xf32, #tpu.memory_space<vmem>> -> memref<64x128xf32, #tpu.memory_space<vmem>>
      %dma_start3A_128 = arith.constant 0 : i32
      %dma_start3A_129 = tpu.memref_slice %arg17[%add3A_110, %dma_start3A_128] : memref<10112x128xf32, #tpu.memory_space<vmem_shared>> -> memref<64x128xf32, #tpu.memory_space<vmem_shared>>
      %dma_start3A_130 = arith.constant 0 : i32
      %dma_start3A_131 = arith.constant 0 : i32
      %dma_start3A_132 = tpu.memref_slice %arg13[%dma_start3A_130, %dma_start3A_131] : memref<64x128xf32, #tpu.memory_space<vmem>> -> memref<64x128xf32, #tpu.memory_space<vmem>>
      %dma_start3A_133 = arith.constant 0 : i32
      %dma_start3A_134 = tpu.memref_slice %arg17[%add3A_110, %dma_start3A_133] : memref<10112x128xf32, #tpu.memory_space<vmem_shared>> -> memref<64x128xf32, #tpu.memory_space<vmem_shared>>
      tpu.enqueue_dma source(%dma_start3A_134 : memref<64x128xf32, #tpu.memory_space<vmem_shared>>) target(%dma_start3A_132 : memref<64x128xf32, #tpu.memory_space<vmem>>) target_semaphore(%run_scoped3A : memref<!tpu.dma_semaphore, #tpu.memory_space<semaphore_mem>>)
      %dma_wait3A_135 = arith.constant 0 : i32
      %dma_wait3A_136 = arith.constant 0 : i32
      %dma_wait3A_137 = tpu.memref_slice %arg13[%dma_wait3A_135, %dma_wait3A_136] : memref<64x128xf32, #tpu.memory_space<vmem>> -> memref<64x128xf32, #tpu.memory_space<vmem>>
      %dma_wait3A_138 = arith.constant 0 : i32
      %dma_wait3A_139 = tpu.memref_slice %arg17[%add3A_110, %dma_wait3A_138] : memref<10112x128xf32, #tpu.memory_space<vmem_shared>> -> memref<64x128xf32, #tpu.memory_space<vmem_shared>>
      %dma_wait3A_140 = arith.constant 0 : i32
      %dma_wait3A_141 = arith.constant 0 : i32
      %dma_wait3A_142 = tpu.memref_slice %arg13[%dma_wait3A_140, %dma_wait3A_141] : memref<64x128xf32, #tpu.memory_space<vmem>> -> memref<64x128xf32, #tpu.memory_space<vmem>>
      %dma_wait3A_143 = arith.constant 0 : i32
      %dma_wait3A_144 = tpu.memref_slice %arg17[%add3A_110, %dma_wait3A_143] : memref<10112x128xf32, #tpu.memory_space<vmem_shared>> -> memref<64x128xf32, #tpu.memory_space<vmem_shared>>
      tpu.wait_dma2 semaphore(%run_scoped3A : memref<!tpu.dma_semaphore, #tpu.memory_space<semaphore_mem>>) src(%dma_wait3A_144 : memref<64x128xf32, #tpu.memory_space<vmem_shared>>) dst(%dma_wait3A_142 : memref<64x128xf32, #tpu.memory_space<vmem>>)
      tpu.yield
    }) : () -> ()
    %add3A_111 = arith.constant 384 : i32
    %add3A_112 = arith.addi %mul3A_2, %add3A_111 : i32
    "tpu.region"() ({
      %run_scoped3A = tpu.sem_alloc : memref<!tpu.dma_semaphore, #tpu.memory_space<semaphore_mem>>
      %dma_start3A_125 = arith.constant 0 : i32
      %dma_start3A_126 = arith.constant 0 : i32
      %dma_start3A_127 = tpu.memref_slice %arg13[%dma_start3A_125, %dma_start3A_126] : memref<64x128xf32, #tpu.memory_space<vmem>> -> memref<64x128xf32, #tpu.memory_space<vmem>>
      %dma_start3A_128 = arith.constant 0 : i32
      %dma_start3A_129 = tpu.memref_slice %arg6[%arg0, %add3A_112, %dma_start3A_128] : memref<2x10112x128xf32, #tpu.memory_space<hbm>> -> memref<1x64x128xf32, #tpu.memory_space<hbm>>
      %dma_start3A_130 = tpu.memref_squeeze %dma_start3A_129 : memref<1x64x128xf32, #tpu.memory_space<hbm>> -> memref<64x128xf32, #tpu.memory_space<hbm>>
      %dma_start3A_131 = arith.constant 0 : i32
      %dma_start3A_132 = tpu.memref_slice %arg6[%arg0, %add3A_112, %dma_start3A_131] : memref<2x10112x128xf32, #tpu.memory_space<hbm>> -> memref<1x64x128xf32, #tpu.memory_space<hbm>>
      %dma_start3A_133 = tpu.memref_squeeze %dma_start3A_132 : memref<1x64x128xf32, #tpu.memory_space<hbm>> -> memref<64x128xf32, #tpu.memory_space<hbm>>
      %dma_start3A_134 = arith.constant 0 : i32
      %dma_start3A_135 = arith.constant 0 : i32
      %dma_start3A_136 = tpu.memref_slice %arg13[%dma_start3A_134, %dma_start3A_135] : memref<64x128xf32, #tpu.memory_space<vmem>> -> memref<64x128xf32, #tpu.memory_space<vmem>>
      tpu.enqueue_dma source(%dma_start3A_136 : memref<64x128xf32, #tpu.memory_space<vmem>>) target(%dma_start3A_133 : memref<64x128xf32, #tpu.memory_space<hbm>>) target_semaphore(%run_scoped3A : memref<!tpu.dma_semaphore, #tpu.memory_space<semaphore_mem>>)
      %dma_wait3A_137 = arith.constant 0 : i32
      %dma_wait3A_138 = arith.constant 0 : i32
      %dma_wait3A_139 = tpu.memref_slice %arg13[%dma_wait3A_137, %dma_wait3A_138] : memref<64x128xf32, #tpu.memory_space<vmem>> -> memref<64x128xf32, #tpu.memory_space<vmem>>
      %dma_wait3A_140 = arith.constant 0 : i32
      %dma_wait3A_141 = tpu.memref_slice %arg6[%arg0, %add3A_112, %dma_wait3A_140] : memref<2x10112x128xf32, #tpu.memory_space<hbm>> -> memref<1x64x128xf32, #tpu.memory_space<hbm>>
      %dma_wait3A_142 = tpu.memref_squeeze %dma_wait3A_141 : memref<1x64x128xf32, #tpu.memory_space<hbm>> -> memref<64x128xf32, #tpu.memory_space<hbm>>
      %dma_wait3A_143 = arith.constant 0 : i32
      %dma_wait3A_144 = tpu.memref_slice %arg6[%arg0, %add3A_112, %dma_wait3A_143] : memref<2x10112x128xf32, #tpu.memory_space<hbm>> -> memref<1x64x128xf32, #tpu.memory_space<hbm>>
      %dma_wait3A_145 = tpu.memref_squeeze %dma_wait3A_144 : memref<1x64x128xf32, #tpu.memory_space<hbm>> -> memref<64x128xf32, #tpu.memory_space<hbm>>
      %dma_wait3A_146 = arith.constant 0 : i32
      %dma_wait3A_147 = arith.constant 0 : i32
      %dma_wait3A_148 = tpu.memref_slice %arg13[%dma_wait3A_146, %dma_wait3A_147] : memref<64x128xf32, #tpu.memory_space<vmem>> -> memref<64x128xf32, #tpu.memory_space<vmem>>
      tpu.wait_dma2 semaphore(%run_scoped3A : memref<!tpu.dma_semaphore, #tpu.memory_space<semaphore_mem>>) src(%dma_wait3A_148 : memref<64x128xf32, #tpu.memory_space<vmem>>) dst(%dma_wait3A_145 : memref<64x128xf32, #tpu.memory_space<hbm>>)
      tpu.yield
    }) : () -> ()
    %add3A_113 = arith.constant 448 : i32
    %add3A_114 = arith.addi %mul3A_2, %add3A_113 : i32
    "tpu.region"() ({
      %run_scoped3A = tpu.sem_alloc : memref<!tpu.dma_semaphore, #tpu.memory_space<semaphore_mem>>
      %dma_start3A_125 = arith.constant 0 : i32
      %dma_start3A_126 = arith.constant 0 : i32
      %dma_start3A_127 = tpu.memref_slice %arg13[%dma_start3A_125, %dma_start3A_126] : memref<64x128xf32, #tpu.memory_space<vmem>> -> memref<64x128xf32, #tpu.memory_space<vmem>>
      %dma_start3A_128 = arith.constant 0 : i32
      %dma_start3A_129 = tpu.memref_slice %arg17[%add3A_114, %dma_start3A_128] : memref<10112x128xf32, #tpu.memory_space<vmem_shared>> -> memref<64x128xf32, #tpu.memory_space<vmem_shared>>
      %dma_start3A_130 = arith.constant 0 : i32
      %dma_start3A_131 = arith.constant 0 : i32
      %dma_start3A_132 = tpu.memref_slice %arg13[%dma_start3A_130, %dma_start3A_131] : memref<64x128xf32, #tpu.memory_space<vmem>> -> memref<64x128xf32, #tpu.memory_space<vmem>>
      %dma_start3A_133 = arith.constant 0 : i32
      %dma_start3A_134 = tpu.memref_slice %arg17[%add3A_114, %dma_start3A_133] : memref<10112x128xf32, #tpu.memory_space<vmem_shared>> -> memref<64x128xf32, #tpu.memory_space<vmem_shared>>
      tpu.enqueue_dma source(%dma_start3A_134 : memref<64x128xf32, #tpu.memory_space<vmem_shared>>) target(%dma_start3A_132 : memref<64x128xf32, #tpu.memory_space<vmem>>) target_semaphore(%run_scoped3A : memref<!tpu.dma_semaphore, #tpu.memory_space<semaphore_mem>>)
      %dma_wait3A_135 = arith.constant 0 : i32
      %dma_wait3A_136 = arith.constant 0 : i32
      %dma_wait3A_137 = tpu.memref_slice %arg13[%dma_wait3A_135, %dma_wait3A_136] : memref<64x128xf32, #tpu.memory_space<vmem>> -> memref<64x128xf32, #tpu.memory_space<vmem>>
      %dma_wait3A_138 = arith.constant 0 : i32
      %dma_wait3A_139 = tpu.memref_slice %arg17[%add3A_114, %dma_wait3A_138] : memref<10112x128xf32, #tpu.memory_space<vmem_shared>> -> memref<64x128xf32, #tpu.memory_space<vmem_shared>>
      %dma_wait3A_140 = arith.constant 0 : i32
      %dma_wait3A_141 = arith.constant 0 : i32
      %dma_wait3A_142 = tpu.memref_slice %arg13[%dma_wait3A_140, %dma_wait3A_141] : memref<64x128xf32, #tpu.memory_space<vmem>> -> memref<64x128xf32, #tpu.memory_space<vmem>>
      %dma_wait3A_143 = arith.constant 0 : i32
      %dma_wait3A_144 = tpu.memref_slice %arg17[%add3A_114, %dma_wait3A_143] : memref<10112x128xf32, #tpu.memory_space<vmem_shared>> -> memref<64x128xf32, #tpu.memory_space<vmem_shared>>
      tpu.wait_dma2 semaphore(%run_scoped3A : memref<!tpu.dma_semaphore, #tpu.memory_space<semaphore_mem>>) src(%dma_wait3A_144 : memref<64x128xf32, #tpu.memory_space<vmem_shared>>) dst(%dma_wait3A_142 : memref<64x128xf32, #tpu.memory_space<vmem>>)
      tpu.yield
    }) : () -> ()
    %add3A_115 = arith.constant 448 : i32
    %add3A_116 = arith.addi %mul3A_2, %add3A_115 : i32
    "tpu.region"() ({
      %run_scoped3A = tpu.sem_alloc : memref<!tpu.dma_semaphore, #tpu.memory_space<semaphore_mem>>
      %dma_start3A_125 = arith.constant 0 : i32
      %dma_start3A_126 = arith.constant 0 : i32
      %dma_start3A_127 = tpu.memref_slice %arg13[%dma_start3A_125, %dma_start3A_126] : memref<64x128xf32, #tpu.memory_space<vmem>> -> memref<64x128xf32, #tpu.memory_space<vmem>>
      %dma_start3A_128 = arith.constant 0 : i32
      %dma_start3A_129 = tpu.memref_slice %arg6[%arg0, %add3A_116, %dma_start3A_128] : memref<2x10112x128xf32, #tpu.memory_space<hbm>> -> memref<1x64x128xf32, #tpu.memory_space<hbm>>
      %dma_start3A_130 = tpu.memref_squeeze %dma_start3A_129 : memref<1x64x128xf32, #tpu.memory_space<hbm>> -> memref<64x128xf32, #tpu.memory_space<hbm>>
      %dma_start3A_131 = arith.constant 0 : i32
      %dma_start3A_132 = tpu.memref_slice %arg6[%arg0, %add3A_116, %dma_start3A_131] : memref<2x10112x128xf32, #tpu.memory_space<hbm>> -> memref<1x64x128xf32, #tpu.memory_space<hbm>>
      %dma_start3A_133 = tpu.memref_squeeze %dma_start3A_132 : memref<1x64x128xf32, #tpu.memory_space<hbm>> -> memref<64x128xf32, #tpu.memory_space<hbm>>
      %dma_start3A_134 = arith.constant 0 : i32
      %dma_start3A_135 = arith.constant 0 : i32
      %dma_start3A_136 = tpu.memref_slice %arg13[%dma_start3A_134, %dma_start3A_135] : memref<64x128xf32, #tpu.memory_space<vmem>> -> memref<64x128xf32, #tpu.memory_space<vmem>>
      tpu.enqueue_dma source(%dma_start3A_136 : memref<64x128xf32, #tpu.memory_space<vmem>>) target(%dma_start3A_133 : memref<64x128xf32, #tpu.memory_space<hbm>>) target_semaphore(%run_scoped3A : memref<!tpu.dma_semaphore, #tpu.memory_space<semaphore_mem>>)
      %dma_wait3A_137 = arith.constant 0 : i32
      %dma_wait3A_138 = arith.constant 0 : i32
      %dma_wait3A_139 = tpu.memref_slice %arg13[%dma_wait3A_137, %dma_wait3A_138] : memref<64x128xf32, #tpu.memory_space<vmem>> -> memref<64x128xf32, #tpu.memory_space<vmem>>
      %dma_wait3A_140 = arith.constant 0 : i32
      %dma_wait3A_141 = tpu.memref_slice %arg6[%arg0, %add3A_116, %dma_wait3A_140] : memref<2x10112x128xf32, #tpu.memory_space<hbm>> -> memref<1x64x128xf32, #tpu.memory_space<hbm>>
      %dma_wait3A_142 = tpu.memref_squeeze %dma_wait3A_141 : memref<1x64x128xf32, #tpu.memory_space<hbm>> -> memref<64x128xf32, #tpu.memory_space<hbm>>
      %dma_wait3A_143 = arith.constant 0 : i32
      %dma_wait3A_144 = tpu.memref_slice %arg6[%arg0, %add3A_116, %dma_wait3A_143] : memref<2x10112x128xf32, #tpu.memory_space<hbm>> -> memref<1x64x128xf32, #tpu.memory_space<hbm>>
      %dma_wait3A_145 = tpu.memref_squeeze %dma_wait3A_144 : memref<1x64x128xf32, #tpu.memory_space<hbm>> -> memref<64x128xf32, #tpu.memory_space<hbm>>
      %dma_wait3A_146 = arith.constant 0 : i32
      %dma_wait3A_147 = arith.constant 0 : i32
      %dma_wait3A_148 = tpu.memref_slice %arg13[%dma_wait3A_146, %dma_wait3A_147] : memref<64x128xf32, #tpu.memory_space<vmem>> -> memref<64x128xf32, #tpu.memory_space<vmem>>
      tpu.wait_dma2 semaphore(%run_scoped3A : memref<!tpu.dma_semaphore, #tpu.memory_space<semaphore_mem>>) src(%dma_wait3A_148 : memref<64x128xf32, #tpu.memory_space<vmem>>) dst(%dma_wait3A_145 : memref<64x128xf32, #tpu.memory_space<hbm>>)
      tpu.yield
    }) : () -> ()
    %add3A_117 = arith.constant 512 : i32
    %add3A_118 = arith.addi %mul3A_2, %add3A_117 : i32
    "tpu.region"() ({
      %run_scoped3A = tpu.sem_alloc : memref<!tpu.dma_semaphore, #tpu.memory_space<semaphore_mem>>
      %dma_start3A_125 = arith.constant 0 : i32
      %dma_start3A_126 = arith.constant 0 : i32
      %dma_start3A_127 = tpu.memref_slice %arg13[%dma_start3A_125, %dma_start3A_126] : memref<64x128xf32, #tpu.memory_space<vmem>> -> memref<64x128xf32, #tpu.memory_space<vmem>>
      %dma_start3A_128 = arith.constant 0 : i32
      %dma_start3A_129 = tpu.memref_slice %arg17[%add3A_118, %dma_start3A_128] : memref<10112x128xf32, #tpu.memory_space<vmem_shared>> -> memref<64x128xf32, #tpu.memory_space<vmem_shared>>
      %dma_start3A_130 = arith.constant 0 : i32
      %dma_start3A_131 = arith.constant 0 : i32
      %dma_start3A_132 = tpu.memref_slice %arg13[%dma_start3A_130, %dma_start3A_131] : memref<64x128xf32, #tpu.memory_space<vmem>> -> memref<64x128xf32, #tpu.memory_space<vmem>>
      %dma_start3A_133 = arith.constant 0 : i32
      %dma_start3A_134 = tpu.memref_slice %arg17[%add3A_118, %dma_start3A_133] : memref<10112x128xf32, #tpu.memory_space<vmem_shared>> -> memref<64x128xf32, #tpu.memory_space<vmem_shared>>
      tpu.enqueue_dma source(%dma_start3A_134 : memref<64x128xf32, #tpu.memory_space<vmem_shared>>) target(%dma_start3A_132 : memref<64x128xf32, #tpu.memory_space<vmem>>) target_semaphore(%run_scoped3A : memref<!tpu.dma_semaphore, #tpu.memory_space<semaphore_mem>>)
      %dma_wait3A_135 = arith.constant 0 : i32
      %dma_wait3A_136 = arith.constant 0 : i32
      %dma_wait3A_137 = tpu.memref_slice %arg13[%dma_wait3A_135, %dma_wait3A_136] : memref<64x128xf32, #tpu.memory_space<vmem>> -> memref<64x128xf32, #tpu.memory_space<vmem>>
      %dma_wait3A_138 = arith.constant 0 : i32
      %dma_wait3A_139 = tpu.memref_slice %arg17[%add3A_118, %dma_wait3A_138] : memref<10112x128xf32, #tpu.memory_space<vmem_shared>> -> memref<64x128xf32, #tpu.memory_space<vmem_shared>>
      %dma_wait3A_140 = arith.constant 0 : i32
      %dma_wait3A_141 = arith.constant 0 : i32
      %dma_wait3A_142 = tpu.memref_slice %arg13[%dma_wait3A_140, %dma_wait3A_141] : memref<64x128xf32, #tpu.memory_space<vmem>> -> memref<64x128xf32, #tpu.memory_space<vmem>>
      %dma_wait3A_143 = arith.constant 0 : i32
      %dma_wait3A_144 = tpu.memref_slice %arg17[%add3A_118, %dma_wait3A_143] : memref<10112x128xf32, #tpu.memory_space<vmem_shared>> -> memref<64x128xf32, #tpu.memory_space<vmem_shared>>
      tpu.wait_dma2 semaphore(%run_scoped3A : memref<!tpu.dma_semaphore, #tpu.memory_space<semaphore_mem>>) src(%dma_wait3A_144 : memref<64x128xf32, #tpu.memory_space<vmem_shared>>) dst(%dma_wait3A_142 : memref<64x128xf32, #tpu.memory_space<vmem>>)
      tpu.yield
    }) : () -> ()
    %add3A_119 = arith.constant 512 : i32
    %add3A_120 = arith.addi %mul3A_2, %add3A_119 : i32
    "tpu.region"() ({
      %run_scoped3A = tpu.sem_alloc : memref<!tpu.dma_semaphore, #tpu.memory_space<semaphore_mem>>
      %dma_start3A_125 = arith.constant 0 : i32
      %dma_start3A_126 = arith.constant 0 : i32
      %dma_start3A_127 = tpu.memref_slice %arg13[%dma_start3A_125, %dma_start3A_126] : memref<64x128xf32, #tpu.memory_space<vmem>> -> memref<64x128xf32, #tpu.memory_space<vmem>>
      %dma_start3A_128 = arith.constant 0 : i32
      %dma_start3A_129 = tpu.memref_slice %arg6[%arg0, %add3A_120, %dma_start3A_128] : memref<2x10112x128xf32, #tpu.memory_space<hbm>> -> memref<1x64x128xf32, #tpu.memory_space<hbm>>
      %dma_start3A_130 = tpu.memref_squeeze %dma_start3A_129 : memref<1x64x128xf32, #tpu.memory_space<hbm>> -> memref<64x128xf32, #tpu.memory_space<hbm>>
      %dma_start3A_131 = arith.constant 0 : i32
      %dma_start3A_132 = tpu.memref_slice %arg6[%arg0, %add3A_120, %dma_start3A_131] : memref<2x10112x128xf32, #tpu.memory_space<hbm>> -> memref<1x64x128xf32, #tpu.memory_space<hbm>>
      %dma_start3A_133 = tpu.memref_squeeze %dma_start3A_132 : memref<1x64x128xf32, #tpu.memory_space<hbm>> -> memref<64x128xf32, #tpu.memory_space<hbm>>
      %dma_start3A_134 = arith.constant 0 : i32
      %dma_start3A_135 = arith.constant 0 : i32
      %dma_start3A_136 = tpu.memref_slice %arg13[%dma_start3A_134, %dma_start3A_135] : memref<64x128xf32, #tpu.memory_space<vmem>> -> memref<64x128xf32, #tpu.memory_space<vmem>>
      tpu.enqueue_dma source(%dma_start3A_136 : memref<64x128xf32, #tpu.memory_space<vmem>>) target(%dma_start3A_133 : memref<64x128xf32, #tpu.memory_space<hbm>>) target_semaphore(%run_scoped3A : memref<!tpu.dma_semaphore, #tpu.memory_space<semaphore_mem>>)
      %dma_wait3A_137 = arith.constant 0 : i32
      %dma_wait3A_138 = arith.constant 0 : i32
      %dma_wait3A_139 = tpu.memref_slice %arg13[%dma_wait3A_137, %dma_wait3A_138] : memref<64x128xf32, #tpu.memory_space<vmem>> -> memref<64x128xf32, #tpu.memory_space<vmem>>
      %dma_wait3A_140 = arith.constant 0 : i32
      %dma_wait3A_141 = tpu.memref_slice %arg6[%arg0, %add3A_120, %dma_wait3A_140] : memref<2x10112x128xf32, #tpu.memory_space<hbm>> -> memref<1x64x128xf32, #tpu.memory_space<hbm>>
      %dma_wait3A_142 = tpu.memref_squeeze %dma_wait3A_141 : memref<1x64x128xf32, #tpu.memory_space<hbm>> -> memref<64x128xf32, #tpu.memory_space<hbm>>
      %dma_wait3A_143 = arith.constant 0 : i32
      %dma_wait3A_144 = tpu.memref_slice %arg6[%arg0, %add3A_120, %dma_wait3A_143] : memref<2x10112x128xf32, #tpu.memory_space<hbm>> -> memref<1x64x128xf32, #tpu.memory_space<hbm>>
      %dma_wait3A_145 = tpu.memref_squeeze %dma_wait3A_144 : memref<1x64x128xf32, #tpu.memory_space<hbm>> -> memref<64x128xf32, #tpu.memory_space<hbm>>
      %dma_wait3A_146 = arith.constant 0 : i32
      %dma_wait3A_147 = arith.constant 0 : i32
      %dma_wait3A_148 = tpu.memref_slice %arg13[%dma_wait3A_146, %dma_wait3A_147] : memref<64x128xf32, #tpu.memory_space<vmem>> -> memref<64x128xf32, #tpu.memory_space<vmem>>
      tpu.wait_dma2 semaphore(%run_scoped3A : memref<!tpu.dma_semaphore, #tpu.memory_space<semaphore_mem>>) src(%dma_wait3A_148 : memref<64x128xf32, #tpu.memory_space<vmem>>) dst(%dma_wait3A_145 : memref<64x128xf32, #tpu.memory_space<hbm>>)
      tpu.yield
    }) : () -> ()
    %add3A_121 = arith.constant 576 : i32
    %add3A_122 = arith.addi %mul3A_2, %add3A_121 : i32
    "tpu.region"() ({
      %run_scoped3A = tpu.sem_alloc : memref<!tpu.dma_semaphore, #tpu.memory_space<semaphore_mem>>
      %dma_start3A_125 = arith.constant 0 : i32
      %dma_start3A_126 = arith.constant 0 : i32
      %dma_start3A_127 = tpu.memref_slice %arg13[%dma_start3A_125, %dma_start3A_126] : memref<64x128xf32, #tpu.memory_space<vmem>> -> memref<56x128xf32, #tpu.memory_space<vmem>>
      %dma_start3A_128 = arith.constant 0 : i32
      %dma_start3A_129 = tpu.memref_slice %arg17[%add3A_122, %dma_start3A_128] : memref<10112x128xf32, #tpu.memory_space<vmem_shared>> -> memref<56x128xf32, #tpu.memory_space<vmem_shared>>
      %dma_start3A_130 = arith.constant 0 : i32
      %dma_start3A_131 = arith.constant 0 : i32
      %dma_start3A_132 = tpu.memref_slice %arg13[%dma_start3A_130, %dma_start3A_131] : memref<64x128xf32, #tpu.memory_space<vmem>> -> memref<56x128xf32, #tpu.memory_space<vmem>>
      %dma_start3A_133 = arith.constant 0 : i32
      %dma_start3A_134 = tpu.memref_slice %arg17[%add3A_122, %dma_start3A_133] : memref<10112x128xf32, #tpu.memory_space<vmem_shared>> -> memref<56x128xf32, #tpu.memory_space<vmem_shared>>
      tpu.enqueue_dma source(%dma_start3A_134 : memref<56x128xf32, #tpu.memory_space<vmem_shared>>) target(%dma_start3A_132 : memref<56x128xf32, #tpu.memory_space<vmem>>) target_semaphore(%run_scoped3A : memref<!tpu.dma_semaphore, #tpu.memory_space<semaphore_mem>>)
      %dma_wait3A_135 = arith.constant 0 : i32
      %dma_wait3A_136 = arith.constant 0 : i32
      %dma_wait3A_137 = tpu.memref_slice %arg13[%dma_wait3A_135, %dma_wait3A_136] : memref<64x128xf32, #tpu.memory_space<vmem>> -> memref<56x128xf32, #tpu.memory_space<vmem>>
      %dma_wait3A_138 = arith.constant 0 : i32
      %dma_wait3A_139 = tpu.memref_slice %arg17[%add3A_122, %dma_wait3A_138] : memref<10112x128xf32, #tpu.memory_space<vmem_shared>> -> memref<56x128xf32, #tpu.memory_space<vmem_shared>>
      %dma_wait3A_140 = arith.constant 0 : i32
      %dma_wait3A_141 = arith.constant 0 : i32
      %dma_wait3A_142 = tpu.memref_slice %arg13[%dma_wait3A_140, %dma_wait3A_141] : memref<64x128xf32, #tpu.memory_space<vmem>> -> memref<56x128xf32, #tpu.memory_space<vmem>>
      %dma_wait3A_143 = arith.constant 0 : i32
      %dma_wait3A_144 = tpu.memref_slice %arg17[%add3A_122, %dma_wait3A_143] : memref<10112x128xf32, #tpu.memory_space<vmem_shared>> -> memref<56x128xf32, #tpu.memory_space<vmem_shared>>
      tpu.wait_dma2 semaphore(%run_scoped3A : memref<!tpu.dma_semaphore, #tpu.memory_space<semaphore_mem>>) src(%dma_wait3A_144 : memref<56x128xf32, #tpu.memory_space<vmem_shared>>) dst(%dma_wait3A_142 : memref<56x128xf32, #tpu.memory_space<vmem>>)
      tpu.yield
    }) : () -> ()
    %add3A_123 = arith.constant 576 : i32
    %add3A_124 = arith.addi %mul3A_2, %add3A_123 : i32
    "tpu.region"() ({
      %run_scoped3A = tpu.sem_alloc : memref<!tpu.dma_semaphore, #tpu.memory_space<semaphore_mem>>
      %dma_start3A_125 = arith.constant 0 : i32
      %dma_start3A_126 = arith.constant 0 : i32
      %dma_start3A_127 = tpu.memref_slice %arg13[%dma_start3A_125, %dma_start3A_126] : memref<64x128xf32, #tpu.memory_space<vmem>> -> memref<56x128xf32, #tpu.memory_space<vmem>>
      %dma_start3A_128 = arith.constant 0 : i32
      %dma_start3A_129 = tpu.memref_slice %arg6[%arg0, %add3A_124, %dma_start3A_128] : memref<2x10112x128xf32, #tpu.memory_space<hbm>> -> memref<1x56x128xf32, #tpu.memory_space<hbm>>
      %dma_start3A_130 = tpu.memref_squeeze %dma_start3A_129 : memref<1x56x128xf32, #tpu.memory_space<hbm>> -> memref<56x128xf32, #tpu.memory_space<hbm>>
      %dma_start3A_131 = arith.constant 0 : i32
      %dma_start3A_132 = tpu.memref_slice %arg6[%arg0, %add3A_124, %dma_start3A_131] : memref<2x10112x128xf32, #tpu.memory_space<hbm>> -> memref<1x56x128xf32, #tpu.memory_space<hbm>>
      %dma_start3A_133 = tpu.memref_squeeze %dma_start3A_132 : memref<1x56x128xf32, #tpu.memory_space<hbm>> -> memref<56x128xf32, #tpu.memory_space<hbm>>
      %dma_start3A_134 = arith.constant 0 : i32
      %dma_start3A_135 = arith.constant 0 : i32
      %dma_start3A_136 = tpu.memref_slice %arg13[%dma_start3A_134, %dma_start3A_135] : memref<64x128xf32, #tpu.memory_space<vmem>> -> memref<56x128xf32, #tpu.memory_space<vmem>>
      tpu.enqueue_dma source(%dma_start3A_136 : memref<56x128xf32, #tpu.memory_space<vmem>>) target(%dma_start3A_133 : memref<56x128xf32, #tpu.memory_space<hbm>>) target_semaphore(%run_scoped3A : memref<!tpu.dma_semaphore, #tpu.memory_space<semaphore_mem>>)
      %dma_wait3A_137 = arith.constant 0 : i32
      %dma_wait3A_138 = arith.constant 0 : i32
      %dma_wait3A_139 = tpu.memref_slice %arg13[%dma_wait3A_137, %dma_wait3A_138] : memref<64x128xf32, #tpu.memory_space<vmem>> -> memref<56x128xf32, #tpu.memory_space<vmem>>
      %dma_wait3A_140 = arith.constant 0 : i32
      %dma_wait3A_141 = tpu.memref_slice %arg6[%arg0, %add3A_124, %dma_wait3A_140] : memref<2x10112x128xf32, #tpu.memory_space<hbm>> -> memref<1x56x128xf32, #tpu.memory_space<hbm>>
      %dma_wait3A_142 = tpu.memref_squeeze %dma_wait3A_141 : memref<1x56x128xf32, #tpu.memory_space<hbm>> -> memref<56x128xf32, #tpu.memory_space<hbm>>
      %dma_wait3A_143 = arith.constant 0 : i32
      %dma_wait3A_144 = tpu.memref_slice %arg6[%arg0, %add3A_124, %dma_wait3A_143] : memref<2x10112x128xf32, #tpu.memory_space<hbm>> -> memref<1x56x128xf32, #tpu.memory_space<hbm>>
      %dma_wait3A_145 = tpu.memref_squeeze %dma_wait3A_144 : memref<1x56x128xf32, #tpu.memory_space<hbm>> -> memref<56x128xf32, #tpu.memory_space<hbm>>
      %dma_wait3A_146 = arith.constant 0 : i32
      %dma_wait3A_147 = arith.constant 0 : i32
      %dma_wait3A_148 = tpu.memref_slice %arg13[%dma_wait3A_146, %dma_wait3A_147] : memref<64x128xf32, #tpu.memory_space<vmem>> -> memref<56x128xf32, #tpu.memory_space<vmem>>
      tpu.wait_dma2 semaphore(%run_scoped3A : memref<!tpu.dma_semaphore, #tpu.memory_space<semaphore_mem>>) src(%dma_wait3A_148 : memref<56x128xf32, #tpu.memory_space<vmem>>) dst(%dma_wait3A_145 : memref<56x128xf32, #tpu.memory_space<hbm>>)
      tpu.yield
    }) : () -> ()
    return
  }
}

#map = affine_map<(d0, d1) -> (0)>
#map1 = affine_map<(d0, d1) -> (0, 0)>
#map2 = affine_map<(d0, d1) -> (0, 0, 0)>
module attributes {stable_mosaic.version = 14 : i64} {
  func.func @_edge_kernel(%arg0: i32, %arg1: i32, %arg2: memref<320000xi32, #tpu.memory_space<hbm>>, %arg3: memref<320000xi32, #tpu.memory_space<hbm>>, %arg4: memref<10000x128xf32, #tpu.memory_space<hbm>>, %arg5: memref<632x128xf32, #tpu.memory_space<hbm>>, %arg6: memref<2x10112x128xf32, #tpu.memory_space<hbm>>, %arg7: memref<10000xi32, #tpu.memory_space<vmem>>, %arg8: memref<64xi32, #tpu.memory_space<vmem>>, %arg9: memref<64xi32, #tpu.memory_space<vmem>>, %arg10: memref<64xi32, #tpu.memory_space<vmem>>, %arg11: memref<64xi32, #tpu.memory_space<vmem>>, %arg12: memref<16xi32, #tpu.memory_space<vmem>>, %arg13: memref<64x128xf32, #tpu.memory_space<vmem>>, %arg14: memref<64x128xf32, #tpu.memory_space<vmem>>, %arg15: memref<64x128xf32, #tpu.memory_space<vmem>>, %arg16: memref<64x128xf32, #tpu.memory_space<vmem>>, %arg17: memref<10112x128xf32, #tpu.memory_space<vmem_shared>>, %arg18: memref<!tpu.dma_semaphore, #tpu.memory_space<semaphore_mem>>, %arg19: memref<!tpu.dma_semaphore, #tpu.memory_space<semaphore_mem>>, %arg20: memref<!tpu.dma_semaphore, #tpu.memory_space<semaphore_mem>>, %arg21: memref<!tpu.dma_semaphore, #tpu.memory_space<semaphore_mem>>, %arg22: memref<!tpu.dma_semaphore, #tpu.memory_space<semaphore_mem>>, %arg23: memref<!tpu.dma_semaphore, #tpu.memory_space<semaphore_mem>>, %arg24: memref<!tpu.dma_semaphore, #tpu.memory_space<semaphore_mem>>, %arg25: memref<!tpu.dma_semaphore, #tpu.memory_space<semaphore_mem>>) attributes {dimension_semantics = [#tpu.dimension_semantics<core_parallel>, #tpu.dimension_semantics<subcore_parallel>], iteration_bounds = array<i64: 2, 16>, scalar_prefetch = 0 : i64, scratch_operands = 19 : i64, tpu.core_type = #tpu.core_type<sc_vector_subcore>, window_params = [{transform_indices = #map}, {transform_indices = #map}, {transform_indices = #map1}, {transform_indices = #map1}, {transform_indices = #map2}]} {
    %mul3A = arith.constant 16 : i32
    %mul3A_0 = arith.muli %arg0, %mul3A : i32
    %add3A = arith.addi %mul3A_0, %arg1 : i32
    %mul3A_1 = arith.constant 632 : i32
    %mul3A_2 = arith.muli %arg1, %mul3A_1 : i32
    %mul3A_3 = arith.constant 10000 : i32
    %mul3A_4 = arith.muli %add3A, %mul3A_3 : i32
    "tpu.region"() ({
      %run_scoped3A = tpu.sem_alloc : memref<!tpu.dma_semaphore, #tpu.memory_space<semaphore_mem>>
      %dma_start3A_125 = tpu.memref_slice %arg2[%mul3A_4] : memref<320000xi32, #tpu.memory_space<hbm>> -> memref<10000xi32, #tpu.memory_space<hbm>>
      %dma_start3A_126 = tpu.memref_slice %arg2[%mul3A_4] : memref<320000xi32, #tpu.memory_space<hbm>> -> memref<10000xi32, #tpu.memory_space<hbm>>
      tpu.enqueue_dma source(%dma_start3A_126 : memref<10000xi32, #tpu.memory_space<hbm>>) target(%arg7 : memref<10000xi32, #tpu.memory_space<vmem>>) target_semaphore(%run_scoped3A : memref<!tpu.dma_semaphore, #tpu.memory_space<semaphore_mem>>)
      %dma_wait3A_127 = tpu.memref_slice %arg2[%mul3A_4] : memref<320000xi32, #tpu.memory_space<hbm>> -> memref<10000xi32, #tpu.memory_space<hbm>>
      %dma_wait3A_128 = tpu.memref_slice %arg2[%mul3A_4] : memref<320000xi32, #tpu.memory_space<hbm>> -> memref<10000xi32, #tpu.memory_space<hbm>>
      tpu.wait_dma2 semaphore(%run_scoped3A : memref<!tpu.dma_semaphore, #tpu.memory_space<semaphore_mem>>) src(%dma_wait3A_128 : memref<10000xi32, #tpu.memory_space<hbm>>) dst(%arg7 : memref<10000xi32, #tpu.memory_space<vmem>>)
      tpu.yield
    }) : () -> ()
    "tpu.region"() ({
      %run_scoped3A = tpu.sem_alloc : memref<!tpu.dma_semaphore, #tpu.memory_space<semaphore_mem>>
      %dma_start3A_125 = arith.constant 0 : i32
      %dma_start3A_126 = tpu.memref_slice %arg17[%mul3A_2, %dma_start3A_125] : memref<10112x128xf32, #tpu.memory_space<vmem_shared>> -> memref<632x128xf32, #tpu.memory_space<vmem_shared>>
      tpu.enqueue_dma source(%arg5 : memref<632x128xf32, #tpu.memory_space<hbm>>) target(%dma_start3A_126 : memref<632x128xf32, #tpu.memory_space<vmem_shared>>) target_semaphore(%run_scoped3A : memref<!tpu.dma_semaphore, #tpu.memory_space<semaphore_mem>>)
      %dma_wait3A_127 = arith.constant 0 : i32
      %dma_wait3A_128 = tpu.memref_slice %arg17[%mul3A_2, %dma_wait3A_127] : memref<10112x128xf32, #tpu.memory_space<vmem_shared>> -> memref<632x128xf32, #tpu.memory_space<vmem_shared>>
      tpu.wait_dma2 semaphore(%run_scoped3A : memref<!tpu.dma_semaphore, #tpu.memory_space<semaphore_mem>>) src(%arg5 : memref<632x128xf32, #tpu.memory_space<hbm>>) dst(%dma_wait3A_128 : memref<632x128xf32, #tpu.memory_space<vmem_shared>>)
      tpu.yield
    }) : () -> ()
    %barrier3A = arith.constant 0 : index
    tpu.barrier barrier_id(%barrier3A)
    %mul3A_5 = arith.constant 10000 : i32
    %mul3A_6 = arith.muli %add3A, %mul3A_5 : i32
    %add3A_7 = arith.constant 0 : i32
    %add3A_8 = arith.addi %mul3A_6, %add3A_7 : i32
    "tpu.region"() ({
      %run_scoped3A = tpu.sem_alloc : memref<!tpu.dma_semaphore, #tpu.memory_space<semaphore_mem>>
      %dma_start3A_125 = tpu.memref_slice %arg3[%add3A_8] : memref<320000xi32, #tpu.memory_space<hbm>> -> memref<64xi32, #tpu.memory_space<hbm>>
      %dma_start3A_126 = tpu.memref_slice %arg3[%add3A_8] : memref<320000xi32, #tpu.memory_space<hbm>> -> memref<64xi32, #tpu.memory_space<hbm>>
      tpu.enqueue_dma source(%dma_start3A_126 : memref<64xi32, #tpu.memory_space<hbm>>) target(%arg8 : memref<64xi32, #tpu.memory_space<vmem>>) target_semaphore(%run_scoped3A : memref<!tpu.dma_semaphore, #tpu.memory_space<semaphore_mem>>)
      %dma_wait3A_127 = tpu.memref_slice %arg3[%add3A_8] : memref<320000xi32, #tpu.memory_space<hbm>> -> memref<64xi32, #tpu.memory_space<hbm>>
      %dma_wait3A_128 = tpu.memref_slice %arg3[%add3A_8] : memref<320000xi32, #tpu.memory_space<hbm>> -> memref<64xi32, #tpu.memory_space<hbm>>
      tpu.wait_dma2 semaphore(%run_scoped3A : memref<!tpu.dma_semaphore, #tpu.memory_space<semaphore_mem>>) src(%dma_wait3A_128 : memref<64xi32, #tpu.memory_space<hbm>>) dst(%arg8 : memref<64xi32, #tpu.memory_space<vmem>>)
      tpu.yield
    }) : () -> ()
    %dma_start3A = arith.constant 0 : i32
    %dma_start3A_9 = tpu.memref_slice %arg7[%dma_start3A] : memref<10000xi32, #tpu.memory_space<vmem>> -> memref<64xi32, #tpu.memory_space<vmem>>
    %dma_start3A_10 = arith.constant 0 : i32
    %dma_start3A_11 = arith.constant 0 : i32
    %dma_start3A_12 = tpu.memref_slice %arg4[%dma_start3A_10, %dma_start3A_11] : memref<10000x128xf32, #tpu.memory_space<hbm>> -> memref<10000x128xf32, #tpu.memory_space<hbm>>
    tpu.enqueue_indirect_dma source(%dma_start3A_12 : memref<10000x128xf32, #tpu.memory_space<hbm>>) target(%arg13 : memref<64x128xf32, #tpu.memory_space<vmem>>) offsets(%dma_start3A_9 : memref<64xi32, #tpu.memory_space<vmem>>) semaphore(%arg18 : memref<!tpu.dma_semaphore, #tpu.memory_space<semaphore_mem>>)
    %mul3A_13 = arith.constant 10000 : i32
    %mul3A_14 = arith.muli %add3A, %mul3A_13 : i32
    %add3A_15 = arith.constant 64 : i32
    %add3A_16 = arith.addi %mul3A_14, %add3A_15 : i32
    "tpu.region"() ({
      %run_scoped3A = tpu.sem_alloc : memref<!tpu.dma_semaphore, #tpu.memory_space<semaphore_mem>>
      %dma_start3A_125 = tpu.memref_slice %arg3[%add3A_16] : memref<320000xi32, #tpu.memory_space<hbm>> -> memref<64xi32, #tpu.memory_space<hbm>>
      %dma_start3A_126 = tpu.memref_slice %arg3[%add3A_16] : memref<320000xi32, #tpu.memory_space<hbm>> -> memref<64xi32, #tpu.memory_space<hbm>>
      tpu.enqueue_dma source(%dma_start3A_126 : memref<64xi32, #tpu.memory_space<hbm>>) target(%arg9 : memref<64xi32, #tpu.memory_space<vmem>>) target_semaphore(%run_scoped3A : memref<!tpu.dma_semaphore, #tpu.memory_space<semaphore_mem>>)
      %dma_wait3A_127 = tpu.memref_slice %arg3[%add3A_16] : memref<320000xi32, #tpu.memory_space<hbm>> -> memref<64xi32, #tpu.memory_space<hbm>>
      %dma_wait3A_128 = tpu.memref_slice %arg3[%add3A_16] : memref<320000xi32, #tpu.memory_space<hbm>> -> memref<64xi32, #tpu.memory_space<hbm>>
      tpu.wait_dma2 semaphore(%run_scoped3A : memref<!tpu.dma_semaphore, #tpu.memory_space<semaphore_mem>>) src(%dma_wait3A_128 : memref<64xi32, #tpu.memory_space<hbm>>) dst(%arg9 : memref<64xi32, #tpu.memory_space<vmem>>)
      tpu.yield
    }) : () -> ()
    %dma_start3A_17 = arith.constant 64 : i32
    %dma_start3A_18 = tpu.memref_slice %arg7[%dma_start3A_17] : memref<10000xi32, #tpu.memory_space<vmem>> -> memref<64xi32, #tpu.memory_space<vmem>>
    %dma_start3A_19 = arith.constant 0 : i32
    %dma_start3A_20 = arith.constant 0 : i32
    %dma_start3A_21 = tpu.memref_slice %arg4[%dma_start3A_19, %dma_start3A_20] : memref<10000x128xf32, #tpu.memory_space<hbm>> -> memref<10000x128xf32, #tpu.memory_space<hbm>>
    tpu.enqueue_indirect_dma source(%dma_start3A_21 : memref<10000x128xf32, #tpu.memory_space<hbm>>) target(%arg14 : memref<64x128xf32, #tpu.memory_space<vmem>>) offsets(%dma_start3A_18 : memref<64xi32, #tpu.memory_space<vmem>>) semaphore(%arg19 : memref<!tpu.dma_semaphore, #tpu.memory_space<semaphore_mem>>)
    %mul3A_22 = arith.constant 10000 : i32
    %mul3A_23 = arith.muli %add3A, %mul3A_22 : i32
    %add3A_24 = arith.constant 128 : i32
    %add3A_25 = arith.addi %mul3A_23, %add3A_24 : i32
    "tpu.region"() ({
      %run_scoped3A = tpu.sem_alloc : memref<!tpu.dma_semaphore, #tpu.memory_space<semaphore_mem>>
      %dma_start3A_125 = tpu.memref_slice %arg3[%add3A_25] : memref<320000xi32, #tpu.memory_space<hbm>> -> memref<64xi32, #tpu.memory_space<hbm>>
      %dma_start3A_126 = tpu.memref_slice %arg3[%add3A_25] : memref<320000xi32, #tpu.memory_space<hbm>> -> memref<64xi32, #tpu.memory_space<hbm>>
      tpu.enqueue_dma source(%dma_start3A_126 : memref<64xi32, #tpu.memory_space<hbm>>) target(%arg10 : memref<64xi32, #tpu.memory_space<vmem>>) target_semaphore(%run_scoped3A : memref<!tpu.dma_semaphore, #tpu.memory_space<semaphore_mem>>)
      %dma_wait3A_127 = tpu.memref_slice %arg3[%add3A_25] : memref<320000xi32, #tpu.memory_space<hbm>> -> memref<64xi32, #tpu.memory_space<hbm>>
      %dma_wait3A_128 = tpu.memref_slice %arg3[%add3A_25] : memref<320000xi32, #tpu.memory_space<hbm>> -> memref<64xi32, #tpu.memory_space<hbm>>
      tpu.wait_dma2 semaphore(%run_scoped3A : memref<!tpu.dma_semaphore, #tpu.memory_space<semaphore_mem>>) src(%dma_wait3A_128 : memref<64xi32, #tpu.memory_space<hbm>>) dst(%arg10 : memref<64xi32, #tpu.memory_space<vmem>>)
      tpu.yield
    }) : () -> ()
    %dma_start3A_26 = arith.constant 128 : i32
    %dma_start3A_27 = tpu.memref_slice %arg7[%dma_start3A_26] : memref<10000xi32, #tpu.memory_space<vmem>> -> memref<64xi32, #tpu.memory_space<vmem>>
    %dma_start3A_28 = arith.constant 0 : i32
    %dma_start3A_29 = arith.constant 0 : i32
    %dma_start3A_30 = tpu.memref_slice %arg4[%dma_start3A_28, %dma_start3A_29] : memref<10000x128xf32, #tpu.memory_space<hbm>> -> memref<10000x128xf32, #tpu.memory_space<hbm>>
    tpu.enqueue_indirect_dma source(%dma_start3A_30 : memref<10000x128xf32, #tpu.memory_space<hbm>>) target(%arg15 : memref<64x128xf32, #tpu.memory_space<vmem>>) offsets(%dma_start3A_27 : memref<64xi32, #tpu.memory_space<vmem>>) semaphore(%arg20 : memref<!tpu.dma_semaphore, #tpu.memory_space<semaphore_mem>>)
    %mul3A_31 = arith.constant 10000 : i32
    %mul3A_32 = arith.muli %add3A, %mul3A_31 : i32
    %add3A_33 = arith.constant 192 : i32
    %add3A_34 = arith.addi %mul3A_32, %add3A_33 : i32
    "tpu.region"() ({
      %run_scoped3A = tpu.sem_alloc : memref<!tpu.dma_semaphore, #tpu.memory_space<semaphore_mem>>
      %dma_start3A_125 = tpu.memref_slice %arg3[%add3A_34] : memref<320000xi32, #tpu.memory_space<hbm>> -> memref<64xi32, #tpu.memory_space<hbm>>
      %dma_start3A_126 = tpu.memref_slice %arg3[%add3A_34] : memref<320000xi32, #tpu.memory_space<hbm>> -> memref<64xi32, #tpu.memory_space<hbm>>
      tpu.enqueue_dma source(%dma_start3A_126 : memref<64xi32, #tpu.memory_space<hbm>>) target(%arg11 : memref<64xi32, #tpu.memory_space<vmem>>) target_semaphore(%run_scoped3A : memref<!tpu.dma_semaphore, #tpu.memory_space<semaphore_mem>>)
      %dma_wait3A_127 = tpu.memref_slice %arg3[%add3A_34] : memref<320000xi32, #tpu.memory_space<hbm>> -> memref<64xi32, #tpu.memory_space<hbm>>
      %dma_wait3A_128 = tpu.memref_slice %arg3[%add3A_34] : memref<320000xi32, #tpu.memory_space<hbm>> -> memref<64xi32, #tpu.memory_space<hbm>>
      tpu.wait_dma2 semaphore(%run_scoped3A : memref<!tpu.dma_semaphore, #tpu.memory_space<semaphore_mem>>) src(%dma_wait3A_128 : memref<64xi32, #tpu.memory_space<hbm>>) dst(%arg11 : memref<64xi32, #tpu.memory_space<vmem>>)
      tpu.yield
    }) : () -> ()
    %dma_start3A_35 = arith.constant 192 : i32
    %dma_start3A_36 = tpu.memref_slice %arg7[%dma_start3A_35] : memref<10000xi32, #tpu.memory_space<vmem>> -> memref<64xi32, #tpu.memory_space<vmem>>
    %dma_start3A_37 = arith.constant 0 : i32
    %dma_start3A_38 = arith.constant 0 : i32
    %dma_start3A_39 = tpu.memref_slice %arg4[%dma_start3A_37, %dma_start3A_38] : memref<10000x128xf32, #tpu.memory_space<hbm>> -> memref<10000x128xf32, #tpu.memory_space<hbm>>
    tpu.enqueue_indirect_dma source(%dma_start3A_39 : memref<10000x128xf32, #tpu.memory_space<hbm>>) target(%arg16 : memref<64x128xf32, #tpu.memory_space<vmem>>) offsets(%dma_start3A_36 : memref<64xi32, #tpu.memory_space<vmem>>) semaphore(%arg21 : memref<!tpu.dma_semaphore, #tpu.memory_space<semaphore_mem>>)
    %scan3A = arith.constant 0 : i32
    %scan3A_40 = arith.constant 0 : i32
    %scan3A_41 = arith.constant 38 : i32
    %scan3A_42 = arith.addi %scan3A_40, %scan3A_41 : i32
    %scan3A_43 = arith.constant 1 : i32
    scf.for %scan3A_125 = %scan3A_40 to %scan3A_42 step %scan3A_43  : i32 {
      %dma_wait3A_126 = arith.constant 0 : i32
      %dma_wait3A_127 = tpu.memref_slice %arg7[%dma_wait3A_126] : memref<10000xi32, #tpu.memory_space<vmem>> -> memref<64xi32, #tpu.memory_space<vmem>>
      %dma_wait3A_128 = arith.constant 0 : i32
      %dma_wait3A_129 = arith.constant 0 : i32
      %dma_wait3A_130 = tpu.memref_slice %arg4[%dma_wait3A_128, %dma_wait3A_129] : memref<10000x128xf32, #tpu.memory_space<hbm>> -> memref<10000x128xf32, #tpu.memory_space<hbm>>
      tpu.wait_indirect_dma semaphore(%arg18 : memref<!tpu.dma_semaphore, #tpu.memory_space<semaphore_mem>>) src(%dma_wait3A_130 : memref<10000x128xf32, #tpu.memory_space<hbm>>) dst(%arg13 : memref<64x128xf32, #tpu.memory_space<vmem>>)
      %dma_start3A_131 = arith.constant 0 : i32
      %dma_start3A_132 = arith.constant 0 : i32
      %dma_start3A_133 = tpu.memref_slice %arg17[%dma_start3A_131, %dma_start3A_132] : memref<10112x128xf32, #tpu.memory_space<vmem_shared>> -> memref<10112x128xf32, #tpu.memory_space<vmem_shared>>
      tpu.enqueue_indirect_dma source(%arg13 : memref<64x128xf32, #tpu.memory_space<vmem>>) target(%dma_start3A_133 : memref<10112x128xf32, #tpu.memory_space<vmem_shared>>) offsets(%arg8 : memref<64xi32, #tpu.memory_space<vmem>>) semaphore(%arg22 : memref<!tpu.dma_semaphore, #tpu.memory_space<semaphore_mem>>) {add = true}
      %dma_wait3A_134 = arith.constant 64 : i32
      %dma_wait3A_135 = tpu.memref_slice %arg7[%dma_wait3A_134] : memref<10000xi32, #tpu.memory_space<vmem>> -> memref<64xi32, #tpu.memory_space<vmem>>
      %dma_wait3A_136 = arith.constant 0 : i32
      %dma_wait3A_137 = arith.constant 0 : i32
      %dma_wait3A_138 = tpu.memref_slice %arg4[%dma_wait3A_136, %dma_wait3A_137] : memref<10000x128xf32, #tpu.memory_space<hbm>> -> memref<10000x128xf32, #tpu.memory_space<hbm>>
      tpu.wait_indirect_dma semaphore(%arg19 : memref<!tpu.dma_semaphore, #tpu.memory_space<semaphore_mem>>) src(%dma_wait3A_138 : memref<10000x128xf32, #tpu.memory_space<hbm>>) dst(%arg14 : memref<64x128xf32, #tpu.memory_space<vmem>>)
      %dma_start3A_139 = arith.constant 0 : i32
      %dma_start3A_140 = arith.constant 0 : i32
      %dma_start3A_141 = tpu.memref_slice %arg17[%dma_start3A_139, %dma_start3A_140] : memref<10112x128xf32, #tpu.memory_space<vmem_shared>> -> memref<10112x128xf32, #tpu.memory_space<vmem_shared>>
      tpu.enqueue_indirect_dma source(%arg14 : memref<64x128xf32, #tpu.memory_space<vmem>>) target(%dma_start3A_141 : memref<10112x128xf32, #tpu.memory_space<vmem_shared>>) offsets(%arg9 : memref<64xi32, #tpu.memory_space<vmem>>) semaphore(%arg23 : memref<!tpu.dma_semaphore, #tpu.memory_space<semaphore_mem>>) {add = true}
      %dma_wait3A_142 = arith.constant 128 : i32
      %dma_wait3A_143 = tpu.memref_slice %arg7[%dma_wait3A_142] : memref<10000xi32, #tpu.memory_space<vmem>> -> memref<64xi32, #tpu.memory_space<vmem>>
      %dma_wait3A_144 = arith.constant 0 : i32
      %dma_wait3A_145 = arith.constant 0 : i32
      %dma_wait3A_146 = tpu.memref_slice %arg4[%dma_wait3A_144, %dma_wait3A_145] : memref<10000x128xf32, #tpu.memory_space<hbm>> -> memref<10000x128xf32, #tpu.memory_space<hbm>>
      tpu.wait_indirect_dma semaphore(%arg20 : memref<!tpu.dma_semaphore, #tpu.memory_space<semaphore_mem>>) src(%dma_wait3A_146 : memref<10000x128xf32, #tpu.memory_space<hbm>>) dst(%arg15 : memref<64x128xf32, #tpu.memory_space<vmem>>)
      %dma_start3A_147 = arith.constant 0 : i32
      %dma_start3A_148 = arith.constant 0 : i32
      %dma_start3A_149 = tpu.memref_slice %arg17[%dma_start3A_147, %dma_start3A_148] : memref<10112x128xf32, #tpu.memory_space<vmem_shared>> -> memref<10112x128xf32, #tpu.memory_space<vmem_shared>>
      tpu.enqueue_indirect_dma source(%arg15 : memref<64x128xf32, #tpu.memory_space<vmem>>) target(%dma_start3A_149 : memref<10112x128xf32, #tpu.memory_space<vmem_shared>>) offsets(%arg10 : memref<64xi32, #tpu.memory_space<vmem>>) semaphore(%arg24 : memref<!tpu.dma_semaphore, #tpu.memory_space<semaphore_mem>>) {add = true}
      %dma_wait3A_150 = arith.constant 192 : i32
      %dma_wait3A_151 = tpu.memref_slice %arg7[%dma_wait3A_150] : memref<10000xi32, #tpu.memory_space<vmem>> -> memref<64xi32, #tpu.memory_space<vmem>>
      %dma_wait3A_152 = arith.constant 0 : i32
      %dma_wait3A_153 = arith.constant 0 : i32
      %dma_wait3A_154 = tpu.memref_slice %arg4[%dma_wait3A_152, %dma_wait3A_153] : memref<10000x128xf32, #tpu.memory_space<hbm>> -> memref<10000x128xf32, #tpu.memory_space<hbm>>
      tpu.wait_indirect_dma semaphore(%arg21 : memref<!tpu.dma_semaphore, #tpu.memory_space<semaphore_mem>>) src(%dma_wait3A_154 : memref<10000x128xf32, #tpu.memory_space<hbm>>) dst(%arg16 : memref<64x128xf32, #tpu.memory_space<vmem>>)
      %dma_start3A_155 = arith.constant 0 : i32
      %dma_start3A_156 = arith.constant 0 : i32
      %dma_start3A_157 = tpu.memref_slice %arg17[%dma_start3A_155, %dma_start3A_156] : memref<10112x128xf32, #tpu.memory_space<vmem_shared>> -> memref<10112x128xf32, #tpu.memory_space<vmem_shared>>
      tpu.enqueue_indirect_dma source(%arg16 : memref<64x128xf32, #tpu.memory_space<vmem>>) target(%dma_start3A_157 : memref<10112x128xf32, #tpu.memory_space<vmem_shared>>) offsets(%arg11 : memref<64xi32, #tpu.memory_space<vmem>>) semaphore(%arg25 : memref<!tpu.dma_semaphore, #tpu.memory_space<semaphore_mem>>) {add = true}
      %dma_wait3A_158 = arith.constant 0 : i32
      %dma_wait3A_159 = arith.constant 0 : i32
      %dma_wait3A_160 = tpu.memref_slice %arg17[%dma_wait3A_158, %dma_wait3A_159] : memref<10112x128xf32, #tpu.memory_space<vmem_shared>> -> memref<10112x128xf32, #tpu.memory_space<vmem_shared>>
      tpu.wait_indirect_dma semaphore(%arg22 : memref<!tpu.dma_semaphore, #tpu.memory_space<semaphore_mem>>) src(%arg13 : memref<64x128xf32, #tpu.memory_space<vmem>>) dst(%dma_wait3A_160 : memref<10112x128xf32, #tpu.memory_space<vmem_shared>>)
      %add3A_161 = arith.constant 1 : i32
      %add3A_162 = arith.addi %scan3A_125, %add3A_161 : i32
      %mul3A_163 = arith.constant 4 : i32
      %mul3A_164 = arith.muli %mul3A_163, %add3A_162 : i32
      %add3A_165 = arith.constant 0 : i32
      %add3A_166 = arith.addi %mul3A_164, %add3A_165 : i32
      %mul3A_167 = arith.constant 64 : i32
      %mul3A_168 = arith.muli %add3A_166, %mul3A_167 : i32
      %mul3A_169 = arith.constant 10000 : i32
      %mul3A_170 = arith.muli %add3A, %mul3A_169 : i32
      %add3A_171 = arith.addi %mul3A_170, %mul3A_168 : i32
      "tpu.region"() ({
        %run_scoped3A = tpu.sem_alloc : memref<!tpu.dma_semaphore, #tpu.memory_space<semaphore_mem>>
        %dma_start3A_230 = tpu.memref_slice %arg3[%add3A_171] : memref<320000xi32, #tpu.memory_space<hbm>> -> memref<64xi32, #tpu.memory_space<hbm>>
        %dma_start3A_231 = tpu.memref_slice %arg3[%add3A_171] : memref<320000xi32, #tpu.memory_space<hbm>> -> memref<64xi32, #tpu.memory_space<hbm>>
        tpu.enqueue_dma source(%dma_start3A_231 : memref<64xi32, #tpu.memory_space<hbm>>) target(%arg8 : memref<64xi32, #tpu.memory_space<vmem>>) target_semaphore(%run_scoped3A : memref<!tpu.dma_semaphore, #tpu.memory_space<semaphore_mem>>)
        %dma_wait3A_232 = tpu.memref_slice %arg3[%add3A_171] : memref<320000xi32, #tpu.memory_space<hbm>> -> memref<64xi32, #tpu.memory_space<hbm>>
        %dma_wait3A_233 = tpu.memref_slice %arg3[%add3A_171] : memref<320000xi32, #tpu.memory_space<hbm>> -> memref<64xi32, #tpu.memory_space<hbm>>
        tpu.wait_dma2 semaphore(%run_scoped3A : memref<!tpu.dma_semaphore, #tpu.memory_space<semaphore_mem>>) src(%dma_wait3A_233 : memref<64xi32, #tpu.memory_space<hbm>>) dst(%arg8 : memref<64xi32, #tpu.memory_space<vmem>>)
        tpu.yield
      }) : () -> ()
      %dma_start3A_172 = tpu.memref_slice %arg7[%mul3A_168] : memref<10000xi32, #tpu.memory_space<vmem>> -> memref<64xi32, #tpu.memory_space<vmem>>
      %dma_start3A_173 = arith.constant 0 : i32
      %dma_start3A_174 = arith.constant 0 : i32
      %dma_start3A_175 = tpu.memref_slice %arg4[%dma_start3A_173, %dma_start3A_174] : memref<10000x128xf32, #tpu.memory_space<hbm>> -> memref<10000x128xf32, #tpu.memory_space<hbm>>
      tpu.enqueue_indirect_dma source(%dma_start3A_175 : memref<10000x128xf32, #tpu.memory_space<hbm>>) target(%arg13 : memref<64x128xf32, #tpu.memory_space<vmem>>) offsets(%dma_start3A_172 : memref<64xi32, #tpu.memory_space<vmem>>) semaphore(%arg18 : memref<!tpu.dma_semaphore, #tpu.memory_space<semaphore_mem>>)
      %dma_wait3A_176 = arith.constant 0 : i32
      %dma_wait3A_177 = arith.constant 0 : i32
      %dma_wait3A_178 = tpu.memref_slice %arg17[%dma_wait3A_176, %dma_wait3A_177] : memref<10112x128xf32, #tpu.memory_space<vmem_shared>> -> memref<10112x128xf32, #tpu.memory_space<vmem_shared>>
      tpu.wait_indirect_dma semaphore(%arg23 : memref<!tpu.dma_semaphore, #tpu.memory_space<semaphore_mem>>) src(%arg14 : memref<64x128xf32, #tpu.memory_space<vmem>>) dst(%dma_wait3A_178 : memref<10112x128xf32, #tpu.memory_space<vmem_shared>>)
      %add3A_179 = arith.constant 1 : i32
      %add3A_180 = arith.addi %scan3A_125, %add3A_179 : i32
      %mul3A_181 = arith.constant 4 : i32
      %mul3A_182 = arith.muli %mul3A_181, %add3A_180 : i32
      %add3A_183 = arith.constant 1 : i32
      %add3A_184 = arith.addi %mul3A_182, %add3A_183 : i32
      %mul3A_185 = arith.constant 64 : i32
      %mul3A_186 = arith.muli %add3A_184, %mul3A_185 : i32
      %mul3A_187 = arith.constant 10000 : i32
      %mul3A_188 = arith.muli %add3A, %mul3A_187 : i32
      %add3A_189 = arith.addi %mul3A_188, %mul3A_186 : i32
      "tpu.region"() ({
        %run_scoped3A = tpu.sem_alloc : memref<!tpu.dma_semaphore, #tpu.memory_space<semaphore_mem>>
        %dma_start3A_230 = tpu.memref_slice %arg3[%add3A_189] : memref<320000xi32, #tpu.memory_space<hbm>> -> memref<64xi32, #tpu.memory_space<hbm>>
        %dma_start3A_231 = tpu.memref_slice %arg3[%add3A_189] : memref<320000xi32, #tpu.memory_space<hbm>> -> memref<64xi32, #tpu.memory_space<hbm>>
        tpu.enqueue_dma source(%dma_start3A_231 : memref<64xi32, #tpu.memory_space<hbm>>) target(%arg9 : memref<64xi32, #tpu.memory_space<vmem>>) target_semaphore(%run_scoped3A : memref<!tpu.dma_semaphore, #tpu.memory_space<semaphore_mem>>)
        %dma_wait3A_232 = tpu.memref_slice %arg3[%add3A_189] : memref<320000xi32, #tpu.memory_space<hbm>> -> memref<64xi32, #tpu.memory_space<hbm>>
        %dma_wait3A_233 = tpu.memref_slice %arg3[%add3A_189] : memref<320000xi32, #tpu.memory_space<hbm>> -> memref<64xi32, #tpu.memory_space<hbm>>
        tpu.wait_dma2 semaphore(%run_scoped3A : memref<!tpu.dma_semaphore, #tpu.memory_space<semaphore_mem>>) src(%dma_wait3A_233 : memref<64xi32, #tpu.memory_space<hbm>>) dst(%arg9 : memref<64xi32, #tpu.memory_space<vmem>>)
        tpu.yield
      }) : () -> ()
      %dma_start3A_190 = tpu.memref_slice %arg7[%mul3A_186] : memref<10000xi32, #tpu.memory_space<vmem>> -> memref<64xi32, #tpu.memory_space<vmem>>
      %dma_start3A_191 = arith.constant 0 : i32
      %dma_start3A_192 = arith.constant 0 : i32
      %dma_start3A_193 = tpu.memref_slice %arg4[%dma_start3A_191, %dma_start3A_192] : memref<10000x128xf32, #tpu.memory_space<hbm>> -> memref<10000x128xf32, #tpu.memory_space<hbm>>
      tpu.enqueue_indirect_dma source(%dma_start3A_193 : memref<10000x128xf32, #tpu.memory_space<hbm>>) target(%arg14 : memref<64x128xf32, #tpu.memory_space<vmem>>) offsets(%dma_start3A_190 : memref<64xi32, #tpu.memory_space<vmem>>) semaphore(%arg19 : memref<!tpu.dma_semaphore, #tpu.memory_space<semaphore_mem>>)
      %dma_wait3A_194 = arith.constant 0 : i32
      %dma_wait3A_195 = arith.constant 0 : i32
      %dma_wait3A_196 = tpu.memref_slice %arg17[%dma_wait3A_194, %dma_wait3A_195] : memref<10112x128xf32, #tpu.memory_space<vmem_shared>> -> memref<10112x128xf32, #tpu.memory_space<vmem_shared>>
      tpu.wait_indirect_dma semaphore(%arg24 : memref<!tpu.dma_semaphore, #tpu.memory_space<semaphore_mem>>) src(%arg15 : memref<64x128xf32, #tpu.memory_space<vmem>>) dst(%dma_wait3A_196 : memref<10112x128xf32, #tpu.memory_space<vmem_shared>>)
      %add3A_197 = arith.constant 1 : i32
      %add3A_198 = arith.addi %scan3A_125, %add3A_197 : i32
      %mul3A_199 = arith.constant 4 : i32
      %mul3A_200 = arith.muli %mul3A_199, %add3A_198 : i32
      %add3A_201 = arith.constant 2 : i32
      %add3A_202 = arith.addi %mul3A_200, %add3A_201 : i32
      %mul3A_203 = arith.constant 64 : i32
      %mul3A_204 = arith.muli %add3A_202, %mul3A_203 : i32
      %mul3A_205 = arith.constant 10000 : i32
      %mul3A_206 = arith.muli %add3A, %mul3A_205 : i32
      %add3A_207 = arith.addi %mul3A_206, %mul3A_204 : i32
      "tpu.region"() ({
        %run_scoped3A = tpu.sem_alloc : memref<!tpu.dma_semaphore, #tpu.memory_space<semaphore_mem>>
        %dma_start3A_230 = tpu.memref_slice %arg3[%add3A_207] : memref<320000xi32, #tpu.memory_space<hbm>> -> memref<64xi32, #tpu.memory_space<hbm>>
        %dma_start3A_231 = tpu.memref_slice %arg3[%add3A_207] : memref<320000xi32, #tpu.memory_space<hbm>> -> memref<64xi32, #tpu.memory_space<hbm>>
        tpu.enqueue_dma source(%dma_start3A_231 : memref<64xi32, #tpu.memory_space<hbm>>) target(%arg10 : memref<64xi32, #tpu.memory_space<vmem>>) target_semaphore(%run_scoped3A : memref<!tpu.dma_semaphore, #tpu.memory_space<semaphore_mem>>)
        %dma_wait3A_232 = tpu.memref_slice %arg3[%add3A_207] : memref<320000xi32, #tpu.memory_space<hbm>> -> memref<64xi32, #tpu.memory_space<hbm>>
        %dma_wait3A_233 = tpu.memref_slice %arg3[%add3A_207] : memref<320000xi32, #tpu.memory_space<hbm>> -> memref<64xi32, #tpu.memory_space<hbm>>
        tpu.wait_dma2 semaphore(%run_scoped3A : memref<!tpu.dma_semaphore, #tpu.memory_space<semaphore_mem>>) src(%dma_wait3A_233 : memref<64xi32, #tpu.memory_space<hbm>>) dst(%arg10 : memref<64xi32, #tpu.memory_space<vmem>>)
        tpu.yield
      }) : () -> ()
      %dma_start3A_208 = tpu.memref_slice %arg7[%mul3A_204] : memref<10000xi32, #tpu.memory_space<vmem>> -> memref<64xi32, #tpu.memory_space<vmem>>
      %dma_start3A_209 = arith.constant 0 : i32
      %dma_start3A_210 = arith.constant 0 : i32
      %dma_start3A_211 = tpu.memref_slice %arg4[%dma_start3A_209, %dma_start3A_210] : memref<10000x128xf32, #tpu.memory_space<hbm>> -> memref<10000x128xf32, #tpu.memory_space<hbm>>
      tpu.enqueue_indirect_dma source(%dma_start3A_211 : memref<10000x128xf32, #tpu.memory_space<hbm>>) target(%arg15 : memref<64x128xf32, #tpu.memory_space<vmem>>) offsets(%dma_start3A_208 : memref<64xi32, #tpu.memory_space<vmem>>) semaphore(%arg20 : memref<!tpu.dma_semaphore, #tpu.memory_space<semaphore_mem>>)
      %dma_wait3A_212 = arith.constant 0 : i32
      %dma_wait3A_213 = arith.constant 0 : i32
      %dma_wait3A_214 = tpu.memref_slice %arg17[%dma_wait3A_212, %dma_wait3A_213] : memref<10112x128xf32, #tpu.memory_space<vmem_shared>> -> memref<10112x128xf32, #tpu.memory_space<vmem_shared>>
      tpu.wait_indirect_dma semaphore(%arg25 : memref<!tpu.dma_semaphore, #tpu.memory_space<semaphore_mem>>) src(%arg16 : memref<64x128xf32, #tpu.memory_space<vmem>>) dst(%dma_wait3A_214 : memref<10112x128xf32, #tpu.memory_space<vmem_shared>>)
      %add3A_215 = arith.constant 1 : i32
      %add3A_216 = arith.addi %scan3A_125, %add3A_215 : i32
      %mul3A_217 = arith.constant 4 : i32
      %mul3A_218 = arith.muli %mul3A_217, %add3A_216 : i32
      %add3A_219 = arith.constant 3 : i32
      %add3A_220 = arith.addi %mul3A_218, %add3A_219 : i32
      %mul3A_221 = arith.constant 64 : i32
      %mul3A_222 = arith.muli %add3A_220, %mul3A_221 : i32
      %mul3A_223 = arith.constant 10000 : i32
      %mul3A_224 = arith.muli %add3A, %mul3A_223 : i32
      %add3A_225 = arith.addi %mul3A_224, %mul3A_222 : i32
      "tpu.region"() ({
        %run_scoped3A = tpu.sem_alloc : memref<!tpu.dma_semaphore, #tpu.memory_space<semaphore_mem>>
        %dma_start3A_230 = tpu.memref_slice %arg3[%add3A_225] : memref<320000xi32, #tpu.memory_space<hbm>> -> memref<64xi32, #tpu.memory_space<hbm>>
        %dma_start3A_231 = tpu.memref_slice %arg3[%add3A_225] : memref<320000xi32, #tpu.memory_space<hbm>> -> memref<64xi32, #tpu.memory_space<hbm>>
        tpu.enqueue_dma source(%dma_start3A_231 : memref<64xi32, #tpu.memory_space<hbm>>) target(%arg11 : memref<64xi32, #tpu.memory_space<vmem>>) target_semaphore(%run_scoped3A : memref<!tpu.dma_semaphore, #tpu.memory_space<semaphore_mem>>)
        %dma_wait3A_232 = tpu.memref_slice %arg3[%add3A_225] : memref<320000xi32, #tpu.memory_space<hbm>> -> memref<64xi32, #tpu.memory_space<hbm>>
        %dma_wait3A_233 = tpu.memref_slice %arg3[%add3A_225] : memref<320000xi32, #tpu.memory_space<hbm>> -> memref<64xi32, #tpu.memory_space<hbm>>
        tpu.wait_dma2 semaphore(%run_scoped3A : memref<!tpu.dma_semaphore, #tpu.memory_space<semaphore_mem>>) src(%dma_wait3A_233 : memref<64xi32, #tpu.memory_space<hbm>>) dst(%arg11 : memref<64xi32, #tpu.memory_space<vmem>>)
        tpu.yield
      }) : () -> ()
      %dma_start3A_226 = tpu.memref_slice %arg7[%mul3A_222] : memref<10000xi32, #tpu.memory_space<vmem>> -> memref<64xi32, #tpu.memory_space<vmem>>
      %dma_start3A_227 = arith.constant 0 : i32
      %dma_start3A_228 = arith.constant 0 : i32
      %dma_start3A_229 = tpu.memref_slice %arg4[%dma_start3A_227, %dma_start3A_228] : memref<10000x128xf32, #tpu.memory_space<hbm>> -> memref<10000x128xf32, #tpu.memory_space<hbm>>
      tpu.enqueue_indirect_dma source(%dma_start3A_229 : memref<10000x128xf32, #tpu.memory_space<hbm>>) target(%arg16 : memref<64x128xf32, #tpu.memory_space<vmem>>) offsets(%dma_start3A_226 : memref<64xi32, #tpu.memory_space<vmem>>) semaphore(%arg21 : memref<!tpu.dma_semaphore, #tpu.memory_space<semaphore_mem>>)
    }
    %scan3A_44 = arith.constant 38 : i32
    %dma_wait3A = arith.constant 0 : i32
    %dma_wait3A_45 = tpu.memref_slice %arg7[%dma_wait3A] : memref<10000xi32, #tpu.memory_space<vmem>> -> memref<64xi32, #tpu.memory_space<vmem>>
    %dma_wait3A_46 = arith.constant 0 : i32
    %dma_wait3A_47 = arith.constant 0 : i32
    %dma_wait3A_48 = tpu.memref_slice %arg4[%dma_wait3A_46, %dma_wait3A_47] : memref<10000x128xf32, #tpu.memory_space<hbm>> -> memref<10000x128xf32, #tpu.memory_space<hbm>>
    tpu.wait_indirect_dma semaphore(%arg18 : memref<!tpu.dma_semaphore, #tpu.memory_space<semaphore_mem>>) src(%dma_wait3A_48 : memref<10000x128xf32, #tpu.memory_space<hbm>>) dst(%arg13 : memref<64x128xf32, #tpu.memory_space<vmem>>)
    "tpu.region"() ({
      %run_scoped3A = tpu.sem_alloc : memref<!tpu.dma_semaphore, #tpu.memory_space<semaphore_mem>>
      %dma_start3A_125 = arith.constant 0 : i32
      %dma_start3A_126 = arith.constant 0 : i32
      %dma_start3A_127 = tpu.memref_slice %arg17[%dma_start3A_125, %dma_start3A_126] : memref<10112x128xf32, #tpu.memory_space<vmem_shared>> -> memref<10112x128xf32, #tpu.memory_space<vmem_shared>>
      tpu.enqueue_indirect_dma source(%arg13 : memref<64x128xf32, #tpu.memory_space<vmem>>) target(%dma_start3A_127 : memref<10112x128xf32, #tpu.memory_space<vmem_shared>>) offsets(%arg8 : memref<64xi32, #tpu.memory_space<vmem>>) semaphore(%run_scoped3A : memref<!tpu.dma_semaphore, #tpu.memory_space<semaphore_mem>>) {add = true}
      %dma_wait3A_128 = arith.constant 0 : i32
      %dma_wait3A_129 = arith.constant 0 : i32
      %dma_wait3A_130 = tpu.memref_slice %arg17[%dma_wait3A_128, %dma_wait3A_129] : memref<10112x128xf32, #tpu.memory_space<vmem_shared>> -> memref<10112x128xf32, #tpu.memory_space<vmem_shared>>
      tpu.wait_indirect_dma semaphore(%run_scoped3A : memref<!tpu.dma_semaphore, #tpu.memory_space<semaphore_mem>>) src(%arg13 : memref<64x128xf32, #tpu.memory_space<vmem>>) dst(%dma_wait3A_130 : memref<10112x128xf32, #tpu.memory_space<vmem_shared>>)
      tpu.yield
    }) : () -> ()
    %dma_wait3A_49 = arith.constant 64 : i32
    %dma_wait3A_50 = tpu.memref_slice %arg7[%dma_wait3A_49] : memref<10000xi32, #tpu.memory_space<vmem>> -> memref<64xi32, #tpu.memory_space<vmem>>
    %dma_wait3A_51 = arith.constant 0 : i32
    %dma_wait3A_52 = arith.constant 0 : i32
    %dma_wait3A_53 = tpu.memref_slice %arg4[%dma_wait3A_51, %dma_wait3A_52] : memref<10000x128xf32, #tpu.memory_space<hbm>> -> memref<10000x128xf32, #tpu.memory_space<hbm>>
    tpu.wait_indirect_dma semaphore(%arg19 : memref<!tpu.dma_semaphore, #tpu.memory_space<semaphore_mem>>) src(%dma_wait3A_53 : memref<10000x128xf32, #tpu.memory_space<hbm>>) dst(%arg14 : memref<64x128xf32, #tpu.memory_space<vmem>>)
    "tpu.region"() ({
      %run_scoped3A = tpu.sem_alloc : memref<!tpu.dma_semaphore, #tpu.memory_space<semaphore_mem>>
      %dma_start3A_125 = arith.constant 0 : i32
      %dma_start3A_126 = arith.constant 0 : i32
      %dma_start3A_127 = tpu.memref_slice %arg17[%dma_start3A_125, %dma_start3A_126] : memref<10112x128xf32, #tpu.memory_space<vmem_shared>> -> memref<10112x128xf32, #tpu.memory_space<vmem_shared>>
      tpu.enqueue_indirect_dma source(%arg14 : memref<64x128xf32, #tpu.memory_space<vmem>>) target(%dma_start3A_127 : memref<10112x128xf32, #tpu.memory_space<vmem_shared>>) offsets(%arg9 : memref<64xi32, #tpu.memory_space<vmem>>) semaphore(%run_scoped3A : memref<!tpu.dma_semaphore, #tpu.memory_space<semaphore_mem>>) {add = true}
      %dma_wait3A_128 = arith.constant 0 : i32
      %dma_wait3A_129 = arith.constant 0 : i32
      %dma_wait3A_130 = tpu.memref_slice %arg17[%dma_wait3A_128, %dma_wait3A_129] : memref<10112x128xf32, #tpu.memory_space<vmem_shared>> -> memref<10112x128xf32, #tpu.memory_space<vmem_shared>>
      tpu.wait_indirect_dma semaphore(%run_scoped3A : memref<!tpu.dma_semaphore, #tpu.memory_space<semaphore_mem>>) src(%arg14 : memref<64x128xf32, #tpu.memory_space<vmem>>) dst(%dma_wait3A_130 : memref<10112x128xf32, #tpu.memory_space<vmem_shared>>)
      tpu.yield
    }) : () -> ()
    %dma_wait3A_54 = arith.constant 128 : i32
    %dma_wait3A_55 = tpu.memref_slice %arg7[%dma_wait3A_54] : memref<10000xi32, #tpu.memory_space<vmem>> -> memref<64xi32, #tpu.memory_space<vmem>>
    %dma_wait3A_56 = arith.constant 0 : i32
    %dma_wait3A_57 = arith.constant 0 : i32
    %dma_wait3A_58 = tpu.memref_slice %arg4[%dma_wait3A_56, %dma_wait3A_57] : memref<10000x128xf32, #tpu.memory_space<hbm>> -> memref<10000x128xf32, #tpu.memory_space<hbm>>
    tpu.wait_indirect_dma semaphore(%arg20 : memref<!tpu.dma_semaphore, #tpu.memory_space<semaphore_mem>>) src(%dma_wait3A_58 : memref<10000x128xf32, #tpu.memory_space<hbm>>) dst(%arg15 : memref<64x128xf32, #tpu.memory_space<vmem>>)
    "tpu.region"() ({
      %run_scoped3A = tpu.sem_alloc : memref<!tpu.dma_semaphore, #tpu.memory_space<semaphore_mem>>
      %dma_start3A_125 = arith.constant 0 : i32
      %dma_start3A_126 = arith.constant 0 : i32
      %dma_start3A_127 = tpu.memref_slice %arg17[%dma_start3A_125, %dma_start3A_126] : memref<10112x128xf32, #tpu.memory_space<vmem_shared>> -> memref<10112x128xf32, #tpu.memory_space<vmem_shared>>
      tpu.enqueue_indirect_dma source(%arg15 : memref<64x128xf32, #tpu.memory_space<vmem>>) target(%dma_start3A_127 : memref<10112x128xf32, #tpu.memory_space<vmem_shared>>) offsets(%arg10 : memref<64xi32, #tpu.memory_space<vmem>>) semaphore(%run_scoped3A : memref<!tpu.dma_semaphore, #tpu.memory_space<semaphore_mem>>) {add = true}
      %dma_wait3A_128 = arith.constant 0 : i32
      %dma_wait3A_129 = arith.constant 0 : i32
      %dma_wait3A_130 = tpu.memref_slice %arg17[%dma_wait3A_128, %dma_wait3A_129] : memref<10112x128xf32, #tpu.memory_space<vmem_shared>> -> memref<10112x128xf32, #tpu.memory_space<vmem_shared>>
      tpu.wait_indirect_dma semaphore(%run_scoped3A : memref<!tpu.dma_semaphore, #tpu.memory_space<semaphore_mem>>) src(%arg15 : memref<64x128xf32, #tpu.memory_space<vmem>>) dst(%dma_wait3A_130 : memref<10112x128xf32, #tpu.memory_space<vmem_shared>>)
      tpu.yield
    }) : () -> ()
    %dma_wait3A_59 = arith.constant 192 : i32
    %dma_wait3A_60 = tpu.memref_slice %arg7[%dma_wait3A_59] : memref<10000xi32, #tpu.memory_space<vmem>> -> memref<64xi32, #tpu.memory_space<vmem>>
    %dma_wait3A_61 = arith.constant 0 : i32
    %dma_wait3A_62 = arith.constant 0 : i32
    %dma_wait3A_63 = tpu.memref_slice %arg4[%dma_wait3A_61, %dma_wait3A_62] : memref<10000x128xf32, #tpu.memory_space<hbm>> -> memref<10000x128xf32, #tpu.memory_space<hbm>>
    tpu.wait_indirect_dma semaphore(%arg21 : memref<!tpu.dma_semaphore, #tpu.memory_space<semaphore_mem>>) src(%dma_wait3A_63 : memref<10000x128xf32, #tpu.memory_space<hbm>>) dst(%arg16 : memref<64x128xf32, #tpu.memory_space<vmem>>)
    "tpu.region"() ({
      %run_scoped3A = tpu.sem_alloc : memref<!tpu.dma_semaphore, #tpu.memory_space<semaphore_mem>>
      %dma_start3A_125 = arith.constant 0 : i32
      %dma_start3A_126 = arith.constant 0 : i32
      %dma_start3A_127 = tpu.memref_slice %arg17[%dma_start3A_125, %dma_start3A_126] : memref<10112x128xf32, #tpu.memory_space<vmem_shared>> -> memref<10112x128xf32, #tpu.memory_space<vmem_shared>>
      tpu.enqueue_indirect_dma source(%arg16 : memref<64x128xf32, #tpu.memory_space<vmem>>) target(%dma_start3A_127 : memref<10112x128xf32, #tpu.memory_space<vmem_shared>>) offsets(%arg11 : memref<64xi32, #tpu.memory_space<vmem>>) semaphore(%run_scoped3A : memref<!tpu.dma_semaphore, #tpu.memory_space<semaphore_mem>>) {add = true}
      %dma_wait3A_128 = arith.constant 0 : i32
      %dma_wait3A_129 = arith.constant 0 : i32
      %dma_wait3A_130 = tpu.memref_slice %arg17[%dma_wait3A_128, %dma_wait3A_129] : memref<10112x128xf32, #tpu.memory_space<vmem_shared>> -> memref<10112x128xf32, #tpu.memory_space<vmem_shared>>
      tpu.wait_indirect_dma semaphore(%run_scoped3A : memref<!tpu.dma_semaphore, #tpu.memory_space<semaphore_mem>>) src(%arg16 : memref<64x128xf32, #tpu.memory_space<vmem>>) dst(%dma_wait3A_130 : memref<10112x128xf32, #tpu.memory_space<vmem_shared>>)
      tpu.yield
    }) : () -> ()
    %mul3A_64 = arith.constant 10000 : i32
    %mul3A_65 = arith.muli %add3A, %mul3A_64 : i32
    %add3A_66 = arith.constant 9984 : i32
    %add3A_67 = arith.addi %mul3A_65, %add3A_66 : i32
    "tpu.region"() ({
      %run_scoped3A = tpu.sem_alloc : memref<!tpu.dma_semaphore, #tpu.memory_space<semaphore_mem>>
      %dma_start3A_125 = tpu.memref_slice %arg3[%add3A_67] : memref<320000xi32, #tpu.memory_space<hbm>> -> memref<16xi32, #tpu.memory_space<hbm>>
      %dma_start3A_126 = tpu.memref_slice %arg3[%add3A_67] : memref<320000xi32, #tpu.memory_space<hbm>> -> memref<16xi32, #tpu.memory_space<hbm>>
      tpu.enqueue_dma source(%dma_start3A_126 : memref<16xi32, #tpu.memory_space<hbm>>) target(%arg12 : memref<16xi32, #tpu.memory_space<vmem>>) target_semaphore(%run_scoped3A : memref<!tpu.dma_semaphore, #tpu.memory_space<semaphore_mem>>)
      %dma_wait3A_127 = tpu.memref_slice %arg3[%add3A_67] : memref<320000xi32, #tpu.memory_space<hbm>> -> memref<16xi32, #tpu.memory_space<hbm>>
      %dma_wait3A_128 = tpu.memref_slice %arg3[%add3A_67] : memref<320000xi32, #tpu.memory_space<hbm>> -> memref<16xi32, #tpu.memory_space<hbm>>
      tpu.wait_dma2 semaphore(%run_scoped3A : memref<!tpu.dma_semaphore, #tpu.memory_space<semaphore_mem>>) src(%dma_wait3A_128 : memref<16xi32, #tpu.memory_space<hbm>>) dst(%arg12 : memref<16xi32, #tpu.memory_space<vmem>>)
      tpu.yield
    }) : () -> ()
    %dma_start3A_68 = arith.constant 0 : i32
    %dma_start3A_69 = arith.constant 0 : i32
    %dma_start3A_70 = tpu.memref_slice %arg13[%dma_start3A_68, %dma_start3A_69] : memref<64x128xf32, #tpu.memory_space<vmem>> -> memref<16x128xf32, #tpu.memory_space<vmem>>
    %dma_start3A_71 = arith.constant 9984 : i32
    %dma_start3A_72 = tpu.memref_slice %arg7[%dma_start3A_71] : memref<10000xi32, #tpu.memory_space<vmem>> -> memref<16xi32, #tpu.memory_space<vmem>>
    %dma_start3A_73 = arith.constant 0 : i32
    %dma_start3A_74 = arith.constant 0 : i32
    %dma_start3A_75 = tpu.memref_slice %arg4[%dma_start3A_73, %dma_start3A_74] : memref<10000x128xf32, #tpu.memory_space<hbm>> -> memref<10000x128xf32, #tpu.memory_space<hbm>>
    tpu.enqueue_indirect_dma source(%dma_start3A_75 : memref<10000x128xf32, #tpu.memory_space<hbm>>) target(%dma_start3A_70 : memref<16x128xf32, #tpu.memory_space<vmem>>) offsets(%dma_start3A_72 : memref<16xi32, #tpu.memory_space<vmem>>) semaphore(%arg18 : memref<!tpu.dma_semaphore, #tpu.memory_space<semaphore_mem>>)
    %dma_wait3A_76 = arith.constant 0 : i32
    %dma_wait3A_77 = arith.constant 0 : i32
    %dma_wait3A_78 = tpu.memref_slice %arg13[%dma_wait3A_76, %dma_wait3A_77] : memref<64x128xf32, #tpu.memory_space<vmem>> -> memref<16x128xf32, #tpu.memory_space<vmem>>
    %dma_wait3A_79 = arith.constant 9984 : i32
    %dma_wait3A_80 = tpu.memref_slice %arg7[%dma_wait3A_79] : memref<10000xi32, #tpu.memory_space<vmem>> -> memref<16xi32, #tpu.memory_space<vmem>>
    %dma_wait3A_81 = arith.constant 0 : i32
    %dma_wait3A_82 = arith.constant 0 : i32
    %dma_wait3A_83 = tpu.memref_slice %arg4[%dma_wait3A_81, %dma_wait3A_82] : memref<10000x128xf32, #tpu.memory_space<hbm>> -> memref<10000x128xf32, #tpu.memory_space<hbm>>
    tpu.wait_indirect_dma semaphore(%arg18 : memref<!tpu.dma_semaphore, #tpu.memory_space<semaphore_mem>>) src(%dma_wait3A_83 : memref<10000x128xf32, #tpu.memory_space<hbm>>) dst(%dma_wait3A_78 : memref<16x128xf32, #tpu.memory_space<vmem>>)
    "tpu.region"() ({
      %run_scoped3A = tpu.sem_alloc : memref<!tpu.dma_semaphore, #tpu.memory_space<semaphore_mem>>
      %dma_start3A_125 = arith.constant 0 : i32
      %dma_start3A_126 = arith.constant 0 : i32
      %dma_start3A_127 = tpu.memref_slice %arg13[%dma_start3A_125, %dma_start3A_126] : memref<64x128xf32, #tpu.memory_space<vmem>> -> memref<16x128xf32, #tpu.memory_space<vmem>>
      %dma_start3A_128 = arith.constant 0 : i32
      %dma_start3A_129 = arith.constant 0 : i32
      %dma_start3A_130 = tpu.memref_slice %arg17[%dma_start3A_128, %dma_start3A_129] : memref<10112x128xf32, #tpu.memory_space<vmem_shared>> -> memref<10112x128xf32, #tpu.memory_space<vmem_shared>>
      tpu.enqueue_indirect_dma source(%dma_start3A_127 : memref<16x128xf32, #tpu.memory_space<vmem>>) target(%dma_start3A_130 : memref<10112x128xf32, #tpu.memory_space<vmem_shared>>) offsets(%arg12 : memref<16xi32, #tpu.memory_space<vmem>>) semaphore(%run_scoped3A : memref<!tpu.dma_semaphore, #tpu.memory_space<semaphore_mem>>) {add = true}
      %dma_wait3A_131 = arith.constant 0 : i32
      %dma_wait3A_132 = arith.constant 0 : i32
      %dma_wait3A_133 = tpu.memref_slice %arg13[%dma_wait3A_131, %dma_wait3A_132] : memref<64x128xf32, #tpu.memory_space<vmem>> -> memref<16x128xf32, #tpu.memory_space<vmem>>
      %dma_wait3A_134 = arith.constant 0 : i32
      %dma_wait3A_135 = arith.constant 0 : i32
      %dma_wait3A_136 = tpu.memref_slice %arg17[%dma_wait3A_134, %dma_wait3A_135] : memref<10112x128xf32, #tpu.memory_space<vmem_shared>> -> memref<10112x128xf32, #tpu.memory_space<vmem_shared>>
      tpu.wait_indirect_dma semaphore(%run_scoped3A : memref<!tpu.dma_semaphore, #tpu.memory_space<semaphore_mem>>) src(%dma_wait3A_133 : memref<16x128xf32, #tpu.memory_space<vmem>>) dst(%dma_wait3A_136 : memref<10112x128xf32, #tpu.memory_space<vmem_shared>>)
      tpu.yield
    }) : () -> ()
    %barrier3A_84 = arith.constant 0 : index
    tpu.barrier barrier_id(%barrier3A_84)
    %add3A_85 = arith.constant 0 : i32
    %add3A_86 = arith.addi %mul3A_2, %add3A_85 : i32
    "tpu.region"() ({
      %run_scoped3A = tpu.sem_alloc : memref<!tpu.dma_semaphore, #tpu.memory_space<semaphore_mem>>
      %dma_start3A_125 = arith.constant 0 : i32
      %dma_start3A_126 = arith.constant 0 : i32
      %dma_start3A_127 = tpu.memref_slice %arg13[%dma_start3A_125, %dma_start3A_126] : memref<64x128xf32, #tpu.memory_space<vmem>> -> memref<64x128xf32, #tpu.memory_space<vmem>>
      %dma_start3A_128 = arith.constant 0 : i32
      %dma_start3A_129 = tpu.memref_slice %arg17[%add3A_86, %dma_start3A_128] : memref<10112x128xf32, #tpu.memory_space<vmem_shared>> -> memref<64x128xf32, #tpu.memory_space<vmem_shared>>
      %dma_start3A_130 = arith.constant 0 : i32
      %dma_start3A_131 = arith.constant 0 : i32
      %dma_start3A_132 = tpu.memref_slice %arg13[%dma_start3A_130, %dma_start3A_131] : memref<64x128xf32, #tpu.memory_space<vmem>> -> memref<64x128xf32, #tpu.memory_space<vmem>>
      %dma_start3A_133 = arith.constant 0 : i32
      %dma_start3A_134 = tpu.memref_slice %arg17[%add3A_86, %dma_start3A_133] : memref<10112x128xf32, #tpu.memory_space<vmem_shared>> -> memref<64x128xf32, #tpu.memory_space<vmem_shared>>
      tpu.enqueue_dma source(%dma_start3A_134 : memref<64x128xf32, #tpu.memory_space<vmem_shared>>) target(%dma_start3A_132 : memref<64x128xf32, #tpu.memory_space<vmem>>) target_semaphore(%run_scoped3A : memref<!tpu.dma_semaphore, #tpu.memory_space<semaphore_mem>>)
      %dma_wait3A_135 = arith.constant 0 : i32
      %dma_wait3A_136 = arith.constant 0 : i32
      %dma_wait3A_137 = tpu.memref_slice %arg13[%dma_wait3A_135, %dma_wait3A_136] : memref<64x128xf32, #tpu.memory_space<vmem>> -> memref<64x128xf32, #tpu.memory_space<vmem>>
      %dma_wait3A_138 = arith.constant 0 : i32
      %dma_wait3A_139 = tpu.memref_slice %arg17[%add3A_86, %dma_wait3A_138] : memref<10112x128xf32, #tpu.memory_space<vmem_shared>> -> memref<64x128xf32, #tpu.memory_space<vmem_shared>>
      %dma_wait3A_140 = arith.constant 0 : i32
      %dma_wait3A_141 = arith.constant 0 : i32
      %dma_wait3A_142 = tpu.memref_slice %arg13[%dma_wait3A_140, %dma_wait3A_141] : memref<64x128xf32, #tpu.memory_space<vmem>> -> memref<64x128xf32, #tpu.memory_space<vmem>>
      %dma_wait3A_143 = arith.constant 0 : i32
      %dma_wait3A_144 = tpu.memref_slice %arg17[%add3A_86, %dma_wait3A_143] : memref<10112x128xf32, #tpu.memory_space<vmem_shared>> -> memref<64x128xf32, #tpu.memory_space<vmem_shared>>
      tpu.wait_dma2 semaphore(%run_scoped3A : memref<!tpu.dma_semaphore, #tpu.memory_space<semaphore_mem>>) src(%dma_wait3A_144 : memref<64x128xf32, #tpu.memory_space<vmem_shared>>) dst(%dma_wait3A_142 : memref<64x128xf32, #tpu.memory_space<vmem>>)
      tpu.yield
    }) : () -> ()
    %add3A_87 = arith.constant 0 : i32
    %add3A_88 = arith.addi %mul3A_2, %add3A_87 : i32
    "tpu.region"() ({
      %run_scoped3A = tpu.sem_alloc : memref<!tpu.dma_semaphore, #tpu.memory_space<semaphore_mem>>
      %dma_start3A_125 = arith.constant 0 : i32
      %dma_start3A_126 = arith.constant 0 : i32
      %dma_start3A_127 = tpu.memref_slice %arg13[%dma_start3A_125, %dma_start3A_126] : memref<64x128xf32, #tpu.memory_space<vmem>> -> memref<64x128xf32, #tpu.memory_space<vmem>>
      %dma_start3A_128 = arith.constant 0 : i32
      %dma_start3A_129 = tpu.memref_slice %arg6[%arg0, %add3A_88, %dma_start3A_128] : memref<2x10112x128xf32, #tpu.memory_space<hbm>> -> memref<1x64x128xf32, #tpu.memory_space<hbm>>
      %dma_start3A_130 = tpu.memref_squeeze %dma_start3A_129 : memref<1x64x128xf32, #tpu.memory_space<hbm>> -> memref<64x128xf32, #tpu.memory_space<hbm>>
      %dma_start3A_131 = arith.constant 0 : i32
      %dma_start3A_132 = tpu.memref_slice %arg6[%arg0, %add3A_88, %dma_start3A_131] : memref<2x10112x128xf32, #tpu.memory_space<hbm>> -> memref<1x64x128xf32, #tpu.memory_space<hbm>>
      %dma_start3A_133 = tpu.memref_squeeze %dma_start3A_132 : memref<1x64x128xf32, #tpu.memory_space<hbm>> -> memref<64x128xf32, #tpu.memory_space<hbm>>
      %dma_start3A_134 = arith.constant 0 : i32
      %dma_start3A_135 = arith.constant 0 : i32
      %dma_start3A_136 = tpu.memref_slice %arg13[%dma_start3A_134, %dma_start3A_135] : memref<64x128xf32, #tpu.memory_space<vmem>> -> memref<64x128xf32, #tpu.memory_space<vmem>>
      tpu.enqueue_dma source(%dma_start3A_136 : memref<64x128xf32, #tpu.memory_space<vmem>>) target(%dma_start3A_133 : memref<64x128xf32, #tpu.memory_space<hbm>>) target_semaphore(%run_scoped3A : memref<!tpu.dma_semaphore, #tpu.memory_space<semaphore_mem>>)
      %dma_wait3A_137 = arith.constant 0 : i32
      %dma_wait3A_138 = arith.constant 0 : i32
      %dma_wait3A_139 = tpu.memref_slice %arg13[%dma_wait3A_137, %dma_wait3A_138] : memref<64x128xf32, #tpu.memory_space<vmem>> -> memref<64x128xf32, #tpu.memory_space<vmem>>
      %dma_wait3A_140 = arith.constant 0 : i32
      %dma_wait3A_141 = tpu.memref_slice %arg6[%arg0, %add3A_88, %dma_wait3A_140] : memref<2x10112x128xf32, #tpu.memory_space<hbm>> -> memref<1x64x128xf32, #tpu.memory_space<hbm>>
      %dma_wait3A_142 = tpu.memref_squeeze %dma_wait3A_141 : memref<1x64x128xf32, #tpu.memory_space<hbm>> -> memref<64x128xf32, #tpu.memory_space<hbm>>
      %dma_wait3A_143 = arith.constant 0 : i32
      %dma_wait3A_144 = tpu.memref_slice %arg6[%arg0, %add3A_88, %dma_wait3A_143] : memref<2x10112x128xf32, #tpu.memory_space<hbm>> -> memref<1x64x128xf32, #tpu.memory_space<hbm>>
      %dma_wait3A_145 = tpu.memref_squeeze %dma_wait3A_144 : memref<1x64x128xf32, #tpu.memory_space<hbm>> -> memref<64x128xf32, #tpu.memory_space<hbm>>
      %dma_wait3A_146 = arith.constant 0 : i32
      %dma_wait3A_147 = arith.constant 0 : i32
      %dma_wait3A_148 = tpu.memref_slice %arg13[%dma_wait3A_146, %dma_wait3A_147] : memref<64x128xf32, #tpu.memory_space<vmem>> -> memref<64x128xf32, #tpu.memory_space<vmem>>
      tpu.wait_dma2 semaphore(%run_scoped3A : memref<!tpu.dma_semaphore, #tpu.memory_space<semaphore_mem>>) src(%dma_wait3A_148 : memref<64x128xf32, #tpu.memory_space<vmem>>) dst(%dma_wait3A_145 : memref<64x128xf32, #tpu.memory_space<hbm>>)
      tpu.yield
    }) : () -> ()
    %add3A_89 = arith.constant 64 : i32
    %add3A_90 = arith.addi %mul3A_2, %add3A_89 : i32
    "tpu.region"() ({
      %run_scoped3A = tpu.sem_alloc : memref<!tpu.dma_semaphore, #tpu.memory_space<semaphore_mem>>
      %dma_start3A_125 = arith.constant 0 : i32
      %dma_start3A_126 = arith.constant 0 : i32
      %dma_start3A_127 = tpu.memref_slice %arg13[%dma_start3A_125, %dma_start3A_126] : memref<64x128xf32, #tpu.memory_space<vmem>> -> memref<64x128xf32, #tpu.memory_space<vmem>>
      %dma_start3A_128 = arith.constant 0 : i32
      %dma_start3A_129 = tpu.memref_slice %arg17[%add3A_90, %dma_start3A_128] : memref<10112x128xf32, #tpu.memory_space<vmem_shared>> -> memref<64x128xf32, #tpu.memory_space<vmem_shared>>
      %dma_start3A_130 = arith.constant 0 : i32
      %dma_start3A_131 = arith.constant 0 : i32
      %dma_start3A_132 = tpu.memref_slice %arg13[%dma_start3A_130, %dma_start3A_131] : memref<64x128xf32, #tpu.memory_space<vmem>> -> memref<64x128xf32, #tpu.memory_space<vmem>>
      %dma_start3A_133 = arith.constant 0 : i32
      %dma_start3A_134 = tpu.memref_slice %arg17[%add3A_90, %dma_start3A_133] : memref<10112x128xf32, #tpu.memory_space<vmem_shared>> -> memref<64x128xf32, #tpu.memory_space<vmem_shared>>
      tpu.enqueue_dma source(%dma_start3A_134 : memref<64x128xf32, #tpu.memory_space<vmem_shared>>) target(%dma_start3A_132 : memref<64x128xf32, #tpu.memory_space<vmem>>) target_semaphore(%run_scoped3A : memref<!tpu.dma_semaphore, #tpu.memory_space<semaphore_mem>>)
      %dma_wait3A_135 = arith.constant 0 : i32
      %dma_wait3A_136 = arith.constant 0 : i32
      %dma_wait3A_137 = tpu.memref_slice %arg13[%dma_wait3A_135, %dma_wait3A_136] : memref<64x128xf32, #tpu.memory_space<vmem>> -> memref<64x128xf32, #tpu.memory_space<vmem>>
      %dma_wait3A_138 = arith.constant 0 : i32
      %dma_wait3A_139 = tpu.memref_slice %arg17[%add3A_90, %dma_wait3A_138] : memref<10112x128xf32, #tpu.memory_space<vmem_shared>> -> memref<64x128xf32, #tpu.memory_space<vmem_shared>>
      %dma_wait3A_140 = arith.constant 0 : i32
      %dma_wait3A_141 = arith.constant 0 : i32
      %dma_wait3A_142 = tpu.memref_slice %arg13[%dma_wait3A_140, %dma_wait3A_141] : memref<64x128xf32, #tpu.memory_space<vmem>> -> memref<64x128xf32, #tpu.memory_space<vmem>>
      %dma_wait3A_143 = arith.constant 0 : i32
      %dma_wait3A_144 = tpu.memref_slice %arg17[%add3A_90, %dma_wait3A_143] : memref<10112x128xf32, #tpu.memory_space<vmem_shared>> -> memref<64x128xf32, #tpu.memory_space<vmem_shared>>
      tpu.wait_dma2 semaphore(%run_scoped3A : memref<!tpu.dma_semaphore, #tpu.memory_space<semaphore_mem>>) src(%dma_wait3A_144 : memref<64x128xf32, #tpu.memory_space<vmem_shared>>) dst(%dma_wait3A_142 : memref<64x128xf32, #tpu.memory_space<vmem>>)
      tpu.yield
    }) : () -> ()
    %add3A_91 = arith.constant 64 : i32
    %add3A_92 = arith.addi %mul3A_2, %add3A_91 : i32
    "tpu.region"() ({
      %run_scoped3A = tpu.sem_alloc : memref<!tpu.dma_semaphore, #tpu.memory_space<semaphore_mem>>
      %dma_start3A_125 = arith.constant 0 : i32
      %dma_start3A_126 = arith.constant 0 : i32
      %dma_start3A_127 = tpu.memref_slice %arg13[%dma_start3A_125, %dma_start3A_126] : memref<64x128xf32, #tpu.memory_space<vmem>> -> memref<64x128xf32, #tpu.memory_space<vmem>>
      %dma_start3A_128 = arith.constant 0 : i32
      %dma_start3A_129 = tpu.memref_slice %arg6[%arg0, %add3A_92, %dma_start3A_128] : memref<2x10112x128xf32, #tpu.memory_space<hbm>> -> memref<1x64x128xf32, #tpu.memory_space<hbm>>
      %dma_start3A_130 = tpu.memref_squeeze %dma_start3A_129 : memref<1x64x128xf32, #tpu.memory_space<hbm>> -> memref<64x128xf32, #tpu.memory_space<hbm>>
      %dma_start3A_131 = arith.constant 0 : i32
      %dma_start3A_132 = tpu.memref_slice %arg6[%arg0, %add3A_92, %dma_start3A_131] : memref<2x10112x128xf32, #tpu.memory_space<hbm>> -> memref<1x64x128xf32, #tpu.memory_space<hbm>>
      %dma_start3A_133 = tpu.memref_squeeze %dma_start3A_132 : memref<1x64x128xf32, #tpu.memory_space<hbm>> -> memref<64x128xf32, #tpu.memory_space<hbm>>
      %dma_start3A_134 = arith.constant 0 : i32
      %dma_start3A_135 = arith.constant 0 : i32
      %dma_start3A_136 = tpu.memref_slice %arg13[%dma_start3A_134, %dma_start3A_135] : memref<64x128xf32, #tpu.memory_space<vmem>> -> memref<64x128xf32, #tpu.memory_space<vmem>>
      tpu.enqueue_dma source(%dma_start3A_136 : memref<64x128xf32, #tpu.memory_space<vmem>>) target(%dma_start3A_133 : memref<64x128xf32, #tpu.memory_space<hbm>>) target_semaphore(%run_scoped3A : memref<!tpu.dma_semaphore, #tpu.memory_space<semaphore_mem>>)
      %dma_wait3A_137 = arith.constant 0 : i32
      %dma_wait3A_138 = arith.constant 0 : i32
      %dma_wait3A_139 = tpu.memref_slice %arg13[%dma_wait3A_137, %dma_wait3A_138] : memref<64x128xf32, #tpu.memory_space<vmem>> -> memref<64x128xf32, #tpu.memory_space<vmem>>
      %dma_wait3A_140 = arith.constant 0 : i32
      %dma_wait3A_141 = tpu.memref_slice %arg6[%arg0, %add3A_92, %dma_wait3A_140] : memref<2x10112x128xf32, #tpu.memory_space<hbm>> -> memref<1x64x128xf32, #tpu.memory_space<hbm>>
      %dma_wait3A_142 = tpu.memref_squeeze %dma_wait3A_141 : memref<1x64x128xf32, #tpu.memory_space<hbm>> -> memref<64x128xf32, #tpu.memory_space<hbm>>
      %dma_wait3A_143 = arith.constant 0 : i32
      %dma_wait3A_144 = tpu.memref_slice %arg6[%arg0, %add3A_92, %dma_wait3A_143] : memref<2x10112x128xf32, #tpu.memory_space<hbm>> -> memref<1x64x128xf32, #tpu.memory_space<hbm>>
      %dma_wait3A_145 = tpu.memref_squeeze %dma_wait3A_144 : memref<1x64x128xf32, #tpu.memory_space<hbm>> -> memref<64x128xf32, #tpu.memory_space<hbm>>
      %dma_wait3A_146 = arith.constant 0 : i32
      %dma_wait3A_147 = arith.constant 0 : i32
      %dma_wait3A_148 = tpu.memref_slice %arg13[%dma_wait3A_146, %dma_wait3A_147] : memref<64x128xf32, #tpu.memory_space<vmem>> -> memref<64x128xf32, #tpu.memory_space<vmem>>
      tpu.wait_dma2 semaphore(%run_scoped3A : memref<!tpu.dma_semaphore, #tpu.memory_space<semaphore_mem>>) src(%dma_wait3A_148 : memref<64x128xf32, #tpu.memory_space<vmem>>) dst(%dma_wait3A_145 : memref<64x128xf32, #tpu.memory_space<hbm>>)
      tpu.yield
    }) : () -> ()
    %add3A_93 = arith.constant 128 : i32
    %add3A_94 = arith.addi %mul3A_2, %add3A_93 : i32
    "tpu.region"() ({
      %run_scoped3A = tpu.sem_alloc : memref<!tpu.dma_semaphore, #tpu.memory_space<semaphore_mem>>
      %dma_start3A_125 = arith.constant 0 : i32
      %dma_start3A_126 = arith.constant 0 : i32
      %dma_start3A_127 = tpu.memref_slice %arg13[%dma_start3A_125, %dma_start3A_126] : memref<64x128xf32, #tpu.memory_space<vmem>> -> memref<64x128xf32, #tpu.memory_space<vmem>>
      %dma_start3A_128 = arith.constant 0 : i32
      %dma_start3A_129 = tpu.memref_slice %arg17[%add3A_94, %dma_start3A_128] : memref<10112x128xf32, #tpu.memory_space<vmem_shared>> -> memref<64x128xf32, #tpu.memory_space<vmem_shared>>
      %dma_start3A_130 = arith.constant 0 : i32
      %dma_start3A_131 = arith.constant 0 : i32
      %dma_start3A_132 = tpu.memref_slice %arg13[%dma_start3A_130, %dma_start3A_131] : memref<64x128xf32, #tpu.memory_space<vmem>> -> memref<64x128xf32, #tpu.memory_space<vmem>>
      %dma_start3A_133 = arith.constant 0 : i32
      %dma_start3A_134 = tpu.memref_slice %arg17[%add3A_94, %dma_start3A_133] : memref<10112x128xf32, #tpu.memory_space<vmem_shared>> -> memref<64x128xf32, #tpu.memory_space<vmem_shared>>
      tpu.enqueue_dma source(%dma_start3A_134 : memref<64x128xf32, #tpu.memory_space<vmem_shared>>) target(%dma_start3A_132 : memref<64x128xf32, #tpu.memory_space<vmem>>) target_semaphore(%run_scoped3A : memref<!tpu.dma_semaphore, #tpu.memory_space<semaphore_mem>>)
      %dma_wait3A_135 = arith.constant 0 : i32
      %dma_wait3A_136 = arith.constant 0 : i32
      %dma_wait3A_137 = tpu.memref_slice %arg13[%dma_wait3A_135, %dma_wait3A_136] : memref<64x128xf32, #tpu.memory_space<vmem>> -> memref<64x128xf32, #tpu.memory_space<vmem>>
      %dma_wait3A_138 = arith.constant 0 : i32
      %dma_wait3A_139 = tpu.memref_slice %arg17[%add3A_94, %dma_wait3A_138] : memref<10112x128xf32, #tpu.memory_space<vmem_shared>> -> memref<64x128xf32, #tpu.memory_space<vmem_shared>>
      %dma_wait3A_140 = arith.constant 0 : i32
      %dma_wait3A_141 = arith.constant 0 : i32
      %dma_wait3A_142 = tpu.memref_slice %arg13[%dma_wait3A_140, %dma_wait3A_141] : memref<64x128xf32, #tpu.memory_space<vmem>> -> memref<64x128xf32, #tpu.memory_space<vmem>>
      %dma_wait3A_143 = arith.constant 0 : i32
      %dma_wait3A_144 = tpu.memref_slice %arg17[%add3A_94, %dma_wait3A_143] : memref<10112x128xf32, #tpu.memory_space<vmem_shared>> -> memref<64x128xf32, #tpu.memory_space<vmem_shared>>
      tpu.wait_dma2 semaphore(%run_scoped3A : memref<!tpu.dma_semaphore, #tpu.memory_space<semaphore_mem>>) src(%dma_wait3A_144 : memref<64x128xf32, #tpu.memory_space<vmem_shared>>) dst(%dma_wait3A_142 : memref<64x128xf32, #tpu.memory_space<vmem>>)
      tpu.yield
    }) : () -> ()
    %add3A_95 = arith.constant 128 : i32
    %add3A_96 = arith.addi %mul3A_2, %add3A_95 : i32
    "tpu.region"() ({
      %run_scoped3A = tpu.sem_alloc : memref<!tpu.dma_semaphore, #tpu.memory_space<semaphore_mem>>
      %dma_start3A_125 = arith.constant 0 : i32
      %dma_start3A_126 = arith.constant 0 : i32
      %dma_start3A_127 = tpu.memref_slice %arg13[%dma_start3A_125, %dma_start3A_126] : memref<64x128xf32, #tpu.memory_space<vmem>> -> memref<64x128xf32, #tpu.memory_space<vmem>>
      %dma_start3A_128 = arith.constant 0 : i32
      %dma_start3A_129 = tpu.memref_slice %arg6[%arg0, %add3A_96, %dma_start3A_128] : memref<2x10112x128xf32, #tpu.memory_space<hbm>> -> memref<1x64x128xf32, #tpu.memory_space<hbm>>
      %dma_start3A_130 = tpu.memref_squeeze %dma_start3A_129 : memref<1x64x128xf32, #tpu.memory_space<hbm>> -> memref<64x128xf32, #tpu.memory_space<hbm>>
      %dma_start3A_131 = arith.constant 0 : i32
      %dma_start3A_132 = tpu.memref_slice %arg6[%arg0, %add3A_96, %dma_start3A_131] : memref<2x10112x128xf32, #tpu.memory_space<hbm>> -> memref<1x64x128xf32, #tpu.memory_space<hbm>>
      %dma_start3A_133 = tpu.memref_squeeze %dma_start3A_132 : memref<1x64x128xf32, #tpu.memory_space<hbm>> -> memref<64x128xf32, #tpu.memory_space<hbm>>
      %dma_start3A_134 = arith.constant 0 : i32
      %dma_start3A_135 = arith.constant 0 : i32
      %dma_start3A_136 = tpu.memref_slice %arg13[%dma_start3A_134, %dma_start3A_135] : memref<64x128xf32, #tpu.memory_space<vmem>> -> memref<64x128xf32, #tpu.memory_space<vmem>>
      tpu.enqueue_dma source(%dma_start3A_136 : memref<64x128xf32, #tpu.memory_space<vmem>>) target(%dma_start3A_133 : memref<64x128xf32, #tpu.memory_space<hbm>>) target_semaphore(%run_scoped3A : memref<!tpu.dma_semaphore, #tpu.memory_space<semaphore_mem>>)
      %dma_wait3A_137 = arith.constant 0 : i32
      %dma_wait3A_138 = arith.constant 0 : i32
      %dma_wait3A_139 = tpu.memref_slice %arg13[%dma_wait3A_137, %dma_wait3A_138] : memref<64x128xf32, #tpu.memory_space<vmem>> -> memref<64x128xf32, #tpu.memory_space<vmem>>
      %dma_wait3A_140 = arith.constant 0 : i32
      %dma_wait3A_141 = tpu.memref_slice %arg6[%arg0, %add3A_96, %dma_wait3A_140] : memref<2x10112x128xf32, #tpu.memory_space<hbm>> -> memref<1x64x128xf32, #tpu.memory_space<hbm>>
      %dma_wait3A_142 = tpu.memref_squeeze %dma_wait3A_141 : memref<1x64x128xf32, #tpu.memory_space<hbm>> -> memref<64x128xf32, #tpu.memory_space<hbm>>
      %dma_wait3A_143 = arith.constant 0 : i32
      %dma_wait3A_144 = tpu.memref_slice %arg6[%arg0, %add3A_96, %dma_wait3A_143] : memref<2x10112x128xf32, #tpu.memory_space<hbm>> -> memref<1x64x128xf32, #tpu.memory_space<hbm>>
      %dma_wait3A_145 = tpu.memref_squeeze %dma_wait3A_144 : memref<1x64x128xf32, #tpu.memory_space<hbm>> -> memref<64x128xf32, #tpu.memory_space<hbm>>
      %dma_wait3A_146 = arith.constant 0 : i32
      %dma_wait3A_147 = arith.constant 0 : i32
      %dma_wait3A_148 = tpu.memref_slice %arg13[%dma_wait3A_146, %dma_wait3A_147] : memref<64x128xf32, #tpu.memory_space<vmem>> -> memref<64x128xf32, #tpu.memory_space<vmem>>
      tpu.wait_dma2 semaphore(%run_scoped3A : memref<!tpu.dma_semaphore, #tpu.memory_space<semaphore_mem>>) src(%dma_wait3A_148 : memref<64x128xf32, #tpu.memory_space<vmem>>) dst(%dma_wait3A_145 : memref<64x128xf32, #tpu.memory_space<hbm>>)
      tpu.yield
    }) : () -> ()
    %add3A_97 = arith.constant 192 : i32
    %add3A_98 = arith.addi %mul3A_2, %add3A_97 : i32
    "tpu.region"() ({
      %run_scoped3A = tpu.sem_alloc : memref<!tpu.dma_semaphore, #tpu.memory_space<semaphore_mem>>
      %dma_start3A_125 = arith.constant 0 : i32
      %dma_start3A_126 = arith.constant 0 : i32
      %dma_start3A_127 = tpu.memref_slice %arg13[%dma_start3A_125, %dma_start3A_126] : memref<64x128xf32, #tpu.memory_space<vmem>> -> memref<64x128xf32, #tpu.memory_space<vmem>>
      %dma_start3A_128 = arith.constant 0 : i32
      %dma_start3A_129 = tpu.memref_slice %arg17[%add3A_98, %dma_start3A_128] : memref<10112x128xf32, #tpu.memory_space<vmem_shared>> -> memref<64x128xf32, #tpu.memory_space<vmem_shared>>
      %dma_start3A_130 = arith.constant 0 : i32
      %dma_start3A_131 = arith.constant 0 : i32
      %dma_start3A_132 = tpu.memref_slice %arg13[%dma_start3A_130, %dma_start3A_131] : memref<64x128xf32, #tpu.memory_space<vmem>> -> memref<64x128xf32, #tpu.memory_space<vmem>>
      %dma_start3A_133 = arith.constant 0 : i32
      %dma_start3A_134 = tpu.memref_slice %arg17[%add3A_98, %dma_start3A_133] : memref<10112x128xf32, #tpu.memory_space<vmem_shared>> -> memref<64x128xf32, #tpu.memory_space<vmem_shared>>
      tpu.enqueue_dma source(%dma_start3A_134 : memref<64x128xf32, #tpu.memory_space<vmem_shared>>) target(%dma_start3A_132 : memref<64x128xf32, #tpu.memory_space<vmem>>) target_semaphore(%run_scoped3A : memref<!tpu.dma_semaphore, #tpu.memory_space<semaphore_mem>>)
      %dma_wait3A_135 = arith.constant 0 : i32
      %dma_wait3A_136 = arith.constant 0 : i32
      %dma_wait3A_137 = tpu.memref_slice %arg13[%dma_wait3A_135, %dma_wait3A_136] : memref<64x128xf32, #tpu.memory_space<vmem>> -> memref<64x128xf32, #tpu.memory_space<vmem>>
      %dma_wait3A_138 = arith.constant 0 : i32
      %dma_wait3A_139 = tpu.memref_slice %arg17[%add3A_98, %dma_wait3A_138] : memref<10112x128xf32, #tpu.memory_space<vmem_shared>> -> memref<64x128xf32, #tpu.memory_space<vmem_shared>>
      %dma_wait3A_140 = arith.constant 0 : i32
      %dma_wait3A_141 = arith.constant 0 : i32
      %dma_wait3A_142 = tpu.memref_slice %arg13[%dma_wait3A_140, %dma_wait3A_141] : memref<64x128xf32, #tpu.memory_space<vmem>> -> memref<64x128xf32, #tpu.memory_space<vmem>>
      %dma_wait3A_143 = arith.constant 0 : i32
      %dma_wait3A_144 = tpu.memref_slice %arg17[%add3A_98, %dma_wait3A_143] : memref<10112x128xf32, #tpu.memory_space<vmem_shared>> -> memref<64x128xf32, #tpu.memory_space<vmem_shared>>
      tpu.wait_dma2 semaphore(%run_scoped3A : memref<!tpu.dma_semaphore, #tpu.memory_space<semaphore_mem>>) src(%dma_wait3A_144 : memref<64x128xf32, #tpu.memory_space<vmem_shared>>) dst(%dma_wait3A_142 : memref<64x128xf32, #tpu.memory_space<vmem>>)
      tpu.yield
    }) : () -> ()
    %add3A_99 = arith.constant 192 : i32
    %add3A_100 = arith.addi %mul3A_2, %add3A_99 : i32
    "tpu.region"() ({
      %run_scoped3A = tpu.sem_alloc : memref<!tpu.dma_semaphore, #tpu.memory_space<semaphore_mem>>
      %dma_start3A_125 = arith.constant 0 : i32
      %dma_start3A_126 = arith.constant 0 : i32
      %dma_start3A_127 = tpu.memref_slice %arg13[%dma_start3A_125, %dma_start3A_126] : memref<64x128xf32, #tpu.memory_space<vmem>> -> memref<64x128xf32, #tpu.memory_space<vmem>>
      %dma_start3A_128 = arith.constant 0 : i32
      %dma_start3A_129 = tpu.memref_slice %arg6[%arg0, %add3A_100, %dma_start3A_128] : memref<2x10112x128xf32, #tpu.memory_space<hbm>> -> memref<1x64x128xf32, #tpu.memory_space<hbm>>
      %dma_start3A_130 = tpu.memref_squeeze %dma_start3A_129 : memref<1x64x128xf32, #tpu.memory_space<hbm>> -> memref<64x128xf32, #tpu.memory_space<hbm>>
      %dma_start3A_131 = arith.constant 0 : i32
      %dma_start3A_132 = tpu.memref_slice %arg6[%arg0, %add3A_100, %dma_start3A_131] : memref<2x10112x128xf32, #tpu.memory_space<hbm>> -> memref<1x64x128xf32, #tpu.memory_space<hbm>>
      %dma_start3A_133 = tpu.memref_squeeze %dma_start3A_132 : memref<1x64x128xf32, #tpu.memory_space<hbm>> -> memref<64x128xf32, #tpu.memory_space<hbm>>
      %dma_start3A_134 = arith.constant 0 : i32
      %dma_start3A_135 = arith.constant 0 : i32
      %dma_start3A_136 = tpu.memref_slice %arg13[%dma_start3A_134, %dma_start3A_135] : memref<64x128xf32, #tpu.memory_space<vmem>> -> memref<64x128xf32, #tpu.memory_space<vmem>>
      tpu.enqueue_dma source(%dma_start3A_136 : memref<64x128xf32, #tpu.memory_space<vmem>>) target(%dma_start3A_133 : memref<64x128xf32, #tpu.memory_space<hbm>>) target_semaphore(%run_scoped3A : memref<!tpu.dma_semaphore, #tpu.memory_space<semaphore_mem>>)
      %dma_wait3A_137 = arith.constant 0 : i32
      %dma_wait3A_138 = arith.constant 0 : i32
      %dma_wait3A_139 = tpu.memref_slice %arg13[%dma_wait3A_137, %dma_wait3A_138] : memref<64x128xf32, #tpu.memory_space<vmem>> -> memref<64x128xf32, #tpu.memory_space<vmem>>
      %dma_wait3A_140 = arith.constant 0 : i32
      %dma_wait3A_141 = tpu.memref_slice %arg6[%arg0, %add3A_100, %dma_wait3A_140] : memref<2x10112x128xf32, #tpu.memory_space<hbm>> -> memref<1x64x128xf32, #tpu.memory_space<hbm>>
      %dma_wait3A_142 = tpu.memref_squeeze %dma_wait3A_141 : memref<1x64x128xf32, #tpu.memory_space<hbm>> -> memref<64x128xf32, #tpu.memory_space<hbm>>
      %dma_wait3A_143 = arith.constant 0 : i32
      %dma_wait3A_144 = tpu.memref_slice %arg6[%arg0, %add3A_100, %dma_wait3A_143] : memref<2x10112x128xf32, #tpu.memory_space<hbm>> -> memref<1x64x128xf32, #tpu.memory_space<hbm>>
      %dma_wait3A_145 = tpu.memref_squeeze %dma_wait3A_144 : memref<1x64x128xf32, #tpu.memory_space<hbm>> -> memref<64x128xf32, #tpu.memory_space<hbm>>
      %dma_wait3A_146 = arith.constant 0 : i32
      %dma_wait3A_147 = arith.constant 0 : i32
      %dma_wait3A_148 = tpu.memref_slice %arg13[%dma_wait3A_146, %dma_wait3A_147] : memref<64x128xf32, #tpu.memory_space<vmem>> -> memref<64x128xf32, #tpu.memory_space<vmem>>
      tpu.wait_dma2 semaphore(%run_scoped3A : memref<!tpu.dma_semaphore, #tpu.memory_space<semaphore_mem>>) src(%dma_wait3A_148 : memref<64x128xf32, #tpu.memory_space<vmem>>) dst(%dma_wait3A_145 : memref<64x128xf32, #tpu.memory_space<hbm>>)
      tpu.yield
    }) : () -> ()
    %add3A_101 = arith.constant 256 : i32
    %add3A_102 = arith.addi %mul3A_2, %add3A_101 : i32
    "tpu.region"() ({
      %run_scoped3A = tpu.sem_alloc : memref<!tpu.dma_semaphore, #tpu.memory_space<semaphore_mem>>
      %dma_start3A_125 = arith.constant 0 : i32
      %dma_start3A_126 = arith.constant 0 : i32
      %dma_start3A_127 = tpu.memref_slice %arg13[%dma_start3A_125, %dma_start3A_126] : memref<64x128xf32, #tpu.memory_space<vmem>> -> memref<64x128xf32, #tpu.memory_space<vmem>>
      %dma_start3A_128 = arith.constant 0 : i32
      %dma_start3A_129 = tpu.memref_slice %arg17[%add3A_102, %dma_start3A_128] : memref<10112x128xf32, #tpu.memory_space<vmem_shared>> -> memref<64x128xf32, #tpu.memory_space<vmem_shared>>
      %dma_start3A_130 = arith.constant 0 : i32
      %dma_start3A_131 = arith.constant 0 : i32
      %dma_start3A_132 = tpu.memref_slice %arg13[%dma_start3A_130, %dma_start3A_131] : memref<64x128xf32, #tpu.memory_space<vmem>> -> memref<64x128xf32, #tpu.memory_space<vmem>>
      %dma_start3A_133 = arith.constant 0 : i32
      %dma_start3A_134 = tpu.memref_slice %arg17[%add3A_102, %dma_start3A_133] : memref<10112x128xf32, #tpu.memory_space<vmem_shared>> -> memref<64x128xf32, #tpu.memory_space<vmem_shared>>
      tpu.enqueue_dma source(%dma_start3A_134 : memref<64x128xf32, #tpu.memory_space<vmem_shared>>) target(%dma_start3A_132 : memref<64x128xf32, #tpu.memory_space<vmem>>) target_semaphore(%run_scoped3A : memref<!tpu.dma_semaphore, #tpu.memory_space<semaphore_mem>>)
      %dma_wait3A_135 = arith.constant 0 : i32
      %dma_wait3A_136 = arith.constant 0 : i32
      %dma_wait3A_137 = tpu.memref_slice %arg13[%dma_wait3A_135, %dma_wait3A_136] : memref<64x128xf32, #tpu.memory_space<vmem>> -> memref<64x128xf32, #tpu.memory_space<vmem>>
      %dma_wait3A_138 = arith.constant 0 : i32
      %dma_wait3A_139 = tpu.memref_slice %arg17[%add3A_102, %dma_wait3A_138] : memref<10112x128xf32, #tpu.memory_space<vmem_shared>> -> memref<64x128xf32, #tpu.memory_space<vmem_shared>>
      %dma_wait3A_140 = arith.constant 0 : i32
      %dma_wait3A_141 = arith.constant 0 : i32
      %dma_wait3A_142 = tpu.memref_slice %arg13[%dma_wait3A_140, %dma_wait3A_141] : memref<64x128xf32, #tpu.memory_space<vmem>> -> memref<64x128xf32, #tpu.memory_space<vmem>>
      %dma_wait3A_143 = arith.constant 0 : i32
      %dma_wait3A_144 = tpu.memref_slice %arg17[%add3A_102, %dma_wait3A_143] : memref<10112x128xf32, #tpu.memory_space<vmem_shared>> -> memref<64x128xf32, #tpu.memory_space<vmem_shared>>
      tpu.wait_dma2 semaphore(%run_scoped3A : memref<!tpu.dma_semaphore, #tpu.memory_space<semaphore_mem>>) src(%dma_wait3A_144 : memref<64x128xf32, #tpu.memory_space<vmem_shared>>) dst(%dma_wait3A_142 : memref<64x128xf32, #tpu.memory_space<vmem>>)
      tpu.yield
    }) : () -> ()
    %add3A_103 = arith.constant 256 : i32
    %add3A_104 = arith.addi %mul3A_2, %add3A_103 : i32
    "tpu.region"() ({
      %run_scoped3A = tpu.sem_alloc : memref<!tpu.dma_semaphore, #tpu.memory_space<semaphore_mem>>
      %dma_start3A_125 = arith.constant 0 : i32
      %dma_start3A_126 = arith.constant 0 : i32
      %dma_start3A_127 = tpu.memref_slice %arg13[%dma_start3A_125, %dma_start3A_126] : memref<64x128xf32, #tpu.memory_space<vmem>> -> memref<64x128xf32, #tpu.memory_space<vmem>>
      %dma_start3A_128 = arith.constant 0 : i32
      %dma_start3A_129 = tpu.memref_slice %arg6[%arg0, %add3A_104, %dma_start3A_128] : memref<2x10112x128xf32, #tpu.memory_space<hbm>> -> memref<1x64x128xf32, #tpu.memory_space<hbm>>
      %dma_start3A_130 = tpu.memref_squeeze %dma_start3A_129 : memref<1x64x128xf32, #tpu.memory_space<hbm>> -> memref<64x128xf32, #tpu.memory_space<hbm>>
      %dma_start3A_131 = arith.constant 0 : i32
      %dma_start3A_132 = tpu.memref_slice %arg6[%arg0, %add3A_104, %dma_start3A_131] : memref<2x10112x128xf32, #tpu.memory_space<hbm>> -> memref<1x64x128xf32, #tpu.memory_space<hbm>>
      %dma_start3A_133 = tpu.memref_squeeze %dma_start3A_132 : memref<1x64x128xf32, #tpu.memory_space<hbm>> -> memref<64x128xf32, #tpu.memory_space<hbm>>
      %dma_start3A_134 = arith.constant 0 : i32
      %dma_start3A_135 = arith.constant 0 : i32
      %dma_start3A_136 = tpu.memref_slice %arg13[%dma_start3A_134, %dma_start3A_135] : memref<64x128xf32, #tpu.memory_space<vmem>> -> memref<64x128xf32, #tpu.memory_space<vmem>>
      tpu.enqueue_dma source(%dma_start3A_136 : memref<64x128xf32, #tpu.memory_space<vmem>>) target(%dma_start3A_133 : memref<64x128xf32, #tpu.memory_space<hbm>>) target_semaphore(%run_scoped3A : memref<!tpu.dma_semaphore, #tpu.memory_space<semaphore_mem>>)
      %dma_wait3A_137 = arith.constant 0 : i32
      %dma_wait3A_138 = arith.constant 0 : i32
      %dma_wait3A_139 = tpu.memref_slice %arg13[%dma_wait3A_137, %dma_wait3A_138] : memref<64x128xf32, #tpu.memory_space<vmem>> -> memref<64x128xf32, #tpu.memory_space<vmem>>
      %dma_wait3A_140 = arith.constant 0 : i32
      %dma_wait3A_141 = tpu.memref_slice %arg6[%arg0, %add3A_104, %dma_wait3A_140] : memref<2x10112x128xf32, #tpu.memory_space<hbm>> -> memref<1x64x128xf32, #tpu.memory_space<hbm>>
      %dma_wait3A_142 = tpu.memref_squeeze %dma_wait3A_141 : memref<1x64x128xf32, #tpu.memory_space<hbm>> -> memref<64x128xf32, #tpu.memory_space<hbm>>
      %dma_wait3A_143 = arith.constant 0 : i32
      %dma_wait3A_144 = tpu.memref_slice %arg6[%arg0, %add3A_104, %dma_wait3A_143] : memref<2x10112x128xf32, #tpu.memory_space<hbm>> -> memref<1x64x128xf32, #tpu.memory_space<hbm>>
      %dma_wait3A_145 = tpu.memref_squeeze %dma_wait3A_144 : memref<1x64x128xf32, #tpu.memory_space<hbm>> -> memref<64x128xf32, #tpu.memory_space<hbm>>
      %dma_wait3A_146 = arith.constant 0 : i32
      %dma_wait3A_147 = arith.constant 0 : i32
      %dma_wait3A_148 = tpu.memref_slice %arg13[%dma_wait3A_146, %dma_wait3A_147] : memref<64x128xf32, #tpu.memory_space<vmem>> -> memref<64x128xf32, #tpu.memory_space<vmem>>
      tpu.wait_dma2 semaphore(%run_scoped3A : memref<!tpu.dma_semaphore, #tpu.memory_space<semaphore_mem>>) src(%dma_wait3A_148 : memref<64x128xf32, #tpu.memory_space<vmem>>) dst(%dma_wait3A_145 : memref<64x128xf32, #tpu.memory_space<hbm>>)
      tpu.yield
    }) : () -> ()
    %add3A_105 = arith.constant 320 : i32
    %add3A_106 = arith.addi %mul3A_2, %add3A_105 : i32
    "tpu.region"() ({
      %run_scoped3A = tpu.sem_alloc : memref<!tpu.dma_semaphore, #tpu.memory_space<semaphore_mem>>
      %dma_start3A_125 = arith.constant 0 : i32
      %dma_start3A_126 = arith.constant 0 : i32
      %dma_start3A_127 = tpu.memref_slice %arg13[%dma_start3A_125, %dma_start3A_126] : memref<64x128xf32, #tpu.memory_space<vmem>> -> memref<64x128xf32, #tpu.memory_space<vmem>>
      %dma_start3A_128 = arith.constant 0 : i32
      %dma_start3A_129 = tpu.memref_slice %arg17[%add3A_106, %dma_start3A_128] : memref<10112x128xf32, #tpu.memory_space<vmem_shared>> -> memref<64x128xf32, #tpu.memory_space<vmem_shared>>
      %dma_start3A_130 = arith.constant 0 : i32
      %dma_start3A_131 = arith.constant 0 : i32
      %dma_start3A_132 = tpu.memref_slice %arg13[%dma_start3A_130, %dma_start3A_131] : memref<64x128xf32, #tpu.memory_space<vmem>> -> memref<64x128xf32, #tpu.memory_space<vmem>>
      %dma_start3A_133 = arith.constant 0 : i32
      %dma_start3A_134 = tpu.memref_slice %arg17[%add3A_106, %dma_start3A_133] : memref<10112x128xf32, #tpu.memory_space<vmem_shared>> -> memref<64x128xf32, #tpu.memory_space<vmem_shared>>
      tpu.enqueue_dma source(%dma_start3A_134 : memref<64x128xf32, #tpu.memory_space<vmem_shared>>) target(%dma_start3A_132 : memref<64x128xf32, #tpu.memory_space<vmem>>) target_semaphore(%run_scoped3A : memref<!tpu.dma_semaphore, #tpu.memory_space<semaphore_mem>>)
      %dma_wait3A_135 = arith.constant 0 : i32
      %dma_wait3A_136 = arith.constant 0 : i32
      %dma_wait3A_137 = tpu.memref_slice %arg13[%dma_wait3A_135, %dma_wait3A_136] : memref<64x128xf32, #tpu.memory_space<vmem>> -> memref<64x128xf32, #tpu.memory_space<vmem>>
      %dma_wait3A_138 = arith.constant 0 : i32
      %dma_wait3A_139 = tpu.memref_slice %arg17[%add3A_106, %dma_wait3A_138] : memref<10112x128xf32, #tpu.memory_space<vmem_shared>> -> memref<64x128xf32, #tpu.memory_space<vmem_shared>>
      %dma_wait3A_140 = arith.constant 0 : i32
      %dma_wait3A_141 = arith.constant 0 : i32
      %dma_wait3A_142 = tpu.memref_slice %arg13[%dma_wait3A_140, %dma_wait3A_141] : memref<64x128xf32, #tpu.memory_space<vmem>> -> memref<64x128xf32, #tpu.memory_space<vmem>>
      %dma_wait3A_143 = arith.constant 0 : i32
      %dma_wait3A_144 = tpu.memref_slice %arg17[%add3A_106, %dma_wait3A_143] : memref<10112x128xf32, #tpu.memory_space<vmem_shared>> -> memref<64x128xf32, #tpu.memory_space<vmem_shared>>
      tpu.wait_dma2 semaphore(%run_scoped3A : memref<!tpu.dma_semaphore, #tpu.memory_space<semaphore_mem>>) src(%dma_wait3A_144 : memref<64x128xf32, #tpu.memory_space<vmem_shared>>) dst(%dma_wait3A_142 : memref<64x128xf32, #tpu.memory_space<vmem>>)
      tpu.yield
    }) : () -> ()
    %add3A_107 = arith.constant 320 : i32
    %add3A_108 = arith.addi %mul3A_2, %add3A_107 : i32
    "tpu.region"() ({
      %run_scoped3A = tpu.sem_alloc : memref<!tpu.dma_semaphore, #tpu.memory_space<semaphore_mem>>
      %dma_start3A_125 = arith.constant 0 : i32
      %dma_start3A_126 = arith.constant 0 : i32
      %dma_start3A_127 = tpu.memref_slice %arg13[%dma_start3A_125, %dma_start3A_126] : memref<64x128xf32, #tpu.memory_space<vmem>> -> memref<64x128xf32, #tpu.memory_space<vmem>>
      %dma_start3A_128 = arith.constant 0 : i32
      %dma_start3A_129 = tpu.memref_slice %arg6[%arg0, %add3A_108, %dma_start3A_128] : memref<2x10112x128xf32, #tpu.memory_space<hbm>> -> memref<1x64x128xf32, #tpu.memory_space<hbm>>
      %dma_start3A_130 = tpu.memref_squeeze %dma_start3A_129 : memref<1x64x128xf32, #tpu.memory_space<hbm>> -> memref<64x128xf32, #tpu.memory_space<hbm>>
      %dma_start3A_131 = arith.constant 0 : i32
      %dma_start3A_132 = tpu.memref_slice %arg6[%arg0, %add3A_108, %dma_start3A_131] : memref<2x10112x128xf32, #tpu.memory_space<hbm>> -> memref<1x64x128xf32, #tpu.memory_space<hbm>>
      %dma_start3A_133 = tpu.memref_squeeze %dma_start3A_132 : memref<1x64x128xf32, #tpu.memory_space<hbm>> -> memref<64x128xf32, #tpu.memory_space<hbm>>
      %dma_start3A_134 = arith.constant 0 : i32
      %dma_start3A_135 = arith.constant 0 : i32
      %dma_start3A_136 = tpu.memref_slice %arg13[%dma_start3A_134, %dma_start3A_135] : memref<64x128xf32, #tpu.memory_space<vmem>> -> memref<64x128xf32, #tpu.memory_space<vmem>>
      tpu.enqueue_dma source(%dma_start3A_136 : memref<64x128xf32, #tpu.memory_space<vmem>>) target(%dma_start3A_133 : memref<64x128xf32, #tpu.memory_space<hbm>>) target_semaphore(%run_scoped3A : memref<!tpu.dma_semaphore, #tpu.memory_space<semaphore_mem>>)
      %dma_wait3A_137 = arith.constant 0 : i32
      %dma_wait3A_138 = arith.constant 0 : i32
      %dma_wait3A_139 = tpu.memref_slice %arg13[%dma_wait3A_137, %dma_wait3A_138] : memref<64x128xf32, #tpu.memory_space<vmem>> -> memref<64x128xf32, #tpu.memory_space<vmem>>
      %dma_wait3A_140 = arith.constant 0 : i32
      %dma_wait3A_141 = tpu.memref_slice %arg6[%arg0, %add3A_108, %dma_wait3A_140] : memref<2x10112x128xf32, #tpu.memory_space<hbm>> -> memref<1x64x128xf32, #tpu.memory_space<hbm>>
      %dma_wait3A_142 = tpu.memref_squeeze %dma_wait3A_141 : memref<1x64x128xf32, #tpu.memory_space<hbm>> -> memref<64x128xf32, #tpu.memory_space<hbm>>
      %dma_wait3A_143 = arith.constant 0 : i32
      %dma_wait3A_144 = tpu.memref_slice %arg6[%arg0, %add3A_108, %dma_wait3A_143] : memref<2x10112x128xf32, #tpu.memory_space<hbm>> -> memref<1x64x128xf32, #tpu.memory_space<hbm>>
      %dma_wait3A_145 = tpu.memref_squeeze %dma_wait3A_144 : memref<1x64x128xf32, #tpu.memory_space<hbm>> -> memref<64x128xf32, #tpu.memory_space<hbm>>
      %dma_wait3A_146 = arith.constant 0 : i32
      %dma_wait3A_147 = arith.constant 0 : i32
      %dma_wait3A_148 = tpu.memref_slice %arg13[%dma_wait3A_146, %dma_wait3A_147] : memref<64x128xf32, #tpu.memory_space<vmem>> -> memref<64x128xf32, #tpu.memory_space<vmem>>
      tpu.wait_dma2 semaphore(%run_scoped3A : memref<!tpu.dma_semaphore, #tpu.memory_space<semaphore_mem>>) src(%dma_wait3A_148 : memref<64x128xf32, #tpu.memory_space<vmem>>) dst(%dma_wait3A_145 : memref<64x128xf32, #tpu.memory_space<hbm>>)
      tpu.yield
    }) : () -> ()
    %add3A_109 = arith.constant 384 : i32
    %add3A_110 = arith.addi %mul3A_2, %add3A_109 : i32
    "tpu.region"() ({
      %run_scoped3A = tpu.sem_alloc : memref<!tpu.dma_semaphore, #tpu.memory_space<semaphore_mem>>
      %dma_start3A_125 = arith.constant 0 : i32
      %dma_start3A_126 = arith.constant 0 : i32
      %dma_start3A_127 = tpu.memref_slice %arg13[%dma_start3A_125, %dma_start3A_126] : memref<64x128xf32, #tpu.memory_space<vmem>> -> memref<64x128xf32, #tpu.memory_space<vmem>>
      %dma_start3A_128 = arith.constant 0 : i32
      %dma_start3A_129 = tpu.memref_slice %arg17[%add3A_110, %dma_start3A_128] : memref<10112x128xf32, #tpu.memory_space<vmem_shared>> -> memref<64x128xf32, #tpu.memory_space<vmem_shared>>
      %dma_start3A_130 = arith.constant 0 : i32
      %dma_start3A_131 = arith.constant 0 : i32
      %dma_start3A_132 = tpu.memref_slice %arg13[%dma_start3A_130, %dma_start3A_131] : memref<64x128xf32, #tpu.memory_space<vmem>> -> memref<64x128xf32, #tpu.memory_space<vmem>>
      %dma_start3A_133 = arith.constant 0 : i32
      %dma_start3A_134 = tpu.memref_slice %arg17[%add3A_110, %dma_start3A_133] : memref<10112x128xf32, #tpu.memory_space<vmem_shared>> -> memref<64x128xf32, #tpu.memory_space<vmem_shared>>
      tpu.enqueue_dma source(%dma_start3A_134 : memref<64x128xf32, #tpu.memory_space<vmem_shared>>) target(%dma_start3A_132 : memref<64x128xf32, #tpu.memory_space<vmem>>) target_semaphore(%run_scoped3A : memref<!tpu.dma_semaphore, #tpu.memory_space<semaphore_mem>>)
      %dma_wait3A_135 = arith.constant 0 : i32
      %dma_wait3A_136 = arith.constant 0 : i32
      %dma_wait3A_137 = tpu.memref_slice %arg13[%dma_wait3A_135, %dma_wait3A_136] : memref<64x128xf32, #tpu.memory_space<vmem>> -> memref<64x128xf32, #tpu.memory_space<vmem>>
      %dma_wait3A_138 = arith.constant 0 : i32
      %dma_wait3A_139 = tpu.memref_slice %arg17[%add3A_110, %dma_wait3A_138] : memref<10112x128xf32, #tpu.memory_space<vmem_shared>> -> memref<64x128xf32, #tpu.memory_space<vmem_shared>>
      %dma_wait3A_140 = arith.constant 0 : i32
      %dma_wait3A_141 = arith.constant 0 : i32
      %dma_wait3A_142 = tpu.memref_slice %arg13[%dma_wait3A_140, %dma_wait3A_141] : memref<64x128xf32, #tpu.memory_space<vmem>> -> memref<64x128xf32, #tpu.memory_space<vmem>>
      %dma_wait3A_143 = arith.constant 0 : i32
      %dma_wait3A_144 = tpu.memref_slice %arg17[%add3A_110, %dma_wait3A_143] : memref<10112x128xf32, #tpu.memory_space<vmem_shared>> -> memref<64x128xf32, #tpu.memory_space<vmem_shared>>
      tpu.wait_dma2 semaphore(%run_scoped3A : memref<!tpu.dma_semaphore, #tpu.memory_space<semaphore_mem>>) src(%dma_wait3A_144 : memref<64x128xf32, #tpu.memory_space<vmem_shared>>) dst(%dma_wait3A_142 : memref<64x128xf32, #tpu.memory_space<vmem>>)
      tpu.yield
    }) : () -> ()
    %add3A_111 = arith.constant 384 : i32
    %add3A_112 = arith.addi %mul3A_2, %add3A_111 : i32
    "tpu.region"() ({
      %run_scoped3A = tpu.sem_alloc : memref<!tpu.dma_semaphore, #tpu.memory_space<semaphore_mem>>
      %dma_start3A_125 = arith.constant 0 : i32
      %dma_start3A_126 = arith.constant 0 : i32
      %dma_start3A_127 = tpu.memref_slice %arg13[%dma_start3A_125, %dma_start3A_126] : memref<64x128xf32, #tpu.memory_space<vmem>> -> memref<64x128xf32, #tpu.memory_space<vmem>>
      %dma_start3A_128 = arith.constant 0 : i32
      %dma_start3A_129 = tpu.memref_slice %arg6[%arg0, %add3A_112, %dma_start3A_128] : memref<2x10112x128xf32, #tpu.memory_space<hbm>> -> memref<1x64x128xf32, #tpu.memory_space<hbm>>
      %dma_start3A_130 = tpu.memref_squeeze %dma_start3A_129 : memref<1x64x128xf32, #tpu.memory_space<hbm>> -> memref<64x128xf32, #tpu.memory_space<hbm>>
      %dma_start3A_131 = arith.constant 0 : i32
      %dma_start3A_132 = tpu.memref_slice %arg6[%arg0, %add3A_112, %dma_start3A_131] : memref<2x10112x128xf32, #tpu.memory_space<hbm>> -> memref<1x64x128xf32, #tpu.memory_space<hbm>>
      %dma_start3A_133 = tpu.memref_squeeze %dma_start3A_132 : memref<1x64x128xf32, #tpu.memory_space<hbm>> -> memref<64x128xf32, #tpu.memory_space<hbm>>
      %dma_start3A_134 = arith.constant 0 : i32
      %dma_start3A_135 = arith.constant 0 : i32
      %dma_start3A_136 = tpu.memref_slice %arg13[%dma_start3A_134, %dma_start3A_135] : memref<64x128xf32, #tpu.memory_space<vmem>> -> memref<64x128xf32, #tpu.memory_space<vmem>>
      tpu.enqueue_dma source(%dma_start3A_136 : memref<64x128xf32, #tpu.memory_space<vmem>>) target(%dma_start3A_133 : memref<64x128xf32, #tpu.memory_space<hbm>>) target_semaphore(%run_scoped3A : memref<!tpu.dma_semaphore, #tpu.memory_space<semaphore_mem>>)
      %dma_wait3A_137 = arith.constant 0 : i32
      %dma_wait3A_138 = arith.constant 0 : i32
      %dma_wait3A_139 = tpu.memref_slice %arg13[%dma_wait3A_137, %dma_wait3A_138] : memref<64x128xf32, #tpu.memory_space<vmem>> -> memref<64x128xf32, #tpu.memory_space<vmem>>
      %dma_wait3A_140 = arith.constant 0 : i32
      %dma_wait3A_141 = tpu.memref_slice %arg6[%arg0, %add3A_112, %dma_wait3A_140] : memref<2x10112x128xf32, #tpu.memory_space<hbm>> -> memref<1x64x128xf32, #tpu.memory_space<hbm>>
      %dma_wait3A_142 = tpu.memref_squeeze %dma_wait3A_141 : memref<1x64x128xf32, #tpu.memory_space<hbm>> -> memref<64x128xf32, #tpu.memory_space<hbm>>
      %dma_wait3A_143 = arith.constant 0 : i32
      %dma_wait3A_144 = tpu.memref_slice %arg6[%arg0, %add3A_112, %dma_wait3A_143] : memref<2x10112x128xf32, #tpu.memory_space<hbm>> -> memref<1x64x128xf32, #tpu.memory_space<hbm>>
      %dma_wait3A_145 = tpu.memref_squeeze %dma_wait3A_144 : memref<1x64x128xf32, #tpu.memory_space<hbm>> -> memref<64x128xf32, #tpu.memory_space<hbm>>
      %dma_wait3A_146 = arith.constant 0 : i32
      %dma_wait3A_147 = arith.constant 0 : i32
      %dma_wait3A_148 = tpu.memref_slice %arg13[%dma_wait3A_146, %dma_wait3A_147] : memref<64x128xf32, #tpu.memory_space<vmem>> -> memref<64x128xf32, #tpu.memory_space<vmem>>
      tpu.wait_dma2 semaphore(%run_scoped3A : memref<!tpu.dma_semaphore, #tpu.memory_space<semaphore_mem>>) src(%dma_wait3A_148 : memref<64x128xf32, #tpu.memory_space<vmem>>) dst(%dma_wait3A_145 : memref<64x128xf32, #tpu.memory_space<hbm>>)
      tpu.yield
    }) : () -> ()
    %add3A_113 = arith.constant 448 : i32
    %add3A_114 = arith.addi %mul3A_2, %add3A_113 : i32
    "tpu.region"() ({
      %run_scoped3A = tpu.sem_alloc : memref<!tpu.dma_semaphore, #tpu.memory_space<semaphore_mem>>
      %dma_start3A_125 = arith.constant 0 : i32
      %dma_start3A_126 = arith.constant 0 : i32
      %dma_start3A_127 = tpu.memref_slice %arg13[%dma_start3A_125, %dma_start3A_126] : memref<64x128xf32, #tpu.memory_space<vmem>> -> memref<64x128xf32, #tpu.memory_space<vmem>>
      %dma_start3A_128 = arith.constant 0 : i32
      %dma_start3A_129 = tpu.memref_slice %arg17[%add3A_114, %dma_start3A_128] : memref<10112x128xf32, #tpu.memory_space<vmem_shared>> -> memref<64x128xf32, #tpu.memory_space<vmem_shared>>
      %dma_start3A_130 = arith.constant 0 : i32
      %dma_start3A_131 = arith.constant 0 : i32
      %dma_start3A_132 = tpu.memref_slice %arg13[%dma_start3A_130, %dma_start3A_131] : memref<64x128xf32, #tpu.memory_space<vmem>> -> memref<64x128xf32, #tpu.memory_space<vmem>>
      %dma_start3A_133 = arith.constant 0 : i32
      %dma_start3A_134 = tpu.memref_slice %arg17[%add3A_114, %dma_start3A_133] : memref<10112x128xf32, #tpu.memory_space<vmem_shared>> -> memref<64x128xf32, #tpu.memory_space<vmem_shared>>
      tpu.enqueue_dma source(%dma_start3A_134 : memref<64x128xf32, #tpu.memory_space<vmem_shared>>) target(%dma_start3A_132 : memref<64x128xf32, #tpu.memory_space<vmem>>) target_semaphore(%run_scoped3A : memref<!tpu.dma_semaphore, #tpu.memory_space<semaphore_mem>>)
      %dma_wait3A_135 = arith.constant 0 : i32
      %dma_wait3A_136 = arith.constant 0 : i32
      %dma_wait3A_137 = tpu.memref_slice %arg13[%dma_wait3A_135, %dma_wait3A_136] : memref<64x128xf32, #tpu.memory_space<vmem>> -> memref<64x128xf32, #tpu.memory_space<vmem>>
      %dma_wait3A_138 = arith.constant 0 : i32
      %dma_wait3A_139 = tpu.memref_slice %arg17[%add3A_114, %dma_wait3A_138] : memref<10112x128xf32, #tpu.memory_space<vmem_shared>> -> memref<64x128xf32, #tpu.memory_space<vmem_shared>>
      %dma_wait3A_140 = arith.constant 0 : i32
      %dma_wait3A_141 = arith.constant 0 : i32
      %dma_wait3A_142 = tpu.memref_slice %arg13[%dma_wait3A_140, %dma_wait3A_141] : memref<64x128xf32, #tpu.memory_space<vmem>> -> memref<64x128xf32, #tpu.memory_space<vmem>>
      %dma_wait3A_143 = arith.constant 0 : i32
      %dma_wait3A_144 = tpu.memref_slice %arg17[%add3A_114, %dma_wait3A_143] : memref<10112x128xf32, #tpu.memory_space<vmem_shared>> -> memref<64x128xf32, #tpu.memory_space<vmem_shared>>
      tpu.wait_dma2 semaphore(%run_scoped3A : memref<!tpu.dma_semaphore, #tpu.memory_space<semaphore_mem>>) src(%dma_wait3A_144 : memref<64x128xf32, #tpu.memory_space<vmem_shared>>) dst(%dma_wait3A_142 : memref<64x128xf32, #tpu.memory_space<vmem>>)
      tpu.yield
    }) : () -> ()
    %add3A_115 = arith.constant 448 : i32
    %add3A_116 = arith.addi %mul3A_2, %add3A_115 : i32
    "tpu.region"() ({
      %run_scoped3A = tpu.sem_alloc : memref<!tpu.dma_semaphore, #tpu.memory_space<semaphore_mem>>
      %dma_start3A_125 = arith.constant 0 : i32
      %dma_start3A_126 = arith.constant 0 : i32
      %dma_start3A_127 = tpu.memref_slice %arg13[%dma_start3A_125, %dma_start3A_126] : memref<64x128xf32, #tpu.memory_space<vmem>> -> memref<64x128xf32, #tpu.memory_space<vmem>>
      %dma_start3A_128 = arith.constant 0 : i32
      %dma_start3A_129 = tpu.memref_slice %arg6[%arg0, %add3A_116, %dma_start3A_128] : memref<2x10112x128xf32, #tpu.memory_space<hbm>> -> memref<1x64x128xf32, #tpu.memory_space<hbm>>
      %dma_start3A_130 = tpu.memref_squeeze %dma_start3A_129 : memref<1x64x128xf32, #tpu.memory_space<hbm>> -> memref<64x128xf32, #tpu.memory_space<hbm>>
      %dma_start3A_131 = arith.constant 0 : i32
      %dma_start3A_132 = tpu.memref_slice %arg6[%arg0, %add3A_116, %dma_start3A_131] : memref<2x10112x128xf32, #tpu.memory_space<hbm>> -> memref<1x64x128xf32, #tpu.memory_space<hbm>>
      %dma_start3A_133 = tpu.memref_squeeze %dma_start3A_132 : memref<1x64x128xf32, #tpu.memory_space<hbm>> -> memref<64x128xf32, #tpu.memory_space<hbm>>
      %dma_start3A_134 = arith.constant 0 : i32
      %dma_start3A_135 = arith.constant 0 : i32
      %dma_start3A_136 = tpu.memref_slice %arg13[%dma_start3A_134, %dma_start3A_135] : memref<64x128xf32, #tpu.memory_space<vmem>> -> memref<64x128xf32, #tpu.memory_space<vmem>>
      tpu.enqueue_dma source(%dma_start3A_136 : memref<64x128xf32, #tpu.memory_space<vmem>>) target(%dma_start3A_133 : memref<64x128xf32, #tpu.memory_space<hbm>>) target_semaphore(%run_scoped3A : memref<!tpu.dma_semaphore, #tpu.memory_space<semaphore_mem>>)
      %dma_wait3A_137 = arith.constant 0 : i32
      %dma_wait3A_138 = arith.constant 0 : i32
      %dma_wait3A_139 = tpu.memref_slice %arg13[%dma_wait3A_137, %dma_wait3A_138] : memref<64x128xf32, #tpu.memory_space<vmem>> -> memref<64x128xf32, #tpu.memory_space<vmem>>
      %dma_wait3A_140 = arith.constant 0 : i32
      %dma_wait3A_141 = tpu.memref_slice %arg6[%arg0, %add3A_116, %dma_wait3A_140] : memref<2x10112x128xf32, #tpu.memory_space<hbm>> -> memref<1x64x128xf32, #tpu.memory_space<hbm>>
      %dma_wait3A_142 = tpu.memref_squeeze %dma_wait3A_141 : memref<1x64x128xf32, #tpu.memory_space<hbm>> -> memref<64x128xf32, #tpu.memory_space<hbm>>
      %dma_wait3A_143 = arith.constant 0 : i32
      %dma_wait3A_144 = tpu.memref_slice %arg6[%arg0, %add3A_116, %dma_wait3A_143] : memref<2x10112x128xf32, #tpu.memory_space<hbm>> -> memref<1x64x128xf32, #tpu.memory_space<hbm>>
      %dma_wait3A_145 = tpu.memref_squeeze %dma_wait3A_144 : memref<1x64x128xf32, #tpu.memory_space<hbm>> -> memref<64x128xf32, #tpu.memory_space<hbm>>
      %dma_wait3A_146 = arith.constant 0 : i32
      %dma_wait3A_147 = arith.constant 0 : i32
      %dma_wait3A_148 = tpu.memref_slice %arg13[%dma_wait3A_146, %dma_wait3A_147] : memref<64x128xf32, #tpu.memory_space<vmem>> -> memref<64x128xf32, #tpu.memory_space<vmem>>
      tpu.wait_dma2 semaphore(%run_scoped3A : memref<!tpu.dma_semaphore, #tpu.memory_space<semaphore_mem>>) src(%dma_wait3A_148 : memref<64x128xf32, #tpu.memory_space<vmem>>) dst(%dma_wait3A_145 : memref<64x128xf32, #tpu.memory_space<hbm>>)
      tpu.yield
    }) : () -> ()
    %add3A_117 = arith.constant 512 : i32
    %add3A_118 = arith.addi %mul3A_2, %add3A_117 : i32
    "tpu.region"() ({
      %run_scoped3A = tpu.sem_alloc : memref<!tpu.dma_semaphore, #tpu.memory_space<semaphore_mem>>
      %dma_start3A_125 = arith.constant 0 : i32
      %dma_start3A_126 = arith.constant 0 : i32
      %dma_start3A_127 = tpu.memref_slice %arg13[%dma_start3A_125, %dma_start3A_126] : memref<64x128xf32, #tpu.memory_space<vmem>> -> memref<64x128xf32, #tpu.memory_space<vmem>>
      %dma_start3A_128 = arith.constant 0 : i32
      %dma_start3A_129 = tpu.memref_slice %arg17[%add3A_118, %dma_start3A_128] : memref<10112x128xf32, #tpu.memory_space<vmem_shared>> -> memref<64x128xf32, #tpu.memory_space<vmem_shared>>
      %dma_start3A_130 = arith.constant 0 : i32
      %dma_start3A_131 = arith.constant 0 : i32
      %dma_start3A_132 = tpu.memref_slice %arg13[%dma_start3A_130, %dma_start3A_131] : memref<64x128xf32, #tpu.memory_space<vmem>> -> memref<64x128xf32, #tpu.memory_space<vmem>>
      %dma_start3A_133 = arith.constant 0 : i32
      %dma_start3A_134 = tpu.memref_slice %arg17[%add3A_118, %dma_start3A_133] : memref<10112x128xf32, #tpu.memory_space<vmem_shared>> -> memref<64x128xf32, #tpu.memory_space<vmem_shared>>
      tpu.enqueue_dma source(%dma_start3A_134 : memref<64x128xf32, #tpu.memory_space<vmem_shared>>) target(%dma_start3A_132 : memref<64x128xf32, #tpu.memory_space<vmem>>) target_semaphore(%run_scoped3A : memref<!tpu.dma_semaphore, #tpu.memory_space<semaphore_mem>>)
      %dma_wait3A_135 = arith.constant 0 : i32
      %dma_wait3A_136 = arith.constant 0 : i32
      %dma_wait3A_137 = tpu.memref_slice %arg13[%dma_wait3A_135, %dma_wait3A_136] : memref<64x128xf32, #tpu.memory_space<vmem>> -> memref<64x128xf32, #tpu.memory_space<vmem>>
      %dma_wait3A_138 = arith.constant 0 : i32
      %dma_wait3A_139 = tpu.memref_slice %arg17[%add3A_118, %dma_wait3A_138] : memref<10112x128xf32, #tpu.memory_space<vmem_shared>> -> memref<64x128xf32, #tpu.memory_space<vmem_shared>>
      %dma_wait3A_140 = arith.constant 0 : i32
      %dma_wait3A_141 = arith.constant 0 : i32
      %dma_wait3A_142 = tpu.memref_slice %arg13[%dma_wait3A_140, %dma_wait3A_141] : memref<64x128xf32, #tpu.memory_space<vmem>> -> memref<64x128xf32, #tpu.memory_space<vmem>>
      %dma_wait3A_143 = arith.constant 0 : i32
      %dma_wait3A_144 = tpu.memref_slice %arg17[%add3A_118, %dma_wait3A_143] : memref<10112x128xf32, #tpu.memory_space<vmem_shared>> -> memref<64x128xf32, #tpu.memory_space<vmem_shared>>
      tpu.wait_dma2 semaphore(%run_scoped3A : memref<!tpu.dma_semaphore, #tpu.memory_space<semaphore_mem>>) src(%dma_wait3A_144 : memref<64x128xf32, #tpu.memory_space<vmem_shared>>) dst(%dma_wait3A_142 : memref<64x128xf32, #tpu.memory_space<vmem>>)
      tpu.yield
    }) : () -> ()
    %add3A_119 = arith.constant 512 : i32
    %add3A_120 = arith.addi %mul3A_2, %add3A_119 : i32
    "tpu.region"() ({
      %run_scoped3A = tpu.sem_alloc : memref<!tpu.dma_semaphore, #tpu.memory_space<semaphore_mem>>
      %dma_start3A_125 = arith.constant 0 : i32
      %dma_start3A_126 = arith.constant 0 : i32
      %dma_start3A_127 = tpu.memref_slice %arg13[%dma_start3A_125, %dma_start3A_126] : memref<64x128xf32, #tpu.memory_space<vmem>> -> memref<64x128xf32, #tpu.memory_space<vmem>>
      %dma_start3A_128 = arith.constant 0 : i32
      %dma_start3A_129 = tpu.memref_slice %arg6[%arg0, %add3A_120, %dma_start3A_128] : memref<2x10112x128xf32, #tpu.memory_space<hbm>> -> memref<1x64x128xf32, #tpu.memory_space<hbm>>
      %dma_start3A_130 = tpu.memref_squeeze %dma_start3A_129 : memref<1x64x128xf32, #tpu.memory_space<hbm>> -> memref<64x128xf32, #tpu.memory_space<hbm>>
      %dma_start3A_131 = arith.constant 0 : i32
      %dma_start3A_132 = tpu.memref_slice %arg6[%arg0, %add3A_120, %dma_start3A_131] : memref<2x10112x128xf32, #tpu.memory_space<hbm>> -> memref<1x64x128xf32, #tpu.memory_space<hbm>>
      %dma_start3A_133 = tpu.memref_squeeze %dma_start3A_132 : memref<1x64x128xf32, #tpu.memory_space<hbm>> -> memref<64x128xf32, #tpu.memory_space<hbm>>
      %dma_start3A_134 = arith.constant 0 : i32
      %dma_start3A_135 = arith.constant 0 : i32
      %dma_start3A_136 = tpu.memref_slice %arg13[%dma_start3A_134, %dma_start3A_135] : memref<64x128xf32, #tpu.memory_space<vmem>> -> memref<64x128xf32, #tpu.memory_space<vmem>>
      tpu.enqueue_dma source(%dma_start3A_136 : memref<64x128xf32, #tpu.memory_space<vmem>>) target(%dma_start3A_133 : memref<64x128xf32, #tpu.memory_space<hbm>>) target_semaphore(%run_scoped3A : memref<!tpu.dma_semaphore, #tpu.memory_space<semaphore_mem>>)
      %dma_wait3A_137 = arith.constant 0 : i32
      %dma_wait3A_138 = arith.constant 0 : i32
      %dma_wait3A_139 = tpu.memref_slice %arg13[%dma_wait3A_137, %dma_wait3A_138] : memref<64x128xf32, #tpu.memory_space<vmem>> -> memref<64x128xf32, #tpu.memory_space<vmem>>
      %dma_wait3A_140 = arith.constant 0 : i32
      %dma_wait3A_141 = tpu.memref_slice %arg6[%arg0, %add3A_120, %dma_wait3A_140] : memref<2x10112x128xf32, #tpu.memory_space<hbm>> -> memref<1x64x128xf32, #tpu.memory_space<hbm>>
      %dma_wait3A_142 = tpu.memref_squeeze %dma_wait3A_141 : memref<1x64x128xf32, #tpu.memory_space<hbm>> -> memref<64x128xf32, #tpu.memory_space<hbm>>
      %dma_wait3A_143 = arith.constant 0 : i32
      %dma_wait3A_144 = tpu.memref_slice %arg6[%arg0, %add3A_120, %dma_wait3A_143] : memref<2x10112x128xf32, #tpu.memory_space<hbm>> -> memref<1x64x128xf32, #tpu.memory_space<hbm>>
      %dma_wait3A_145 = tpu.memref_squeeze %dma_wait3A_144 : memref<1x64x128xf32, #tpu.memory_space<hbm>> -> memref<64x128xf32, #tpu.memory_space<hbm>>
      %dma_wait3A_146 = arith.constant 0 : i32
      %dma_wait3A_147 = arith.constant 0 : i32
      %dma_wait3A_148 = tpu.memref_slice %arg13[%dma_wait3A_146, %dma_wait3A_147] : memref<64x128xf32, #tpu.memory_space<vmem>> -> memref<64x128xf32, #tpu.memory_space<vmem>>
      tpu.wait_dma2 semaphore(%run_scoped3A : memref<!tpu.dma_semaphore, #tpu.memory_space<semaphore_mem>>) src(%dma_wait3A_148 : memref<64x128xf32, #tpu.memory_space<vmem>>) dst(%dma_wait3A_145 : memref<64x128xf32, #tpu.memory_space<hbm>>)
      tpu.yield
    }) : () -> ()
    %add3A_121 = arith.constant 576 : i32
    %add3A_122 = arith.addi %mul3A_2, %add3A_121 : i32
    "tpu.region"() ({
      %run_scoped3A = tpu.sem_alloc : memref<!tpu.dma_semaphore, #tpu.memory_space<semaphore_mem>>
      %dma_start3A_125 = arith.constant 0 : i32
      %dma_start3A_126 = arith.constant 0 : i32
      %dma_start3A_127 = tpu.memref_slice %arg13[%dma_start3A_125, %dma_start3A_126] : memref<64x128xf32, #tpu.memory_space<vmem>> -> memref<56x128xf32, #tpu.memory_space<vmem>>
      %dma_start3A_128 = arith.constant 0 : i32
      %dma_start3A_129 = tpu.memref_slice %arg17[%add3A_122, %dma_start3A_128] : memref<10112x128xf32, #tpu.memory_space<vmem_shared>> -> memref<56x128xf32, #tpu.memory_space<vmem_shared>>
      %dma_start3A_130 = arith.constant 0 : i32
      %dma_start3A_131 = arith.constant 0 : i32
      %dma_start3A_132 = tpu.memref_slice %arg13[%dma_start3A_130, %dma_start3A_131] : memref<64x128xf32, #tpu.memory_space<vmem>> -> memref<56x128xf32, #tpu.memory_space<vmem>>
      %dma_start3A_133 = arith.constant 0 : i32
      %dma_start3A_134 = tpu.memref_slice %arg17[%add3A_122, %dma_start3A_133] : memref<10112x128xf32, #tpu.memory_space<vmem_shared>> -> memref<56x128xf32, #tpu.memory_space<vmem_shared>>
      tpu.enqueue_dma source(%dma_start3A_134 : memref<56x128xf32, #tpu.memory_space<vmem_shared>>) target(%dma_start3A_132 : memref<56x128xf32, #tpu.memory_space<vmem>>) target_semaphore(%run_scoped3A : memref<!tpu.dma_semaphore, #tpu.memory_space<semaphore_mem>>)
      %dma_wait3A_135 = arith.constant 0 : i32
      %dma_wait3A_136 = arith.constant 0 : i32
      %dma_wait3A_137 = tpu.memref_slice %arg13[%dma_wait3A_135, %dma_wait3A_136] : memref<64x128xf32, #tpu.memory_space<vmem>> -> memref<56x128xf32, #tpu.memory_space<vmem>>
      %dma_wait3A_138 = arith.constant 0 : i32
      %dma_wait3A_139 = tpu.memref_slice %arg17[%add3A_122, %dma_wait3A_138] : memref<10112x128xf32, #tpu.memory_space<vmem_shared>> -> memref<56x128xf32, #tpu.memory_space<vmem_shared>>
      %dma_wait3A_140 = arith.constant 0 : i32
      %dma_wait3A_141 = arith.constant 0 : i32
      %dma_wait3A_142 = tpu.memref_slice %arg13[%dma_wait3A_140, %dma_wait3A_141] : memref<64x128xf32, #tpu.memory_space<vmem>> -> memref<56x128xf32, #tpu.memory_space<vmem>>
      %dma_wait3A_143 = arith.constant 0 : i32
      %dma_wait3A_144 = tpu.memref_slice %arg17[%add3A_122, %dma_wait3A_143] : memref<10112x128xf32, #tpu.memory_space<vmem_shared>> -> memref<56x128xf32, #tpu.memory_space<vmem_shared>>
      tpu.wait_dma2 semaphore(%run_scoped3A : memref<!tpu.dma_semaphore, #tpu.memory_space<semaphore_mem>>) src(%dma_wait3A_144 : memref<56x128xf32, #tpu.memory_space<vmem_shared>>) dst(%dma_wait3A_142 : memref<56x128xf32, #tpu.memory_space<vmem>>)
      tpu.yield
    }) : () -> ()
    %add3A_123 = arith.constant 576 : i32
    %add3A_124 = arith.addi %mul3A_2, %add3A_123 : i32
    "tpu.region"() ({
      %run_scoped3A = tpu.sem_alloc : memref<!tpu.dma_semaphore, #tpu.memory_space<semaphore_mem>>
      %dma_start3A_125 = arith.constant 0 : i32
      %dma_start3A_126 = arith.constant 0 : i32
      %dma_start3A_127 = tpu.memref_slice %arg13[%dma_start3A_125, %dma_start3A_126] : memref<64x128xf32, #tpu.memory_space<vmem>> -> memref<56x128xf32, #tpu.memory_space<vmem>>
      %dma_start3A_128 = arith.constant 0 : i32
      %dma_start3A_129 = tpu.memref_slice %arg6[%arg0, %add3A_124, %dma_start3A_128] : memref<2x10112x128xf32, #tpu.memory_space<hbm>> -> memref<1x56x128xf32, #tpu.memory_space<hbm>>
      %dma_start3A_130 = tpu.memref_squeeze %dma_start3A_129 : memref<1x56x128xf32, #tpu.memory_space<hbm>> -> memref<56x128xf32, #tpu.memory_space<hbm>>
      %dma_start3A_131 = arith.constant 0 : i32
      %dma_start3A_132 = tpu.memref_slice %arg6[%arg0, %add3A_124, %dma_start3A_131] : memref<2x10112x128xf32, #tpu.memory_space<hbm>> -> memref<1x56x128xf32, #tpu.memory_space<hbm>>
      %dma_start3A_133 = tpu.memref_squeeze %dma_start3A_132 : memref<1x56x128xf32, #tpu.memory_space<hbm>> -> memref<56x128xf32, #tpu.memory_space<hbm>>
      %dma_start3A_134 = arith.constant 0 : i32
      %dma_start3A_135 = arith.constant 0 : i32
      %dma_start3A_136 = tpu.memref_slice %arg13[%dma_start3A_134, %dma_start3A_135] : memref<64x128xf32, #tpu.memory_space<vmem>> -> memref<56x128xf32, #tpu.memory_space<vmem>>
      tpu.enqueue_dma source(%dma_start3A_136 : memref<56x128xf32, #tpu.memory_space<vmem>>) target(%dma_start3A_133 : memref<56x128xf32, #tpu.memory_space<hbm>>) target_semaphore(%run_scoped3A : memref<!tpu.dma_semaphore, #tpu.memory_space<semaphore_mem>>)
      %dma_wait3A_137 = arith.constant 0 : i32
      %dma_wait3A_138 = arith.constant 0 : i32
      %dma_wait3A_139 = tpu.memref_slice %arg13[%dma_wait3A_137, %dma_wait3A_138] : memref<64x128xf32, #tpu.memory_space<vmem>> -> memref<56x128xf32, #tpu.memory_space<vmem>>
      %dma_wait3A_140 = arith.constant 0 : i32
      %dma_wait3A_141 = tpu.memref_slice %arg6[%arg0, %add3A_124, %dma_wait3A_140] : memref<2x10112x128xf32, #tpu.memory_space<hbm>> -> memref<1x56x128xf32, #tpu.memory_space<hbm>>
      %dma_wait3A_142 = tpu.memref_squeeze %dma_wait3A_141 : memref<1x56x128xf32, #tpu.memory_space<hbm>> -> memref<56x128xf32, #tpu.memory_space<hbm>>
      %dma_wait3A_143 = arith.constant 0 : i32
      %dma_wait3A_144 = tpu.memref_slice %arg6[%arg0, %add3A_124, %dma_wait3A_143] : memref<2x10112x128xf32, #tpu.memory_space<hbm>> -> memref<1x56x128xf32, #tpu.memory_space<hbm>>
      %dma_wait3A_145 = tpu.memref_squeeze %dma_wait3A_144 : memref<1x56x128xf32, #tpu.memory_space<hbm>> -> memref<56x128xf32, #tpu.memory_space<hbm>>
      %dma_wait3A_146 = arith.constant 0 : i32
      %dma_wait3A_147 = arith.constant 0 : i32
      %dma_wait3A_148 = tpu.memref_slice %arg13[%dma_wait3A_146, %dma_wait3A_147] : memref<64x128xf32, #tpu.memory_space<vmem>> -> memref<56x128xf32, #tpu.memory_space<vmem>>
      tpu.wait_dma2 semaphore(%run_scoped3A : memref<!tpu.dma_semaphore, #tpu.memory_space<semaphore_mem>>) src(%dma_wait3A_148 : memref<56x128xf32, #tpu.memory_space<vmem>>) dst(%dma_wait3A_145 : memref<56x128xf32, #tpu.memory_space<hbm>>)
      tpu.yield
    }) : () -> ()
    return
  }
}

#map = affine_map<(d0, d1) -> (0)>
#map1 = affine_map<(d0, d1) -> (0, 0)>
#map2 = affine_map<(d0, d1) -> (0, 0, 0)>
module attributes {stable_mosaic.version = 14 : i64} {
  func.func @_edge_kernel(%arg0: i32, %arg1: i32, %arg2: memref<320000xi32, #tpu.memory_space<hbm>>, %arg3: memref<320000xi32, #tpu.memory_space<hbm>>, %arg4: memref<10000x128xf32, #tpu.memory_space<hbm>>, %arg5: memref<632x128xf32, #tpu.memory_space<hbm>>, %arg6: memref<2x10112x128xf32, #tpu.memory_space<hbm>>, %arg7: memref<10000xi32, #tpu.memory_space<vmem>>, %arg8: memref<64xi32, #tpu.memory_space<vmem>>, %arg9: memref<64xi32, #tpu.memory_space<vmem>>, %arg10: memref<64xi32, #tpu.memory_space<vmem>>, %arg11: memref<64xi32, #tpu.memory_space<vmem>>, %arg12: memref<16xi32, #tpu.memory_space<vmem>>, %arg13: memref<64x128xf32, #tpu.memory_space<vmem>>, %arg14: memref<64x128xf32, #tpu.memory_space<vmem>>, %arg15: memref<64x128xf32, #tpu.memory_space<vmem>>, %arg16: memref<64x128xf32, #tpu.memory_space<vmem>>, %arg17: memref<10112x128xf32, #tpu.memory_space<vmem_shared>>, %arg18: memref<!tpu.dma_semaphore, #tpu.memory_space<semaphore_mem>>, %arg19: memref<!tpu.dma_semaphore, #tpu.memory_space<semaphore_mem>>, %arg20: memref<!tpu.dma_semaphore, #tpu.memory_space<semaphore_mem>>, %arg21: memref<!tpu.dma_semaphore, #tpu.memory_space<semaphore_mem>>, %arg22: memref<!tpu.dma_semaphore, #tpu.memory_space<semaphore_mem>>, %arg23: memref<!tpu.dma_semaphore, #tpu.memory_space<semaphore_mem>>, %arg24: memref<!tpu.dma_semaphore, #tpu.memory_space<semaphore_mem>>, %arg25: memref<!tpu.dma_semaphore, #tpu.memory_space<semaphore_mem>>) attributes {dimension_semantics = [#tpu.dimension_semantics<core_parallel>, #tpu.dimension_semantics<subcore_parallel>], iteration_bounds = array<i64: 2, 16>, scalar_prefetch = 0 : i64, scratch_operands = 19 : i64, tpu.core_type = #tpu.core_type<sc_vector_subcore>, window_params = [{transform_indices = #map}, {transform_indices = #map}, {transform_indices = #map1}, {transform_indices = #map1}, {transform_indices = #map2}]} {
    %mul3A = arith.constant 16 : i32
    %mul3A_0 = arith.muli %arg0, %mul3A : i32
    %add3A = arith.addi %mul3A_0, %arg1 : i32
    %mul3A_1 = arith.constant 632 : i32
    %mul3A_2 = arith.muli %arg1, %mul3A_1 : i32
    %mul3A_3 = arith.constant 10000 : i32
    %mul3A_4 = arith.muli %add3A, %mul3A_3 : i32
    "tpu.region"() ({
      %run_scoped3A = tpu.sem_alloc : memref<!tpu.dma_semaphore, #tpu.memory_space<semaphore_mem>>
      %dma_start3A_125 = tpu.memref_slice %arg2[%mul3A_4] : memref<320000xi32, #tpu.memory_space<hbm>> -> memref<10000xi32, #tpu.memory_space<hbm>>
      %dma_start3A_126 = tpu.memref_slice %arg2[%mul3A_4] : memref<320000xi32, #tpu.memory_space<hbm>> -> memref<10000xi32, #tpu.memory_space<hbm>>
      tpu.enqueue_dma source(%dma_start3A_126 : memref<10000xi32, #tpu.memory_space<hbm>>) target(%arg7 : memref<10000xi32, #tpu.memory_space<vmem>>) target_semaphore(%run_scoped3A : memref<!tpu.dma_semaphore, #tpu.memory_space<semaphore_mem>>)
      %dma_wait3A_127 = tpu.memref_slice %arg2[%mul3A_4] : memref<320000xi32, #tpu.memory_space<hbm>> -> memref<10000xi32, #tpu.memory_space<hbm>>
      %dma_wait3A_128 = tpu.memref_slice %arg2[%mul3A_4] : memref<320000xi32, #tpu.memory_space<hbm>> -> memref<10000xi32, #tpu.memory_space<hbm>>
      tpu.wait_dma2 semaphore(%run_scoped3A : memref<!tpu.dma_semaphore, #tpu.memory_space<semaphore_mem>>) src(%dma_wait3A_128 : memref<10000xi32, #tpu.memory_space<hbm>>) dst(%arg7 : memref<10000xi32, #tpu.memory_space<vmem>>)
      tpu.yield
    }) : () -> ()
    "tpu.region"() ({
      %run_scoped3A = tpu.sem_alloc : memref<!tpu.dma_semaphore, #tpu.memory_space<semaphore_mem>>
      %dma_start3A_125 = arith.constant 0 : i32
      %dma_start3A_126 = tpu.memref_slice %arg17[%mul3A_2, %dma_start3A_125] : memref<10112x128xf32, #tpu.memory_space<vmem_shared>> -> memref<632x128xf32, #tpu.memory_space<vmem_shared>>
      tpu.enqueue_dma source(%arg5 : memref<632x128xf32, #tpu.memory_space<hbm>>) target(%dma_start3A_126 : memref<632x128xf32, #tpu.memory_space<vmem_shared>>) target_semaphore(%run_scoped3A : memref<!tpu.dma_semaphore, #tpu.memory_space<semaphore_mem>>)
      %dma_wait3A_127 = arith.constant 0 : i32
      %dma_wait3A_128 = tpu.memref_slice %arg17[%mul3A_2, %dma_wait3A_127] : memref<10112x128xf32, #tpu.memory_space<vmem_shared>> -> memref<632x128xf32, #tpu.memory_space<vmem_shared>>
      tpu.wait_dma2 semaphore(%run_scoped3A : memref<!tpu.dma_semaphore, #tpu.memory_space<semaphore_mem>>) src(%arg5 : memref<632x128xf32, #tpu.memory_space<hbm>>) dst(%dma_wait3A_128 : memref<632x128xf32, #tpu.memory_space<vmem_shared>>)
      tpu.yield
    }) : () -> ()
    %barrier3A = arith.constant 0 : index
    tpu.barrier barrier_id(%barrier3A)
    %mul3A_5 = arith.constant 10000 : i32
    %mul3A_6 = arith.muli %add3A, %mul3A_5 : i32
    %add3A_7 = arith.constant 0 : i32
    %add3A_8 = arith.addi %mul3A_6, %add3A_7 : i32
    "tpu.region"() ({
      %run_scoped3A = tpu.sem_alloc : memref<!tpu.dma_semaphore, #tpu.memory_space<semaphore_mem>>
      %dma_start3A_125 = tpu.memref_slice %arg3[%add3A_8] : memref<320000xi32, #tpu.memory_space<hbm>> -> memref<64xi32, #tpu.memory_space<hbm>>
      %dma_start3A_126 = tpu.memref_slice %arg3[%add3A_8] : memref<320000xi32, #tpu.memory_space<hbm>> -> memref<64xi32, #tpu.memory_space<hbm>>
      tpu.enqueue_dma source(%dma_start3A_126 : memref<64xi32, #tpu.memory_space<hbm>>) target(%arg8 : memref<64xi32, #tpu.memory_space<vmem>>) target_semaphore(%run_scoped3A : memref<!tpu.dma_semaphore, #tpu.memory_space<semaphore_mem>>)
      %dma_wait3A_127 = tpu.memref_slice %arg3[%add3A_8] : memref<320000xi32, #tpu.memory_space<hbm>> -> memref<64xi32, #tpu.memory_space<hbm>>
      %dma_wait3A_128 = tpu.memref_slice %arg3[%add3A_8] : memref<320000xi32, #tpu.memory_space<hbm>> -> memref<64xi32, #tpu.memory_space<hbm>>
      tpu.wait_dma2 semaphore(%run_scoped3A : memref<!tpu.dma_semaphore, #tpu.memory_space<semaphore_mem>>) src(%dma_wait3A_128 : memref<64xi32, #tpu.memory_space<hbm>>) dst(%arg8 : memref<64xi32, #tpu.memory_space<vmem>>)
      tpu.yield
    }) : () -> ()
    %dma_start3A = arith.constant 0 : i32
    %dma_start3A_9 = tpu.memref_slice %arg7[%dma_start3A] : memref<10000xi32, #tpu.memory_space<vmem>> -> memref<64xi32, #tpu.memory_space<vmem>>
    %dma_start3A_10 = arith.constant 0 : i32
    %dma_start3A_11 = arith.constant 0 : i32
    %dma_start3A_12 = tpu.memref_slice %arg4[%dma_start3A_10, %dma_start3A_11] : memref<10000x128xf32, #tpu.memory_space<hbm>> -> memref<10000x128xf32, #tpu.memory_space<hbm>>
    tpu.enqueue_indirect_dma source(%dma_start3A_12 : memref<10000x128xf32, #tpu.memory_space<hbm>>) target(%arg13 : memref<64x128xf32, #tpu.memory_space<vmem>>) offsets(%dma_start3A_9 : memref<64xi32, #tpu.memory_space<vmem>>) semaphore(%arg18 : memref<!tpu.dma_semaphore, #tpu.memory_space<semaphore_mem>>)
    %mul3A_13 = arith.constant 10000 : i32
    %mul3A_14 = arith.muli %add3A, %mul3A_13 : i32
    %add3A_15 = arith.constant 64 : i32
    %add3A_16 = arith.addi %mul3A_14, %add3A_15 : i32
    "tpu.region"() ({
      %run_scoped3A = tpu.sem_alloc : memref<!tpu.dma_semaphore, #tpu.memory_space<semaphore_mem>>
      %dma_start3A_125 = tpu.memref_slice %arg3[%add3A_16] : memref<320000xi32, #tpu.memory_space<hbm>> -> memref<64xi32, #tpu.memory_space<hbm>>
      %dma_start3A_126 = tpu.memref_slice %arg3[%add3A_16] : memref<320000xi32, #tpu.memory_space<hbm>> -> memref<64xi32, #tpu.memory_space<hbm>>
      tpu.enqueue_dma source(%dma_start3A_126 : memref<64xi32, #tpu.memory_space<hbm>>) target(%arg9 : memref<64xi32, #tpu.memory_space<vmem>>) target_semaphore(%run_scoped3A : memref<!tpu.dma_semaphore, #tpu.memory_space<semaphore_mem>>)
      %dma_wait3A_127 = tpu.memref_slice %arg3[%add3A_16] : memref<320000xi32, #tpu.memory_space<hbm>> -> memref<64xi32, #tpu.memory_space<hbm>>
      %dma_wait3A_128 = tpu.memref_slice %arg3[%add3A_16] : memref<320000xi32, #tpu.memory_space<hbm>> -> memref<64xi32, #tpu.memory_space<hbm>>
      tpu.wait_dma2 semaphore(%run_scoped3A : memref<!tpu.dma_semaphore, #tpu.memory_space<semaphore_mem>>) src(%dma_wait3A_128 : memref<64xi32, #tpu.memory_space<hbm>>) dst(%arg9 : memref<64xi32, #tpu.memory_space<vmem>>)
      tpu.yield
    }) : () -> ()
    %dma_start3A_17 = arith.constant 64 : i32
    %dma_start3A_18 = tpu.memref_slice %arg7[%dma_start3A_17] : memref<10000xi32, #tpu.memory_space<vmem>> -> memref<64xi32, #tpu.memory_space<vmem>>
    %dma_start3A_19 = arith.constant 0 : i32
    %dma_start3A_20 = arith.constant 0 : i32
    %dma_start3A_21 = tpu.memref_slice %arg4[%dma_start3A_19, %dma_start3A_20] : memref<10000x128xf32, #tpu.memory_space<hbm>> -> memref<10000x128xf32, #tpu.memory_space<hbm>>
    tpu.enqueue_indirect_dma source(%dma_start3A_21 : memref<10000x128xf32, #tpu.memory_space<hbm>>) target(%arg14 : memref<64x128xf32, #tpu.memory_space<vmem>>) offsets(%dma_start3A_18 : memref<64xi32, #tpu.memory_space<vmem>>) semaphore(%arg19 : memref<!tpu.dma_semaphore, #tpu.memory_space<semaphore_mem>>)
    %mul3A_22 = arith.constant 10000 : i32
    %mul3A_23 = arith.muli %add3A, %mul3A_22 : i32
    %add3A_24 = arith.constant 128 : i32
    %add3A_25 = arith.addi %mul3A_23, %add3A_24 : i32
    "tpu.region"() ({
      %run_scoped3A = tpu.sem_alloc : memref<!tpu.dma_semaphore, #tpu.memory_space<semaphore_mem>>
      %dma_start3A_125 = tpu.memref_slice %arg3[%add3A_25] : memref<320000xi32, #tpu.memory_space<hbm>> -> memref<64xi32, #tpu.memory_space<hbm>>
      %dma_start3A_126 = tpu.memref_slice %arg3[%add3A_25] : memref<320000xi32, #tpu.memory_space<hbm>> -> memref<64xi32, #tpu.memory_space<hbm>>
      tpu.enqueue_dma source(%dma_start3A_126 : memref<64xi32, #tpu.memory_space<hbm>>) target(%arg10 : memref<64xi32, #tpu.memory_space<vmem>>) target_semaphore(%run_scoped3A : memref<!tpu.dma_semaphore, #tpu.memory_space<semaphore_mem>>)
      %dma_wait3A_127 = tpu.memref_slice %arg3[%add3A_25] : memref<320000xi32, #tpu.memory_space<hbm>> -> memref<64xi32, #tpu.memory_space<hbm>>
      %dma_wait3A_128 = tpu.memref_slice %arg3[%add3A_25] : memref<320000xi32, #tpu.memory_space<hbm>> -> memref<64xi32, #tpu.memory_space<hbm>>
      tpu.wait_dma2 semaphore(%run_scoped3A : memref<!tpu.dma_semaphore, #tpu.memory_space<semaphore_mem>>) src(%dma_wait3A_128 : memref<64xi32, #tpu.memory_space<hbm>>) dst(%arg10 : memref<64xi32, #tpu.memory_space<vmem>>)
      tpu.yield
    }) : () -> ()
    %dma_start3A_26 = arith.constant 128 : i32
    %dma_start3A_27 = tpu.memref_slice %arg7[%dma_start3A_26] : memref<10000xi32, #tpu.memory_space<vmem>> -> memref<64xi32, #tpu.memory_space<vmem>>
    %dma_start3A_28 = arith.constant 0 : i32
    %dma_start3A_29 = arith.constant 0 : i32
    %dma_start3A_30 = tpu.memref_slice %arg4[%dma_start3A_28, %dma_start3A_29] : memref<10000x128xf32, #tpu.memory_space<hbm>> -> memref<10000x128xf32, #tpu.memory_space<hbm>>
    tpu.enqueue_indirect_dma source(%dma_start3A_30 : memref<10000x128xf32, #tpu.memory_space<hbm>>) target(%arg15 : memref<64x128xf32, #tpu.memory_space<vmem>>) offsets(%dma_start3A_27 : memref<64xi32, #tpu.memory_space<vmem>>) semaphore(%arg20 : memref<!tpu.dma_semaphore, #tpu.memory_space<semaphore_mem>>)
    %mul3A_31 = arith.constant 10000 : i32
    %mul3A_32 = arith.muli %add3A, %mul3A_31 : i32
    %add3A_33 = arith.constant 192 : i32
    %add3A_34 = arith.addi %mul3A_32, %add3A_33 : i32
    "tpu.region"() ({
      %run_scoped3A = tpu.sem_alloc : memref<!tpu.dma_semaphore, #tpu.memory_space<semaphore_mem>>
      %dma_start3A_125 = tpu.memref_slice %arg3[%add3A_34] : memref<320000xi32, #tpu.memory_space<hbm>> -> memref<64xi32, #tpu.memory_space<hbm>>
      %dma_start3A_126 = tpu.memref_slice %arg3[%add3A_34] : memref<320000xi32, #tpu.memory_space<hbm>> -> memref<64xi32, #tpu.memory_space<hbm>>
      tpu.enqueue_dma source(%dma_start3A_126 : memref<64xi32, #tpu.memory_space<hbm>>) target(%arg11 : memref<64xi32, #tpu.memory_space<vmem>>) target_semaphore(%run_scoped3A : memref<!tpu.dma_semaphore, #tpu.memory_space<semaphore_mem>>)
      %dma_wait3A_127 = tpu.memref_slice %arg3[%add3A_34] : memref<320000xi32, #tpu.memory_space<hbm>> -> memref<64xi32, #tpu.memory_space<hbm>>
      %dma_wait3A_128 = tpu.memref_slice %arg3[%add3A_34] : memref<320000xi32, #tpu.memory_space<hbm>> -> memref<64xi32, #tpu.memory_space<hbm>>
      tpu.wait_dma2 semaphore(%run_scoped3A : memref<!tpu.dma_semaphore, #tpu.memory_space<semaphore_mem>>) src(%dma_wait3A_128 : memref<64xi32, #tpu.memory_space<hbm>>) dst(%arg11 : memref<64xi32, #tpu.memory_space<vmem>>)
      tpu.yield
    }) : () -> ()
    %dma_start3A_35 = arith.constant 192 : i32
    %dma_start3A_36 = tpu.memref_slice %arg7[%dma_start3A_35] : memref<10000xi32, #tpu.memory_space<vmem>> -> memref<64xi32, #tpu.memory_space<vmem>>
    %dma_start3A_37 = arith.constant 0 : i32
    %dma_start3A_38 = arith.constant 0 : i32
    %dma_start3A_39 = tpu.memref_slice %arg4[%dma_start3A_37, %dma_start3A_38] : memref<10000x128xf32, #tpu.memory_space<hbm>> -> memref<10000x128xf32, #tpu.memory_space<hbm>>
    tpu.enqueue_indirect_dma source(%dma_start3A_39 : memref<10000x128xf32, #tpu.memory_space<hbm>>) target(%arg16 : memref<64x128xf32, #tpu.memory_space<vmem>>) offsets(%dma_start3A_36 : memref<64xi32, #tpu.memory_space<vmem>>) semaphore(%arg21 : memref<!tpu.dma_semaphore, #tpu.memory_space<semaphore_mem>>)
    %scan3A = arith.constant 0 : i32
    %scan3A_40 = arith.constant 0 : i32
    %scan3A_41 = arith.constant 38 : i32
    %scan3A_42 = arith.addi %scan3A_40, %scan3A_41 : i32
    %scan3A_43 = arith.constant 1 : i32
    scf.for %scan3A_125 = %scan3A_40 to %scan3A_42 step %scan3A_43  : i32 {
      %dma_wait3A_126 = arith.constant 0 : i32
      %dma_wait3A_127 = tpu.memref_slice %arg7[%dma_wait3A_126] : memref<10000xi32, #tpu.memory_space<vmem>> -> memref<64xi32, #tpu.memory_space<vmem>>
      %dma_wait3A_128 = arith.constant 0 : i32
      %dma_wait3A_129 = arith.constant 0 : i32
      %dma_wait3A_130 = tpu.memref_slice %arg4[%dma_wait3A_128, %dma_wait3A_129] : memref<10000x128xf32, #tpu.memory_space<hbm>> -> memref<10000x128xf32, #tpu.memory_space<hbm>>
      tpu.wait_indirect_dma semaphore(%arg18 : memref<!tpu.dma_semaphore, #tpu.memory_space<semaphore_mem>>) src(%dma_wait3A_130 : memref<10000x128xf32, #tpu.memory_space<hbm>>) dst(%arg13 : memref<64x128xf32, #tpu.memory_space<vmem>>)
      %dma_start3A_131 = arith.constant 0 : i32
      %dma_start3A_132 = arith.constant 0 : i32
      %dma_start3A_133 = tpu.memref_slice %arg17[%dma_start3A_131, %dma_start3A_132] : memref<10112x128xf32, #tpu.memory_space<vmem_shared>> -> memref<10112x128xf32, #tpu.memory_space<vmem_shared>>
      tpu.enqueue_indirect_dma source(%arg13 : memref<64x128xf32, #tpu.memory_space<vmem>>) target(%dma_start3A_133 : memref<10112x128xf32, #tpu.memory_space<vmem_shared>>) offsets(%arg8 : memref<64xi32, #tpu.memory_space<vmem>>) semaphore(%arg22 : memref<!tpu.dma_semaphore, #tpu.memory_space<semaphore_mem>>) {add = true}
      %dma_wait3A_134 = arith.constant 64 : i32
      %dma_wait3A_135 = tpu.memref_slice %arg7[%dma_wait3A_134] : memref<10000xi32, #tpu.memory_space<vmem>> -> memref<64xi32, #tpu.memory_space<vmem>>
      %dma_wait3A_136 = arith.constant 0 : i32
      %dma_wait3A_137 = arith.constant 0 : i32
      %dma_wait3A_138 = tpu.memref_slice %arg4[%dma_wait3A_136, %dma_wait3A_137] : memref<10000x128xf32, #tpu.memory_space<hbm>> -> memref<10000x128xf32, #tpu.memory_space<hbm>>
      tpu.wait_indirect_dma semaphore(%arg19 : memref<!tpu.dma_semaphore, #tpu.memory_space<semaphore_mem>>) src(%dma_wait3A_138 : memref<10000x128xf32, #tpu.memory_space<hbm>>) dst(%arg14 : memref<64x128xf32, #tpu.memory_space<vmem>>)
      %dma_start3A_139 = arith.constant 0 : i32
      %dma_start3A_140 = arith.constant 0 : i32
      %dma_start3A_141 = tpu.memref_slice %arg17[%dma_start3A_139, %dma_start3A_140] : memref<10112x128xf32, #tpu.memory_space<vmem_shared>> -> memref<10112x128xf32, #tpu.memory_space<vmem_shared>>
      tpu.enqueue_indirect_dma source(%arg14 : memref<64x128xf32, #tpu.memory_space<vmem>>) target(%dma_start3A_141 : memref<10112x128xf32, #tpu.memory_space<vmem_shared>>) offsets(%arg9 : memref<64xi32, #tpu.memory_space<vmem>>) semaphore(%arg23 : memref<!tpu.dma_semaphore, #tpu.memory_space<semaphore_mem>>) {add = true}
      %dma_wait3A_142 = arith.constant 128 : i32
      %dma_wait3A_143 = tpu.memref_slice %arg7[%dma_wait3A_142] : memref<10000xi32, #tpu.memory_space<vmem>> -> memref<64xi32, #tpu.memory_space<vmem>>
      %dma_wait3A_144 = arith.constant 0 : i32
      %dma_wait3A_145 = arith.constant 0 : i32
      %dma_wait3A_146 = tpu.memref_slice %arg4[%dma_wait3A_144, %dma_wait3A_145] : memref<10000x128xf32, #tpu.memory_space<hbm>> -> memref<10000x128xf32, #tpu.memory_space<hbm>>
      tpu.wait_indirect_dma semaphore(%arg20 : memref<!tpu.dma_semaphore, #tpu.memory_space<semaphore_mem>>) src(%dma_wait3A_146 : memref<10000x128xf32, #tpu.memory_space<hbm>>) dst(%arg15 : memref<64x128xf32, #tpu.memory_space<vmem>>)
      %dma_start3A_147 = arith.constant 0 : i32
      %dma_start3A_148 = arith.constant 0 : i32
      %dma_start3A_149 = tpu.memref_slice %arg17[%dma_start3A_147, %dma_start3A_148] : memref<10112x128xf32, #tpu.memory_space<vmem_shared>> -> memref<10112x128xf32, #tpu.memory_space<vmem_shared>>
      tpu.enqueue_indirect_dma source(%arg15 : memref<64x128xf32, #tpu.memory_space<vmem>>) target(%dma_start3A_149 : memref<10112x128xf32, #tpu.memory_space<vmem_shared>>) offsets(%arg10 : memref<64xi32, #tpu.memory_space<vmem>>) semaphore(%arg24 : memref<!tpu.dma_semaphore, #tpu.memory_space<semaphore_mem>>) {add = true}
      %dma_wait3A_150 = arith.constant 192 : i32
      %dma_wait3A_151 = tpu.memref_slice %arg7[%dma_wait3A_150] : memref<10000xi32, #tpu.memory_space<vmem>> -> memref<64xi32, #tpu.memory_space<vmem>>
      %dma_wait3A_152 = arith.constant 0 : i32
      %dma_wait3A_153 = arith.constant 0 : i32
      %dma_wait3A_154 = tpu.memref_slice %arg4[%dma_wait3A_152, %dma_wait3A_153] : memref<10000x128xf32, #tpu.memory_space<hbm>> -> memref<10000x128xf32, #tpu.memory_space<hbm>>
      tpu.wait_indirect_dma semaphore(%arg21 : memref<!tpu.dma_semaphore, #tpu.memory_space<semaphore_mem>>) src(%dma_wait3A_154 : memref<10000x128xf32, #tpu.memory_space<hbm>>) dst(%arg16 : memref<64x128xf32, #tpu.memory_space<vmem>>)
      %dma_start3A_155 = arith.constant 0 : i32
      %dma_start3A_156 = arith.constant 0 : i32
      %dma_start3A_157 = tpu.memref_slice %arg17[%dma_start3A_155, %dma_start3A_156] : memref<10112x128xf32, #tpu.memory_space<vmem_shared>> -> memref<10112x128xf32, #tpu.memory_space<vmem_shared>>
      tpu.enqueue_indirect_dma source(%arg16 : memref<64x128xf32, #tpu.memory_space<vmem>>) target(%dma_start3A_157 : memref<10112x128xf32, #tpu.memory_space<vmem_shared>>) offsets(%arg11 : memref<64xi32, #tpu.memory_space<vmem>>) semaphore(%arg25 : memref<!tpu.dma_semaphore, #tpu.memory_space<semaphore_mem>>) {add = true}
      %dma_wait3A_158 = arith.constant 0 : i32
      %dma_wait3A_159 = arith.constant 0 : i32
      %dma_wait3A_160 = tpu.memref_slice %arg17[%dma_wait3A_158, %dma_wait3A_159] : memref<10112x128xf32, #tpu.memory_space<vmem_shared>> -> memref<10112x128xf32, #tpu.memory_space<vmem_shared>>
      tpu.wait_indirect_dma semaphore(%arg22 : memref<!tpu.dma_semaphore, #tpu.memory_space<semaphore_mem>>) src(%arg13 : memref<64x128xf32, #tpu.memory_space<vmem>>) dst(%dma_wait3A_160 : memref<10112x128xf32, #tpu.memory_space<vmem_shared>>)
      %add3A_161 = arith.constant 1 : i32
      %add3A_162 = arith.addi %scan3A_125, %add3A_161 : i32
      %mul3A_163 = arith.constant 4 : i32
      %mul3A_164 = arith.muli %mul3A_163, %add3A_162 : i32
      %add3A_165 = arith.constant 0 : i32
      %add3A_166 = arith.addi %mul3A_164, %add3A_165 : i32
      %mul3A_167 = arith.constant 64 : i32
      %mul3A_168 = arith.muli %add3A_166, %mul3A_167 : i32
      %mul3A_169 = arith.constant 10000 : i32
      %mul3A_170 = arith.muli %add3A, %mul3A_169 : i32
      %add3A_171 = arith.addi %mul3A_170, %mul3A_168 : i32
      "tpu.region"() ({
        %run_scoped3A = tpu.sem_alloc : memref<!tpu.dma_semaphore, #tpu.memory_space<semaphore_mem>>
        %dma_start3A_230 = tpu.memref_slice %arg3[%add3A_171] : memref<320000xi32, #tpu.memory_space<hbm>> -> memref<64xi32, #tpu.memory_space<hbm>>
        %dma_start3A_231 = tpu.memref_slice %arg3[%add3A_171] : memref<320000xi32, #tpu.memory_space<hbm>> -> memref<64xi32, #tpu.memory_space<hbm>>
        tpu.enqueue_dma source(%dma_start3A_231 : memref<64xi32, #tpu.memory_space<hbm>>) target(%arg8 : memref<64xi32, #tpu.memory_space<vmem>>) target_semaphore(%run_scoped3A : memref<!tpu.dma_semaphore, #tpu.memory_space<semaphore_mem>>)
        %dma_wait3A_232 = tpu.memref_slice %arg3[%add3A_171] : memref<320000xi32, #tpu.memory_space<hbm>> -> memref<64xi32, #tpu.memory_space<hbm>>
        %dma_wait3A_233 = tpu.memref_slice %arg3[%add3A_171] : memref<320000xi32, #tpu.memory_space<hbm>> -> memref<64xi32, #tpu.memory_space<hbm>>
        tpu.wait_dma2 semaphore(%run_scoped3A : memref<!tpu.dma_semaphore, #tpu.memory_space<semaphore_mem>>) src(%dma_wait3A_233 : memref<64xi32, #tpu.memory_space<hbm>>) dst(%arg8 : memref<64xi32, #tpu.memory_space<vmem>>)
        tpu.yield
      }) : () -> ()
      %dma_start3A_172 = tpu.memref_slice %arg7[%mul3A_168] : memref<10000xi32, #tpu.memory_space<vmem>> -> memref<64xi32, #tpu.memory_space<vmem>>
      %dma_start3A_173 = arith.constant 0 : i32
      %dma_start3A_174 = arith.constant 0 : i32
      %dma_start3A_175 = tpu.memref_slice %arg4[%dma_start3A_173, %dma_start3A_174] : memref<10000x128xf32, #tpu.memory_space<hbm>> -> memref<10000x128xf32, #tpu.memory_space<hbm>>
      tpu.enqueue_indirect_dma source(%dma_start3A_175 : memref<10000x128xf32, #tpu.memory_space<hbm>>) target(%arg13 : memref<64x128xf32, #tpu.memory_space<vmem>>) offsets(%dma_start3A_172 : memref<64xi32, #tpu.memory_space<vmem>>) semaphore(%arg18 : memref<!tpu.dma_semaphore, #tpu.memory_space<semaphore_mem>>)
      %dma_wait3A_176 = arith.constant 0 : i32
      %dma_wait3A_177 = arith.constant 0 : i32
      %dma_wait3A_178 = tpu.memref_slice %arg17[%dma_wait3A_176, %dma_wait3A_177] : memref<10112x128xf32, #tpu.memory_space<vmem_shared>> -> memref<10112x128xf32, #tpu.memory_space<vmem_shared>>
      tpu.wait_indirect_dma semaphore(%arg23 : memref<!tpu.dma_semaphore, #tpu.memory_space<semaphore_mem>>) src(%arg14 : memref<64x128xf32, #tpu.memory_space<vmem>>) dst(%dma_wait3A_178 : memref<10112x128xf32, #tpu.memory_space<vmem_shared>>)
      %add3A_179 = arith.constant 1 : i32
      %add3A_180 = arith.addi %scan3A_125, %add3A_179 : i32
      %mul3A_181 = arith.constant 4 : i32
      %mul3A_182 = arith.muli %mul3A_181, %add3A_180 : i32
      %add3A_183 = arith.constant 1 : i32
      %add3A_184 = arith.addi %mul3A_182, %add3A_183 : i32
      %mul3A_185 = arith.constant 64 : i32
      %mul3A_186 = arith.muli %add3A_184, %mul3A_185 : i32
      %mul3A_187 = arith.constant 10000 : i32
      %mul3A_188 = arith.muli %add3A, %mul3A_187 : i32
      %add3A_189 = arith.addi %mul3A_188, %mul3A_186 : i32
      "tpu.region"() ({
        %run_scoped3A = tpu.sem_alloc : memref<!tpu.dma_semaphore, #tpu.memory_space<semaphore_mem>>
        %dma_start3A_230 = tpu.memref_slice %arg3[%add3A_189] : memref<320000xi32, #tpu.memory_space<hbm>> -> memref<64xi32, #tpu.memory_space<hbm>>
        %dma_start3A_231 = tpu.memref_slice %arg3[%add3A_189] : memref<320000xi32, #tpu.memory_space<hbm>> -> memref<64xi32, #tpu.memory_space<hbm>>
        tpu.enqueue_dma source(%dma_start3A_231 : memref<64xi32, #tpu.memory_space<hbm>>) target(%arg9 : memref<64xi32, #tpu.memory_space<vmem>>) target_semaphore(%run_scoped3A : memref<!tpu.dma_semaphore, #tpu.memory_space<semaphore_mem>>)
        %dma_wait3A_232 = tpu.memref_slice %arg3[%add3A_189] : memref<320000xi32, #tpu.memory_space<hbm>> -> memref<64xi32, #tpu.memory_space<hbm>>
        %dma_wait3A_233 = tpu.memref_slice %arg3[%add3A_189] : memref<320000xi32, #tpu.memory_space<hbm>> -> memref<64xi32, #tpu.memory_space<hbm>>
        tpu.wait_dma2 semaphore(%run_scoped3A : memref<!tpu.dma_semaphore, #tpu.memory_space<semaphore_mem>>) src(%dma_wait3A_233 : memref<64xi32, #tpu.memory_space<hbm>>) dst(%arg9 : memref<64xi32, #tpu.memory_space<vmem>>)
        tpu.yield
      }) : () -> ()
      %dma_start3A_190 = tpu.memref_slice %arg7[%mul3A_186] : memref<10000xi32, #tpu.memory_space<vmem>> -> memref<64xi32, #tpu.memory_space<vmem>>
      %dma_start3A_191 = arith.constant 0 : i32
      %dma_start3A_192 = arith.constant 0 : i32
      %dma_start3A_193 = tpu.memref_slice %arg4[%dma_start3A_191, %dma_start3A_192] : memref<10000x128xf32, #tpu.memory_space<hbm>> -> memref<10000x128xf32, #tpu.memory_space<hbm>>
      tpu.enqueue_indirect_dma source(%dma_start3A_193 : memref<10000x128xf32, #tpu.memory_space<hbm>>) target(%arg14 : memref<64x128xf32, #tpu.memory_space<vmem>>) offsets(%dma_start3A_190 : memref<64xi32, #tpu.memory_space<vmem>>) semaphore(%arg19 : memref<!tpu.dma_semaphore, #tpu.memory_space<semaphore_mem>>)
      %dma_wait3A_194 = arith.constant 0 : i32
      %dma_wait3A_195 = arith.constant 0 : i32
      %dma_wait3A_196 = tpu.memref_slice %arg17[%dma_wait3A_194, %dma_wait3A_195] : memref<10112x128xf32, #tpu.memory_space<vmem_shared>> -> memref<10112x128xf32, #tpu.memory_space<vmem_shared>>
      tpu.wait_indirect_dma semaphore(%arg24 : memref<!tpu.dma_semaphore, #tpu.memory_space<semaphore_mem>>) src(%arg15 : memref<64x128xf32, #tpu.memory_space<vmem>>) dst(%dma_wait3A_196 : memref<10112x128xf32, #tpu.memory_space<vmem_shared>>)
      %add3A_197 = arith.constant 1 : i32
      %add3A_198 = arith.addi %scan3A_125, %add3A_197 : i32
      %mul3A_199 = arith.constant 4 : i32
      %mul3A_200 = arith.muli %mul3A_199, %add3A_198 : i32
      %add3A_201 = arith.constant 2 : i32
      %add3A_202 = arith.addi %mul3A_200, %add3A_201 : i32
      %mul3A_203 = arith.constant 64 : i32
      %mul3A_204 = arith.muli %add3A_202, %mul3A_203 : i32
      %mul3A_205 = arith.constant 10000 : i32
      %mul3A_206 = arith.muli %add3A, %mul3A_205 : i32
      %add3A_207 = arith.addi %mul3A_206, %mul3A_204 : i32
      "tpu.region"() ({
        %run_scoped3A = tpu.sem_alloc : memref<!tpu.dma_semaphore, #tpu.memory_space<semaphore_mem>>
        %dma_start3A_230 = tpu.memref_slice %arg3[%add3A_207] : memref<320000xi32, #tpu.memory_space<hbm>> -> memref<64xi32, #tpu.memory_space<hbm>>
        %dma_start3A_231 = tpu.memref_slice %arg3[%add3A_207] : memref<320000xi32, #tpu.memory_space<hbm>> -> memref<64xi32, #tpu.memory_space<hbm>>
        tpu.enqueue_dma source(%dma_start3A_231 : memref<64xi32, #tpu.memory_space<hbm>>) target(%arg10 : memref<64xi32, #tpu.memory_space<vmem>>) target_semaphore(%run_scoped3A : memref<!tpu.dma_semaphore, #tpu.memory_space<semaphore_mem>>)
        %dma_wait3A_232 = tpu.memref_slice %arg3[%add3A_207] : memref<320000xi32, #tpu.memory_space<hbm>> -> memref<64xi32, #tpu.memory_space<hbm>>
        %dma_wait3A_233 = tpu.memref_slice %arg3[%add3A_207] : memref<320000xi32, #tpu.memory_space<hbm>> -> memref<64xi32, #tpu.memory_space<hbm>>
        tpu.wait_dma2 semaphore(%run_scoped3A : memref<!tpu.dma_semaphore, #tpu.memory_space<semaphore_mem>>) src(%dma_wait3A_233 : memref<64xi32, #tpu.memory_space<hbm>>) dst(%arg10 : memref<64xi32, #tpu.memory_space<vmem>>)
        tpu.yield
      }) : () -> ()
      %dma_start3A_208 = tpu.memref_slice %arg7[%mul3A_204] : memref<10000xi32, #tpu.memory_space<vmem>> -> memref<64xi32, #tpu.memory_space<vmem>>
      %dma_start3A_209 = arith.constant 0 : i32
      %dma_start3A_210 = arith.constant 0 : i32
      %dma_start3A_211 = tpu.memref_slice %arg4[%dma_start3A_209, %dma_start3A_210] : memref<10000x128xf32, #tpu.memory_space<hbm>> -> memref<10000x128xf32, #tpu.memory_space<hbm>>
      tpu.enqueue_indirect_dma source(%dma_start3A_211 : memref<10000x128xf32, #tpu.memory_space<hbm>>) target(%arg15 : memref<64x128xf32, #tpu.memory_space<vmem>>) offsets(%dma_start3A_208 : memref<64xi32, #tpu.memory_space<vmem>>) semaphore(%arg20 : memref<!tpu.dma_semaphore, #tpu.memory_space<semaphore_mem>>)
      %dma_wait3A_212 = arith.constant 0 : i32
      %dma_wait3A_213 = arith.constant 0 : i32
      %dma_wait3A_214 = tpu.memref_slice %arg17[%dma_wait3A_212, %dma_wait3A_213] : memref<10112x128xf32, #tpu.memory_space<vmem_shared>> -> memref<10112x128xf32, #tpu.memory_space<vmem_shared>>
      tpu.wait_indirect_dma semaphore(%arg25 : memref<!tpu.dma_semaphore, #tpu.memory_space<semaphore_mem>>) src(%arg16 : memref<64x128xf32, #tpu.memory_space<vmem>>) dst(%dma_wait3A_214 : memref<10112x128xf32, #tpu.memory_space<vmem_shared>>)
      %add3A_215 = arith.constant 1 : i32
      %add3A_216 = arith.addi %scan3A_125, %add3A_215 : i32
      %mul3A_217 = arith.constant 4 : i32
      %mul3A_218 = arith.muli %mul3A_217, %add3A_216 : i32
      %add3A_219 = arith.constant 3 : i32
      %add3A_220 = arith.addi %mul3A_218, %add3A_219 : i32
      %mul3A_221 = arith.constant 64 : i32
      %mul3A_222 = arith.muli %add3A_220, %mul3A_221 : i32
      %mul3A_223 = arith.constant 10000 : i32
      %mul3A_224 = arith.muli %add3A, %mul3A_223 : i32
      %add3A_225 = arith.addi %mul3A_224, %mul3A_222 : i32
      "tpu.region"() ({
        %run_scoped3A = tpu.sem_alloc : memref<!tpu.dma_semaphore, #tpu.memory_space<semaphore_mem>>
        %dma_start3A_230 = tpu.memref_slice %arg3[%add3A_225] : memref<320000xi32, #tpu.memory_space<hbm>> -> memref<64xi32, #tpu.memory_space<hbm>>
        %dma_start3A_231 = tpu.memref_slice %arg3[%add3A_225] : memref<320000xi32, #tpu.memory_space<hbm>> -> memref<64xi32, #tpu.memory_space<hbm>>
        tpu.enqueue_dma source(%dma_start3A_231 : memref<64xi32, #tpu.memory_space<hbm>>) target(%arg11 : memref<64xi32, #tpu.memory_space<vmem>>) target_semaphore(%run_scoped3A : memref<!tpu.dma_semaphore, #tpu.memory_space<semaphore_mem>>)
        %dma_wait3A_232 = tpu.memref_slice %arg3[%add3A_225] : memref<320000xi32, #tpu.memory_space<hbm>> -> memref<64xi32, #tpu.memory_space<hbm>>
        %dma_wait3A_233 = tpu.memref_slice %arg3[%add3A_225] : memref<320000xi32, #tpu.memory_space<hbm>> -> memref<64xi32, #tpu.memory_space<hbm>>
        tpu.wait_dma2 semaphore(%run_scoped3A : memref<!tpu.dma_semaphore, #tpu.memory_space<semaphore_mem>>) src(%dma_wait3A_233 : memref<64xi32, #tpu.memory_space<hbm>>) dst(%arg11 : memref<64xi32, #tpu.memory_space<vmem>>)
        tpu.yield
      }) : () -> ()
      %dma_start3A_226 = tpu.memref_slice %arg7[%mul3A_222] : memref<10000xi32, #tpu.memory_space<vmem>> -> memref<64xi32, #tpu.memory_space<vmem>>
      %dma_start3A_227 = arith.constant 0 : i32
      %dma_start3A_228 = arith.constant 0 : i32
      %dma_start3A_229 = tpu.memref_slice %arg4[%dma_start3A_227, %dma_start3A_228] : memref<10000x128xf32, #tpu.memory_space<hbm>> -> memref<10000x128xf32, #tpu.memory_space<hbm>>
      tpu.enqueue_indirect_dma source(%dma_start3A_229 : memref<10000x128xf32, #tpu.memory_space<hbm>>) target(%arg16 : memref<64x128xf32, #tpu.memory_space<vmem>>) offsets(%dma_start3A_226 : memref<64xi32, #tpu.memory_space<vmem>>) semaphore(%arg21 : memref<!tpu.dma_semaphore, #tpu.memory_space<semaphore_mem>>)
    }
    %scan3A_44 = arith.constant 38 : i32
    %dma_wait3A = arith.constant 0 : i32
    %dma_wait3A_45 = tpu.memref_slice %arg7[%dma_wait3A] : memref<10000xi32, #tpu.memory_space<vmem>> -> memref<64xi32, #tpu.memory_space<vmem>>
    %dma_wait3A_46 = arith.constant 0 : i32
    %dma_wait3A_47 = arith.constant 0 : i32
    %dma_wait3A_48 = tpu.memref_slice %arg4[%dma_wait3A_46, %dma_wait3A_47] : memref<10000x128xf32, #tpu.memory_space<hbm>> -> memref<10000x128xf32, #tpu.memory_space<hbm>>
    tpu.wait_indirect_dma semaphore(%arg18 : memref<!tpu.dma_semaphore, #tpu.memory_space<semaphore_mem>>) src(%dma_wait3A_48 : memref<10000x128xf32, #tpu.memory_space<hbm>>) dst(%arg13 : memref<64x128xf32, #tpu.memory_space<vmem>>)
    "tpu.region"() ({
      %run_scoped3A = tpu.sem_alloc : memref<!tpu.dma_semaphore, #tpu.memory_space<semaphore_mem>>
      %dma_start3A_125 = arith.constant 0 : i32
      %dma_start3A_126 = arith.constant 0 : i32
      %dma_start3A_127 = tpu.memref_slice %arg17[%dma_start3A_125, %dma_start3A_126] : memref<10112x128xf32, #tpu.memory_space<vmem_shared>> -> memref<10112x128xf32, #tpu.memory_space<vmem_shared>>
      tpu.enqueue_indirect_dma source(%arg13 : memref<64x128xf32, #tpu.memory_space<vmem>>) target(%dma_start3A_127 : memref<10112x128xf32, #tpu.memory_space<vmem_shared>>) offsets(%arg8 : memref<64xi32, #tpu.memory_space<vmem>>) semaphore(%run_scoped3A : memref<!tpu.dma_semaphore, #tpu.memory_space<semaphore_mem>>) {add = true}
      %dma_wait3A_128 = arith.constant 0 : i32
      %dma_wait3A_129 = arith.constant 0 : i32
      %dma_wait3A_130 = tpu.memref_slice %arg17[%dma_wait3A_128, %dma_wait3A_129] : memref<10112x128xf32, #tpu.memory_space<vmem_shared>> -> memref<10112x128xf32, #tpu.memory_space<vmem_shared>>
      tpu.wait_indirect_dma semaphore(%run_scoped3A : memref<!tpu.dma_semaphore, #tpu.memory_space<semaphore_mem>>) src(%arg13 : memref<64x128xf32, #tpu.memory_space<vmem>>) dst(%dma_wait3A_130 : memref<10112x128xf32, #tpu.memory_space<vmem_shared>>)
      tpu.yield
    }) : () -> ()
    %dma_wait3A_49 = arith.constant 64 : i32
    %dma_wait3A_50 = tpu.memref_slice %arg7[%dma_wait3A_49] : memref<10000xi32, #tpu.memory_space<vmem>> -> memref<64xi32, #tpu.memory_space<vmem>>
    %dma_wait3A_51 = arith.constant 0 : i32
    %dma_wait3A_52 = arith.constant 0 : i32
    %dma_wait3A_53 = tpu.memref_slice %arg4[%dma_wait3A_51, %dma_wait3A_52] : memref<10000x128xf32, #tpu.memory_space<hbm>> -> memref<10000x128xf32, #tpu.memory_space<hbm>>
    tpu.wait_indirect_dma semaphore(%arg19 : memref<!tpu.dma_semaphore, #tpu.memory_space<semaphore_mem>>) src(%dma_wait3A_53 : memref<10000x128xf32, #tpu.memory_space<hbm>>) dst(%arg14 : memref<64x128xf32, #tpu.memory_space<vmem>>)
    "tpu.region"() ({
      %run_scoped3A = tpu.sem_alloc : memref<!tpu.dma_semaphore, #tpu.memory_space<semaphore_mem>>
      %dma_start3A_125 = arith.constant 0 : i32
      %dma_start3A_126 = arith.constant 0 : i32
      %dma_start3A_127 = tpu.memref_slice %arg17[%dma_start3A_125, %dma_start3A_126] : memref<10112x128xf32, #tpu.memory_space<vmem_shared>> -> memref<10112x128xf32, #tpu.memory_space<vmem_shared>>
      tpu.enqueue_indirect_dma source(%arg14 : memref<64x128xf32, #tpu.memory_space<vmem>>) target(%dma_start3A_127 : memref<10112x128xf32, #tpu.memory_space<vmem_shared>>) offsets(%arg9 : memref<64xi32, #tpu.memory_space<vmem>>) semaphore(%run_scoped3A : memref<!tpu.dma_semaphore, #tpu.memory_space<semaphore_mem>>) {add = true}
      %dma_wait3A_128 = arith.constant 0 : i32
      %dma_wait3A_129 = arith.constant 0 : i32
      %dma_wait3A_130 = tpu.memref_slice %arg17[%dma_wait3A_128, %dma_wait3A_129] : memref<10112x128xf32, #tpu.memory_space<vmem_shared>> -> memref<10112x128xf32, #tpu.memory_space<vmem_shared>>
      tpu.wait_indirect_dma semaphore(%run_scoped3A : memref<!tpu.dma_semaphore, #tpu.memory_space<semaphore_mem>>) src(%arg14 : memref<64x128xf32, #tpu.memory_space<vmem>>) dst(%dma_wait3A_130 : memref<10112x128xf32, #tpu.memory_space<vmem_shared>>)
      tpu.yield
    }) : () -> ()
    %dma_wait3A_54 = arith.constant 128 : i32
    %dma_wait3A_55 = tpu.memref_slice %arg7[%dma_wait3A_54] : memref<10000xi32, #tpu.memory_space<vmem>> -> memref<64xi32, #tpu.memory_space<vmem>>
    %dma_wait3A_56 = arith.constant 0 : i32
    %dma_wait3A_57 = arith.constant 0 : i32
    %dma_wait3A_58 = tpu.memref_slice %arg4[%dma_wait3A_56, %dma_wait3A_57] : memref<10000x128xf32, #tpu.memory_space<hbm>> -> memref<10000x128xf32, #tpu.memory_space<hbm>>
    tpu.wait_indirect_dma semaphore(%arg20 : memref<!tpu.dma_semaphore, #tpu.memory_space<semaphore_mem>>) src(%dma_wait3A_58 : memref<10000x128xf32, #tpu.memory_space<hbm>>) dst(%arg15 : memref<64x128xf32, #tpu.memory_space<vmem>>)
    "tpu.region"() ({
      %run_scoped3A = tpu.sem_alloc : memref<!tpu.dma_semaphore, #tpu.memory_space<semaphore_mem>>
      %dma_start3A_125 = arith.constant 0 : i32
      %dma_start3A_126 = arith.constant 0 : i32
      %dma_start3A_127 = tpu.memref_slice %arg17[%dma_start3A_125, %dma_start3A_126] : memref<10112x128xf32, #tpu.memory_space<vmem_shared>> -> memref<10112x128xf32, #tpu.memory_space<vmem_shared>>
      tpu.enqueue_indirect_dma source(%arg15 : memref<64x128xf32, #tpu.memory_space<vmem>>) target(%dma_start3A_127 : memref<10112x128xf32, #tpu.memory_space<vmem_shared>>) offsets(%arg10 : memref<64xi32, #tpu.memory_space<vmem>>) semaphore(%run_scoped3A : memref<!tpu.dma_semaphore, #tpu.memory_space<semaphore_mem>>) {add = true}
      %dma_wait3A_128 = arith.constant 0 : i32
      %dma_wait3A_129 = arith.constant 0 : i32
      %dma_wait3A_130 = tpu.memref_slice %arg17[%dma_wait3A_128, %dma_wait3A_129] : memref<10112x128xf32, #tpu.memory_space<vmem_shared>> -> memref<10112x128xf32, #tpu.memory_space<vmem_shared>>
      tpu.wait_indirect_dma semaphore(%run_scoped3A : memref<!tpu.dma_semaphore, #tpu.memory_space<semaphore_mem>>) src(%arg15 : memref<64x128xf32, #tpu.memory_space<vmem>>) dst(%dma_wait3A_130 : memref<10112x128xf32, #tpu.memory_space<vmem_shared>>)
      tpu.yield
    }) : () -> ()
    %dma_wait3A_59 = arith.constant 192 : i32
    %dma_wait3A_60 = tpu.memref_slice %arg7[%dma_wait3A_59] : memref<10000xi32, #tpu.memory_space<vmem>> -> memref<64xi32, #tpu.memory_space<vmem>>
    %dma_wait3A_61 = arith.constant 0 : i32
    %dma_wait3A_62 = arith.constant 0 : i32
    %dma_wait3A_63 = tpu.memref_slice %arg4[%dma_wait3A_61, %dma_wait3A_62] : memref<10000x128xf32, #tpu.memory_space<hbm>> -> memref<10000x128xf32, #tpu.memory_space<hbm>>
    tpu.wait_indirect_dma semaphore(%arg21 : memref<!tpu.dma_semaphore, #tpu.memory_space<semaphore_mem>>) src(%dma_wait3A_63 : memref<10000x128xf32, #tpu.memory_space<hbm>>) dst(%arg16 : memref<64x128xf32, #tpu.memory_space<vmem>>)
    "tpu.region"() ({
      %run_scoped3A = tpu.sem_alloc : memref<!tpu.dma_semaphore, #tpu.memory_space<semaphore_mem>>
      %dma_start3A_125 = arith.constant 0 : i32
      %dma_start3A_126 = arith.constant 0 : i32
      %dma_start3A_127 = tpu.memref_slice %arg17[%dma_start3A_125, %dma_start3A_126] : memref<10112x128xf32, #tpu.memory_space<vmem_shared>> -> memref<10112x128xf32, #tpu.memory_space<vmem_shared>>
      tpu.enqueue_indirect_dma source(%arg16 : memref<64x128xf32, #tpu.memory_space<vmem>>) target(%dma_start3A_127 : memref<10112x128xf32, #tpu.memory_space<vmem_shared>>) offsets(%arg11 : memref<64xi32, #tpu.memory_space<vmem>>) semaphore(%run_scoped3A : memref<!tpu.dma_semaphore, #tpu.memory_space<semaphore_mem>>) {add = true}
      %dma_wait3A_128 = arith.constant 0 : i32
      %dma_wait3A_129 = arith.constant 0 : i32
      %dma_wait3A_130 = tpu.memref_slice %arg17[%dma_wait3A_128, %dma_wait3A_129] : memref<10112x128xf32, #tpu.memory_space<vmem_shared>> -> memref<10112x128xf32, #tpu.memory_space<vmem_shared>>
      tpu.wait_indirect_dma semaphore(%run_scoped3A : memref<!tpu.dma_semaphore, #tpu.memory_space<semaphore_mem>>) src(%arg16 : memref<64x128xf32, #tpu.memory_space<vmem>>) dst(%dma_wait3A_130 : memref<10112x128xf32, #tpu.memory_space<vmem_shared>>)
      tpu.yield
    }) : () -> ()
    %mul3A_64 = arith.constant 10000 : i32
    %mul3A_65 = arith.muli %add3A, %mul3A_64 : i32
    %add3A_66 = arith.constant 9984 : i32
    %add3A_67 = arith.addi %mul3A_65, %add3A_66 : i32
    "tpu.region"() ({
      %run_scoped3A = tpu.sem_alloc : memref<!tpu.dma_semaphore, #tpu.memory_space<semaphore_mem>>
      %dma_start3A_125 = tpu.memref_slice %arg3[%add3A_67] : memref<320000xi32, #tpu.memory_space<hbm>> -> memref<16xi32, #tpu.memory_space<hbm>>
      %dma_start3A_126 = tpu.memref_slice %arg3[%add3A_67] : memref<320000xi32, #tpu.memory_space<hbm>> -> memref<16xi32, #tpu.memory_space<hbm>>
      tpu.enqueue_dma source(%dma_start3A_126 : memref<16xi32, #tpu.memory_space<hbm>>) target(%arg12 : memref<16xi32, #tpu.memory_space<vmem>>) target_semaphore(%run_scoped3A : memref<!tpu.dma_semaphore, #tpu.memory_space<semaphore_mem>>)
      %dma_wait3A_127 = tpu.memref_slice %arg3[%add3A_67] : memref<320000xi32, #tpu.memory_space<hbm>> -> memref<16xi32, #tpu.memory_space<hbm>>
      %dma_wait3A_128 = tpu.memref_slice %arg3[%add3A_67] : memref<320000xi32, #tpu.memory_space<hbm>> -> memref<16xi32, #tpu.memory_space<hbm>>
      tpu.wait_dma2 semaphore(%run_scoped3A : memref<!tpu.dma_semaphore, #tpu.memory_space<semaphore_mem>>) src(%dma_wait3A_128 : memref<16xi32, #tpu.memory_space<hbm>>) dst(%arg12 : memref<16xi32, #tpu.memory_space<vmem>>)
      tpu.yield
    }) : () -> ()
    %dma_start3A_68 = arith.constant 0 : i32
    %dma_start3A_69 = arith.constant 0 : i32
    %dma_start3A_70 = tpu.memref_slice %arg13[%dma_start3A_68, %dma_start3A_69] : memref<64x128xf32, #tpu.memory_space<vmem>> -> memref<16x128xf32, #tpu.memory_space<vmem>>
    %dma_start3A_71 = arith.constant 9984 : i32
    %dma_start3A_72 = tpu.memref_slice %arg7[%dma_start3A_71] : memref<10000xi32, #tpu.memory_space<vmem>> -> memref<16xi32, #tpu.memory_space<vmem>>
    %dma_start3A_73 = arith.constant 0 : i32
    %dma_start3A_74 = arith.constant 0 : i32
    %dma_start3A_75 = tpu.memref_slice %arg4[%dma_start3A_73, %dma_start3A_74] : memref<10000x128xf32, #tpu.memory_space<hbm>> -> memref<10000x128xf32, #tpu.memory_space<hbm>>
    tpu.enqueue_indirect_dma source(%dma_start3A_75 : memref<10000x128xf32, #tpu.memory_space<hbm>>) target(%dma_start3A_70 : memref<16x128xf32, #tpu.memory_space<vmem>>) offsets(%dma_start3A_72 : memref<16xi32, #tpu.memory_space<vmem>>) semaphore(%arg18 : memref<!tpu.dma_semaphore, #tpu.memory_space<semaphore_mem>>)
    %dma_wait3A_76 = arith.constant 0 : i32
    %dma_wait3A_77 = arith.constant 0 : i32
    %dma_wait3A_78 = tpu.memref_slice %arg13[%dma_wait3A_76, %dma_wait3A_77] : memref<64x128xf32, #tpu.memory_space<vmem>> -> memref<16x128xf32, #tpu.memory_space<vmem>>
    %dma_wait3A_79 = arith.constant 9984 : i32
    %dma_wait3A_80 = tpu.memref_slice %arg7[%dma_wait3A_79] : memref<10000xi32, #tpu.memory_space<vmem>> -> memref<16xi32, #tpu.memory_space<vmem>>
    %dma_wait3A_81 = arith.constant 0 : i32
    %dma_wait3A_82 = arith.constant 0 : i32
    %dma_wait3A_83 = tpu.memref_slice %arg4[%dma_wait3A_81, %dma_wait3A_82] : memref<10000x128xf32, #tpu.memory_space<hbm>> -> memref<10000x128xf32, #tpu.memory_space<hbm>>
    tpu.wait_indirect_dma semaphore(%arg18 : memref<!tpu.dma_semaphore, #tpu.memory_space<semaphore_mem>>) src(%dma_wait3A_83 : memref<10000x128xf32, #tpu.memory_space<hbm>>) dst(%dma_wait3A_78 : memref<16x128xf32, #tpu.memory_space<vmem>>)
    "tpu.region"() ({
      %run_scoped3A = tpu.sem_alloc : memref<!tpu.dma_semaphore, #tpu.memory_space<semaphore_mem>>
      %dma_start3A_125 = arith.constant 0 : i32
      %dma_start3A_126 = arith.constant 0 : i32
      %dma_start3A_127 = tpu.memref_slice %arg13[%dma_start3A_125, %dma_start3A_126] : memref<64x128xf32, #tpu.memory_space<vmem>> -> memref<16x128xf32, #tpu.memory_space<vmem>>
      %dma_start3A_128 = arith.constant 0 : i32
      %dma_start3A_129 = arith.constant 0 : i32
      %dma_start3A_130 = tpu.memref_slice %arg17[%dma_start3A_128, %dma_start3A_129] : memref<10112x128xf32, #tpu.memory_space<vmem_shared>> -> memref<10112x128xf32, #tpu.memory_space<vmem_shared>>
      tpu.enqueue_indirect_dma source(%dma_start3A_127 : memref<16x128xf32, #tpu.memory_space<vmem>>) target(%dma_start3A_130 : memref<10112x128xf32, #tpu.memory_space<vmem_shared>>) offsets(%arg12 : memref<16xi32, #tpu.memory_space<vmem>>) semaphore(%run_scoped3A : memref<!tpu.dma_semaphore, #tpu.memory_space<semaphore_mem>>) {add = true}
      %dma_wait3A_131 = arith.constant 0 : i32
      %dma_wait3A_132 = arith.constant 0 : i32
      %dma_wait3A_133 = tpu.memref_slice %arg13[%dma_wait3A_131, %dma_wait3A_132] : memref<64x128xf32, #tpu.memory_space<vmem>> -> memref<16x128xf32, #tpu.memory_space<vmem>>
      %dma_wait3A_134 = arith.constant 0 : i32
      %dma_wait3A_135 = arith.constant 0 : i32
      %dma_wait3A_136 = tpu.memref_slice %arg17[%dma_wait3A_134, %dma_wait3A_135] : memref<10112x128xf32, #tpu.memory_space<vmem_shared>> -> memref<10112x128xf32, #tpu.memory_space<vmem_shared>>
      tpu.wait_indirect_dma semaphore(%run_scoped3A : memref<!tpu.dma_semaphore, #tpu.memory_space<semaphore_mem>>) src(%dma_wait3A_133 : memref<16x128xf32, #tpu.memory_space<vmem>>) dst(%dma_wait3A_136 : memref<10112x128xf32, #tpu.memory_space<vmem_shared>>)
      tpu.yield
    }) : () -> ()
    %barrier3A_84 = arith.constant 0 : index
    tpu.barrier barrier_id(%barrier3A_84)
    %add3A_85 = arith.constant 0 : i32
    %add3A_86 = arith.addi %mul3A_2, %add3A_85 : i32
    "tpu.region"() ({
      %run_scoped3A = tpu.sem_alloc : memref<!tpu.dma_semaphore, #tpu.memory_space<semaphore_mem>>
      %dma_start3A_125 = arith.constant 0 : i32
      %dma_start3A_126 = arith.constant 0 : i32
      %dma_start3A_127 = tpu.memref_slice %arg13[%dma_start3A_125, %dma_start3A_126] : memref<64x128xf32, #tpu.memory_space<vmem>> -> memref<64x128xf32, #tpu.memory_space<vmem>>
      %dma_start3A_128 = arith.constant 0 : i32
      %dma_start3A_129 = tpu.memref_slice %arg17[%add3A_86, %dma_start3A_128] : memref<10112x128xf32, #tpu.memory_space<vmem_shared>> -> memref<64x128xf32, #tpu.memory_space<vmem_shared>>
      %dma_start3A_130 = arith.constant 0 : i32
      %dma_start3A_131 = arith.constant 0 : i32
      %dma_start3A_132 = tpu.memref_slice %arg13[%dma_start3A_130, %dma_start3A_131] : memref<64x128xf32, #tpu.memory_space<vmem>> -> memref<64x128xf32, #tpu.memory_space<vmem>>
      %dma_start3A_133 = arith.constant 0 : i32
      %dma_start3A_134 = tpu.memref_slice %arg17[%add3A_86, %dma_start3A_133] : memref<10112x128xf32, #tpu.memory_space<vmem_shared>> -> memref<64x128xf32, #tpu.memory_space<vmem_shared>>
      tpu.enqueue_dma source(%dma_start3A_134 : memref<64x128xf32, #tpu.memory_space<vmem_shared>>) target(%dma_start3A_132 : memref<64x128xf32, #tpu.memory_space<vmem>>) target_semaphore(%run_scoped3A : memref<!tpu.dma_semaphore, #tpu.memory_space<semaphore_mem>>)
      %dma_wait3A_135 = arith.constant 0 : i32
      %dma_wait3A_136 = arith.constant 0 : i32
      %dma_wait3A_137 = tpu.memref_slice %arg13[%dma_wait3A_135, %dma_wait3A_136] : memref<64x128xf32, #tpu.memory_space<vmem>> -> memref<64x128xf32, #tpu.memory_space<vmem>>
      %dma_wait3A_138 = arith.constant 0 : i32
      %dma_wait3A_139 = tpu.memref_slice %arg17[%add3A_86, %dma_wait3A_138] : memref<10112x128xf32, #tpu.memory_space<vmem_shared>> -> memref<64x128xf32, #tpu.memory_space<vmem_shared>>
      %dma_wait3A_140 = arith.constant 0 : i32
      %dma_wait3A_141 = arith.constant 0 : i32
      %dma_wait3A_142 = tpu.memref_slice %arg13[%dma_wait3A_140, %dma_wait3A_141] : memref<64x128xf32, #tpu.memory_space<vmem>> -> memref<64x128xf32, #tpu.memory_space<vmem>>
      %dma_wait3A_143 = arith.constant 0 : i32
      %dma_wait3A_144 = tpu.memref_slice %arg17[%add3A_86, %dma_wait3A_143] : memref<10112x128xf32, #tpu.memory_space<vmem_shared>> -> memref<64x128xf32, #tpu.memory_space<vmem_shared>>
      tpu.wait_dma2 semaphore(%run_scoped3A : memref<!tpu.dma_semaphore, #tpu.memory_space<semaphore_mem>>) src(%dma_wait3A_144 : memref<64x128xf32, #tpu.memory_space<vmem_shared>>) dst(%dma_wait3A_142 : memref<64x128xf32, #tpu.memory_space<vmem>>)
      tpu.yield
    }) : () -> ()
    %add3A_87 = arith.constant 0 : i32
    %add3A_88 = arith.addi %mul3A_2, %add3A_87 : i32
    "tpu.region"() ({
      %run_scoped3A = tpu.sem_alloc : memref<!tpu.dma_semaphore, #tpu.memory_space<semaphore_mem>>
      %dma_start3A_125 = arith.constant 0 : i32
      %dma_start3A_126 = arith.constant 0 : i32
      %dma_start3A_127 = tpu.memref_slice %arg13[%dma_start3A_125, %dma_start3A_126] : memref<64x128xf32, #tpu.memory_space<vmem>> -> memref<64x128xf32, #tpu.memory_space<vmem>>
      %dma_start3A_128 = arith.constant 0 : i32
      %dma_start3A_129 = tpu.memref_slice %arg6[%arg0, %add3A_88, %dma_start3A_128] : memref<2x10112x128xf32, #tpu.memory_space<hbm>> -> memref<1x64x128xf32, #tpu.memory_space<hbm>>
      %dma_start3A_130 = tpu.memref_squeeze %dma_start3A_129 : memref<1x64x128xf32, #tpu.memory_space<hbm>> -> memref<64x128xf32, #tpu.memory_space<hbm>>
      %dma_start3A_131 = arith.constant 0 : i32
      %dma_start3A_132 = tpu.memref_slice %arg6[%arg0, %add3A_88, %dma_start3A_131] : memref<2x10112x128xf32, #tpu.memory_space<hbm>> -> memref<1x64x128xf32, #tpu.memory_space<hbm>>
      %dma_start3A_133 = tpu.memref_squeeze %dma_start3A_132 : memref<1x64x128xf32, #tpu.memory_space<hbm>> -> memref<64x128xf32, #tpu.memory_space<hbm>>
      %dma_start3A_134 = arith.constant 0 : i32
      %dma_start3A_135 = arith.constant 0 : i32
      %dma_start3A_136 = tpu.memref_slice %arg13[%dma_start3A_134, %dma_start3A_135] : memref<64x128xf32, #tpu.memory_space<vmem>> -> memref<64x128xf32, #tpu.memory_space<vmem>>
      tpu.enqueue_dma source(%dma_start3A_136 : memref<64x128xf32, #tpu.memory_space<vmem>>) target(%dma_start3A_133 : memref<64x128xf32, #tpu.memory_space<hbm>>) target_semaphore(%run_scoped3A : memref<!tpu.dma_semaphore, #tpu.memory_space<semaphore_mem>>)
      %dma_wait3A_137 = arith.constant 0 : i32
      %dma_wait3A_138 = arith.constant 0 : i32
      %dma_wait3A_139 = tpu.memref_slice %arg13[%dma_wait3A_137, %dma_wait3A_138] : memref<64x128xf32, #tpu.memory_space<vmem>> -> memref<64x128xf32, #tpu.memory_space<vmem>>
      %dma_wait3A_140 = arith.constant 0 : i32
      %dma_wait3A_141 = tpu.memref_slice %arg6[%arg0, %add3A_88, %dma_wait3A_140] : memref<2x10112x128xf32, #tpu.memory_space<hbm>> -> memref<1x64x128xf32, #tpu.memory_space<hbm>>
      %dma_wait3A_142 = tpu.memref_squeeze %dma_wait3A_141 : memref<1x64x128xf32, #tpu.memory_space<hbm>> -> memref<64x128xf32, #tpu.memory_space<hbm>>
      %dma_wait3A_143 = arith.constant 0 : i32
      %dma_wait3A_144 = tpu.memref_slice %arg6[%arg0, %add3A_88, %dma_wait3A_143] : memref<2x10112x128xf32, #tpu.memory_space<hbm>> -> memref<1x64x128xf32, #tpu.memory_space<hbm>>
      %dma_wait3A_145 = tpu.memref_squeeze %dma_wait3A_144 : memref<1x64x128xf32, #tpu.memory_space<hbm>> -> memref<64x128xf32, #tpu.memory_space<hbm>>
      %dma_wait3A_146 = arith.constant 0 : i32
      %dma_wait3A_147 = arith.constant 0 : i32
      %dma_wait3A_148 = tpu.memref_slice %arg13[%dma_wait3A_146, %dma_wait3A_147] : memref<64x128xf32, #tpu.memory_space<vmem>> -> memref<64x128xf32, #tpu.memory_space<vmem>>
      tpu.wait_dma2 semaphore(%run_scoped3A : memref<!tpu.dma_semaphore, #tpu.memory_space<semaphore_mem>>) src(%dma_wait3A_148 : memref<64x128xf32, #tpu.memory_space<vmem>>) dst(%dma_wait3A_145 : memref<64x128xf32, #tpu.memory_space<hbm>>)
      tpu.yield
    }) : () -> ()
    %add3A_89 = arith.constant 64 : i32
    %add3A_90 = arith.addi %mul3A_2, %add3A_89 : i32
    "tpu.region"() ({
      %run_scoped3A = tpu.sem_alloc : memref<!tpu.dma_semaphore, #tpu.memory_space<semaphore_mem>>
      %dma_start3A_125 = arith.constant 0 : i32
      %dma_start3A_126 = arith.constant 0 : i32
      %dma_start3A_127 = tpu.memref_slice %arg13[%dma_start3A_125, %dma_start3A_126] : memref<64x128xf32, #tpu.memory_space<vmem>> -> memref<64x128xf32, #tpu.memory_space<vmem>>
      %dma_start3A_128 = arith.constant 0 : i32
      %dma_start3A_129 = tpu.memref_slice %arg17[%add3A_90, %dma_start3A_128] : memref<10112x128xf32, #tpu.memory_space<vmem_shared>> -> memref<64x128xf32, #tpu.memory_space<vmem_shared>>
      %dma_start3A_130 = arith.constant 0 : i32
      %dma_start3A_131 = arith.constant 0 : i32
      %dma_start3A_132 = tpu.memref_slice %arg13[%dma_start3A_130, %dma_start3A_131] : memref<64x128xf32, #tpu.memory_space<vmem>> -> memref<64x128xf32, #tpu.memory_space<vmem>>
      %dma_start3A_133 = arith.constant 0 : i32
      %dma_start3A_134 = tpu.memref_slice %arg17[%add3A_90, %dma_start3A_133] : memref<10112x128xf32, #tpu.memory_space<vmem_shared>> -> memref<64x128xf32, #tpu.memory_space<vmem_shared>>
      tpu.enqueue_dma source(%dma_start3A_134 : memref<64x128xf32, #tpu.memory_space<vmem_shared>>) target(%dma_start3A_132 : memref<64x128xf32, #tpu.memory_space<vmem>>) target_semaphore(%run_scoped3A : memref<!tpu.dma_semaphore, #tpu.memory_space<semaphore_mem>>)
      %dma_wait3A_135 = arith.constant 0 : i32
      %dma_wait3A_136 = arith.constant 0 : i32
      %dma_wait3A_137 = tpu.memref_slice %arg13[%dma_wait3A_135, %dma_wait3A_136] : memref<64x128xf32, #tpu.memory_space<vmem>> -> memref<64x128xf32, #tpu.memory_space<vmem>>
      %dma_wait3A_138 = arith.constant 0 : i32
      %dma_wait3A_139 = tpu.memref_slice %arg17[%add3A_90, %dma_wait3A_138] : memref<10112x128xf32, #tpu.memory_space<vmem_shared>> -> memref<64x128xf32, #tpu.memory_space<vmem_shared>>
      %dma_wait3A_140 = arith.constant 0 : i32
      %dma_wait3A_141 = arith.constant 0 : i32
      %dma_wait3A_142 = tpu.memref_slice %arg13[%dma_wait3A_140, %dma_wait3A_141] : memref<64x128xf32, #tpu.memory_space<vmem>> -> memref<64x128xf32, #tpu.memory_space<vmem>>
      %dma_wait3A_143 = arith.constant 0 : i32
      %dma_wait3A_144 = tpu.memref_slice %arg17[%add3A_90, %dma_wait3A_143] : memref<10112x128xf32, #tpu.memory_space<vmem_shared>> -> memref<64x128xf32, #tpu.memory_space<vmem_shared>>
      tpu.wait_dma2 semaphore(%run_scoped3A : memref<!tpu.dma_semaphore, #tpu.memory_space<semaphore_mem>>) src(%dma_wait3A_144 : memref<64x128xf32, #tpu.memory_space<vmem_shared>>) dst(%dma_wait3A_142 : memref<64x128xf32, #tpu.memory_space<vmem>>)
      tpu.yield
    }) : () -> ()
    %add3A_91 = arith.constant 64 : i32
    %add3A_92 = arith.addi %mul3A_2, %add3A_91 : i32
    "tpu.region"() ({
      %run_scoped3A = tpu.sem_alloc : memref<!tpu.dma_semaphore, #tpu.memory_space<semaphore_mem>>
      %dma_start3A_125 = arith.constant 0 : i32
      %dma_start3A_126 = arith.constant 0 : i32
      %dma_start3A_127 = tpu.memref_slice %arg13[%dma_start3A_125, %dma_start3A_126] : memref<64x128xf32, #tpu.memory_space<vmem>> -> memref<64x128xf32, #tpu.memory_space<vmem>>
      %dma_start3A_128 = arith.constant 0 : i32
      %dma_start3A_129 = tpu.memref_slice %arg6[%arg0, %add3A_92, %dma_start3A_128] : memref<2x10112x128xf32, #tpu.memory_space<hbm>> -> memref<1x64x128xf32, #tpu.memory_space<hbm>>
      %dma_start3A_130 = tpu.memref_squeeze %dma_start3A_129 : memref<1x64x128xf32, #tpu.memory_space<hbm>> -> memref<64x128xf32, #tpu.memory_space<hbm>>
      %dma_start3A_131 = arith.constant 0 : i32
      %dma_start3A_132 = tpu.memref_slice %arg6[%arg0, %add3A_92, %dma_start3A_131] : memref<2x10112x128xf32, #tpu.memory_space<hbm>> -> memref<1x64x128xf32, #tpu.memory_space<hbm>>
      %dma_start3A_133 = tpu.memref_squeeze %dma_start3A_132 : memref<1x64x128xf32, #tpu.memory_space<hbm>> -> memref<64x128xf32, #tpu.memory_space<hbm>>
      %dma_start3A_134 = arith.constant 0 : i32
      %dma_start3A_135 = arith.constant 0 : i32
      %dma_start3A_136 = tpu.memref_slice %arg13[%dma_start3A_134, %dma_start3A_135] : memref<64x128xf32, #tpu.memory_space<vmem>> -> memref<64x128xf32, #tpu.memory_space<vmem>>
      tpu.enqueue_dma source(%dma_start3A_136 : memref<64x128xf32, #tpu.memory_space<vmem>>) target(%dma_start3A_133 : memref<64x128xf32, #tpu.memory_space<hbm>>) target_semaphore(%run_scoped3A : memref<!tpu.dma_semaphore, #tpu.memory_space<semaphore_mem>>)
      %dma_wait3A_137 = arith.constant 0 : i32
      %dma_wait3A_138 = arith.constant 0 : i32
      %dma_wait3A_139 = tpu.memref_slice %arg13[%dma_wait3A_137, %dma_wait3A_138] : memref<64x128xf32, #tpu.memory_space<vmem>> -> memref<64x128xf32, #tpu.memory_space<vmem>>
      %dma_wait3A_140 = arith.constant 0 : i32
      %dma_wait3A_141 = tpu.memref_slice %arg6[%arg0, %add3A_92, %dma_wait3A_140] : memref<2x10112x128xf32, #tpu.memory_space<hbm>> -> memref<1x64x128xf32, #tpu.memory_space<hbm>>
      %dma_wait3A_142 = tpu.memref_squeeze %dma_wait3A_141 : memref<1x64x128xf32, #tpu.memory_space<hbm>> -> memref<64x128xf32, #tpu.memory_space<hbm>>
      %dma_wait3A_143 = arith.constant 0 : i32
      %dma_wait3A_144 = tpu.memref_slice %arg6[%arg0, %add3A_92, %dma_wait3A_143] : memref<2x10112x128xf32, #tpu.memory_space<hbm>> -> memref<1x64x128xf32, #tpu.memory_space<hbm>>
      %dma_wait3A_145 = tpu.memref_squeeze %dma_wait3A_144 : memref<1x64x128xf32, #tpu.memory_space<hbm>> -> memref<64x128xf32, #tpu.memory_space<hbm>>
      %dma_wait3A_146 = arith.constant 0 : i32
      %dma_wait3A_147 = arith.constant 0 : i32
      %dma_wait3A_148 = tpu.memref_slice %arg13[%dma_wait3A_146, %dma_wait3A_147] : memref<64x128xf32, #tpu.memory_space<vmem>> -> memref<64x128xf32, #tpu.memory_space<vmem>>
      tpu.wait_dma2 semaphore(%run_scoped3A : memref<!tpu.dma_semaphore, #tpu.memory_space<semaphore_mem>>) src(%dma_wait3A_148 : memref<64x128xf32, #tpu.memory_space<vmem>>) dst(%dma_wait3A_145 : memref<64x128xf32, #tpu.memory_space<hbm>>)
      tpu.yield
    }) : () -> ()
    %add3A_93 = arith.constant 128 : i32
    %add3A_94 = arith.addi %mul3A_2, %add3A_93 : i32
    "tpu.region"() ({
      %run_scoped3A = tpu.sem_alloc : memref<!tpu.dma_semaphore, #tpu.memory_space<semaphore_mem>>
      %dma_start3A_125 = arith.constant 0 : i32
      %dma_start3A_126 = arith.constant 0 : i32
      %dma_start3A_127 = tpu.memref_slice %arg13[%dma_start3A_125, %dma_start3A_126] : memref<64x128xf32, #tpu.memory_space<vmem>> -> memref<64x128xf32, #tpu.memory_space<vmem>>
      %dma_start3A_128 = arith.constant 0 : i32
      %dma_start3A_129 = tpu.memref_slice %arg17[%add3A_94, %dma_start3A_128] : memref<10112x128xf32, #tpu.memory_space<vmem_shared>> -> memref<64x128xf32, #tpu.memory_space<vmem_shared>>
      %dma_start3A_130 = arith.constant 0 : i32
      %dma_start3A_131 = arith.constant 0 : i32
      %dma_start3A_132 = tpu.memref_slice %arg13[%dma_start3A_130, %dma_start3A_131] : memref<64x128xf32, #tpu.memory_space<vmem>> -> memref<64x128xf32, #tpu.memory_space<vmem>>
      %dma_start3A_133 = arith.constant 0 : i32
      %dma_start3A_134 = tpu.memref_slice %arg17[%add3A_94, %dma_start3A_133] : memref<10112x128xf32, #tpu.memory_space<vmem_shared>> -> memref<64x128xf32, #tpu.memory_space<vmem_shared>>
      tpu.enqueue_dma source(%dma_start3A_134 : memref<64x128xf32, #tpu.memory_space<vmem_shared>>) target(%dma_start3A_132 : memref<64x128xf32, #tpu.memory_space<vmem>>) target_semaphore(%run_scoped3A : memref<!tpu.dma_semaphore, #tpu.memory_space<semaphore_mem>>)
      %dma_wait3A_135 = arith.constant 0 : i32
      %dma_wait3A_136 = arith.constant 0 : i32
      %dma_wait3A_137 = tpu.memref_slice %arg13[%dma_wait3A_135, %dma_wait3A_136] : memref<64x128xf32, #tpu.memory_space<vmem>> -> memref<64x128xf32, #tpu.memory_space<vmem>>
      %dma_wait3A_138 = arith.constant 0 : i32
      %dma_wait3A_139 = tpu.memref_slice %arg17[%add3A_94, %dma_wait3A_138] : memref<10112x128xf32, #tpu.memory_space<vmem_shared>> -> memref<64x128xf32, #tpu.memory_space<vmem_shared>>
      %dma_wait3A_140 = arith.constant 0 : i32
      %dma_wait3A_141 = arith.constant 0 : i32
      %dma_wait3A_142 = tpu.memref_slice %arg13[%dma_wait3A_140, %dma_wait3A_141] : memref<64x128xf32, #tpu.memory_space<vmem>> -> memref<64x128xf32, #tpu.memory_space<vmem>>
      %dma_wait3A_143 = arith.constant 0 : i32
      %dma_wait3A_144 = tpu.memref_slice %arg17[%add3A_94, %dma_wait3A_143] : memref<10112x128xf32, #tpu.memory_space<vmem_shared>> -> memref<64x128xf32, #tpu.memory_space<vmem_shared>>
      tpu.wait_dma2 semaphore(%run_scoped3A : memref<!tpu.dma_semaphore, #tpu.memory_space<semaphore_mem>>) src(%dma_wait3A_144 : memref<64x128xf32, #tpu.memory_space<vmem_shared>>) dst(%dma_wait3A_142 : memref<64x128xf32, #tpu.memory_space<vmem>>)
      tpu.yield
    }) : () -> ()
    %add3A_95 = arith.constant 128 : i32
    %add3A_96 = arith.addi %mul3A_2, %add3A_95 : i32
    "tpu.region"() ({
      %run_scoped3A = tpu.sem_alloc : memref<!tpu.dma_semaphore, #tpu.memory_space<semaphore_mem>>
      %dma_start3A_125 = arith.constant 0 : i32
      %dma_start3A_126 = arith.constant 0 : i32
      %dma_start3A_127 = tpu.memref_slice %arg13[%dma_start3A_125, %dma_start3A_126] : memref<64x128xf32, #tpu.memory_space<vmem>> -> memref<64x128xf32, #tpu.memory_space<vmem>>
      %dma_start3A_128 = arith.constant 0 : i32
      %dma_start3A_129 = tpu.memref_slice %arg6[%arg0, %add3A_96, %dma_start3A_128] : memref<2x10112x128xf32, #tpu.memory_space<hbm>> -> memref<1x64x128xf32, #tpu.memory_space<hbm>>
      %dma_start3A_130 = tpu.memref_squeeze %dma_start3A_129 : memref<1x64x128xf32, #tpu.memory_space<hbm>> -> memref<64x128xf32, #tpu.memory_space<hbm>>
      %dma_start3A_131 = arith.constant 0 : i32
      %dma_start3A_132 = tpu.memref_slice %arg6[%arg0, %add3A_96, %dma_start3A_131] : memref<2x10112x128xf32, #tpu.memory_space<hbm>> -> memref<1x64x128xf32, #tpu.memory_space<hbm>>
      %dma_start3A_133 = tpu.memref_squeeze %dma_start3A_132 : memref<1x64x128xf32, #tpu.memory_space<hbm>> -> memref<64x128xf32, #tpu.memory_space<hbm>>
      %dma_start3A_134 = arith.constant 0 : i32
      %dma_start3A_135 = arith.constant 0 : i32
      %dma_start3A_136 = tpu.memref_slice %arg13[%dma_start3A_134, %dma_start3A_135] : memref<64x128xf32, #tpu.memory_space<vmem>> -> memref<64x128xf32, #tpu.memory_space<vmem>>
      tpu.enqueue_dma source(%dma_start3A_136 : memref<64x128xf32, #tpu.memory_space<vmem>>) target(%dma_start3A_133 : memref<64x128xf32, #tpu.memory_space<hbm>>) target_semaphore(%run_scoped3A : memref<!tpu.dma_semaphore, #tpu.memory_space<semaphore_mem>>)
      %dma_wait3A_137 = arith.constant 0 : i32
      %dma_wait3A_138 = arith.constant 0 : i32
      %dma_wait3A_139 = tpu.memref_slice %arg13[%dma_wait3A_137, %dma_wait3A_138] : memref<64x128xf32, #tpu.memory_space<vmem>> -> memref<64x128xf32, #tpu.memory_space<vmem>>
      %dma_wait3A_140 = arith.constant 0 : i32
      %dma_wait3A_141 = tpu.memref_slice %arg6[%arg0, %add3A_96, %dma_wait3A_140] : memref<2x10112x128xf32, #tpu.memory_space<hbm>> -> memref<1x64x128xf32, #tpu.memory_space<hbm>>
      %dma_wait3A_142 = tpu.memref_squeeze %dma_wait3A_141 : memref<1x64x128xf32, #tpu.memory_space<hbm>> -> memref<64x128xf32, #tpu.memory_space<hbm>>
      %dma_wait3A_143 = arith.constant 0 : i32
      %dma_wait3A_144 = tpu.memref_slice %arg6[%arg0, %add3A_96, %dma_wait3A_143] : memref<2x10112x128xf32, #tpu.memory_space<hbm>> -> memref<1x64x128xf32, #tpu.memory_space<hbm>>
      %dma_wait3A_145 = tpu.memref_squeeze %dma_wait3A_144 : memref<1x64x128xf32, #tpu.memory_space<hbm>> -> memref<64x128xf32, #tpu.memory_space<hbm>>
      %dma_wait3A_146 = arith.constant 0 : i32
      %dma_wait3A_147 = arith.constant 0 : i32
      %dma_wait3A_148 = tpu.memref_slice %arg13[%dma_wait3A_146, %dma_wait3A_147] : memref<64x128xf32, #tpu.memory_space<vmem>> -> memref<64x128xf32, #tpu.memory_space<vmem>>
      tpu.wait_dma2 semaphore(%run_scoped3A : memref<!tpu.dma_semaphore, #tpu.memory_space<semaphore_mem>>) src(%dma_wait3A_148 : memref<64x128xf32, #tpu.memory_space<vmem>>) dst(%dma_wait3A_145 : memref<64x128xf32, #tpu.memory_space<hbm>>)
      tpu.yield
    }) : () -> ()
    %add3A_97 = arith.constant 192 : i32
    %add3A_98 = arith.addi %mul3A_2, %add3A_97 : i32
    "tpu.region"() ({
      %run_scoped3A = tpu.sem_alloc : memref<!tpu.dma_semaphore, #tpu.memory_space<semaphore_mem>>
      %dma_start3A_125 = arith.constant 0 : i32
      %dma_start3A_126 = arith.constant 0 : i32
      %dma_start3A_127 = tpu.memref_slice %arg13[%dma_start3A_125, %dma_start3A_126] : memref<64x128xf32, #tpu.memory_space<vmem>> -> memref<64x128xf32, #tpu.memory_space<vmem>>
      %dma_start3A_128 = arith.constant 0 : i32
      %dma_start3A_129 = tpu.memref_slice %arg17[%add3A_98, %dma_start3A_128] : memref<10112x128xf32, #tpu.memory_space<vmem_shared>> -> memref<64x128xf32, #tpu.memory_space<vmem_shared>>
      %dma_start3A_130 = arith.constant 0 : i32
      %dma_start3A_131 = arith.constant 0 : i32
      %dma_start3A_132 = tpu.memref_slice %arg13[%dma_start3A_130, %dma_start3A_131] : memref<64x128xf32, #tpu.memory_space<vmem>> -> memref<64x128xf32, #tpu.memory_space<vmem>>
      %dma_start3A_133 = arith.constant 0 : i32
      %dma_start3A_134 = tpu.memref_slice %arg17[%add3A_98, %dma_start3A_133] : memref<10112x128xf32, #tpu.memory_space<vmem_shared>> -> memref<64x128xf32, #tpu.memory_space<vmem_shared>>
      tpu.enqueue_dma source(%dma_start3A_134 : memref<64x128xf32, #tpu.memory_space<vmem_shared>>) target(%dma_start3A_132 : memref<64x128xf32, #tpu.memory_space<vmem>>) target_semaphore(%run_scoped3A : memref<!tpu.dma_semaphore, #tpu.memory_space<semaphore_mem>>)
      %dma_wait3A_135 = arith.constant 0 : i32
      %dma_wait3A_136 = arith.constant 0 : i32
      %dma_wait3A_137 = tpu.memref_slice %arg13[%dma_wait3A_135, %dma_wait3A_136] : memref<64x128xf32, #tpu.memory_space<vmem>> -> memref<64x128xf32, #tpu.memory_space<vmem>>
      %dma_wait3A_138 = arith.constant 0 : i32
      %dma_wait3A_139 = tpu.memref_slice %arg17[%add3A_98, %dma_wait3A_138] : memref<10112x128xf32, #tpu.memory_space<vmem_shared>> -> memref<64x128xf32, #tpu.memory_space<vmem_shared>>
      %dma_wait3A_140 = arith.constant 0 : i32
      %dma_wait3A_141 = arith.constant 0 : i32
      %dma_wait3A_142 = tpu.memref_slice %arg13[%dma_wait3A_140, %dma_wait3A_141] : memref<64x128xf32, #tpu.memory_space<vmem>> -> memref<64x128xf32, #tpu.memory_space<vmem>>
      %dma_wait3A_143 = arith.constant 0 : i32
      %dma_wait3A_144 = tpu.memref_slice %arg17[%add3A_98, %dma_wait3A_143] : memref<10112x128xf32, #tpu.memory_space<vmem_shared>> -> memref<64x128xf32, #tpu.memory_space<vmem_shared>>
      tpu.wait_dma2 semaphore(%run_scoped3A : memref<!tpu.dma_semaphore, #tpu.memory_space<semaphore_mem>>) src(%dma_wait3A_144 : memref<64x128xf32, #tpu.memory_space<vmem_shared>>) dst(%dma_wait3A_142 : memref<64x128xf32, #tpu.memory_space<vmem>>)
      tpu.yield
    }) : () -> ()
    %add3A_99 = arith.constant 192 : i32
    %add3A_100 = arith.addi %mul3A_2, %add3A_99 : i32
    "tpu.region"() ({
      %run_scoped3A = tpu.sem_alloc : memref<!tpu.dma_semaphore, #tpu.memory_space<semaphore_mem>>
      %dma_start3A_125 = arith.constant 0 : i32
      %dma_start3A_126 = arith.constant 0 : i32
      %dma_start3A_127 = tpu.memref_slice %arg13[%dma_start3A_125, %dma_start3A_126] : memref<64x128xf32, #tpu.memory_space<vmem>> -> memref<64x128xf32, #tpu.memory_space<vmem>>
      %dma_start3A_128 = arith.constant 0 : i32
      %dma_start3A_129 = tpu.memref_slice %arg6[%arg0, %add3A_100, %dma_start3A_128] : memref<2x10112x128xf32, #tpu.memory_space<hbm>> -> memref<1x64x128xf32, #tpu.memory_space<hbm>>
      %dma_start3A_130 = tpu.memref_squeeze %dma_start3A_129 : memref<1x64x128xf32, #tpu.memory_space<hbm>> -> memref<64x128xf32, #tpu.memory_space<hbm>>
      %dma_start3A_131 = arith.constant 0 : i32
      %dma_start3A_132 = tpu.memref_slice %arg6[%arg0, %add3A_100, %dma_start3A_131] : memref<2x10112x128xf32, #tpu.memory_space<hbm>> -> memref<1x64x128xf32, #tpu.memory_space<hbm>>
      %dma_start3A_133 = tpu.memref_squeeze %dma_start3A_132 : memref<1x64x128xf32, #tpu.memory_space<hbm>> -> memref<64x128xf32, #tpu.memory_space<hbm>>
      %dma_start3A_134 = arith.constant 0 : i32
      %dma_start3A_135 = arith.constant 0 : i32
      %dma_start3A_136 = tpu.memref_slice %arg13[%dma_start3A_134, %dma_start3A_135] : memref<64x128xf32, #tpu.memory_space<vmem>> -> memref<64x128xf32, #tpu.memory_space<vmem>>
      tpu.enqueue_dma source(%dma_start3A_136 : memref<64x128xf32, #tpu.memory_space<vmem>>) target(%dma_start3A_133 : memref<64x128xf32, #tpu.memory_space<hbm>>) target_semaphore(%run_scoped3A : memref<!tpu.dma_semaphore, #tpu.memory_space<semaphore_mem>>)
      %dma_wait3A_137 = arith.constant 0 : i32
      %dma_wait3A_138 = arith.constant 0 : i32
      %dma_wait3A_139 = tpu.memref_slice %arg13[%dma_wait3A_137, %dma_wait3A_138] : memref<64x128xf32, #tpu.memory_space<vmem>> -> memref<64x128xf32, #tpu.memory_space<vmem>>
      %dma_wait3A_140 = arith.constant 0 : i32
      %dma_wait3A_141 = tpu.memref_slice %arg6[%arg0, %add3A_100, %dma_wait3A_140] : memref<2x10112x128xf32, #tpu.memory_space<hbm>> -> memref<1x64x128xf32, #tpu.memory_space<hbm>>
      %dma_wait3A_142 = tpu.memref_squeeze %dma_wait3A_141 : memref<1x64x128xf32, #tpu.memory_space<hbm>> -> memref<64x128xf32, #tpu.memory_space<hbm>>
      %dma_wait3A_143 = arith.constant 0 : i32
      %dma_wait3A_144 = tpu.memref_slice %arg6[%arg0, %add3A_100, %dma_wait3A_143] : memref<2x10112x128xf32, #tpu.memory_space<hbm>> -> memref<1x64x128xf32, #tpu.memory_space<hbm>>
      %dma_wait3A_145 = tpu.memref_squeeze %dma_wait3A_144 : memref<1x64x128xf32, #tpu.memory_space<hbm>> -> memref<64x128xf32, #tpu.memory_space<hbm>>
      %dma_wait3A_146 = arith.constant 0 : i32
      %dma_wait3A_147 = arith.constant 0 : i32
      %dma_wait3A_148 = tpu.memref_slice %arg13[%dma_wait3A_146, %dma_wait3A_147] : memref<64x128xf32, #tpu.memory_space<vmem>> -> memref<64x128xf32, #tpu.memory_space<vmem>>
      tpu.wait_dma2 semaphore(%run_scoped3A : memref<!tpu.dma_semaphore, #tpu.memory_space<semaphore_mem>>) src(%dma_wait3A_148 : memref<64x128xf32, #tpu.memory_space<vmem>>) dst(%dma_wait3A_145 : memref<64x128xf32, #tpu.memory_space<hbm>>)
      tpu.yield
    }) : () -> ()
    %add3A_101 = arith.constant 256 : i32
    %add3A_102 = arith.addi %mul3A_2, %add3A_101 : i32
    "tpu.region"() ({
      %run_scoped3A = tpu.sem_alloc : memref<!tpu.dma_semaphore, #tpu.memory_space<semaphore_mem>>
      %dma_start3A_125 = arith.constant 0 : i32
      %dma_start3A_126 = arith.constant 0 : i32
      %dma_start3A_127 = tpu.memref_slice %arg13[%dma_start3A_125, %dma_start3A_126] : memref<64x128xf32, #tpu.memory_space<vmem>> -> memref<64x128xf32, #tpu.memory_space<vmem>>
      %dma_start3A_128 = arith.constant 0 : i32
      %dma_start3A_129 = tpu.memref_slice %arg17[%add3A_102, %dma_start3A_128] : memref<10112x128xf32, #tpu.memory_space<vmem_shared>> -> memref<64x128xf32, #tpu.memory_space<vmem_shared>>
      %dma_start3A_130 = arith.constant 0 : i32
      %dma_start3A_131 = arith.constant 0 : i32
      %dma_start3A_132 = tpu.memref_slice %arg13[%dma_start3A_130, %dma_start3A_131] : memref<64x128xf32, #tpu.memory_space<vmem>> -> memref<64x128xf32, #tpu.memory_space<vmem>>
      %dma_start3A_133 = arith.constant 0 : i32
      %dma_start3A_134 = tpu.memref_slice %arg17[%add3A_102, %dma_start3A_133] : memref<10112x128xf32, #tpu.memory_space<vmem_shared>> -> memref<64x128xf32, #tpu.memory_space<vmem_shared>>
      tpu.enqueue_dma source(%dma_start3A_134 : memref<64x128xf32, #tpu.memory_space<vmem_shared>>) target(%dma_start3A_132 : memref<64x128xf32, #tpu.memory_space<vmem>>) target_semaphore(%run_scoped3A : memref<!tpu.dma_semaphore, #tpu.memory_space<semaphore_mem>>)
      %dma_wait3A_135 = arith.constant 0 : i32
      %dma_wait3A_136 = arith.constant 0 : i32
      %dma_wait3A_137 = tpu.memref_slice %arg13[%dma_wait3A_135, %dma_wait3A_136] : memref<64x128xf32, #tpu.memory_space<vmem>> -> memref<64x128xf32, #tpu.memory_space<vmem>>
      %dma_wait3A_138 = arith.constant 0 : i32
      %dma_wait3A_139 = tpu.memref_slice %arg17[%add3A_102, %dma_wait3A_138] : memref<10112x128xf32, #tpu.memory_space<vmem_shared>> -> memref<64x128xf32, #tpu.memory_space<vmem_shared>>
      %dma_wait3A_140 = arith.constant 0 : i32
      %dma_wait3A_141 = arith.constant 0 : i32
      %dma_wait3A_142 = tpu.memref_slice %arg13[%dma_wait3A_140, %dma_wait3A_141] : memref<64x128xf32, #tpu.memory_space<vmem>> -> memref<64x128xf32, #tpu.memory_space<vmem>>
      %dma_wait3A_143 = arith.constant 0 : i32
      %dma_wait3A_144 = tpu.memref_slice %arg17[%add3A_102, %dma_wait3A_143] : memref<10112x128xf32, #tpu.memory_space<vmem_shared>> -> memref<64x128xf32, #tpu.memory_space<vmem_shared>>
      tpu.wait_dma2 semaphore(%run_scoped3A : memref<!tpu.dma_semaphore, #tpu.memory_space<semaphore_mem>>) src(%dma_wait3A_144 : memref<64x128xf32, #tpu.memory_space<vmem_shared>>) dst(%dma_wait3A_142 : memref<64x128xf32, #tpu.memory_space<vmem>>)
      tpu.yield
    }) : () -> ()
    %add3A_103 = arith.constant 256 : i32
    %add3A_104 = arith.addi %mul3A_2, %add3A_103 : i32
    "tpu.region"() ({
      %run_scoped3A = tpu.sem_alloc : memref<!tpu.dma_semaphore, #tpu.memory_space<semaphore_mem>>
      %dma_start3A_125 = arith.constant 0 : i32
      %dma_start3A_126 = arith.constant 0 : i32
      %dma_start3A_127 = tpu.memref_slice %arg13[%dma_start3A_125, %dma_start3A_126] : memref<64x128xf32, #tpu.memory_space<vmem>> -> memref<64x128xf32, #tpu.memory_space<vmem>>
      %dma_start3A_128 = arith.constant 0 : i32
      %dma_start3A_129 = tpu.memref_slice %arg6[%arg0, %add3A_104, %dma_start3A_128] : memref<2x10112x128xf32, #tpu.memory_space<hbm>> -> memref<1x64x128xf32, #tpu.memory_space<hbm>>
      %dma_start3A_130 = tpu.memref_squeeze %dma_start3A_129 : memref<1x64x128xf32, #tpu.memory_space<hbm>> -> memref<64x128xf32, #tpu.memory_space<hbm>>
      %dma_start3A_131 = arith.constant 0 : i32
      %dma_start3A_132 = tpu.memref_slice %arg6[%arg0, %add3A_104, %dma_start3A_131] : memref<2x10112x128xf32, #tpu.memory_space<hbm>> -> memref<1x64x128xf32, #tpu.memory_space<hbm>>
      %dma_start3A_133 = tpu.memref_squeeze %dma_start3A_132 : memref<1x64x128xf32, #tpu.memory_space<hbm>> -> memref<64x128xf32, #tpu.memory_space<hbm>>
      %dma_start3A_134 = arith.constant 0 : i32
      %dma_start3A_135 = arith.constant 0 : i32
      %dma_start3A_136 = tpu.memref_slice %arg13[%dma_start3A_134, %dma_start3A_135] : memref<64x128xf32, #tpu.memory_space<vmem>> -> memref<64x128xf32, #tpu.memory_space<vmem>>
      tpu.enqueue_dma source(%dma_start3A_136 : memref<64x128xf32, #tpu.memory_space<vmem>>) target(%dma_start3A_133 : memref<64x128xf32, #tpu.memory_space<hbm>>) target_semaphore(%run_scoped3A : memref<!tpu.dma_semaphore, #tpu.memory_space<semaphore_mem>>)
      %dma_wait3A_137 = arith.constant 0 : i32
      %dma_wait3A_138 = arith.constant 0 : i32
      %dma_wait3A_139 = tpu.memref_slice %arg13[%dma_wait3A_137, %dma_wait3A_138] : memref<64x128xf32, #tpu.memory_space<vmem>> -> memref<64x128xf32, #tpu.memory_space<vmem>>
      %dma_wait3A_140 = arith.constant 0 : i32
      %dma_wait3A_141 = tpu.memref_slice %arg6[%arg0, %add3A_104, %dma_wait3A_140] : memref<2x10112x128xf32, #tpu.memory_space<hbm>> -> memref<1x64x128xf32, #tpu.memory_space<hbm>>
      %dma_wait3A_142 = tpu.memref_squeeze %dma_wait3A_141 : memref<1x64x128xf32, #tpu.memory_space<hbm>> -> memref<64x128xf32, #tpu.memory_space<hbm>>
      %dma_wait3A_143 = arith.constant 0 : i32
      %dma_wait3A_144 = tpu.memref_slice %arg6[%arg0, %add3A_104, %dma_wait3A_143] : memref<2x10112x128xf32, #tpu.memory_space<hbm>> -> memref<1x64x128xf32, #tpu.memory_space<hbm>>
      %dma_wait3A_145 = tpu.memref_squeeze %dma_wait3A_144 : memref<1x64x128xf32, #tpu.memory_space<hbm>> -> memref<64x128xf32, #tpu.memory_space<hbm>>
      %dma_wait3A_146 = arith.constant 0 : i32
      %dma_wait3A_147 = arith.constant 0 : i32
      %dma_wait3A_148 = tpu.memref_slice %arg13[%dma_wait3A_146, %dma_wait3A_147] : memref<64x128xf32, #tpu.memory_space<vmem>> -> memref<64x128xf32, #tpu.memory_space<vmem>>
      tpu.wait_dma2 semaphore(%run_scoped3A : memref<!tpu.dma_semaphore, #tpu.memory_space<semaphore_mem>>) src(%dma_wait3A_148 : memref<64x128xf32, #tpu.memory_space<vmem>>) dst(%dma_wait3A_145 : memref<64x128xf32, #tpu.memory_space<hbm>>)
      tpu.yield
    }) : () -> ()
    %add3A_105 = arith.constant 320 : i32
    %add3A_106 = arith.addi %mul3A_2, %add3A_105 : i32
    "tpu.region"() ({
      %run_scoped3A = tpu.sem_alloc : memref<!tpu.dma_semaphore, #tpu.memory_space<semaphore_mem>>
      %dma_start3A_125 = arith.constant 0 : i32
      %dma_start3A_126 = arith.constant 0 : i32
      %dma_start3A_127 = tpu.memref_slice %arg13[%dma_start3A_125, %dma_start3A_126] : memref<64x128xf32, #tpu.memory_space<vmem>> -> memref<64x128xf32, #tpu.memory_space<vmem>>
      %dma_start3A_128 = arith.constant 0 : i32
      %dma_start3A_129 = tpu.memref_slice %arg17[%add3A_106, %dma_start3A_128] : memref<10112x128xf32, #tpu.memory_space<vmem_shared>> -> memref<64x128xf32, #tpu.memory_space<vmem_shared>>
      %dma_start3A_130 = arith.constant 0 : i32
      %dma_start3A_131 = arith.constant 0 : i32
      %dma_start3A_132 = tpu.memref_slice %arg13[%dma_start3A_130, %dma_start3A_131] : memref<64x128xf32, #tpu.memory_space<vmem>> -> memref<64x128xf32, #tpu.memory_space<vmem>>
      %dma_start3A_133 = arith.constant 0 : i32
      %dma_start3A_134 = tpu.memref_slice %arg17[%add3A_106, %dma_start3A_133] : memref<10112x128xf32, #tpu.memory_space<vmem_shared>> -> memref<64x128xf32, #tpu.memory_space<vmem_shared>>
      tpu.enqueue_dma source(%dma_start3A_134 : memref<64x128xf32, #tpu.memory_space<vmem_shared>>) target(%dma_start3A_132 : memref<64x128xf32, #tpu.memory_space<vmem>>) target_semaphore(%run_scoped3A : memref<!tpu.dma_semaphore, #tpu.memory_space<semaphore_mem>>)
      %dma_wait3A_135 = arith.constant 0 : i32
      %dma_wait3A_136 = arith.constant 0 : i32
      %dma_wait3A_137 = tpu.memref_slice %arg13[%dma_wait3A_135, %dma_wait3A_136] : memref<64x128xf32, #tpu.memory_space<vmem>> -> memref<64x128xf32, #tpu.memory_space<vmem>>
      %dma_wait3A_138 = arith.constant 0 : i32
      %dma_wait3A_139 = tpu.memref_slice %arg17[%add3A_106, %dma_wait3A_138] : memref<10112x128xf32, #tpu.memory_space<vmem_shared>> -> memref<64x128xf32, #tpu.memory_space<vmem_shared>>
      %dma_wait3A_140 = arith.constant 0 : i32
      %dma_wait3A_141 = arith.constant 0 : i32
      %dma_wait3A_142 = tpu.memref_slice %arg13[%dma_wait3A_140, %dma_wait3A_141] : memref<64x128xf32, #tpu.memory_space<vmem>> -> memref<64x128xf32, #tpu.memory_space<vmem>>
      %dma_wait3A_143 = arith.constant 0 : i32
      %dma_wait3A_144 = tpu.memref_slice %arg17[%add3A_106, %dma_wait3A_143] : memref<10112x128xf32, #tpu.memory_space<vmem_shared>> -> memref<64x128xf32, #tpu.memory_space<vmem_shared>>
      tpu.wait_dma2 semaphore(%run_scoped3A : memref<!tpu.dma_semaphore, #tpu.memory_space<semaphore_mem>>) src(%dma_wait3A_144 : memref<64x128xf32, #tpu.memory_space<vmem_shared>>) dst(%dma_wait3A_142 : memref<64x128xf32, #tpu.memory_space<vmem>>)
      tpu.yield
    }) : () -> ()
    %add3A_107 = arith.constant 320 : i32
    %add3A_108 = arith.addi %mul3A_2, %add3A_107 : i32
    "tpu.region"() ({
      %run_scoped3A = tpu.sem_alloc : memref<!tpu.dma_semaphore, #tpu.memory_space<semaphore_mem>>
      %dma_start3A_125 = arith.constant 0 : i32
      %dma_start3A_126 = arith.constant 0 : i32
      %dma_start3A_127 = tpu.memref_slice %arg13[%dma_start3A_125, %dma_start3A_126] : memref<64x128xf32, #tpu.memory_space<vmem>> -> memref<64x128xf32, #tpu.memory_space<vmem>>
      %dma_start3A_128 = arith.constant 0 : i32
      %dma_start3A_129 = tpu.memref_slice %arg6[%arg0, %add3A_108, %dma_start3A_128] : memref<2x10112x128xf32, #tpu.memory_space<hbm>> -> memref<1x64x128xf32, #tpu.memory_space<hbm>>
      %dma_start3A_130 = tpu.memref_squeeze %dma_start3A_129 : memref<1x64x128xf32, #tpu.memory_space<hbm>> -> memref<64x128xf32, #tpu.memory_space<hbm>>
      %dma_start3A_131 = arith.constant 0 : i32
      %dma_start3A_132 = tpu.memref_slice %arg6[%arg0, %add3A_108, %dma_start3A_131] : memref<2x10112x128xf32, #tpu.memory_space<hbm>> -> memref<1x64x128xf32, #tpu.memory_space<hbm>>
      %dma_start3A_133 = tpu.memref_squeeze %dma_start3A_132 : memref<1x64x128xf32, #tpu.memory_space<hbm>> -> memref<64x128xf32, #tpu.memory_space<hbm>>
      %dma_start3A_134 = arith.constant 0 : i32
      %dma_start3A_135 = arith.constant 0 : i32
      %dma_start3A_136 = tpu.memref_slice %arg13[%dma_start3A_134, %dma_start3A_135] : memref<64x128xf32, #tpu.memory_space<vmem>> -> memref<64x128xf32, #tpu.memory_space<vmem>>
      tpu.enqueue_dma source(%dma_start3A_136 : memref<64x128xf32, #tpu.memory_space<vmem>>) target(%dma_start3A_133 : memref<64x128xf32, #tpu.memory_space<hbm>>) target_semaphore(%run_scoped3A : memref<!tpu.dma_semaphore, #tpu.memory_space<semaphore_mem>>)
      %dma_wait3A_137 = arith.constant 0 : i32
      %dma_wait3A_138 = arith.constant 0 : i32
      %dma_wait3A_139 = tpu.memref_slice %arg13[%dma_wait3A_137, %dma_wait3A_138] : memref<64x128xf32, #tpu.memory_space<vmem>> -> memref<64x128xf32, #tpu.memory_space<vmem>>
      %dma_wait3A_140 = arith.constant 0 : i32
      %dma_wait3A_141 = tpu.memref_slice %arg6[%arg0, %add3A_108, %dma_wait3A_140] : memref<2x10112x128xf32, #tpu.memory_space<hbm>> -> memref<1x64x128xf32, #tpu.memory_space<hbm>>
      %dma_wait3A_142 = tpu.memref_squeeze %dma_wait3A_141 : memref<1x64x128xf32, #tpu.memory_space<hbm>> -> memref<64x128xf32, #tpu.memory_space<hbm>>
      %dma_wait3A_143 = arith.constant 0 : i32
      %dma_wait3A_144 = tpu.memref_slice %arg6[%arg0, %add3A_108, %dma_wait3A_143] : memref<2x10112x128xf32, #tpu.memory_space<hbm>> -> memref<1x64x128xf32, #tpu.memory_space<hbm>>
      %dma_wait3A_145 = tpu.memref_squeeze %dma_wait3A_144 : memref<1x64x128xf32, #tpu.memory_space<hbm>> -> memref<64x128xf32, #tpu.memory_space<hbm>>
      %dma_wait3A_146 = arith.constant 0 : i32
      %dma_wait3A_147 = arith.constant 0 : i32
      %dma_wait3A_148 = tpu.memref_slice %arg13[%dma_wait3A_146, %dma_wait3A_147] : memref<64x128xf32, #tpu.memory_space<vmem>> -> memref<64x128xf32, #tpu.memory_space<vmem>>
      tpu.wait_dma2 semaphore(%run_scoped3A : memref<!tpu.dma_semaphore, #tpu.memory_space<semaphore_mem>>) src(%dma_wait3A_148 : memref<64x128xf32, #tpu.memory_space<vmem>>) dst(%dma_wait3A_145 : memref<64x128xf32, #tpu.memory_space<hbm>>)
      tpu.yield
    }) : () -> ()
    %add3A_109 = arith.constant 384 : i32
    %add3A_110 = arith.addi %mul3A_2, %add3A_109 : i32
    "tpu.region"() ({
      %run_scoped3A = tpu.sem_alloc : memref<!tpu.dma_semaphore, #tpu.memory_space<semaphore_mem>>
      %dma_start3A_125 = arith.constant 0 : i32
      %dma_start3A_126 = arith.constant 0 : i32
      %dma_start3A_127 = tpu.memref_slice %arg13[%dma_start3A_125, %dma_start3A_126] : memref<64x128xf32, #tpu.memory_space<vmem>> -> memref<64x128xf32, #tpu.memory_space<vmem>>
      %dma_start3A_128 = arith.constant 0 : i32
      %dma_start3A_129 = tpu.memref_slice %arg17[%add3A_110, %dma_start3A_128] : memref<10112x128xf32, #tpu.memory_space<vmem_shared>> -> memref<64x128xf32, #tpu.memory_space<vmem_shared>>
      %dma_start3A_130 = arith.constant 0 : i32
      %dma_start3A_131 = arith.constant 0 : i32
      %dma_start3A_132 = tpu.memref_slice %arg13[%dma_start3A_130, %dma_start3A_131] : memref<64x128xf32, #tpu.memory_space<vmem>> -> memref<64x128xf32, #tpu.memory_space<vmem>>
      %dma_start3A_133 = arith.constant 0 : i32
      %dma_start3A_134 = tpu.memref_slice %arg17[%add3A_110, %dma_start3A_133] : memref<10112x128xf32, #tpu.memory_space<vmem_shared>> -> memref<64x128xf32, #tpu.memory_space<vmem_shared>>
      tpu.enqueue_dma source(%dma_start3A_134 : memref<64x128xf32, #tpu.memory_space<vmem_shared>>) target(%dma_start3A_132 : memref<64x128xf32, #tpu.memory_space<vmem>>) target_semaphore(%run_scoped3A : memref<!tpu.dma_semaphore, #tpu.memory_space<semaphore_mem>>)
      %dma_wait3A_135 = arith.constant 0 : i32
      %dma_wait3A_136 = arith.constant 0 : i32
      %dma_wait3A_137 = tpu.memref_slice %arg13[%dma_wait3A_135, %dma_wait3A_136] : memref<64x128xf32, #tpu.memory_space<vmem>> -> memref<64x128xf32, #tpu.memory_space<vmem>>
      %dma_wait3A_138 = arith.constant 0 : i32
      %dma_wait3A_139 = tpu.memref_slice %arg17[%add3A_110, %dma_wait3A_138] : memref<10112x128xf32, #tpu.memory_space<vmem_shared>> -> memref<64x128xf32, #tpu.memory_space<vmem_shared>>
      %dma_wait3A_140 = arith.constant 0 : i32
      %dma_wait3A_141 = arith.constant 0 : i32
      %dma_wait3A_142 = tpu.memref_slice %arg13[%dma_wait3A_140, %dma_wait3A_141] : memref<64x128xf32, #tpu.memory_space<vmem>> -> memref<64x128xf32, #tpu.memory_space<vmem>>
      %dma_wait3A_143 = arith.constant 0 : i32
      %dma_wait3A_144 = tpu.memref_slice %arg17[%add3A_110, %dma_wait3A_143] : memref<10112x128xf32, #tpu.memory_space<vmem_shared>> -> memref<64x128xf32, #tpu.memory_space<vmem_shared>>
      tpu.wait_dma2 semaphore(%run_scoped3A : memref<!tpu.dma_semaphore, #tpu.memory_space<semaphore_mem>>) src(%dma_wait3A_144 : memref<64x128xf32, #tpu.memory_space<vmem_shared>>) dst(%dma_wait3A_142 : memref<64x128xf32, #tpu.memory_space<vmem>>)
      tpu.yield
    }) : () -> ()
    %add3A_111 = arith.constant 384 : i32
    %add3A_112 = arith.addi %mul3A_2, %add3A_111 : i32
    "tpu.region"() ({
      %run_scoped3A = tpu.sem_alloc : memref<!tpu.dma_semaphore, #tpu.memory_space<semaphore_mem>>
      %dma_start3A_125 = arith.constant 0 : i32
      %dma_start3A_126 = arith.constant 0 : i32
      %dma_start3A_127 = tpu.memref_slice %arg13[%dma_start3A_125, %dma_start3A_126] : memref<64x128xf32, #tpu.memory_space<vmem>> -> memref<64x128xf32, #tpu.memory_space<vmem>>
      %dma_start3A_128 = arith.constant 0 : i32
      %dma_start3A_129 = tpu.memref_slice %arg6[%arg0, %add3A_112, %dma_start3A_128] : memref<2x10112x128xf32, #tpu.memory_space<hbm>> -> memref<1x64x128xf32, #tpu.memory_space<hbm>>
      %dma_start3A_130 = tpu.memref_squeeze %dma_start3A_129 : memref<1x64x128xf32, #tpu.memory_space<hbm>> -> memref<64x128xf32, #tpu.memory_space<hbm>>
      %dma_start3A_131 = arith.constant 0 : i32
      %dma_start3A_132 = tpu.memref_slice %arg6[%arg0, %add3A_112, %dma_start3A_131] : memref<2x10112x128xf32, #tpu.memory_space<hbm>> -> memref<1x64x128xf32, #tpu.memory_space<hbm>>
      %dma_start3A_133 = tpu.memref_squeeze %dma_start3A_132 : memref<1x64x128xf32, #tpu.memory_space<hbm>> -> memref<64x128xf32, #tpu.memory_space<hbm>>
      %dma_start3A_134 = arith.constant 0 : i32
      %dma_start3A_135 = arith.constant 0 : i32
      %dma_start3A_136 = tpu.memref_slice %arg13[%dma_start3A_134, %dma_start3A_135] : memref<64x128xf32, #tpu.memory_space<vmem>> -> memref<64x128xf32, #tpu.memory_space<vmem>>
      tpu.enqueue_dma source(%dma_start3A_136 : memref<64x128xf32, #tpu.memory_space<vmem>>) target(%dma_start3A_133 : memref<64x128xf32, #tpu.memory_space<hbm>>) target_semaphore(%run_scoped3A : memref<!tpu.dma_semaphore, #tpu.memory_space<semaphore_mem>>)
      %dma_wait3A_137 = arith.constant 0 : i32
      %dma_wait3A_138 = arith.constant 0 : i32
      %dma_wait3A_139 = tpu.memref_slice %arg13[%dma_wait3A_137, %dma_wait3A_138] : memref<64x128xf32, #tpu.memory_space<vmem>> -> memref<64x128xf32, #tpu.memory_space<vmem>>
      %dma_wait3A_140 = arith.constant 0 : i32
      %dma_wait3A_141 = tpu.memref_slice %arg6[%arg0, %add3A_112, %dma_wait3A_140] : memref<2x10112x128xf32, #tpu.memory_space<hbm>> -> memref<1x64x128xf32, #tpu.memory_space<hbm>>
      %dma_wait3A_142 = tpu.memref_squeeze %dma_wait3A_141 : memref<1x64x128xf32, #tpu.memory_space<hbm>> -> memref<64x128xf32, #tpu.memory_space<hbm>>
      %dma_wait3A_143 = arith.constant 0 : i32
      %dma_wait3A_144 = tpu.memref_slice %arg6[%arg0, %add3A_112, %dma_wait3A_143] : memref<2x10112x128xf32, #tpu.memory_space<hbm>> -> memref<1x64x128xf32, #tpu.memory_space<hbm>>
      %dma_wait3A_145 = tpu.memref_squeeze %dma_wait3A_144 : memref<1x64x128xf32, #tpu.memory_space<hbm>> -> memref<64x128xf32, #tpu.memory_space<hbm>>
      %dma_wait3A_146 = arith.constant 0 : i32
      %dma_wait3A_147 = arith.constant 0 : i32
      %dma_wait3A_148 = tpu.memref_slice %arg13[%dma_wait3A_146, %dma_wait3A_147] : memref<64x128xf32, #tpu.memory_space<vmem>> -> memref<64x128xf32, #tpu.memory_space<vmem>>
      tpu.wait_dma2 semaphore(%run_scoped3A : memref<!tpu.dma_semaphore, #tpu.memory_space<semaphore_mem>>) src(%dma_wait3A_148 : memref<64x128xf32, #tpu.memory_space<vmem>>) dst(%dma_wait3A_145 : memref<64x128xf32, #tpu.memory_space<hbm>>)
      tpu.yield
    }) : () -> ()
    %add3A_113 = arith.constant 448 : i32
    %add3A_114 = arith.addi %mul3A_2, %add3A_113 : i32
    "tpu.region"() ({
      %run_scoped3A = tpu.sem_alloc : memref<!tpu.dma_semaphore, #tpu.memory_space<semaphore_mem>>
      %dma_start3A_125 = arith.constant 0 : i32
      %dma_start3A_126 = arith.constant 0 : i32
      %dma_start3A_127 = tpu.memref_slice %arg13[%dma_start3A_125, %dma_start3A_126] : memref<64x128xf32, #tpu.memory_space<vmem>> -> memref<64x128xf32, #tpu.memory_space<vmem>>
      %dma_start3A_128 = arith.constant 0 : i32
      %dma_start3A_129 = tpu.memref_slice %arg17[%add3A_114, %dma_start3A_128] : memref<10112x128xf32, #tpu.memory_space<vmem_shared>> -> memref<64x128xf32, #tpu.memory_space<vmem_shared>>
      %dma_start3A_130 = arith.constant 0 : i32
      %dma_start3A_131 = arith.constant 0 : i32
      %dma_start3A_132 = tpu.memref_slice %arg13[%dma_start3A_130, %dma_start3A_131] : memref<64x128xf32, #tpu.memory_space<vmem>> -> memref<64x128xf32, #tpu.memory_space<vmem>>
      %dma_start3A_133 = arith.constant 0 : i32
      %dma_start3A_134 = tpu.memref_slice %arg17[%add3A_114, %dma_start3A_133] : memref<10112x128xf32, #tpu.memory_space<vmem_shared>> -> memref<64x128xf32, #tpu.memory_space<vmem_shared>>
      tpu.enqueue_dma source(%dma_start3A_134 : memref<64x128xf32, #tpu.memory_space<vmem_shared>>) target(%dma_start3A_132 : memref<64x128xf32, #tpu.memory_space<vmem>>) target_semaphore(%run_scoped3A : memref<!tpu.dma_semaphore, #tpu.memory_space<semaphore_mem>>)
      %dma_wait3A_135 = arith.constant 0 : i32
      %dma_wait3A_136 = arith.constant 0 : i32
      %dma_wait3A_137 = tpu.memref_slice %arg13[%dma_wait3A_135, %dma_wait3A_136] : memref<64x128xf32, #tpu.memory_space<vmem>> -> memref<64x128xf32, #tpu.memory_space<vmem>>
      %dma_wait3A_138 = arith.constant 0 : i32
      %dma_wait3A_139 = tpu.memref_slice %arg17[%add3A_114, %dma_wait3A_138] : memref<10112x128xf32, #tpu.memory_space<vmem_shared>> -> memref<64x128xf32, #tpu.memory_space<vmem_shared>>
      %dma_wait3A_140 = arith.constant 0 : i32
      %dma_wait3A_141 = arith.constant 0 : i32
      %dma_wait3A_142 = tpu.memref_slice %arg13[%dma_wait3A_140, %dma_wait3A_141] : memref<64x128xf32, #tpu.memory_space<vmem>> -> memref<64x128xf32, #tpu.memory_space<vmem>>
      %dma_wait3A_143 = arith.constant 0 : i32
      %dma_wait3A_144 = tpu.memref_slice %arg17[%add3A_114, %dma_wait3A_143] : memref<10112x128xf32, #tpu.memory_space<vmem_shared>> -> memref<64x128xf32, #tpu.memory_space<vmem_shared>>
      tpu.wait_dma2 semaphore(%run_scoped3A : memref<!tpu.dma_semaphore, #tpu.memory_space<semaphore_mem>>) src(%dma_wait3A_144 : memref<64x128xf32, #tpu.memory_space<vmem_shared>>) dst(%dma_wait3A_142 : memref<64x128xf32, #tpu.memory_space<vmem>>)
      tpu.yield
    }) : () -> ()
    %add3A_115 = arith.constant 448 : i32
    %add3A_116 = arith.addi %mul3A_2, %add3A_115 : i32
    "tpu.region"() ({
      %run_scoped3A = tpu.sem_alloc : memref<!tpu.dma_semaphore, #tpu.memory_space<semaphore_mem>>
      %dma_start3A_125 = arith.constant 0 : i32
      %dma_start3A_126 = arith.constant 0 : i32
      %dma_start3A_127 = tpu.memref_slice %arg13[%dma_start3A_125, %dma_start3A_126] : memref<64x128xf32, #tpu.memory_space<vmem>> -> memref<64x128xf32, #tpu.memory_space<vmem>>
      %dma_start3A_128 = arith.constant 0 : i32
      %dma_start3A_129 = tpu.memref_slice %arg6[%arg0, %add3A_116, %dma_start3A_128] : memref<2x10112x128xf32, #tpu.memory_space<hbm>> -> memref<1x64x128xf32, #tpu.memory_space<hbm>>
      %dma_start3A_130 = tpu.memref_squeeze %dma_start3A_129 : memref<1x64x128xf32, #tpu.memory_space<hbm>> -> memref<64x128xf32, #tpu.memory_space<hbm>>
      %dma_start3A_131 = arith.constant 0 : i32
      %dma_start3A_132 = tpu.memref_slice %arg6[%arg0, %add3A_116, %dma_start3A_131] : memref<2x10112x128xf32, #tpu.memory_space<hbm>> -> memref<1x64x128xf32, #tpu.memory_space<hbm>>
      %dma_start3A_133 = tpu.memref_squeeze %dma_start3A_132 : memref<1x64x128xf32, #tpu.memory_space<hbm>> -> memref<64x128xf32, #tpu.memory_space<hbm>>
      %dma_start3A_134 = arith.constant 0 : i32
      %dma_start3A_135 = arith.constant 0 : i32
      %dma_start3A_136 = tpu.memref_slice %arg13[%dma_start3A_134, %dma_start3A_135] : memref<64x128xf32, #tpu.memory_space<vmem>> -> memref<64x128xf32, #tpu.memory_space<vmem>>
      tpu.enqueue_dma source(%dma_start3A_136 : memref<64x128xf32, #tpu.memory_space<vmem>>) target(%dma_start3A_133 : memref<64x128xf32, #tpu.memory_space<hbm>>) target_semaphore(%run_scoped3A : memref<!tpu.dma_semaphore, #tpu.memory_space<semaphore_mem>>)
      %dma_wait3A_137 = arith.constant 0 : i32
      %dma_wait3A_138 = arith.constant 0 : i32
      %dma_wait3A_139 = tpu.memref_slice %arg13[%dma_wait3A_137, %dma_wait3A_138] : memref<64x128xf32, #tpu.memory_space<vmem>> -> memref<64x128xf32, #tpu.memory_space<vmem>>
      %dma_wait3A_140 = arith.constant 0 : i32
      %dma_wait3A_141 = tpu.memref_slice %arg6[%arg0, %add3A_116, %dma_wait3A_140] : memref<2x10112x128xf32, #tpu.memory_space<hbm>> -> memref<1x64x128xf32, #tpu.memory_space<hbm>>
      %dma_wait3A_142 = tpu.memref_squeeze %dma_wait3A_141 : memref<1x64x128xf32, #tpu.memory_space<hbm>> -> memref<64x128xf32, #tpu.memory_space<hbm>>
      %dma_wait3A_143 = arith.constant 0 : i32
      %dma_wait3A_144 = tpu.memref_slice %arg6[%arg0, %add3A_116, %dma_wait3A_143] : memref<2x10112x128xf32, #tpu.memory_space<hbm>> -> memref<1x64x128xf32, #tpu.memory_space<hbm>>
      %dma_wait3A_145 = tpu.memref_squeeze %dma_wait3A_144 : memref<1x64x128xf32, #tpu.memory_space<hbm>> -> memref<64x128xf32, #tpu.memory_space<hbm>>
      %dma_wait3A_146 = arith.constant 0 : i32
      %dma_wait3A_147 = arith.constant 0 : i32
      %dma_wait3A_148 = tpu.memref_slice %arg13[%dma_wait3A_146, %dma_wait3A_147] : memref<64x128xf32, #tpu.memory_space<vmem>> -> memref<64x128xf32, #tpu.memory_space<vmem>>
      tpu.wait_dma2 semaphore(%run_scoped3A : memref<!tpu.dma_semaphore, #tpu.memory_space<semaphore_mem>>) src(%dma_wait3A_148 : memref<64x128xf32, #tpu.memory_space<vmem>>) dst(%dma_wait3A_145 : memref<64x128xf32, #tpu.memory_space<hbm>>)
      tpu.yield
    }) : () -> ()
    %add3A_117 = arith.constant 512 : i32
    %add3A_118 = arith.addi %mul3A_2, %add3A_117 : i32
    "tpu.region"() ({
      %run_scoped3A = tpu.sem_alloc : memref<!tpu.dma_semaphore, #tpu.memory_space<semaphore_mem>>
      %dma_start3A_125 = arith.constant 0 : i32
      %dma_start3A_126 = arith.constant 0 : i32
      %dma_start3A_127 = tpu.memref_slice %arg13[%dma_start3A_125, %dma_start3A_126] : memref<64x128xf32, #tpu.memory_space<vmem>> -> memref<64x128xf32, #tpu.memory_space<vmem>>
      %dma_start3A_128 = arith.constant 0 : i32
      %dma_start3A_129 = tpu.memref_slice %arg17[%add3A_118, %dma_start3A_128] : memref<10112x128xf32, #tpu.memory_space<vmem_shared>> -> memref<64x128xf32, #tpu.memory_space<vmem_shared>>
      %dma_start3A_130 = arith.constant 0 : i32
      %dma_start3A_131 = arith.constant 0 : i32
      %dma_start3A_132 = tpu.memref_slice %arg13[%dma_start3A_130, %dma_start3A_131] : memref<64x128xf32, #tpu.memory_space<vmem>> -> memref<64x128xf32, #tpu.memory_space<vmem>>
      %dma_start3A_133 = arith.constant 0 : i32
      %dma_start3A_134 = tpu.memref_slice %arg17[%add3A_118, %dma_start3A_133] : memref<10112x128xf32, #tpu.memory_space<vmem_shared>> -> memref<64x128xf32, #tpu.memory_space<vmem_shared>>
      tpu.enqueue_dma source(%dma_start3A_134 : memref<64x128xf32, #tpu.memory_space<vmem_shared>>) target(%dma_start3A_132 : memref<64x128xf32, #tpu.memory_space<vmem>>) target_semaphore(%run_scoped3A : memref<!tpu.dma_semaphore, #tpu.memory_space<semaphore_mem>>)
      %dma_wait3A_135 = arith.constant 0 : i32
      %dma_wait3A_136 = arith.constant 0 : i32
      %dma_wait3A_137 = tpu.memref_slice %arg13[%dma_wait3A_135, %dma_wait3A_136] : memref<64x128xf32, #tpu.memory_space<vmem>> -> memref<64x128xf32, #tpu.memory_space<vmem>>
      %dma_wait3A_138 = arith.constant 0 : i32
      %dma_wait3A_139 = tpu.memref_slice %arg17[%add3A_118, %dma_wait3A_138] : memref<10112x128xf32, #tpu.memory_space<vmem_shared>> -> memref<64x128xf32, #tpu.memory_space<vmem_shared>>
      %dma_wait3A_140 = arith.constant 0 : i32
      %dma_wait3A_141 = arith.constant 0 : i32
      %dma_wait3A_142 = tpu.memref_slice %arg13[%dma_wait3A_140, %dma_wait3A_141] : memref<64x128xf32, #tpu.memory_space<vmem>> -> memref<64x128xf32, #tpu.memory_space<vmem>>
      %dma_wait3A_143 = arith.constant 0 : i32
      %dma_wait3A_144 = tpu.memref_slice %arg17[%add3A_118, %dma_wait3A_143] : memref<10112x128xf32, #tpu.memory_space<vmem_shared>> -> memref<64x128xf32, #tpu.memory_space<vmem_shared>>
      tpu.wait_dma2 semaphore(%run_scoped3A : memref<!tpu.dma_semaphore, #tpu.memory_space<semaphore_mem>>) src(%dma_wait3A_144 : memref<64x128xf32, #tpu.memory_space<vmem_shared>>) dst(%dma_wait3A_142 : memref<64x128xf32, #tpu.memory_space<vmem>>)
      tpu.yield
    }) : () -> ()
    %add3A_119 = arith.constant 512 : i32
    %add3A_120 = arith.addi %mul3A_2, %add3A_119 : i32
    "tpu.region"() ({
      %run_scoped3A = tpu.sem_alloc : memref<!tpu.dma_semaphore, #tpu.memory_space<semaphore_mem>>
      %dma_start3A_125 = arith.constant 0 : i32
      %dma_start3A_126 = arith.constant 0 : i32
      %dma_start3A_127 = tpu.memref_slice %arg13[%dma_start3A_125, %dma_start3A_126] : memref<64x128xf32, #tpu.memory_space<vmem>> -> memref<64x128xf32, #tpu.memory_space<vmem>>
      %dma_start3A_128 = arith.constant 0 : i32
      %dma_start3A_129 = tpu.memref_slice %arg6[%arg0, %add3A_120, %dma_start3A_128] : memref<2x10112x128xf32, #tpu.memory_space<hbm>> -> memref<1x64x128xf32, #tpu.memory_space<hbm>>
      %dma_start3A_130 = tpu.memref_squeeze %dma_start3A_129 : memref<1x64x128xf32, #tpu.memory_space<hbm>> -> memref<64x128xf32, #tpu.memory_space<hbm>>
      %dma_start3A_131 = arith.constant 0 : i32
      %dma_start3A_132 = tpu.memref_slice %arg6[%arg0, %add3A_120, %dma_start3A_131] : memref<2x10112x128xf32, #tpu.memory_space<hbm>> -> memref<1x64x128xf32, #tpu.memory_space<hbm>>
      %dma_start3A_133 = tpu.memref_squeeze %dma_start3A_132 : memref<1x64x128xf32, #tpu.memory_space<hbm>> -> memref<64x128xf32, #tpu.memory_space<hbm>>
      %dma_start3A_134 = arith.constant 0 : i32
      %dma_start3A_135 = arith.constant 0 : i32
      %dma_start3A_136 = tpu.memref_slice %arg13[%dma_start3A_134, %dma_start3A_135] : memref<64x128xf32, #tpu.memory_space<vmem>> -> memref<64x128xf32, #tpu.memory_space<vmem>>
      tpu.enqueue_dma source(%dma_start3A_136 : memref<64x128xf32, #tpu.memory_space<vmem>>) target(%dma_start3A_133 : memref<64x128xf32, #tpu.memory_space<hbm>>) target_semaphore(%run_scoped3A : memref<!tpu.dma_semaphore, #tpu.memory_space<semaphore_mem>>)
      %dma_wait3A_137 = arith.constant 0 : i32
      %dma_wait3A_138 = arith.constant 0 : i32
      %dma_wait3A_139 = tpu.memref_slice %arg13[%dma_wait3A_137, %dma_wait3A_138] : memref<64x128xf32, #tpu.memory_space<vmem>> -> memref<64x128xf32, #tpu.memory_space<vmem>>
      %dma_wait3A_140 = arith.constant 0 : i32
      %dma_wait3A_141 = tpu.memref_slice %arg6[%arg0, %add3A_120, %dma_wait3A_140] : memref<2x10112x128xf32, #tpu.memory_space<hbm>> -> memref<1x64x128xf32, #tpu.memory_space<hbm>>
      %dma_wait3A_142 = tpu.memref_squeeze %dma_wait3A_141 : memref<1x64x128xf32, #tpu.memory_space<hbm>> -> memref<64x128xf32, #tpu.memory_space<hbm>>
      %dma_wait3A_143 = arith.constant 0 : i32
      %dma_wait3A_144 = tpu.memref_slice %arg6[%arg0, %add3A_120, %dma_wait3A_143] : memref<2x10112x128xf32, #tpu.memory_space<hbm>> -> memref<1x64x128xf32, #tpu.memory_space<hbm>>
      %dma_wait3A_145 = tpu.memref_squeeze %dma_wait3A_144 : memref<1x64x128xf32, #tpu.memory_space<hbm>> -> memref<64x128xf32, #tpu.memory_space<hbm>>
      %dma_wait3A_146 = arith.constant 0 : i32
      %dma_wait3A_147 = arith.constant 0 : i32
      %dma_wait3A_148 = tpu.memref_slice %arg13[%dma_wait3A_146, %dma_wait3A_147] : memref<64x128xf32, #tpu.memory_space<vmem>> -> memref<64x128xf32, #tpu.memory_space<vmem>>
      tpu.wait_dma2 semaphore(%run_scoped3A : memref<!tpu.dma_semaphore, #tpu.memory_space<semaphore_mem>>) src(%dma_wait3A_148 : memref<64x128xf32, #tpu.memory_space<vmem>>) dst(%dma_wait3A_145 : memref<64x128xf32, #tpu.memory_space<hbm>>)
      tpu.yield
    }) : () -> ()
    %add3A_121 = arith.constant 576 : i32
    %add3A_122 = arith.addi %mul3A_2, %add3A_121 : i32
    "tpu.region"() ({
      %run_scoped3A = tpu.sem_alloc : memref<!tpu.dma_semaphore, #tpu.memory_space<semaphore_mem>>
      %dma_start3A_125 = arith.constant 0 : i32
      %dma_start3A_126 = arith.constant 0 : i32
      %dma_start3A_127 = tpu.memref_slice %arg13[%dma_start3A_125, %dma_start3A_126] : memref<64x128xf32, #tpu.memory_space<vmem>> -> memref<56x128xf32, #tpu.memory_space<vmem>>
      %dma_start3A_128 = arith.constant 0 : i32
      %dma_start3A_129 = tpu.memref_slice %arg17[%add3A_122, %dma_start3A_128] : memref<10112x128xf32, #tpu.memory_space<vmem_shared>> -> memref<56x128xf32, #tpu.memory_space<vmem_shared>>
      %dma_start3A_130 = arith.constant 0 : i32
      %dma_start3A_131 = arith.constant 0 : i32
      %dma_start3A_132 = tpu.memref_slice %arg13[%dma_start3A_130, %dma_start3A_131] : memref<64x128xf32, #tpu.memory_space<vmem>> -> memref<56x128xf32, #tpu.memory_space<vmem>>
      %dma_start3A_133 = arith.constant 0 : i32
      %dma_start3A_134 = tpu.memref_slice %arg17[%add3A_122, %dma_start3A_133] : memref<10112x128xf32, #tpu.memory_space<vmem_shared>> -> memref<56x128xf32, #tpu.memory_space<vmem_shared>>
      tpu.enqueue_dma source(%dma_start3A_134 : memref<56x128xf32, #tpu.memory_space<vmem_shared>>) target(%dma_start3A_132 : memref<56x128xf32, #tpu.memory_space<vmem>>) target_semaphore(%run_scoped3A : memref<!tpu.dma_semaphore, #tpu.memory_space<semaphore_mem>>)
      %dma_wait3A_135 = arith.constant 0 : i32
      %dma_wait3A_136 = arith.constant 0 : i32
      %dma_wait3A_137 = tpu.memref_slice %arg13[%dma_wait3A_135, %dma_wait3A_136] : memref<64x128xf32, #tpu.memory_space<vmem>> -> memref<56x128xf32, #tpu.memory_space<vmem>>
      %dma_wait3A_138 = arith.constant 0 : i32
      %dma_wait3A_139 = tpu.memref_slice %arg17[%add3A_122, %dma_wait3A_138] : memref<10112x128xf32, #tpu.memory_space<vmem_shared>> -> memref<56x128xf32, #tpu.memory_space<vmem_shared>>
      %dma_wait3A_140 = arith.constant 0 : i32
      %dma_wait3A_141 = arith.constant 0 : i32
      %dma_wait3A_142 = tpu.memref_slice %arg13[%dma_wait3A_140, %dma_wait3A_141] : memref<64x128xf32, #tpu.memory_space<vmem>> -> memref<56x128xf32, #tpu.memory_space<vmem>>
      %dma_wait3A_143 = arith.constant 0 : i32
      %dma_wait3A_144 = tpu.memref_slice %arg17[%add3A_122, %dma_wait3A_143] : memref<10112x128xf32, #tpu.memory_space<vmem_shared>> -> memref<56x128xf32, #tpu.memory_space<vmem_shared>>
      tpu.wait_dma2 semaphore(%run_scoped3A : memref<!tpu.dma_semaphore, #tpu.memory_space<semaphore_mem>>) src(%dma_wait3A_144 : memref<56x128xf32, #tpu.memory_space<vmem_shared>>) dst(%dma_wait3A_142 : memref<56x128xf32, #tpu.memory_space<vmem>>)
      tpu.yield
    }) : () -> ()
    %add3A_123 = arith.constant 576 : i32
    %add3A_124 = arith.addi %mul3A_2, %add3A_123 : i32
    "tpu.region"() ({
      %run_scoped3A = tpu.sem_alloc : memref<!tpu.dma_semaphore, #tpu.memory_space<semaphore_mem>>
      %dma_start3A_125 = arith.constant 0 : i32
      %dma_start3A_126 = arith.constant 0 : i32
      %dma_start3A_127 = tpu.memref_slice %arg13[%dma_start3A_125, %dma_start3A_126] : memref<64x128xf32, #tpu.memory_space<vmem>> -> memref<56x128xf32, #tpu.memory_space<vmem>>
      %dma_start3A_128 = arith.constant 0 : i32
      %dma_start3A_129 = tpu.memref_slice %arg6[%arg0, %add3A_124, %dma_start3A_128] : memref<2x10112x128xf32, #tpu.memory_space<hbm>> -> memref<1x56x128xf32, #tpu.memory_space<hbm>>
      %dma_start3A_130 = tpu.memref_squeeze %dma_start3A_129 : memref<1x56x128xf32, #tpu.memory_space<hbm>> -> memref<56x128xf32, #tpu.memory_space<hbm>>
      %dma_start3A_131 = arith.constant 0 : i32
      %dma_start3A_132 = tpu.memref_slice %arg6[%arg0, %add3A_124, %dma_start3A_131] : memref<2x10112x128xf32, #tpu.memory_space<hbm>> -> memref<1x56x128xf32, #tpu.memory_space<hbm>>
      %dma_start3A_133 = tpu.memref_squeeze %dma_start3A_132 : memref<1x56x128xf32, #tpu.memory_space<hbm>> -> memref<56x128xf32, #tpu.memory_space<hbm>>
      %dma_start3A_134 = arith.constant 0 : i32
      %dma_start3A_135 = arith.constant 0 : i32
      %dma_start3A_136 = tpu.memref_slice %arg13[%dma_start3A_134, %dma_start3A_135] : memref<64x128xf32, #tpu.memory_space<vmem>> -> memref<56x128xf32, #tpu.memory_space<vmem>>
      tpu.enqueue_dma source(%dma_start3A_136 : memref<56x128xf32, #tpu.memory_space<vmem>>) target(%dma_start3A_133 : memref<56x128xf32, #tpu.memory_space<hbm>>) target_semaphore(%run_scoped3A : memref<!tpu.dma_semaphore, #tpu.memory_space<semaphore_mem>>)
      %dma_wait3A_137 = arith.constant 0 : i32
      %dma_wait3A_138 = arith.constant 0 : i32
      %dma_wait3A_139 = tpu.memref_slice %arg13[%dma_wait3A_137, %dma_wait3A_138] : memref<64x128xf32, #tpu.memory_space<vmem>> -> memref<56x128xf32, #tpu.memory_space<vmem>>
      %dma_wait3A_140 = arith.constant 0 : i32
      %dma_wait3A_141 = tpu.memref_slice %arg6[%arg0, %add3A_124, %dma_wait3A_140] : memref<2x10112x128xf32, #tpu.memory_space<hbm>> -> memref<1x56x128xf32, #tpu.memory_space<hbm>>
      %dma_wait3A_142 = tpu.memref_squeeze %dma_wait3A_141 : memref<1x56x128xf32, #tpu.memory_space<hbm>> -> memref<56x128xf32, #tpu.memory_space<hbm>>
      %dma_wait3A_143 = arith.constant 0 : i32
      %dma_wait3A_144 = tpu.memref_slice %arg6[%arg0, %add3A_124, %dma_wait3A_143] : memref<2x10112x128xf32, #tpu.memory_space<hbm>> -> memref<1x56x128xf32, #tpu.memory_space<hbm>>
      %dma_wait3A_145 = tpu.memref_squeeze %dma_wait3A_144 : memref<1x56x128xf32, #tpu.memory_space<hbm>> -> memref<56x128xf32, #tpu.memory_space<hbm>>
      %dma_wait3A_146 = arith.constant 0 : i32
      %dma_wait3A_147 = arith.constant 0 : i32
      %dma_wait3A_148 = tpu.memref_slice %arg13[%dma_wait3A_146, %dma_wait3A_147] : memref<64x128xf32, #tpu.memory_space<vmem>> -> memref<56x128xf32, #tpu.memory_space<vmem>>
      tpu.wait_dma2 semaphore(%run_scoped3A : memref<!tpu.dma_semaphore, #tpu.memory_space<semaphore_mem>>) src(%dma_wait3A_148 : memref<56x128xf32, #tpu.memory_space<vmem>>) dst(%dma_wait3A_145 : memref<56x128xf32, #tpu.memory_space<hbm>>)
      tpu.yield
    }) : () -> ()
    return
  }
}

module attributes {stable_mosaic.version = 14 : i64} {
  func.func @_prep_body(%arg0: memref<10000x128xf32, #tpu.memory_space<vmem>>, %arg1: memref<128xf32, #tpu.memory_space<vmem>>, %arg2: memref<128xf32, #tpu.memory_space<vmem>>, %arg3: memref<128x128xf32, #tpu.memory_space<vmem>>, %arg4: memref<10000x1xf32, #tpu.memory_space<vmem>>, %arg5: memref<10000x128xf32, #tpu.memory_space<vmem>>) attributes {dimension_semantics = [], scalar_prefetch = 0 : i64, scratch_operands = 0 : i64, tpu.core_type = #tpu.core_type<tc>} {
    %get3A = arith.constant 0 : index
    %get3A_0 = arith.constant 0 : index
    %get3A_1 = vector.load %arg0[%get3A, %get3A_0] : memref<10000x128xf32, #tpu.memory_space<vmem>>, vector<10000x128xf32>
    %get3A_2 = arith.constant 0 : index
    %get3A_3 = vector.load %arg1[%get3A_2] : memref<128xf32, #tpu.memory_space<vmem>>, vector<128xf32>
    %get3A_4 = arith.constant 0 : index
    %get3A_5 = vector.load %arg2[%get3A_4] : memref<128xf32, #tpu.memory_space<vmem>>, vector<128xf32>
    %reduce_sum3A = arith.constant dense<0.000000e+00> : vector<128xf32>
    %reduce_sum3A_6 = vector.multi_reduction <add>, %get3A_1, %reduce_sum3A [0] : vector<10000x128xf32> to vector<128xf32>
    %div3A = arith.constant 1.000000e+04 : f32
    %div3A_7 = vector.broadcast %div3A : f32 to vector<128xf32>
    %div3A_8 = arith.divf %reduce_sum3A_6, %div3A_7 : vector<128xf32>
    %jit3A = arith.constant 0 : i32
    %reduce_sum3A_9 = arith.constant dense<0.000000e+00> : vector<128xf32>
    %reduce_sum3A_10 = vector.multi_reduction <add>, %get3A_1, %reduce_sum3A_9 [0] : vector<10000x128xf32> to vector<128xf32>
    %broadcast_in_dim3A = vector.shape_cast %reduce_sum3A_10 : vector<128xf32> to vector<1x128xf32>
    %div3A_11 = arith.constant 1.000000e+04 : f32
    %div3A_12 = vector.broadcast %div3A_11 : f32 to vector<1x128xf32>
    %div3A_13 = arith.divf %broadcast_in_dim3A, %div3A_12 : vector<1x128xf32>
    %sub3A = vector.broadcast %div3A_13 : vector<1x128xf32> to vector<10000x128xf32>
    %sub3A_14 = arith.subf %get3A_1, %sub3A : vector<10000x128xf32>
    %square3A = arith.mulf %sub3A_14, %sub3A_14 : vector<10000x128xf32>
    %convert_element_type3A = arith.sitofp %jit3A : i32 to f32
    %sub3A_15 = arith.constant 1.000000e+04 : f32
    %sub3A_16 = arith.subf %sub3A_15, %convert_element_type3A : f32
    %reduce_sum3A_17 = arith.constant dense<0.000000e+00> : vector<128xf32>
    %reduce_sum3A_18 = vector.multi_reduction <add>, %square3A, %reduce_sum3A_17 [0] : vector<10000x128xf32> to vector<128xf32>
    %div3A_19 = vector.broadcast %sub3A_16 : f32 to vector<128xf32>
    %div3A_20 = arith.divf %reduce_sum3A_18, %div3A_19 : vector<128xf32>
    %gt3A = arith.constant 0.000000e+00 : f32
    %gt3A_21 = arith.cmpf ogt, %sub3A_16, %gt3A : f32
    %jit3A_22 = arith.constant 0x7FC00000 : f32
    %broadcast_in_dim3A_23 = vector.broadcast %jit3A_22 : f32 to vector<128xf32>
    %select_n3A = arith.select %gt3A_21, %div3A_20, %broadcast_in_dim3A_23 : vector<128xf32>
    %broadcast_in_dim3A_24 = vector.shape_cast %div3A_8 : vector<128xf32> to vector<1x128xf32>
    %sub3A_25 = vector.broadcast %broadcast_in_dim3A_24 : vector<1x128xf32> to vector<10000x128xf32>
    %sub3A_26 = arith.subf %get3A_1, %sub3A_25 : vector<10000x128xf32>
    %add3A = arith.constant 9.99999974E-6 : f32
    %add3A_27 = vector.broadcast %add3A : f32 to vector<128xf32>
    %add3A_28 = arith.addf %select_n3A, %add3A_27 : vector<128xf32>
    %sqrt3A = math.sqrt %add3A_28 : vector<128xf32>
    %broadcast_in_dim3A_29 = vector.shape_cast %sqrt3A : vector<128xf32> to vector<1x128xf32>
    %div3A_30 = vector.broadcast %broadcast_in_dim3A_29 : vector<1x128xf32> to vector<10000x128xf32>
    %div3A_31 = arith.divf %sub3A_26, %div3A_30 : vector<10000x128xf32>
    %broadcast_in_dim3A_32 = vector.shape_cast %get3A_3 : vector<128xf32> to vector<1x128xf32>
    %mul3A = vector.broadcast %broadcast_in_dim3A_32 : vector<1x128xf32> to vector<10000x128xf32>
    %mul3A_33 = arith.mulf %div3A_31, %mul3A : vector<10000x128xf32>
    %broadcast_in_dim3A_34 = vector.shape_cast %get3A_5 : vector<128xf32> to vector<1x128xf32>
    %add3A_35 = vector.broadcast %broadcast_in_dim3A_34 : vector<1x128xf32> to vector<10000x128xf32>
    %add3A_36 = arith.addf %mul3A_33, %add3A_35 : vector<10000x128xf32>
    %get3A_37 = arith.constant 0 : index
    %get3A_38 = arith.constant 0 : index
    %get3A_39 = vector.load %arg4[%get3A_37, %get3A_38] : memref<10000x1xf32, #tpu.memory_space<vmem>>, vector<10000x1xf32>
    %get3A_40 = arith.constant 0 : index
    %get3A_41 = arith.constant 0 : index
    %get3A_42 = vector.load %arg3[%get3A_40, %get3A_41] : memref<128x128xf32, #tpu.memory_space<vmem>>, vector<128x128xf32>
    %dot_general3A = arith.constant dense<0.000000e+00> : vector<10000x128xf32>
    %dot_general3A_43 = tpu.matmul %add3A_36, %get3A_42, %dot_general3A {dimension_numbers = #tpu.dot_dimension_numbers<[1], [0], [0], [1], [0, 0, 1, 1], [], []>, transpose_lhs_hint = false} : vector<10000x128xf32>, vector<128x128xf32>, vector<10000x128xf32> -> vector<10000x128xf32>
    %mul3A_44 = vector.broadcast %get3A_39 : vector<10000x1xf32> to vector<10000x128xf32>
    %mul3A_45 = arith.mulf %mul3A_44, %dot_general3A_43 : vector<10000x128xf32>
    %swap3A = arith.constant 0 : index
    %swap3A_46 = arith.constant 0 : index
    %swap3A_47 = vector.load %arg5[%swap3A, %swap3A_46] : memref<10000x128xf32, #tpu.memory_space<vmem>>, vector<10000x128xf32>
    tpu.vector_store %arg5[%swap3A, %swap3A_46], %mul3A_45 {strides = array<i32>} : memref<10000x128xf32, #tpu.memory_space<vmem>>, vector<10000x128xf32>,
    return
  }
}

module attributes {stable_mosaic.version = 14 : i64} {
  func.func @_pre_body(%arg0: memref<10000x128xf32, #tpu.memory_space<vmem>>, %arg1: memref<128xf32, #tpu.memory_space<vmem>>, %arg2: memref<128xf32, #tpu.memory_space<vmem>>, %arg3: memref<128x128xf32, #tpu.memory_space<vmem>>, %arg4: memref<128xf32, #tpu.memory_space<vmem>>, %arg5: memref<2x10112x128xf32, #tpu.memory_space<vmem>>, %arg6: memref<10000x128xf32, #tpu.memory_space<vmem>>, %arg7: memref<10000x1xf32, #tpu.memory_space<vmem>>) attributes {dimension_semantics = [], scalar_prefetch = 0 : i64, scratch_operands = 0 : i64, tpu.core_type = #tpu.core_type<tc>} {
    %get3A = arith.constant 0 : index
    %get3A_0 = arith.constant 0 : index
    %get3A_1 = vector.load %arg0[%get3A, %get3A_0] : memref<10000x128xf32, #tpu.memory_space<vmem>>, vector<10000x128xf32>
    %get3A_2 = arith.constant 0 : index
    %get3A_3 = vector.load %arg1[%get3A_2] : memref<128xf32, #tpu.memory_space<vmem>>, vector<128xf32>
    %get3A_4 = arith.constant 0 : index
    %get3A_5 = vector.load %arg2[%get3A_4] : memref<128xf32, #tpu.memory_space<vmem>>, vector<128xf32>
    %reduce_sum3A = arith.constant dense<0.000000e+00> : vector<128xf32>
    %reduce_sum3A_6 = vector.multi_reduction <add>, %get3A_1, %reduce_sum3A [0] : vector<10000x128xf32> to vector<128xf32>
    %div3A = arith.constant 1.000000e+04 : f32
    %div3A_7 = vector.broadcast %div3A : f32 to vector<128xf32>
    %div3A_8 = arith.divf %reduce_sum3A_6, %div3A_7 : vector<128xf32>
    %jit3A = arith.constant 0 : i32
    %reduce_sum3A_9 = arith.constant dense<0.000000e+00> : vector<128xf32>
    %reduce_sum3A_10 = vector.multi_reduction <add>, %get3A_1, %reduce_sum3A_9 [0] : vector<10000x128xf32> to vector<128xf32>
    %broadcast_in_dim3A = vector.shape_cast %reduce_sum3A_10 : vector<128xf32> to vector<1x128xf32>
    %div3A_11 = arith.constant 1.000000e+04 : f32
    %div3A_12 = vector.broadcast %div3A_11 : f32 to vector<1x128xf32>
    %div3A_13 = arith.divf %broadcast_in_dim3A, %div3A_12 : vector<1x128xf32>
    %sub3A = vector.broadcast %div3A_13 : vector<1x128xf32> to vector<10000x128xf32>
    %sub3A_14 = arith.subf %get3A_1, %sub3A : vector<10000x128xf32>
    %square3A = arith.mulf %sub3A_14, %sub3A_14 : vector<10000x128xf32>
    %convert_element_type3A = arith.sitofp %jit3A : i32 to f32
    %sub3A_15 = arith.constant 1.000000e+04 : f32
    %sub3A_16 = arith.subf %sub3A_15, %convert_element_type3A : f32
    %reduce_sum3A_17 = arith.constant dense<0.000000e+00> : vector<128xf32>
    %reduce_sum3A_18 = vector.multi_reduction <add>, %square3A, %reduce_sum3A_17 [0] : vector<10000x128xf32> to vector<128xf32>
    %div3A_19 = vector.broadcast %sub3A_16 : f32 to vector<128xf32>
    %div3A_20 = arith.divf %reduce_sum3A_18, %div3A_19 : vector<128xf32>
    %gt3A = arith.constant 0.000000e+00 : f32
    %gt3A_21 = arith.cmpf ogt, %sub3A_16, %gt3A : f32
    %jit3A_22 = arith.constant 0x7FC00000 : f32
    %broadcast_in_dim3A_23 = vector.broadcast %jit3A_22 : f32 to vector<128xf32>
    %select_n3A = arith.select %gt3A_21, %div3A_20, %broadcast_in_dim3A_23 : vector<128xf32>
    %broadcast_in_dim3A_24 = vector.shape_cast %div3A_8 : vector<128xf32> to vector<1x128xf32>
    %sub3A_25 = vector.broadcast %broadcast_in_dim3A_24 : vector<1x128xf32> to vector<10000x128xf32>
    %sub3A_26 = arith.subf %get3A_1, %sub3A_25 : vector<10000x128xf32>
    %add3A = arith.constant 9.99999974E-6 : f32
    %add3A_27 = vector.broadcast %add3A : f32 to vector<128xf32>
    %add3A_28 = arith.addf %select_n3A, %add3A_27 : vector<128xf32>
    %sqrt3A = math.sqrt %add3A_28 : vector<128xf32>
    %broadcast_in_dim3A_29 = vector.shape_cast %sqrt3A : vector<128xf32> to vector<1x128xf32>
    %div3A_30 = vector.broadcast %broadcast_in_dim3A_29 : vector<1x128xf32> to vector<10000x128xf32>
    %div3A_31 = arith.divf %sub3A_26, %div3A_30 : vector<10000x128xf32>
    %broadcast_in_dim3A_32 = vector.shape_cast %get3A_3 : vector<128xf32> to vector<1x128xf32>
    %mul3A = vector.broadcast %broadcast_in_dim3A_32 : vector<1x128xf32> to vector<10000x128xf32>
    %mul3A_33 = arith.mulf %div3A_31, %mul3A : vector<10000x128xf32>
    %broadcast_in_dim3A_34 = vector.shape_cast %get3A_5 : vector<128xf32> to vector<1x128xf32>
    %add3A_35 = vector.broadcast %broadcast_in_dim3A_34 : vector<1x128xf32> to vector<10000x128xf32>
    %add3A_36 = arith.addf %mul3A_33, %add3A_35 : vector<10000x128xf32>
    %get3A_37 = arith.constant 0 : index
    %get3A_38 = arith.constant 0 : index
    %get3A_39 = vector.load %arg3[%get3A_37, %get3A_38] : memref<128x128xf32, #tpu.memory_space<vmem>>, vector<128x128xf32>
    %dot_general3A = arith.constant dense<0.000000e+00> : vector<10000x128xf32>
    %dot_general3A_40 = tpu.matmul %add3A_36, %get3A_39, %dot_general3A {dimension_numbers = #tpu.dot_dimension_numbers<[1], [0], [0], [1], [0, 0, 1, 1], [], []>, transpose_lhs_hint = false} : vector<10000x128xf32>, vector<128x128xf32>, vector<10000x128xf32> -> vector<10000x128xf32>
    %get3A_41 = arith.constant 0 : index
    %get3A_42 = vector.load %arg4[%get3A_41] : memref<128xf32, #tpu.memory_space<vmem>>, vector<128xf32>
    %broadcast_in_dim3A_43 = vector.shape_cast %get3A_42 : vector<128xf32> to vector<1x128xf32>
    %add3A_44 = vector.broadcast %broadcast_in_dim3A_43 : vector<1x128xf32> to vector<10000x128xf32>
    %add3A_45 = arith.addf %dot_general3A_40, %add3A_44 : vector<10000x128xf32>
    %max3A = arith.constant 0.000000e+00 : f32
    %max3A_46 = vector.broadcast %max3A : f32 to vector<10000x128xf32>
    %max3A_47 = arith.maximumf %add3A_45, %max3A_46 : vector<10000x128xf32>
    %swap3A = arith.constant 0 : index
    %swap3A_48 = arith.constant 0 : index
    %swap3A_49 = vector.load %arg6[%swap3A, %swap3A_48] : memref<10000x128xf32, #tpu.memory_space<vmem>>, vector<10000x128xf32>
    tpu.vector_store %arg6[%swap3A, %swap3A_48], %max3A_47 {strides = array<i32>} : memref<10000x128xf32, #tpu.memory_space<vmem>>, vector<10000x128xf32>,
    %get3A_50 = arith.constant 0 : index
    %get3A_51 = arith.constant 0 : index
    %get3A_52 = arith.constant 0 : index
    %get3A_53 = vector.load %arg5[%get3A_50, %get3A_51, %get3A_52] : memref<2x10112x128xf32, #tpu.memory_space<vmem>>, vector<1x10000x1xf32>
    %get3A_54 = vector.shape_cast %get3A_53 : vector<1x10000x1xf32> to vector<10000xf32>
    %get3A_55 = arith.constant 1 : index
    %get3A_56 = arith.constant 0 : index
    %get3A_57 = arith.constant 0 : index
    %get3A_58 = vector.load %arg5[%get3A_55, %get3A_56, %get3A_57] : memref<2x10112x128xf32, #tpu.memory_space<vmem>>, vector<1x10000x1xf32>
    %get3A_59 = vector.shape_cast %get3A_58 : vector<1x10000x1xf32> to vector<10000xf32>
    %add3A_60 = arith.addf %get3A_54, %get3A_59 : vector<10000xf32>
    %add3A_61 = arith.constant 1.000000e+00 : f32
    %add3A_62 = vector.broadcast %add3A_61 : f32 to vector<10000xf32>
    %add3A_63 = arith.addf %add3A_60, %add3A_62 : vector<10000xf32>
    %rsqrt3A = math.rsqrt %add3A_63 : vector<10000xf32>
    %broadcast_in_dim3A_64 = vector.shape_cast %rsqrt3A : vector<10000xf32> to vector<10000x1xf32>
    %swap3A_65 = arith.constant 0 : index
    %swap3A_66 = arith.constant 0 : index
    %swap3A_67 = vector.load %arg7[%swap3A_65, %swap3A_66] : memref<10000x1xf32, #tpu.memory_space<vmem>>, vector<10000x1xf32>
    tpu.vector_store %arg7[%swap3A_65, %swap3A_66], %broadcast_in_dim3A_64 {strides = array<i32>} : memref<10000x1xf32, #tpu.memory_space<vmem>>, vector<10000x1xf32>,
    return
  }
}

module attributes {stable_mosaic.version = 14 : i64} {
  func.func @_combine_body(%arg0: memref<10000x128xf32, #tpu.memory_space<vmem>>, %arg1: memref<10000x128xf32, #tpu.memory_space<vmem>>, %arg2: memref<2x10112x128xf32, #tpu.memory_space<vmem>>, %arg3: memref<10000x1xf32, #tpu.memory_space<vmem>>, %arg4: memref<128xf32, #tpu.memory_space<vmem>>, %arg5: memref<10000x128xf32, #tpu.memory_space<vmem>>) attributes {dimension_semantics = [], scalar_prefetch = 0 : i64, scratch_operands = 0 : i64, tpu.core_type = #tpu.core_type<tc>} {
    %get3A = arith.constant 0 : index
    %get3A_0 = arith.constant 0 : index
    %get3A_1 = arith.constant 0 : index
    %get3A_2 = vector.load %arg2[%get3A, %get3A_0, %get3A_1] : memref<2x10112x128xf32, #tpu.memory_space<vmem>>, vector<1x10000x128xf32>
    %get3A_3 = vector.shape_cast %get3A_2 : vector<1x10000x128xf32> to vector<10000x128xf32>
    %get3A_4 = arith.constant 1 : index
    %get3A_5 = arith.constant 0 : index
    %get3A_6 = arith.constant 0 : index
    %get3A_7 = vector.load %arg2[%get3A_4, %get3A_5, %get3A_6] : memref<2x10112x128xf32, #tpu.memory_space<vmem>>, vector<1x10000x128xf32>
    %get3A_8 = vector.shape_cast %get3A_7 : vector<1x10000x128xf32> to vector<10000x128xf32>
    %add3A = arith.addf %get3A_3, %get3A_8 : vector<10000x128xf32>
    %get3A_9 = arith.constant 0 : index
    %get3A_10 = arith.constant 0 : index
    %get3A_11 = vector.load %arg1[%get3A_9, %get3A_10] : memref<10000x128xf32, #tpu.memory_space<vmem>>, vector<10000x128xf32>
    %add3A_12 = arith.addf %add3A, %get3A_11 : vector<10000x128xf32>
    %get3A_13 = arith.constant 0 : index
    %get3A_14 = arith.constant 0 : index
    %get3A_15 = vector.load %arg0[%get3A_13, %get3A_14] : memref<10000x128xf32, #tpu.memory_space<vmem>>, vector<10000x128xf32>
    %get3A_16 = arith.constant 0 : index
    %get3A_17 = arith.constant 0 : index
    %get3A_18 = vector.load %arg3[%get3A_16, %get3A_17] : memref<10000x1xf32, #tpu.memory_space<vmem>>, vector<10000x1xf32>
    %mul3A = vector.broadcast %get3A_18 : vector<10000x1xf32> to vector<10000x128xf32>
    %mul3A_19 = arith.mulf %mul3A, %add3A_12 : vector<10000x128xf32>
    %get3A_20 = arith.constant 0 : index
    %get3A_21 = vector.load %arg4[%get3A_20] : memref<128xf32, #tpu.memory_space<vmem>>, vector<128xf32>
    %broadcast_in_dim3A = vector.shape_cast %get3A_21 : vector<128xf32> to vector<1x128xf32>
    %add3A_22 = vector.broadcast %broadcast_in_dim3A : vector<1x128xf32> to vector<10000x128xf32>
    %add3A_23 = arith.addf %mul3A_19, %add3A_22 : vector<10000x128xf32>
    %max3A = arith.constant 0.000000e+00 : f32
    %max3A_24 = vector.broadcast %max3A : f32 to vector<10000x128xf32>
    %max3A_25 = arith.maximumf %add3A_23, %max3A_24 : vector<10000x128xf32>
    %add3A_26 = arith.addf %get3A_15, %max3A_25 : vector<10000x128xf32>
    %swap3A = arith.constant 0 : index
    %swap3A_27 = arith.constant 0 : index
    %swap3A_28 = vector.load %arg5[%swap3A, %swap3A_27] : memref<10000x128xf32, #tpu.memory_space<vmem>>, vector<10000x128xf32>
    tpu.vector_store %arg5[%swap3A, %swap3A_27], %add3A_26 {strides = array<i32>} : memref<10000x128xf32, #tpu.memory_space<vmem>>, vector<10000x128xf32>,
    return
  }
}

module attributes {stable_mosaic.version = 14 : i64} {
  func.func @_post_body(%arg0: memref<10000x128xf32, #tpu.memory_space<vmem>>, %arg1: memref<10000xi32, #tpu.memory_space<vmem>>, %arg2: memref<2x128xf32, #tpu.memory_space<vmem>>, %arg3: memref<2x128xf32, #tpu.memory_space<vmem>>, %arg4: memref<2x128x128xf32, #tpu.memory_space<vmem>>, %arg5: memref<2x128xf32, #tpu.memory_space<vmem>>, %arg6: memref<128xf32, #tpu.memory_space<vmem>>, %arg7: memref<128xf32, #tpu.memory_space<vmem>>, %arg8: memref<128x128xf32, #tpu.memory_space<vmem>>) attributes {dimension_semantics = [], scalar_prefetch = 0 : i64, scratch_operands = 0 : i64, tpu.core_type = #tpu.core_type<tc>} {
    %get3A = arith.constant 0 : index
    %get3A_0 = vector.load %arg1[%get3A] : memref<10000xi32, #tpu.memory_space<vmem>>, vector<10000xi32>
    %iota3A = tpu.iota {dimensions = array<i32: 1>} : vector<10000x128xi32>
    %broadcast_in_dim3A = vector.shape_cast %get3A_0 : vector<10000xi32> to vector<10000x1xi32>
    %eq3A = vector.broadcast %broadcast_in_dim3A : vector<10000x1xi32> to vector<10000x128xi32>
    %eq3A_1 = arith.cmpi eq, %eq3A, %iota3A : vector<10000x128xi32>
    %convert_element_type3A = arith.extui %eq3A_1 : vector<10000x128xi1> to vector<10000x128xi32>
    %convert_element_type3A_2 = arith.sitofp %convert_element_type3A : vector<10000x128xi32> to vector<10000x128xf32>
    %get3A_3 = arith.constant 0 : index
    %get3A_4 = arith.constant 0 : index
    %get3A_5 = vector.load %arg0[%get3A_3, %get3A_4] : memref<10000x128xf32, #tpu.memory_space<vmem>>, vector<10000x128xf32>
    %dot_general3A = arith.constant dense<0.000000e+00> : vector<128x128xf32>
    %dot_general3A_6 = tpu.matmul %convert_element_type3A_2, %get3A_5, %dot_general3A {dimension_numbers = #tpu.dot_dimension_numbers<[0], [0], [1], [1], [0, 1, 1, 1], [], []>, transpose_lhs_hint = false} : vector<10000x128xf32>, vector<10000x128xf32>, vector<128x128xf32> -> vector<128x128xf32>
    %get3A_7 = arith.constant 0 : index
    %get3A_8 = arith.constant 0 : index
    %get3A_9 = vector.load %arg2[%get3A_7, %get3A_8] : memref<2x128xf32, #tpu.memory_space<vmem>>, vector<1x128xf32>
    %get3A_10 = vector.shape_cast %get3A_9 : vector<1x128xf32> to vector<128xf32>
    %get3A_11 = arith.constant 0 : index
    %get3A_12 = arith.constant 0 : index
    %get3A_13 = vector.load %arg3[%get3A_11, %get3A_12] : memref<2x128xf32, #tpu.memory_space<vmem>>, vector<1x128xf32>
    %get3A_14 = vector.shape_cast %get3A_13 : vector<1x128xf32> to vector<128xf32>
    %reduce_sum3A = arith.constant dense<0.000000e+00> : vector<128xf32>
    %reduce_sum3A_15 = vector.multi_reduction <add>, %dot_general3A_6, %reduce_sum3A [0] : vector<128x128xf32> to vector<128xf32>
    %div3A = arith.constant 1.280000e+02 : f32
    %div3A_16 = vector.broadcast %div3A : f32 to vector<128xf32>
    %div3A_17 = arith.divf %reduce_sum3A_15, %div3A_16 : vector<128xf32>
    %jit3A = arith.constant 0 : i32
    %reduce_sum3A_18 = arith.constant dense<0.000000e+00> : vector<128xf32>
    %reduce_sum3A_19 = vector.multi_reduction <add>, %dot_general3A_6, %reduce_sum3A_18 [0] : vector<128x128xf32> to vector<128xf32>
    %broadcast_in_dim3A_20 = vector.shape_cast %reduce_sum3A_19 : vector<128xf32> to vector<1x128xf32>
    %div3A_21 = arith.constant 1.280000e+02 : f32
    %div3A_22 = vector.broadcast %div3A_21 : f32 to vector<1x128xf32>
    %div3A_23 = arith.divf %broadcast_in_dim3A_20, %div3A_22 : vector<1x128xf32>
    %sub3A = vector.broadcast %div3A_23 : vector<1x128xf32> to vector<128x128xf32>
    %sub3A_24 = arith.subf %dot_general3A_6, %sub3A : vector<128x128xf32>
    %square3A = arith.mulf %sub3A_24, %sub3A_24 : vector<128x128xf32>
    %convert_element_type3A_25 = arith.sitofp %jit3A : i32 to f32
    %sub3A_26 = arith.constant 1.280000e+02 : f32
    %sub3A_27 = arith.subf %sub3A_26, %convert_element_type3A_25 : f32
    %reduce_sum3A_28 = arith.constant dense<0.000000e+00> : vector<128xf32>
    %reduce_sum3A_29 = vector.multi_reduction <add>, %square3A, %reduce_sum3A_28 [0] : vector<128x128xf32> to vector<128xf32>
    %div3A_30 = vector.broadcast %sub3A_27 : f32 to vector<128xf32>
    %div3A_31 = arith.divf %reduce_sum3A_29, %div3A_30 : vector<128xf32>
    %gt3A = arith.constant 0.000000e+00 : f32
    %gt3A_32 = arith.cmpf ogt, %sub3A_27, %gt3A : f32
    %jit3A_33 = arith.constant 0x7FC00000 : f32
    %broadcast_in_dim3A_34 = vector.broadcast %jit3A_33 : f32 to vector<128xf32>
    %select_n3A = arith.select %gt3A_32, %div3A_31, %broadcast_in_dim3A_34 : vector<128xf32>
    %broadcast_in_dim3A_35 = vector.shape_cast %div3A_17 : vector<128xf32> to vector<1x128xf32>
    %sub3A_36 = vector.broadcast %broadcast_in_dim3A_35 : vector<1x128xf32> to vector<128x128xf32>
    %sub3A_37 = arith.subf %dot_general3A_6, %sub3A_36 : vector<128x128xf32>
    %add3A = arith.constant 9.99999974E-6 : f32
    %add3A_38 = vector.broadcast %add3A : f32 to vector<128xf32>
    %add3A_39 = arith.addf %select_n3A, %add3A_38 : vector<128xf32>
    %sqrt3A = math.sqrt %add3A_39 : vector<128xf32>
    %broadcast_in_dim3A_40 = vector.shape_cast %sqrt3A : vector<128xf32> to vector<1x128xf32>
    %div3A_41 = vector.broadcast %broadcast_in_dim3A_40 : vector<1x128xf32> to vector<128x128xf32>
    %div3A_42 = arith.divf %sub3A_37, %div3A_41 : vector<128x128xf32>
    %broadcast_in_dim3A_43 = vector.shape_cast %get3A_10 : vector<128xf32> to vector<1x128xf32>
    %mul3A = vector.broadcast %broadcast_in_dim3A_43 : vector<1x128xf32> to vector<128x128xf32>
    %mul3A_44 = arith.mulf %div3A_42, %mul3A : vector<128x128xf32>
    %broadcast_in_dim3A_45 = vector.shape_cast %get3A_14 : vector<128xf32> to vector<1x128xf32>
    %add3A_46 = vector.broadcast %broadcast_in_dim3A_45 : vector<1x128xf32> to vector<128x128xf32>
    %add3A_47 = arith.addf %mul3A_44, %add3A_46 : vector<128x128xf32>
    %get3A_48 = arith.constant 0 : index
    %get3A_49 = arith.constant 0 : index
    %get3A_50 = arith.constant 0 : index
    %get3A_51 = vector.load %arg4[%get3A_48, %get3A_49, %get3A_50] : memref<2x128x128xf32, #tpu.memory_space<vmem>>, vector<1x128x128xf32>
    %get3A_52 = vector.shape_cast %get3A_51 : vector<1x128x128xf32> to vector<128x128xf32>
    %dot_general3A_53 = arith.constant dense<0.000000e+00> : vector<128x128xf32>
    %dot_general3A_54 = tpu.matmul %add3A_47, %get3A_52, %dot_general3A_53 {dimension_numbers = #tpu.dot_dimension_numbers<[1], [0], [0], [1], [0, 0, 1, 1], [], []>, transpose_lhs_hint = false} : vector<128x128xf32>, vector<128x128xf32>, vector<128x128xf32> -> vector<128x128xf32>
    %get3A_55 = arith.constant 0 : index
    %get3A_56 = arith.constant 0 : index
    %get3A_57 = vector.load %arg5[%get3A_55, %get3A_56] : memref<2x128xf32, #tpu.memory_space<vmem>>, vector<1x128xf32>
    %get3A_58 = vector.shape_cast %get3A_57 : vector<1x128xf32> to vector<128xf32>
    %broadcast_in_dim3A_59 = vector.shape_cast %get3A_58 : vector<128xf32> to vector<1x128xf32>
    %add3A_60 = vector.broadcast %broadcast_in_dim3A_59 : vector<1x128xf32> to vector<128x128xf32>
    %add3A_61 = arith.addf %dot_general3A_54, %add3A_60 : vector<128x128xf32>
    %max3A = arith.constant 0.000000e+00 : f32
    %max3A_62 = vector.broadcast %max3A : f32 to vector<128x128xf32>
    %max3A_63 = arith.maximumf %add3A_61, %max3A_62 : vector<128x128xf32>
    %get3A_64 = arith.constant 1 : index
    %get3A_65 = arith.constant 0 : index
    %get3A_66 = vector.load %arg2[%get3A_64, %get3A_65] : memref<2x128xf32, #tpu.memory_space<vmem>>, vector<1x128xf32>
    %get3A_67 = vector.shape_cast %get3A_66 : vector<1x128xf32> to vector<128xf32>
    %get3A_68 = arith.constant 1 : index
    %get3A_69 = arith.constant 0 : index
    %get3A_70 = vector.load %arg3[%get3A_68, %get3A_69] : memref<2x128xf32, #tpu.memory_space<vmem>>, vector<1x128xf32>
    %get3A_71 = vector.shape_cast %get3A_70 : vector<1x128xf32> to vector<128xf32>
    %reduce_sum3A_72 = arith.constant dense<0.000000e+00> : vector<128xf32>
    %reduce_sum3A_73 = vector.multi_reduction <add>, %max3A_63, %reduce_sum3A_72 [0] : vector<128x128xf32> to vector<128xf32>
    %div3A_74 = arith.constant 1.280000e+02 : f32
    %div3A_75 = vector.broadcast %div3A_74 : f32 to vector<128xf32>
    %div3A_76 = arith.divf %reduce_sum3A_73, %div3A_75 : vector<128xf32>
    %jit3A_77 = arith.constant 0 : i32
    %reduce_sum3A_78 = arith.constant dense<0.000000e+00> : vector<128xf32>
    %reduce_sum3A_79 = vector.multi_reduction <add>, %max3A_63, %reduce_sum3A_78 [0] : vector<128x128xf32> to vector<128xf32>
    %broadcast_in_dim3A_80 = vector.shape_cast %reduce_sum3A_79 : vector<128xf32> to vector<1x128xf32>
    %div3A_81 = arith.constant 1.280000e+02 : f32
    %div3A_82 = vector.broadcast %div3A_81 : f32 to vector<1x128xf32>
    %div3A_83 = arith.divf %broadcast_in_dim3A_80, %div3A_82 : vector<1x128xf32>
    %sub3A_84 = vector.broadcast %div3A_83 : vector<1x128xf32> to vector<128x128xf32>
    %sub3A_85 = arith.subf %max3A_63, %sub3A_84 : vector<128x128xf32>
    %square3A_86 = arith.mulf %sub3A_85, %sub3A_85 : vector<128x128xf32>
    %convert_element_type3A_87 = arith.sitofp %jit3A_77 : i32 to f32
    %sub3A_88 = arith.constant 1.280000e+02 : f32
    %sub3A_89 = arith.subf %sub3A_88, %convert_element_type3A_87 : f32
    %reduce_sum3A_90 = arith.constant dense<0.000000e+00> : vector<128xf32>
    %reduce_sum3A_91 = vector.multi_reduction <add>, %square3A_86, %reduce_sum3A_90 [0] : vector<128x128xf32> to vector<128xf32>
    %div3A_92 = vector.broadcast %sub3A_89 : f32 to vector<128xf32>
    %div3A_93 = arith.divf %reduce_sum3A_91, %div3A_92 : vector<128xf32>
    %gt3A_94 = arith.constant 0.000000e+00 : f32
    %gt3A_95 = arith.cmpf ogt, %sub3A_89, %gt3A_94 : f32
    %jit3A_96 = arith.constant 0x7FC00000 : f32
    %broadcast_in_dim3A_97 = vector.broadcast %jit3A_96 : f32 to vector<128xf32>
    %select_n3A_98 = arith.select %gt3A_95, %div3A_93, %broadcast_in_dim3A_97 : vector<128xf32>
    %broadcast_in_dim3A_99 = vector.shape_cast %div3A_76 : vector<128xf32> to vector<1x128xf32>
    %sub3A_100 = vector.broadcast %broadcast_in_dim3A_99 : vector<1x128xf32> to vector<128x128xf32>
    %sub3A_101 = arith.subf %max3A_63, %sub3A_100 : vector<128x128xf32>
    %add3A_102 = arith.constant 9.99999974E-6 : f32
    %add3A_103 = vector.broadcast %add3A_102 : f32 to vector<128xf32>
    %add3A_104 = arith.addf %select_n3A_98, %add3A_103 : vector<128xf32>
    %sqrt3A_105 = math.sqrt %add3A_104 : vector<128xf32>
    %broadcast_in_dim3A_106 = vector.shape_cast %sqrt3A_105 : vector<128xf32> to vector<1x128xf32>
    %div3A_107 = vector.broadcast %broadcast_in_dim3A_106 : vector<1x128xf32> to vector<128x128xf32>
    %div3A_108 = arith.divf %sub3A_101, %div3A_107 : vector<128x128xf32>
    %broadcast_in_dim3A_109 = vector.shape_cast %get3A_67 : vector<128xf32> to vector<1x128xf32>
    %mul3A_110 = vector.broadcast %broadcast_in_dim3A_109 : vector<1x128xf32> to vector<128x128xf32>
    %mul3A_111 = arith.mulf %div3A_108, %mul3A_110 : vector<128x128xf32>
    %broadcast_in_dim3A_112 = vector.shape_cast %get3A_71 : vector<128xf32> to vector<1x128xf32>
    %add3A_113 = vector.broadcast %broadcast_in_dim3A_112 : vector<1x128xf32> to vector<128x128xf32>
    %add3A_114 = arith.addf %mul3A_111, %add3A_113 : vector<128x128xf32>
    %get3A_115 = arith.constant 1 : index
    %get3A_116 = arith.constant 0 : index
    %get3A_117 = arith.constant 0 : index
    %get3A_118 = vector.load %arg4[%get3A_115, %get3A_116, %get3A_117] : memref<2x128x128xf32, #tpu.memory_space<vmem>>, vector<1x128x128xf32>
    %get3A_119 = vector.shape_cast %get3A_118 : vector<1x128x128xf32> to vector<128x128xf32>
    %dot_general3A_120 = arith.constant dense<0.000000e+00> : vector<128x128xf32>
    %dot_general3A_121 = tpu.matmul %add3A_114, %get3A_119, %dot_general3A_120 {dimension_numbers = #tpu.dot_dimension_numbers<[1], [0], [0], [1], [0, 0, 1, 1], [], []>, transpose_lhs_hint = false} : vector<128x128xf32>, vector<128x128xf32>, vector<128x128xf32> -> vector<128x128xf32>
    %get3A_122 = arith.constant 1 : index
    %get3A_123 = arith.constant 0 : index
    %get3A_124 = vector.load %arg5[%get3A_122, %get3A_123] : memref<2x128xf32, #tpu.memory_space<vmem>>, vector<1x128xf32>
    %get3A_125 = vector.shape_cast %get3A_124 : vector<1x128xf32> to vector<128xf32>
    %broadcast_in_dim3A_126 = vector.shape_cast %get3A_125 : vector<128xf32> to vector<1x128xf32>
    %add3A_127 = vector.broadcast %broadcast_in_dim3A_126 : vector<1x128xf32> to vector<128x128xf32>
    %add3A_128 = arith.addf %dot_general3A_121, %add3A_127 : vector<128x128xf32>
    %max3A_129 = arith.constant 0.000000e+00 : f32
    %max3A_130 = vector.broadcast %max3A_129 : f32 to vector<128x128xf32>
    %max3A_131 = arith.maximumf %add3A_128, %max3A_130 : vector<128x128xf32>
    %get3A_132 = arith.constant 0 : index
    %get3A_133 = vector.load %arg6[%get3A_132] : memref<128xf32, #tpu.memory_space<vmem>>, vector<128xf32>
    %get3A_134 = arith.constant 0 : index
    %get3A_135 = vector.load %arg7[%get3A_134] : memref<128xf32, #tpu.memory_space<vmem>>, vector<128xf32>
    %reduce_sum3A_136 = arith.constant dense<0.000000e+00> : vector<128xf32>
    %reduce_sum3A_137 = vector.multi_reduction <add>, %max3A_131, %reduce_sum3A_136 [0] : vector<128x128xf32> to vector<128xf32>
    %div3A_138 = arith.constant 1.280000e+02 : f32
    %div3A_139 = vector.broadcast %div3A_138 : f32 to vector<128xf32>
    %div3A_140 = arith.divf %reduce_sum3A_137, %div3A_139 : vector<128xf32>
    %jit3A_141 = arith.constant 0 : i32
    %reduce_sum3A_142 = arith.constant dense<0.000000e+00> : vector<128xf32>
    %reduce_sum3A_143 = vector.multi_reduction <add>, %max3A_131, %reduce_sum3A_142 [0] : vector<128x128xf32> to vector<128xf32>
    %broadcast_in_dim3A_144 = vector.shape_cast %reduce_sum3A_143 : vector<128xf32> to vector<1x128xf32>
    %div3A_145 = arith.constant 1.280000e+02 : f32
    %div3A_146 = vector.broadcast %div3A_145 : f32 to vector<1x128xf32>
    %div3A_147 = arith.divf %broadcast_in_dim3A_144, %div3A_146 : vector<1x128xf32>
    %sub3A_148 = vector.broadcast %div3A_147 : vector<1x128xf32> to vector<128x128xf32>
    %sub3A_149 = arith.subf %max3A_131, %sub3A_148 : vector<128x128xf32>
    %square3A_150 = arith.mulf %sub3A_149, %sub3A_149 : vector<128x128xf32>
    %convert_element_type3A_151 = arith.sitofp %jit3A_141 : i32 to f32
    %sub3A_152 = arith.constant 1.280000e+02 : f32
    %sub3A_153 = arith.subf %sub3A_152, %convert_element_type3A_151 : f32
    %reduce_sum3A_154 = arith.constant dense<0.000000e+00> : vector<128xf32>
    %reduce_sum3A_155 = vector.multi_reduction <add>, %square3A_150, %reduce_sum3A_154 [0] : vector<128x128xf32> to vector<128xf32>
    %div3A_156 = vector.broadcast %sub3A_153 : f32 to vector<128xf32>
    %div3A_157 = arith.divf %reduce_sum3A_155, %div3A_156 : vector<128xf32>
    %gt3A_158 = arith.constant 0.000000e+00 : f32
    %gt3A_159 = arith.cmpf ogt, %sub3A_153, %gt3A_158 : f32
    %jit3A_160 = arith.constant 0x7FC00000 : f32
    %broadcast_in_dim3A_161 = vector.broadcast %jit3A_160 : f32 to vector<128xf32>
    %select_n3A_162 = arith.select %gt3A_159, %div3A_157, %broadcast_in_dim3A_161 : vector<128xf32>
    %broadcast_in_dim3A_163 = vector.shape_cast %div3A_140 : vector<128xf32> to vector<1x128xf32>
    %sub3A_164 = vector.broadcast %broadcast_in_dim3A_163 : vector<1x128xf32> to vector<128x128xf32>
    %sub3A_165 = arith.subf %max3A_131, %sub3A_164 : vector<128x128xf32>
    %add3A_166 = arith.constant 9.99999974E-6 : f32
    %add3A_167 = vector.broadcast %add3A_166 : f32 to vector<128xf32>
    %add3A_168 = arith.addf %select_n3A_162, %add3A_167 : vector<128xf32>
    %sqrt3A_169 = math.sqrt %add3A_168 : vector<128xf32>
    %broadcast_in_dim3A_170 = vector.shape_cast %sqrt3A_169 : vector<128xf32> to vector<1x128xf32>
    %div3A_171 = vector.broadcast %broadcast_in_dim3A_170 : vector<1x128xf32> to vector<128x128xf32>
    %div3A_172 = arith.divf %sub3A_165, %div3A_171 : vector<128x128xf32>
    %broadcast_in_dim3A_173 = vector.shape_cast %get3A_133 : vector<128xf32> to vector<1x128xf32>
    %mul3A_174 = vector.broadcast %broadcast_in_dim3A_173 : vector<1x128xf32> to vector<128x128xf32>
    %mul3A_175 = arith.mulf %div3A_172, %mul3A_174 : vector<128x128xf32>
    %broadcast_in_dim3A_176 = vector.shape_cast %get3A_135 : vector<128xf32> to vector<1x128xf32>
    %add3A_177 = vector.broadcast %broadcast_in_dim3A_176 : vector<1x128xf32> to vector<128x128xf32>
    %add3A_178 = arith.addf %mul3A_175, %add3A_177 : vector<128x128xf32>
    %swap3A = arith.constant 0 : index
    %swap3A_179 = arith.constant 0 : index
    %swap3A_180 = vector.load %arg8[%swap3A, %swap3A_179] : memref<128x128xf32, #tpu.memory_space<vmem>>, vector<128x128xf32>
    tpu.vector_store %arg8[%swap3A, %swap3A_179], %add3A_178 {strides = array<i32>} : memref<128x128xf32, #tpu.memory_space<vmem>>, vector<128x128xf32>,
    return
  }
}

</mosaic_0001>

<sc_bundles>
// kernel: kernel.14.cloned.1.call-start
scs
__scs_entry_jumppad:
0x0: {  	(pc) =	sbr.rel $0x88, $3  }
0x1: {  	(tag) =	ssettag $0x0;
	lr =	simm.s32 $0x1  }
0x2: {  	[smem:$0x3F90] =	sst lr;
	_ =	strace $0xD0000000  }
0x3: {  	_ = 	snop  }
0x4: {  	_ = 	snop  }
0x5: {  	_ = 	snop  }
0x6: {  	_ = 	snop  }
0x7: {  	_ = 	snop  }
__scs_overlays_trampoline_lowered:
0x8: {  	[smem:$0x3F9F] =	sst s0  }
0x9: {  	[smem:$0x3FA0] =	sst s1  }
0xa: {  	[smem:$0x3FA1] =	sst s2  }
0xb: {  	[smem:$0x3FA2] =	sst s3  }
0xc: {  	[smem:$0x3FA3] =	sst s4  }
0xd: {  	[smem:$0x3FA4] =	sst s5  }
0xe: {  	[smem:$0x3FA5] =	sst s6  }
0xf: {  	[smem:$0x3FA6] =	sst s7  }
0x10: {  	[smem:$0x3FA7] =	sst s8  }
0x11: {  	[smem:$0x3FA8] =	sst s9;
	s0 =	simm.s32 @!p0 $0x0  }
0x12: {  	s1 =	sld [smem:$0x3F8E];
	s0 =	simm.s32 @p0 $0x1  }
0x13: {  	[smem:$0x3FA9] =	sst s0;
	s0 =	simm.s32 @!p1 $0x0  }
0x14: {  	s2 =	sld [smem:$0x3F8D];
	s0 =	simm.s32 @p1 $0x1  }
0x15: {  	[smem:$0x3FAA] =	sst s0;
	s0 =	simm.s32 @!p2 $0x0  }
0x16: {  	s3 =	sld [smem:$0x3FDB];
	s0 =	simm.s32 @p2 $0x1  }
0x17: {  	s4 =	simm.s32 $0x1BF5;
	[smem:$0x3FAC] =	sst s0  }
0x18: {  	s0 =	sld [smem:$0x3F8F];
	_ =	swait.ge [sflag:s4], $0x0  }
0x19: {  	s7 =	sld [smem:$0x3F90]  }
0x1a: {  	s8 =	sadd.s32 $0xFFFFE003, lr  }
0x1b: {  	s9 =	sadd.s32 $0xFFFFFEF7, lr;
	s5 =	simm.s32 $0xFFFFFFFF;
	p2 =	slt.u32 s8, $0xFFFFF086  }
0x1c: {  	p1 =	slt.u32 s9, $0xF7A;
	s5 =	simm.s32 @!p2 $0x0  }
0x1d: {  	s5 =	simm.s32 @p1 $0x1;
	p0 =	seq.s32 s7, s2  }
0x1e: {  	s7 =	smul.u32 @!p0 $0xF7A, s2;
	p2 =	seq.s32 @!p0 s5, $0x0  }
0x1f: {  	s9 =	smul.u32 $0xF7A, s1;
	s8 =	simm.s32 @!p0 $0x1BF5;
	p2 =	por !p2, p0  }
0x20: {  	[sflag:s8] =	ssyncset.s32 @!p0 $0xFFFFF086;
	s6 =	sadd.s32 @!p0 s3, s7;
	s7 =	simm.s32 @!p0 $0x108  }
0x21: {  	s3 =	sadd.s32 s3, s9;
	s6 =	sadd.s32 @!p0 $0x88, s6;
	s7 =	simm.s32 @p2 $0x1082  }
0x22: {  	[simem:s7], [sflag:s8] =	dma.local @!p0 [hbm:s6], $0xF7A  }
0x23: {  	s9 =	sor.u32 $0xD0000000, s2;
	s6 =	simm.s32 $0x108;
	_ =	swait.ge @!p0 [sflag:s8], $0x0  }
0x24: {  	s3 =	sadd.s32 $0x88, s3;
	s6 =	simm.s32 @!p1 $0x1082;
	[sflag:s4] =	ssyncset.s32 $0xFFFFF086  }
0x25: {  	[simem:s6], [sflag:s4] =	dma.local [hbm:s3], $0xF7A  }
0x26: {  	[smem:$0x3F90] =	sst s1;
	(tag) =	ssettag s2;
	_ =	strace s9  }
0x27: {  	s1 =	sld [smem:$0x3FA0]  }
0x28: {  	s2 =	sld [smem:$0x3FA1]  }
0x29: {  	s4 =	sld [smem:$0x3FA3]  }
0x2a: {  	p0 =	seq.s32 s5, $0x0;
	s5 =	sld [smem:$0x3FA4]  }
0x2b: {  	s6 =	sld [smem:$0x3FA5]  }
0x2c: {  	s7 =	sld [smem:$0x3FA6]  }
0x2d: {  	s3 =	simm.s32 $0x108;
	s8 =	sld [smem:$0x3FA7]  }
0x2e: {  	s3 =	simm.s32 @!p0 $0x1082;
	s9 =	sld [smem:$0x3FA8]  }
0x2f: {  	lr =	sadd.s32 s0, s3;
	s0 =	sld [smem:$0x3F9F]  }
0x30: {  	s3 =	sld [smem:$0x3FA2]  }
0x31: {  	[smem:$0x3FAB] =	sst s10  }
0x32: {  	s10 =	sld [smem:$0x3FA9];
	_ =	sdelay $0x3  }
0x33: {  	p0 =	seq.s32 s10, $0x1;
	s10 =	sld [smem:$0x3FAB];
	_ =	sdelay $0x3  }
0x34: {  	[smem:$0x3FAB] =	sst s10  }
0x35: {  	s10 =	sld [smem:$0x3FAA];
	_ =	sdelay $0x3  }
0x36: {  	p1 =	seq.s32 s10, $0x1;
	s10 =	sld [smem:$0x3FAB];
	_ =	sdelay $0x3  }
0x37: {  	[smem:$0x3FAB] =	sst s10  }
0x38: {  	s10 =	sld [smem:$0x3FAC]  }
0x39: {  	_ = 	snop;
	(pc) =	sbr.ind lr, $3  }
0x3a: {  	_ = 	snop  }
0x3b: {  	_ = 	snop  }
0x3c: {  	p2 =	seq.s32 s10, $0x1;
	s10 =	sld [smem:$0x3FAB]  }
0x3d: {  	_ =	shalt  }
0x3e: {  	_ =	shalt  }
0x3f: {  	_ =	shalt  }
0x40: {  	_ =	shalt  }
0x41: {  	_ =	shalt  }
0x42: {  	_ =	shalt  }
0x43: {  	_ =	shalt  }
0x44: {  	_ =	shalt  }
0x45: {  	_ =	shalt  }
0x46: {  	_ =	shalt  }
0x47: {  	_ =	shalt  }
0x48: {  	_ =	shalt  }
0x49: {  	_ =	shalt  }
0x4a: {  	_ =	shalt  }
0x4b: {  	_ =	shalt  }
0x4c: {  	_ =	shalt  }
0x4d: {  	_ =	shalt  }
0x4e: {  	_ =	shalt  }
0x4f: {  	_ =	shalt  }
0x50: {  	_ =	shalt  }
0x51: {  	_ =	shalt  }
0x52: {  	_ =	shalt  }
0x53: {  	_ =	shalt  }
0x54: {  	_ =	shalt  }
0x55: {  	_ =	shalt  }
0x56: {  	_ =	shalt  }
0x57: {  	_ =	shalt  }
0x58: {  	_ =	shalt  }
0x59: {  	_ =	shalt  }
0x5a: {  	_ =	shalt  }
0x5b: {  	_ =	shalt  }
0x5c: {  	_ =	shalt  }
0x5d: {  	_ =	shalt  }
0x5e: {  	_ =	shalt  }
0x5f: {  	_ =	shalt  }
0x60: {  	_ =	shalt  }
0x61: {  	_ =	shalt  }
0x62: {  	_ =	shalt  }
0x63: {  	_ =	shalt  }
0x64: {  	_ =	shalt  }
0x65: {  	_ =	shalt  }
0x66: {  	_ =	shalt  }
0x67: {  	_ =	shalt  }
0x68: {  	_ =	shalt  }
0x69: {  	_ =	shalt  }
0x6a: {  	_ =	shalt  }
0x6b: {  	_ =	shalt  }
0x6c: {  	_ =	shalt  }
0x6d: {  	_ =	shalt  }
0x6e: {  	_ =	shalt  }
0x6f: {  	_ =	shalt  }
0x70: {  	_ =	shalt  }
0x71: {  	_ =	shalt  }
0x72: {  	_ =	shalt  }
0x73: {  	_ =	shalt  }
0x74: {  	_ =	shalt  }
0x75: {  	_ =	shalt  }
0x76: {  	_ =	shalt  }
0x77: {  	_ =	shalt  }
0x78: {  	_ =	shalt  }
0x79: {  	_ =	shalt  }
0x7a: {  	_ =	shalt  }
0x7b: {  	_ =	shalt  }
0x7c: {  	_ =	shalt  }
0x7d: {  	_ =	shalt  }
0x7e: {  	_ =	shalt  }
0x7f: {  	_ =	shalt  }
0x80: {  	_ =	shalt  }
0x81: {  	_ =	shalt  }
0x82: {  	_ =	shalt  }
0x83: {  	_ =	shalt  }
0x84: {  	_ =	shalt  }
0x85: {  	_ =	shalt  }
0x86: {  	_ =	shalt  }
0x87: {  	_ =	shalt  }
.Lfunc_end0:
.L_simem_size_0:
called_computation_lowered:
.L_overlay_start_0:
0x88: {  	s2 =	sld [smem:$0x3FD9]  }
0x89: {  	s3 =	sld [smem:$0x3FFE];
	_ =	sdelay $0x1  }
0x8a: {  	s1 =	srdreg.scid  }
0x8b: {  	s0 =	sand.u32 $0x1, s1  }
0x8c: {  	s17 =	sshll.u32 s0, $0xA;
	s2 =	sadd.s32 s3, s2  }
0x8d: {  	s2 =	sadd.s32 s2, s17  }
0x8e: {  	[smem:$0x3FB7] =	sst s2  }
0x8f: {  	_ = 	snop  }
0x90: {  	s2 =	sld [smem:$0x3FD0];
	(tm) =	ssettm $0x1  }
0x91: {  	s18 =	sld [smem:$0x3FFB];
	_ =	sdelay $0x3  }
0x92: {  	_ =	strace s18  }
0x93: {  	s3 =	sld [smem:$0x3FFC];
	_ =	sdelay $0x3  }
0x94: {  	_ =	strace s3  }
0x95: {  	s3 =	sld [smem:$0x3FFD];
	_ =	sdelay $0x3  }
0x96: {  	_ =	strace s3  }
0x97: {  	_ =	strace $0x8FFFFFFF  }
0x98: {  	s19 =	sld [smem:$0x3FDB];
	_ =	sdelay $0x1  }
0x99: {  	s4 =	simm.s32 $_scs_section_size  }
0x9a: {  	s5 =	simm.s32 $_size__tile_overlayer_lowered;
	s6 =	simm.s32 $_tile_overlayer_lowered  }
0x9b: {  	s22 =	simm.s32 $0x1BFF;
	s21 =	sshll.u32 s6, $0x1;
	s3 =	sadd.s32 s4, s19  }
0x9c: {  	s7 =	simm.s32 $0x0;
	s20 =	sshll.u32 s5, $0x1;
	s5 =	sadd.s32 s21, s3  }
0x9d: {  	[timem:s7], [sflag:s22] =	dma.local [hbm:s5], s20  }
0x9e: {  	_ =	swait.ge [sflag:s22], s20  }
0x9f: {  	s4 =	ssub.s32 $0x0, s20;
	[sflag:s22] =	ssyncset.done $0x0  }
0xa0: {  	[sflag:s22] =	ssyncadd.s32 s4;
	_ =	sdelay $0x1  }
0xa1: {  	s23 =	simm.s32 $0x1B8B  }
0xa2: {  	_ =	swait.ge [sflag:s23], $0x1  }
0xa3: {  	[sflag:s23] =	ssyncset.done $0x0  }
0xa4: {  	s25 =	simm.s32 $0x1B8E;
	s24 =	sld [smem:$0x3FFE];
	[sflag:s23] =	ssyncadd.s32 $0xFFFFFFFF  }
0xa5: {  	s26 =	simm.s32 $execute0_lowered;
	[smem:$0x3FD2] =	sst s25  }
0xa6: {  	s5 =	sshll.u32 s26, $0x1;
	_ =	strace $0x80000046;
	[dreg:$0x1] =	wrdreg $0xFFFFFFFF  }
0xa7: {  	s28 =	simm.s32 $_size_execute0_lowered;
	s3 =	sadd.s32 s3, s5;
	[dreg:$0x0] =	wrdreg $0x0  }
0xa8: {  	s5 =	sshll.u32 s28, $0x1;
	[dreg:$0x2] =	wrdreg s3  }
0xa9: {  	[dreg:$0x3] =	wrdreg s5  }
0xaa: {  	[dreg:$0x4] =	wrdreg $0xC0  }
0xab: {  	_ =	task [dreg:s7], $0x5FFFF  }
0xac: {  	[dreg:$0x1] =	wrdreg $0xFFFFFFFF  }
0xad: {  	[dreg:$0x0] =	wrdreg $0x60  }
0xae: {  	[dreg:$0x2] =	wrdreg s24  }
0xaf: {  	[dreg:$0x3] =	wrdreg s2  }
0xb0: {  	[dreg:$0x4] =	wrdreg $0x41800  }
0xb1: {  	[dreg:$0x5] =	wrdreg $0x9  }
0xb2: {  	_ =	task.clear_ibuf [dreg:s7], $0x6FFFF;
	_ =	strace $0x90000046  }
0xb3: {  	s29 =	simm.s32 $0x9;
	_ =	strace $0x80000048  }
0xb4: {  	_ =	swait.ge [sflag:s29], $0x1  }
0xb5: {  	[sflag:s29] =	ssyncadd.s32 $0xFFFFFFFF  }
0xb6: {  	_ =	strace $0x90000048  }
0xb7: {  	_ =	sfence  }
0xb8: {  	s30 =	sld [smem:$0x0];
	_ =	sdelay $0x2  }
0xb9: {  	s31 =	sshll.u32 s1, $0xD;
	s1 =	sshrl.u32 s1, $0x2  }
0xba: {  	s3 =	sand.u32 $0x4000, s31;
	s1 =	sadd.s32 s1, s30  }
0xbb: {  	s0 =	sor.u32 s3, s0;
	s1 =	sshll.u32 s1, $0x11  }
0xbc: {  	s0 =	sor.u32 s1, s0  }
0xbd: {  	s0 =	sadd.s32 $0x8F2B, s0  }
0xbe: {  	[sflag:s0] =	ssyncadd.remote.s32 $0x1  }
0xbf: {  	_ =	sfence.sel $0xFFFF  }
0xc0: {  	[dreg:$0x0] =	wrdreg $0xFFFFFFFF;
	(pc) =	sbr.abs _section_cstart, $3  }
0xc1: {  	[dreg:$0x1] =	wrdreg $0xFFFFFFFF  }
0xc2: {  	_ =	task.clear_ibuf [dreg:s7], $0x2FFFF;
	_ =	strace $0x9FFFFFFF  }
0xc3: {  	(tm) =	ssettm $0x7FFFFFFF  }
tec
execute0_lowered:
.L_overlay_start_1:
0x0: {  	(tag) =	ssettag $0x1  }
0x1: {  	s6 =	rddreg [dreg:$0x0];
	s3 =	srdreg.scid  }
0x2: {  	s2 =	rddreg [dreg:$0x2];
	s13 =	sand.u32 $0x1, s3;
	s3 =	stileid.u32  }
0x3: {  	s4 =	simm.s32 $0x0;
	s28 =	simm.s32 $0x0;
	s8 =	smul.u32 $0x4F000, s3  }
0x4: {  	[smem:$0x7FF] =	sst s4;
	s19 =	sadd.s32 $0xE000, s6;
	s15 =	smul.u32 $0x13C000, s13  }
0x5: {  	s16 =	sadd.s32 $0x1A600, s6;
	s5 =	sshll.u32 s13, $0x4;
	s14 =	smul.u32 $0x13C00, s3  }
0x6: {  	_ =	strace $0x80000047;
	s24 =	ssub.s32 $0x2, s13;
	s21 =	smul.u32 $0x27100, s13  }
0x7: {  	s23 =	smul.u32 $0x2710, s3;
	s7 =	sor.u32 s3, s5;
	s5 =	sadd.s32 $0x17E00, s6  }
0x8: {  	s9 =	sshrl.u32 s24, $0x1;
	s7 =	smul.u32 $0x2710, s7;
	s8 =	sshrl.u32 s8, $0x2  }
0x9: {  	s17 =	ssub.s32 s24, s9;
	s25 =	sadd.s32 s14, s15;
	s26 =	sadd.s32 $0x4000, s14  }
0xa: {  	s11 =	sadd.s32 $0x8000, s14;
	s18 =	sadd.s32 $0xC000, s14;
	s22 =	sadd.s32 $0x10000, s14  }
0xb: {  	s30 =	sadd.s32 s23, s21;
	s21 =	simm.s32 $0x3;
	s23 =	simm.s32 $0x1  }
0xc: {  	s24 =	simm.s32 $0x2;
	s6 =	sadd.s32 s8, s2;
	s8 =	sshrl.u32 s25, $0x3  }
0xd: {  	s10 =	sadd.s32 s15, s26;
	s9 =	sadd.s32 s26, s2;
	s12 =	sadd.s32 s15, s11  }
0xe: {  	s11 =	sadd.s32 s11, s2;
	s20 =	sadd.s32 s15, s18;
	s13 =	sadd.s32 s18, s2  }
0xf: {  	s29 =	sadd.s32 s15, s22;
	s15 =	sadd.s32 s22, s2;
	s31 =	sshrl.u32 s30, $0x3  }
0x10: {  	s17 =	smax.u32 s17, $0x1;
	s22 =	simm.s32 $0x80;
	s25 =	simm.s32 $0x100  }
0x11: {  	s26 =	simm.s32 $0x10;
	s7 =	sshrl.u32 s7, $0x3;
	s8 =	sadd.s32 s16, s8  }
0x12: {  	s10 =	sshrl.u32 s10, $0x3;
	s12 =	sshrl.u32 s12, $0x3;
	s20 =	sshrl.u32 s20, $0x3  }
0x13: {  	s18 =	sshrl.u32 s29, $0x3;
	s7 =	sadd.s32 s19, s7;
	s10 =	sadd.s32 s16, s10  }
0x14: {  	s12 =	sadd.s32 s16, s12;
	s14 =	sadd.s32 s16, s20;
	s20 =	sadd.s32 $0x80, s30  }
0x15: {  	s16 =	sadd.s32 s16, s18;
	s18 =	sadd.s32 s31, s19;
	s20 =	sshrl.u32 s20, $0x3  }
0x16: {  	s7 =	sadd.s32 $0x4E0, s7;
	s19 =	sadd.s32 s20, s19;
	s20 =	simm.s32 $0x180  }
.LBB2_1:
0x17: {  	s0 =	rddreg [dreg:$0x1]  }
0x18: {  	[tilespmem:s20], [sflag:$0x3] =	stream.linear.gather [hbm4b:s0+s4], $0x4000, $0x38;
	[tilespmem:$0x17D80] =	vst v63  }
0x19: {  	_ =	swait.ge [sflag:s21], $0x4000  }
0x1a: {  	s29 =	sshll.u32 s3, $0x6;
	[sflag:s21] =	ssyncset.done $0x0  }
0x1b: {  	s30 =	sshrl.u32 s6, $0x3;
	s29 =	sor.u32 $0x1C03, s29;
	[sflag:s21] =	ssyncadd.s32 $0xFFFFC000  }
0x1c: {  	[spmem:s30], [sflag:s29] =	dma.local [hbm:s5], $0x2780  }
0x1d: {  	_ =	swait.ge [sflag:s21], $0x2780  }
0x1e: {  	[sflag:s21] =	ssyncset.done $0x0  }
0x1f: {  	[sflag:s21] =	ssyncadd.s32 $0xFFFFD880  }
0x20: {  	s29 =	sadd.s32 $0x0, s18;
	[bflag:$0x0] =	sbarrier.arrive $0xFFFF  }
0x21: {  	[tilespmem:s4], [sflag:$0x3] =	stream.linear.gather [hbm4b:s29+s4], $0x80, $0x38;
	[tilespmem:$0x17D80] =	vst v63  }
0x22: {  	_ =	swait.ge [sflag:s21], $0x80  }
0x23: {  	[sflag:s21] =	ssyncset.done $0x0  }
0x24: {  	[sflag:s21] =	ssyncadd.s32 $0xFFFFFF80  }
0x25: {  	[spmem:s2] =	stream.indirect.scatter.add.f32 [tilespmem:s20], [sflag:$0x1], $0x80, s4, s22, $0xb8;
	[tilespmem:$0x17D80] =	vst v63  }
0x26: {  	s29 =	sadd.s32 $0x0, s19  }
0x27: {  	[tilespmem:s22], [sflag:$0x3] =	stream.linear.gather [hbm4b:s29+s4], $0x80, $0x38;
	[tilespmem:$0x17D80] =	vst v63  }
0x28: {  	_ =	swait.ge [sflag:s21], $0x80  }
0x29: {  	[sflag:s21] =	ssyncset.done $0x0  }
0x2a: {  	[sflag:s21] =	ssyncadd.s32 $0xFFFFFF80  }
0x2b: {  	[spmem:s2] =	stream.indirect.scatter.add.f32 [tilespmem:s20], [sflag:$0x2], $0x80, s22, s22, $0xb8;
	[tilespmem:$0x17D80] =	vst v63  }
0x2c: {  	_ =	swait.ge [sflag:s23], $0x4000  }
0x2d: {  	[sflag:s23] =	ssyncset.done $0x0  }
0x2e: {  	[sflag:s23] =	ssyncadd.s32 $0xFFFFC000  }
0x2f: {  	_ =	swait.ge [sflag:s24], $0x4000  }
0x30: {  	s30 =	simm.s32 $0x40;
	s29 =	simm.s32 $0x20;
	[sflag:s24] =	ssyncset.done $0x0  }
.LBB2_2:
0x31: {  	s31 =	sadd.s32 s29, s18  }
0x32: {  	[sflag:s24] =	ssyncadd.s32 $0xFFFFC000;
	s0 =	smov.u32 s30;
	s1 =	sadd.s32 $0x20, s30  }
0x33: {  	[tilespmem:s4], [sflag:$0x3] =	stream.linear.gather [hbm4b:s31+s4], $0x80, $0x38;
	[tilespmem:$0x17D80] =	vst v63  }
0x34: {  	p0 =	sne.s32 s30, $0x4C0;
	_ =	swait.ge [sflag:s21], $0x80  }
0x35: {  	[sflag:s21] =	ssyncset.done $0x0  }
0x36: {  	[sflag:s21] =	ssyncadd.s32 $0xFFFFFF80  }
0x37: {  	[spmem:s2] =	stream.indirect.scatter.add.f32 [tilespmem:s20], [sflag:$0x1], $0x80, s4, s22, $0xb8;
	[tilespmem:$0x17D80] =	vst v63  }
0x38: {  	s30 =	sadd.s32 s29, s19;
	s29 =	smov.u32 s0  }
0x39: {  	[tilespmem:s22], [sflag:$0x3] =	stream.linear.gather [hbm4b:s30+s4], $0x80, $0x38;
	[tilespmem:$0x17D80] =	vst v63  }
0x3a: {  	_ =	swait.ge [sflag:s21], $0x80  }
0x3b: {  	[sflag:s21] =	ssyncset.done $0x0  }
0x3c: {  	[sflag:s21] =	ssyncadd.s32 $0xFFFFFF80  }
0x3d: {  	[spmem:s2] =	stream.indirect.scatter.add.f32 [tilespmem:s20], [sflag:$0x2], $0x80, s22, s22, $0xb8;
	[tilespmem:$0x17D80] =	vst v63  }
.Ltmp0:
0x3e: {  	_ =	swait.ge [sflag:s23], $0x4000;
	(pc) =	sbr.rel @p0 .LBB2_2-.Ltmp0, $4  }
0x3f: {  	[sflag:s23] =	ssyncset.done $0x0  }
0x40: {  	[sflag:s23] =	ssyncadd.s32 $0xFFFFC000  }
0x41: {  	_ =	swait.ge [sflag:s24], $0x4000  }
0x42: {  	s30 =	smov.u32 s1;
	[sflag:s24] =	ssyncset.done $0x0  }
0x43: {  	s0 =	sadd.s32 s29, s18;
	[sflag:s24] =	ssyncadd.s32 $0xFFFFC000  }
0x44: {  	[tilespmem:s4], [sflag:$0x3] =	stream.linear.gather [hbm4b:s0+s4], $0x80, $0x38;
	[tilespmem:$0x17D80] =	vst v63  }
0x45: {  	_ =	swait.ge [sflag:s21], $0x80  }
0x46: {  	[sflag:s21] =	ssyncset.done $0x0  }
0x47: {  	[sflag:s21] =	ssyncadd.s32 $0xFFFFFF80  }
0x48: {  	[spmem:s2] =	stream.indirect.scatter.add.f32 [tilespmem:s20], [sflag:$0x1], $0x80, s4, s22, $0xb8;
	[tilespmem:$0x17D80] =	vst v63  }
0x49: {  	s31 =	sadd.s32 s29, s19  }
0x4a: {  	[tilespmem:s22], [sflag:$0x3] =	stream.linear.gather [hbm4b:s31+s4], $0x80, $0x38;
	[tilespmem:$0x17D80] =	vst v63  }
0x4b: {  	_ =	swait.ge [sflag:s21], $0x80  }
0x4c: {  	[sflag:s21] =	ssyncset.done $0x0  }
0x4d: {  	[sflag:s21] =	ssyncadd.s32 $0xFFFFFF80  }
0x4e: {  	[spmem:s2] =	stream.indirect.scatter.add.f32 [tilespmem:s20], [sflag:$0x2], $0x80, s22, s22, $0xb8;
	[tilespmem:$0x17D80] =	vst v63  }
0x4f: {  	_ =	swait.ge [sflag:s23], $0x4000  }
0x50: {  	[sflag:s23] =	ssyncset.done $0x0  }
0x51: {  	[sflag:s23] =	ssyncadd.s32 $0xFFFFC000  }
0x52: {  	_ =	swait.ge [sflag:s24], $0x4000  }
0x53: {  	[sflag:s24] =	ssyncset.done $0x0  }
0x54: {  	[sflag:s24] =	ssyncadd.s32 $0xFFFFC000  }
0x55: {  	[tilespmem:s25], [sflag:$0x3] =	stream.linear.gather [hbm4b:s7+s4], $0x10, $0x38;
	[tilespmem:$0x17D80] =	vst v63  }
0x56: {  	_ =	swait.ge [sflag:s21], $0x10  }
0x57: {  	[sflag:s21] =	ssyncset.done $0x0  }
0x58: {  	[sflag:s21] =	ssyncadd.s32 $0xFFFFFFF0  }
0x59: {  	[spmem:s2] =	stream.indirect.scatter.add.f32 [tilespmem:s20], [sflag:$0x3], $0x80, s25, s26, $0xb8;
	[tilespmem:$0x17D80] =	vst v63  }
0x5a: {  	_ =	swait.ge [sflag:s21], $0x800  }
0x5b: {  	[sflag:s21] =	ssyncset.done $0x0  }
0x5c: {  	[sflag:s21] =	ssyncadd.s32 $0xFFFFF800  }
0x5d: {  	[bflag:$0x0] =	sbarrier.arrive $0xFFFF  }
0x5e: {  	[tilespmem:s20], [sflag:$0x3] =	stream.linear.gather [spmem:s6], $0x4000, $0x38;
	[tilespmem:$0x17D80] =	vst v63  }
0x5f: {  	_ =	swait.ge [sflag:s21], $0x4000  }
0x60: {  	[sflag:s21] =	ssyncset.done $0x0  }
0x61: {  	[sflag:s21] =	ssyncadd.s32 $0xFFFFC000  }
0x62: {  	[hbm4b:s8+s4] =	stream.linear.scatter [tilespmem:s20], [sflag:$0x3], $0x4000, $0x38;
	[tilespmem:$0x17D80] =	vst v63  }
0x63: {  	_ =	swait.ge [sflag:s21], $0x4000  }
0x64: {  	[sflag:s21] =	ssyncset.done $0x0  }
0x65: {  	[sflag:s21] =	ssyncadd.s32 $0xFFFFC000  }
0x66: {  	[tilespmem:s20], [sflag:$0x3] =	stream.linear.gather [spmem:s9], $0x4000, $0x38;
	[tilespmem:$0x17D80] =	vst v63  }
0x67: {  	_ =	swait.ge [sflag:s21], $0x4000  }
0x68: {  	[sflag:s21] =	ssyncset.done $0x0  }
0x69: {  	[sflag:s21] =	ssyncadd.s32 $0xFFFFC000  }
0x6a: {  	[hbm4b:s10+s4] =	stream.linear.scatter [tilespmem:s20], [sflag:$0x3], $0x4000, $0x38;
	[tilespmem:$0x17D80] =	vst v63  }
0x6b: {  	_ =	swait.ge [sflag:s21], $0x4000  }
0x6c: {  	[sflag:s21] =	ssyncset.done $0x0  }
0x6d: {  	[sflag:s21] =	ssyncadd.s32 $0xFFFFC000  }
0x6e: {  	[tilespmem:s20], [sflag:$0x3] =	stream.linear.gather [spmem:s11], $0x4000, $0x38;
	[tilespmem:$0x17D80] =	vst v63  }
0x6f: {  	_ =	swait.ge [sflag:s21], $0x4000  }
0x70: {  	[sflag:s21] =	ssyncset.done $0x0  }
0x71: {  	[sflag:s21] =	ssyncadd.s32 $0xFFFFC000  }
0x72: {  	[hbm4b:s12+s4] =	stream.linear.scatter [tilespmem:s20], [sflag:$0x3], $0x4000, $0x38;
	[tilespmem:$0x17D80] =	vst v63  }
0x73: {  	_ =	swait.ge [sflag:s21], $0x4000  }
0x74: {  	[sflag:s21] =	ssyncset.done $0x0  }
0x75: {  	[sflag:s21] =	ssyncadd.s32 $0xFFFFC000  }
0x76: {  	[tilespmem:s20], [sflag:$0x3] =	stream.linear.gather [spmem:s13], $0x4000, $0x38;
	[tilespmem:$0x17D80] =	vst v63  }
0x77: {  	_ =	swait.ge [sflag:s21], $0x4000  }
0x78: {  	[sflag:s21] =	ssyncset.done $0x0  }
0x79: {  	[sflag:s21] =	ssyncadd.s32 $0xFFFFC000  }
0x7a: {  	[hbm4b:s14+s4] =	stream.linear.scatter [tilespmem:s20], [sflag:$0x3], $0x4000, $0x38;
	[tilespmem:$0x17D80] =	vst v63  }
0x7b: {  	_ =	swait.ge [sflag:s21], $0x4000  }
0x7c: {  	[sflag:s21] =	ssyncset.done $0x0  }
0x7d: {  	[sflag:s21] =	ssyncadd.s32 $0xFFFFC000  }
0x7e: {  	[tilespmem:s20], [sflag:$0x3] =	stream.linear.gather [spmem:s15], $0x3C00, $0x38;
	[tilespmem:$0x17D80] =	vst v63  }
0x7f: {  	s28 =	sadd.s32 $0x1, s28;
	_ =	swait.ge [sflag:s21], $0x3C00  }
0x80: {  	p0 =	sne.s32 s28, s17;
	[sflag:s21] =	ssyncset.done $0x0  }
.Ltmp1:
0x81: {  	[sflag:s21] =	ssyncadd.s32 $0xFFFFC400;
	(pc) =	sbr.rel @p0 .LBB2_1-.Ltmp1, $4  }
0x82: {  	[hbm4b:s16+s4] =	stream.linear.scatter [tilespmem:s20], [sflag:$0x3], $0x3C00, $0x38;
	[tilespmem:$0x17D80] =	vst v63  }
0x83: {  	_ =	swait.ge [sflag:s21], $0x3C00  }
0x84: {  	[sflag:s21] =	ssyncset.done $0x0  }
0x85: {  	[sflag:s21] =	ssyncadd.s32 $0xFFFFC400  }
0x86: {  	_ =	sfence.sel $0x180000  }
0x87: {  	[bflag:$0x0] =	sbarrier.arrive $0xFFFF  }
0x88: {  	_ =	strace $0x90000047  }
0x89: {  	[bflag:$0x2] =	sbarrier.arrive $0xFFFF  }
0x8a: {  	p0 =	sne.s32 s3, $0x0;
	s0 =	rddreg [dreg:$0x3]  }
0x8b: {  	s0 =	sadd.s32 @!p0 $0x100000, s0  }
0x8c: {  	[sflag:s0] =	ssyncadd.tile.s32 @!p0 $0x1;
	_ =	shalt  }
.Lfunc_end2:
_tile_overlayer_lowered:
.L_overlay_start_2:
0x8d: {  	(tag) =	ssettag $0x2  }
0x8e: {  	s0 =	rddreg [dreg:$0x0];
	s2 =	stileid.u32  }
0x8f: {  	s1 =	rddreg [dreg:$0x1];
	p0 =	sne.s32 s2, $0x0  }
0x90: {  	s3 =	rddreg [dreg:$0x2];
	[bflag:$0x3] =	sbarrier.arrive $0xFFFF;
	s2 =	simm.s32 @!p0 $0x1C03  }
0x91: {  	[timem:s3], [sflag:s2] =	dma.local @!p0 [hbm:s0], s1  }
0x92: {  	s0 =	simm.s32 @!p0 $0x3  }
0x93: {  	_ =	swait.ge @!p0 [sflag:s0], s1  }
0x94: {  	s1 =	ssub.s32 @!p0 $0x0, s1;
	[sflag:s0] =	ssyncset.done @!p0 $0x0  }
0x95: {  	[sflag:s0] =	ssyncadd.s32 @!p0 s1  }
0x96: {  	[bflag:$0x3] =	sbarrier.arrive $0xFFFF  }
0x97: {  	_ =	shalt  }

// kernel: kernel.17.cloned.1.call-start
scs
__scs_entry_jumppad:
0x0: {  	(pc) =	sbr.rel $0x88, $3  }
0x1: {  	(tag) =	ssettag $0x0;
	lr =	simm.s32 $0x1  }
0x2: {  	[smem:$0x3F90] =	sst lr;
	_ =	strace $0xD0000000  }
0x3: {  	_ = 	snop  }
0x4: {  	_ = 	snop  }
0x5: {  	_ = 	snop  }
0x6: {  	_ = 	snop  }
0x7: {  	_ = 	snop  }
__scs_overlays_trampoline_lowered:
0x8: {  	[smem:$0x3F9F] =	sst s0  }
0x9: {  	[smem:$0x3FA0] =	sst s1  }
0xa: {  	[smem:$0x3FA1] =	sst s2  }
0xb: {  	[smem:$0x3FA2] =	sst s3  }
0xc: {  	[smem:$0x3FA3] =	sst s4  }
0xd: {  	[smem:$0x3FA4] =	sst s5  }
0xe: {  	[smem:$0x3FA5] =	sst s6  }
0xf: {  	[smem:$0x3FA6] =	sst s7  }
0x10: {  	[smem:$0x3FA7] =	sst s8  }
0x11: {  	[smem:$0x3FA8] =	sst s9;
	s0 =	simm.s32 @!p0 $0x0  }
0x12: {  	s1 =	sld [smem:$0x3F8E];
	s0 =	simm.s32 @p0 $0x1  }
0x13: {  	[smem:$0x3FA9] =	sst s0;
	s0 =	simm.s32 @!p1 $0x0  }
0x14: {  	s2 =	sld [smem:$0x3F8D];
	s0 =	simm.s32 @p1 $0x1  }
0x15: {  	[smem:$0x3FAA] =	sst s0;
	s0 =	simm.s32 @!p2 $0x0  }
0x16: {  	s3 =	sld [smem:$0x3FDB];
	s0 =	simm.s32 @p2 $0x1  }
0x17: {  	s4 =	simm.s32 $0x1BF5;
	[smem:$0x3FAC] =	sst s0  }
0x18: {  	s0 =	sld [smem:$0x3F8F];
	_ =	swait.ge [sflag:s4], $0x0  }
0x19: {  	s7 =	sld [smem:$0x3F90]  }
0x1a: {  	s8 =	sadd.s32 $0xFFFFE003, lr  }
0x1b: {  	s9 =	sadd.s32 $0xFFFFFEF7, lr;
	s5 =	simm.s32 $0xFFFFFFFF;
	p2 =	slt.u32 s8, $0xFFFFF086  }
0x1c: {  	p1 =	slt.u32 s9, $0xF7A;
	s5 =	simm.s32 @!p2 $0x0  }
0x1d: {  	s5 =	simm.s32 @p1 $0x1;
	p0 =	seq.s32 s7, s2  }
0x1e: {  	s7 =	smul.u32 @!p0 $0xF7A, s2;
	p2 =	seq.s32 @!p0 s5, $0x0  }
0x1f: {  	s9 =	smul.u32 $0xF7A, s1;
	s8 =	simm.s32 @!p0 $0x1BF5;
	p2 =	por !p2, p0  }
0x20: {  	[sflag:s8] =	ssyncset.s32 @!p0 $0xFFFFF086;
	s6 =	sadd.s32 @!p0 s3, s7;
	s7 =	simm.s32 @!p0 $0x108  }
0x21: {  	s3 =	sadd.s32 s3, s9;
	s6 =	sadd.s32 @!p0 $0x88, s6;
	s7 =	simm.s32 @p2 $0x1082  }
0x22: {  	[simem:s7], [sflag:s8] =	dma.local @!p0 [hbm:s6], $0xF7A  }
0x23: {  	s9 =	sor.u32 $0xD0000000, s2;
	s6 =	simm.s32 $0x108;
	_ =	swait.ge @!p0 [sflag:s8], $0x0  }
0x24: {  	s3 =	sadd.s32 $0x88, s3;
	s6 =	simm.s32 @!p1 $0x1082;
	[sflag:s4] =	ssyncset.s32 $0xFFFFF086  }
0x25: {  	[simem:s6], [sflag:s4] =	dma.local [hbm:s3], $0xF7A  }
0x26: {  	[smem:$0x3F90] =	sst s1;
	(tag) =	ssettag s2;
	_ =	strace s9  }
0x27: {  	s1 =	sld [smem:$0x3FA0]  }
0x28: {  	s2 =	sld [smem:$0x3FA1]  }
0x29: {  	s4 =	sld [smem:$0x3FA3]  }
0x2a: {  	p0 =	seq.s32 s5, $0x0;
	s5 =	sld [smem:$0x3FA4]  }
0x2b: {  	s6 =	sld [smem:$0x3FA5]  }
0x2c: {  	s7 =	sld [smem:$0x3FA6]  }
0x2d: {  	s3 =	simm.s32 $0x108;
	s8 =	sld [smem:$0x3FA7]  }
0x2e: {  	s3 =	simm.s32 @!p0 $0x1082;
	s9 =	sld [smem:$0x3FA8]  }
0x2f: {  	lr =	sadd.s32 s0, s3;
	s0 =	sld [smem:$0x3F9F]  }
0x30: {  	s3 =	sld [smem:$0x3FA2]  }
0x31: {  	[smem:$0x3FAB] =	sst s10  }
0x32: {  	s10 =	sld [smem:$0x3FA9];
	_ =	sdelay $0x3  }
0x33: {  	p0 =	seq.s32 s10, $0x1;
	s10 =	sld [smem:$0x3FAB];
	_ =	sdelay $0x3  }
0x34: {  	[smem:$0x3FAB] =	sst s10  }
0x35: {  	s10 =	sld [smem:$0x3FAA];
	_ =	sdelay $0x3  }
0x36: {  	p1 =	seq.s32 s10, $0x1;
	s10 =	sld [smem:$0x3FAB];
	_ =	sdelay $0x3  }
0x37: {  	[smem:$0x3FAB] =	sst s10  }
0x38: {  	s10 =	sld [smem:$0x3FAC]  }
0x39: {  	_ = 	snop;
	(pc) =	sbr.ind lr, $3  }
0x3a: {  	_ = 	snop  }
0x3b: {  	_ = 	snop  }
0x3c: {  	p2 =	seq.s32 s10, $0x1;
	s10 =	sld [smem:$0x3FAB]  }
0x3d: {  	_ =	shalt  }
0x3e: {  	_ =	shalt  }
0x3f: {  	_ =	shalt  }
0x40: {  	_ =	shalt  }
0x41: {  	_ =	shalt  }
0x42: {  	_ =	shalt  }
0x43: {  	_ =	shalt  }
0x44: {  	_ =	shalt  }
0x45: {  	_ =	shalt  }
0x46: {  	_ =	shalt  }
0x47: {  	_ =	shalt  }
0x48: {  	_ =	shalt  }
0x49: {  	_ =	shalt  }
0x4a: {  	_ =	shalt  }
0x4b: {  	_ =	shalt  }
0x4c: {  	_ =	shalt  }
0x4d: {  	_ =	shalt  }
0x4e: {  	_ =	shalt  }
0x4f: {  	_ =	shalt  }
0x50: {  	_ =	shalt  }
0x51: {  	_ =	shalt  }
0x52: {  	_ =	shalt  }
0x53: {  	_ =	shalt  }
0x54: {  	_ =	shalt  }
0x55: {  	_ =	shalt  }
0x56: {  	_ =	shalt  }
0x57: {  	_ =	shalt  }
0x58: {  	_ =	shalt  }
0x59: {  	_ =	shalt  }
0x5a: {  	_ =	shalt  }
0x5b: {  	_ =	shalt  }
0x5c: {  	_ =	shalt  }
0x5d: {  	_ =	shalt  }
0x5e: {  	_ =	shalt  }
0x5f: {  	_ =	shalt  }
0x60: {  	_ =	shalt  }
0x61: {  	_ =	shalt  }
0x62: {  	_ =	shalt  }
0x63: {  	_ =	shalt  }
0x64: {  	_ =	shalt  }
0x65: {  	_ =	shalt  }
0x66: {  	_ =	shalt  }
0x67: {  	_ =	shalt  }
0x68: {  	_ =	shalt  }
0x69: {  	_ =	shalt  }
0x6a: {  	_ =	shalt  }
0x6b: {  	_ =	shalt  }
0x6c: {  	_ =	shalt  }
0x6d: {  	_ =	shalt  }
0x6e: {  	_ =	shalt  }
0x6f: {  	_ =	shalt  }
0x70: {  	_ =	shalt  }
0x71: {  	_ =	shalt  }
0x72: {  	_ =	shalt  }
0x73: {  	_ =	shalt  }
0x74: {  	_ =	shalt  }
0x75: {  	_ =	shalt  }
0x76: {  	_ =	shalt  }
0x77: {  	_ =	shalt  }
0x78: {  	_ =	shalt  }
0x79: {  	_ =	shalt  }
0x7a: {  	_ =	shalt  }
0x7b: {  	_ =	shalt  }
0x7c: {  	_ =	shalt  }
0x7d: {  	_ =	shalt  }
0x7e: {  	_ =	shalt  }
0x7f: {  	_ =	shalt  }
0x80: {  	_ =	shalt  }
0x81: {  	_ =	shalt  }
0x82: {  	_ =	shalt  }
0x83: {  	_ =	shalt  }
0x84: {  	_ =	shalt  }
0x85: {  	_ =	shalt  }
0x86: {  	_ =	shalt  }
0x87: {  	_ =	shalt  }
.Lfunc_end0:
.L_simem_size_0:
called_computation.1_lowered:
.L_overlay_start_0:
0x88: {  	s2 =	sld [smem:$0x3FD9]  }
0x89: {  	s3 =	sld [smem:$0x3FFE];
	_ =	sdelay $0x1  }
0x8a: {  	s1 =	srdreg.scid  }
0x8b: {  	s0 =	sand.u32 $0x1, s1  }
0x8c: {  	s16 =	sshll.u32 s0, $0xA;
	s2 =	sadd.s32 s3, s2  }
0x8d: {  	s2 =	sadd.s32 s2, s16  }
0x8e: {  	[smem:$0x3FB7] =	sst s2  }
0x8f: {  	_ = 	snop  }
0x90: {  	(tm) =	ssettm $0x1  }
0x91: {  	s17 =	sld [smem:$0x3FFB];
	_ =	sdelay $0x3  }
0x92: {  	_ =	strace s17  }
0x93: {  	s2 =	sld [smem:$0x3FFC];
	_ =	sdelay $0x3  }
0x94: {  	_ =	strace s2  }
0x95: {  	s2 =	sld [smem:$0x3FFD];
	_ =	sdelay $0x3  }
0x96: {  	_ =	strace s2  }
0x97: {  	_ =	strace $0x8FFFFFFF  }
0x98: {  	s18 =	sld [smem:$0x3FDB];
	_ =	sdelay $0x1  }
0x99: {  	s19 =	simm.s32 $_scs_section_size  }
0x9a: {  	s4 =	simm.s32 $_size__tile_overlayer_lowered;
	s5 =	simm.s32 $_tile_overlayer_lowered  }
0x9b: {  	s22 =	simm.s32 $0x1BFF;
	s21 =	sshll.u32 s5, $0x1;
	s2 =	sadd.s32 s19, s18  }
0x9c: {  	s6 =	simm.s32 $0x0;
	s20 =	sshll.u32 s4, $0x1;
	s4 =	sadd.s32 s21, s2  }
0x9d: {  	[timem:s6], [sflag:s22] =	dma.local [hbm:s4], s20  }
0x9e: {  	_ =	swait.ge [sflag:s22], s20  }
0x9f: {  	s3 =	ssub.s32 $0x0, s20;
	[sflag:s22] =	ssyncset.done $0x0  }
0xa0: {  	[sflag:s22] =	ssyncadd.s32 s3;
	_ =	sdelay $0x1  }
0xa1: {  	s23 =	simm.s32 $0x1B8B  }
0xa2: {  	_ =	swait.ge [sflag:s23], $0x1  }
0xa3: {  	[sflag:s23] =	ssyncset.done $0x0  }
0xa4: {  	s25 =	simm.s32 $0x1B8E;
	s24 =	sld [smem:$0x3FFE];
	[sflag:s23] =	ssyncadd.s32 $0xFFFFFFFF  }
0xa5: {  	s26 =	simm.s32 $execute0_lowered;
	[smem:$0x3FD2] =	sst s25  }
0xa6: {  	s4 =	sshll.u32 s26, $0x1;
	_ =	strace $0x80000049;
	[dreg:$0x1] =	wrdreg $0xFFFFFFFF  }
0xa7: {  	s28 =	simm.s32 $_size_execute0_lowered;
	s2 =	sadd.s32 s2, s4;
	[dreg:$0x0] =	wrdreg $0x0  }
0xa8: {  	s4 =	sshll.u32 s28, $0x1;
	[dreg:$0x2] =	wrdreg s2  }
0xa9: {  	[dreg:$0x3] =	wrdreg s4  }
0xaa: {  	[dreg:$0x4] =	wrdreg $0xC0  }
0xab: {  	_ =	task [dreg:s6], $0x5FFFF  }
0xac: {  	[dreg:$0x1] =	wrdreg $0xFFFFFFFF  }
0xad: {  	[dreg:$0x0] =	wrdreg $0x60  }
0xae: {  	[dreg:$0x2] =	wrdreg s24  }
0xaf: {  	[dreg:$0x3] =	wrdreg $0xAA000  }
0xb0: {  	[dreg:$0x4] =	wrdreg $0x9  }
0xb1: {  	_ =	task.clear_ibuf [dreg:s6], $0x5FFFF;
	_ =	strace $0x90000049  }
0xb2: {  	s29 =	simm.s32 $0x9;
	_ =	strace $0x8000004B  }
0xb3: {  	_ =	swait.ge [sflag:s29], $0x1  }
0xb4: {  	[sflag:s29] =	ssyncadd.s32 $0xFFFFFFFF  }
0xb5: {  	_ =	strace $0x9000004B  }
0xb6: {  	_ =	sfence  }
0xb7: {  	s30 =	sld [smem:$0x0];
	_ =	sdelay $0x2  }
0xb8: {  	s31 =	sshll.u32 s1, $0xD;
	s1 =	sshrl.u32 s1, $0x2  }
0xb9: {  	s3 =	sand.u32 $0x4000, s31;
	s1 =	sadd.s32 s1, s30  }
0xba: {  	s0 =	sor.u32 s3, s0;
	s1 =	sshll.u32 s1, $0x11  }
0xbb: {  	s0 =	sor.u32 s1, s0  }
0xbc: {  	s0 =	sadd.s32 $0x8F2B, s0  }
0xbd: {  	[sflag:s0] =	ssyncadd.remote.s32 $0x1  }
0xbe: {  	_ =	sfence.sel $0xFFFF  }
0xbf: {  	[dreg:$0x0] =	wrdreg $0xFFFFFFFF;
	(pc) =	sbr.abs _section_cstart, $3  }
0xc0: {  	[dreg:$0x1] =	wrdreg $0xFFFFFFFF  }
0xc1: {  	_ =	task.clear_ibuf [dreg:s6], $0x2FFFF;
	_ =	strace $0x9FFFFFFF  }
0xc2: {  	(tm) =	ssettm $0x7FFFFFFF  }
0xc3: {  	_ =	shalt  }
tec
execute0_lowered:
.L_overlay_start_1:
0x0: {  	(tag) =	ssettag $0x1  }
0x1: {  	s0 =	srdreg.scid;
	s14 =	stileid.u32  }
0x2: {  	s4 =	rddreg [dreg:$0x0];
	s28 =	simm.s32 $0x5;
	s29 =	simm.s32 $0x6  }
0x3: {  	s1 =	sand.u32 $0x1, s0;
	s3 =	smul.u32 $0x13C00, s14;
	s6 =	sadd.s32 $0x41800, s4  }
0x4: {  	s22 =	smul.u32 $0x2710, s14;
	s0 =	sshll.u32 s1, $0x4;
	s23 =	ssub.s32 $0x2, s1  }
0x5: {  	s5 =	smul.u32 $0x13C000, s1;
	s0 =	sor.u32 s14, s0;
	s7 =	sshrl.u32 s23, $0x1  }
0x6: {  	s8 =	sadd.s32 $0x2000, s3;
	s10 =	sadd.s32 $0x4000, s3;
	s13 =	sadd.s32 $0x8000, s3  }
0x7: {  	s16 =	sadd.s32 $0xA000, s3;
	s17 =	sadd.s32 $0xC000, s3;
	s18 =	sadd.s32 $0xE000, s3  }
0x8: {  	s2 =	smul.u32 $0x2710, s0;
	s0 =	ssub.s32 s23, s7;
	s24 =	sadd.s32 s3, s5  }
0x9: {  	s9 =	sadd.s32 s5, s8;
	s26 =	sadd.s32 s5, s10;
	s11 =	sadd.s32 s5, s13  }
0xa: {  	s12 =	sadd.s32 s5, s16;
	s15 =	sadd.s32 s5, s17;
	s19 =	sadd.s32 s5, s18  }
0xb: {  	s23 =	smul.u32 $0x4F000, s14;
	s14 =	sadd.s32 $0xE000, s4;
	s7 =	sshrl.u32 s24, $0x3  }
0xc: {  	s9 =	sshrl.u32 s9, $0x3;
	s11 =	sshrl.u32 s11, $0x3;
	s7 =	sadd.s32 s6, s7  }
0xd: {  	s25 =	sadd.s32 s6, s9;
	s9 =	sadd.s32 $0x6000, s3;
	[dreg:$0x3] =	wrdreg s7  }
0xe: {  	s11 =	sadd.s32 s6, s11;
	[dreg:$0x4] =	wrdreg s25;
	s7 =	sshrl.u32 s26, $0x3  }
0xf: {  	s31 =	sadd.s32 s5, s9;
	[dreg:$0x7] =	wrdreg s11;
	s11 =	sshrl.u32 s19, $0x3  }
0x10: {  	s19 =	sadd.s32 $0x10000, s3;
	s3 =	sadd.s32 $0x12000, s3;
	s7 =	sadd.s32 s6, s7  }
0x11: {  	s20 =	sadd.s32 s6, s11;
	[dreg:$0x5] =	wrdreg s7;
	s7 =	sshrl.u32 s31, $0x3  }
0x12: {  	s21 =	sadd.s32 s5, s19;
	s11 =	rddreg [dreg:$0x1];
	s7 =	sadd.s32 s6, s7  }
0x13: {  	s5 =	sadd.s32 s5, s3;
	[dreg:$0x6] =	wrdreg s7;
	s7 =	sshrl.u32 s12, $0x3  }
0x14: {  	[dreg:$0xa] =	wrdreg s20;
	s5 =	sshrl.u32 s5, $0x3;
	s7 =	sadd.s32 s6, s7  }
0x15: {  	s5 =	sadd.s32 s6, s5;
	[dreg:$0x8] =	wrdreg s7;
	s7 =	sshrl.u32 s15, $0x3  }
0x16: {  	s2 =	sshrl.u32 s2, $0x3;
	[dreg:$0xc] =	wrdreg s5;
	s7 =	sadd.s32 s6, s7  }
0x17: {  	s12 =	simm.s32 $0x0;
	[dreg:$0x9] =	wrdreg s7;
	s7 =	sshrl.u32 s21, $0x3  }
0x18: {  	s24 =	sadd.s32 s2, s4;
	[smem:$0x7FF] =	sst s12;
	s7 =	sadd.s32 s6, s7  }
0x19: {  	s15 =	sadd.s32 $0x1A600, s4;
	s4 =	sadd.s32 $0x17E00, s4;
	[dreg:$0xb] =	wrdreg s7  }
0x1a: {  	s26 =	sadd.s32 $0x4200, s24;
	_ =	strace $0x8000004A;
	[dreg:$0xd] =	wrdreg s4  }
0x1b: {  	s1 =	smul.u32 $0x27100, s1;
	s31 =	sadd.s32 s8, s11;
	[dreg:$0xe] =	wrdreg s26  }
0x1c: {  	s30 =	simm.s32 $0x7;
	s6 =	sadd.s32 s10, s11;
	[dreg:$0x10] =	wrdreg s31  }
0x1d: {  	s1 =	sadd.s32 s22, s1;
	s7 =	sadd.s32 s9, s11;
	[dreg:$0x11] =	wrdreg s6  }
0x1e: {  	s0 =	smax.u32 s0, $0x1;
	s8 =	sadd.s32 s13, s11;
	[dreg:$0x12] =	wrdreg s7  }
0x1f: {  	s25 =	sshrl.u32 s23, $0x2;
	s9 =	sadd.s32 s16, s11;
	[dreg:$0x13] =	wrdreg s8  }
0x20: {  	s23 =	sadd.s32 $0x100, s1;
	s10 =	sadd.s32 s17, s11;
	[dreg:$0x14] =	wrdreg s9  }
0x21: {  	s13 =	sadd.s32 s18, s11;
	s18 =	sadd.s32 $0x180, s1;
	[dreg:$0x15] =	wrdreg s10  }
0x22: {  	s20 =	sadd.s32 $0x1C0, s1;
	s16 =	sadd.s32 s19, s11;
	[dreg:$0x16] =	wrdreg s13  }
0x23: {  	s22 =	sshrl.u32 s20, $0x3;
	s17 =	sadd.s32 s3, s11;
	[dreg:$0x17] =	wrdreg s16  }
0x24: {  	s20 =	simm.s32 $0x6A00;
	s5 =	sadd.s32 s14, s2;
	[dreg:$0x18] =	wrdreg s17  }
0x25: {  	s24 =	sadd.s32 $0x8, s5;
	s19 =	sadd.s32 $0x140, s1;
	[dreg:$0x19] =	wrdreg s0  }
0x26: {  	s4 =	sadd.s32 s25, s11;
	s0 =	sshrl.u32 s18, $0x3;
	[dreg:$0x1d] =	wrdreg s23  }
0x27: {  	s2 =	sshrl.u32 s19, $0x3;
	[dreg:$0x1e] =	wrdreg s24;
	s25 =	sadd.s32 $0x10, s5  }
0x28: {  	s26 =	sadd.s32 $0x18, s5;
	[dreg:$0xf] =	wrdreg s5;
	s31 =	sadd.s32 $0x4E0, s5  }
0x29: {  	s6 =	simm.s32 $0x9;
	s7 =	simm.s32 $0x2780;
	s8 =	simm.s32 $0x40  }
0x2a: {  	s9 =	simm.s32 $0x2A00;
	s13 =	simm.s32 $0x2800;
	s16 =	simm.s32 $0x4A00  }
0x2b: {  	s17 =	simm.s32 $0x2880;
	s23 =	simm.s32 $0x1;
	[dreg:$0x1f] =	wrdreg s25  }
0x2c: {  	s24 =	simm.s32 $0x2;
	s5 =	simm.s32 $0x0;
	[smem:$0x7FC] =	sst s26  }
0x2d: {  	s0 =	sadd.s32 s0, s14;
	s21 =	sadd.s32 s2, s14;
	[smem:$0x7FD] =	sst s31  }
0x2e: {  	s25 =	simm.s32 $0x3;
	s26 =	simm.s32 $0x4;
	[dreg:$0x1a] =	wrdreg s0  }
0x2f: {  	s2 =	simm.s32 $0x8;
	[dreg:$0x1b] =	wrdreg s21;
	s0 =	sadd.s32 s22, s14  }
0x30: {  	s21 =	simm.s32 $0x2900;
	s22 =	simm.s32 $0x8A00;
	[dreg:$0x1c] =	wrdreg s0  }
.LBB2_1:
0x31: {  	s0 =	rddreg [dreg:$0xe]  }
0x32: {  	[tilespmem:s12], [sflag:$0x9] =	stream.linear.gather [hbm4b:s0+s12], $0x2710, $0x38;
	[tilespmem:$0x1E600] =	vst v63  }
0x33: {  	s3 =	stileid.u32;
	_ =	swait.ge [sflag:s6], $0x2710  }
0x34: {  	s10 =	sshrl.u32 s4, $0x3;
	s3 =	sshll.u32 s3, $0x6;
	[sflag:s6] =	ssyncset.done $0x0  }
0x35: {  	s3 =	sor.u32 $0x1C09, s3;
	s18 =	rddreg [dreg:$0xd];
	[sflag:s6] =	ssyncadd.s32 $0xFFFFD8F0  }
0x36: {  	[spmem:s10], [sflag:s3] =	dma.local [hbm:s18], $0x2780  }
0x37: {  	_ =	swait.ge [sflag:s6], $0x2780  }
0x38: {  	[sflag:s6] =	ssyncset.done $0x0  }
0x39: {  	[sflag:s6] =	ssyncadd.s32 $0xFFFFD880  }
0x3a: {  	[bflag:$0x0] =	sbarrier.arrive $0xFFFF  }
0x3b: {  	s19 =	rddreg [dreg:$0xf]  }
0x3c: {  	[tilespmem:s7], [sflag:$0x9] =	stream.linear.gather [hbm4b:s19+s12], $0x40, $0x38;
	[tilespmem:$0x1E600] =	vst v63  }
0x3d: {  	_ =	swait.ge [sflag:s6], $0x40  }
0x3e: {  	[sflag:s6] =	ssyncset.done $0x0  }
0x3f: {  	[sflag:s6] =	ssyncadd.s32 $0xFFFFFFC0  }
0x40: {  	[tilespmem:s9], [sflag:$0x1] =	stream.indirect.gather [hbm4b:s15+s8], $0x80, s12, s8, $0xb8;
	[tilespmem:$0x1E600] =	vst v63  }
0x41: {  	s3 =	rddreg [dreg:$0x1e]  }
0x42: {  	[tilespmem:s13], [sflag:$0x9] =	stream.linear.gather [hbm4b:s3+s12], $0x40, $0x38;
	[tilespmem:$0x1E600] =	vst v63  }
0x43: {  	_ =	swait.ge [sflag:s6], $0x40  }
0x44: {  	[sflag:s6] =	ssyncset.done $0x0  }
0x45: {  	[sflag:s6] =	ssyncadd.s32 $0xFFFFFFC0  }
0x46: {  	[tilespmem:s16], [sflag:$0x2] =	stream.indirect.gather [hbm4b:s15+s8], $0x80, s8, s8, $0xb8;
	[tilespmem:$0x1E600] =	vst v63  }
0x47: {  	s1 =	smov.u32 s4;
	s4 =	rddreg [dreg:$0x1f]  }
0x48: {  	[tilespmem:s17], [sflag:$0x9] =	stream.linear.gather [hbm4b:s4+s12], $0x40, $0x38;
	[tilespmem:$0x1E600] =	vst v63  }
0x49: {  	_ =	swait.ge [sflag:s6], $0x40  }
0x4a: {  	[sflag:s6] =	ssyncset.done $0x0  }
0x4b: {  	s10 =	simm.s32 $0x80;
	s18 =	sld [smem:$0x7FC];
	[sflag:s6] =	ssyncadd.s32 $0xFFFFFFC0  }
0x4c: {  	[tilespmem:s20], [sflag:$0x3] =	stream.indirect.gather [hbm4b:s15+s8], $0x80, s10, s8, $0xb8;
	[tilespmem:$0x1E600] =	vst v63  }
0x4d: {  	_ = 	snop  }
0x4e: {  	[tilespmem:s21], [sflag:$0x9] =	stream.linear.gather [hbm4b:s18+s12], $0x40, $0x38;
	[tilespmem:$0x1E600] =	vst v63  }
0x4f: {  	_ =	swait.ge [sflag:s6], $0x40  }
0x50: {  	[sflag:s6] =	ssyncset.done $0x0  }
0x51: {  	s19 =	simm.s32 $0xC0;
	[sflag:s6] =	ssyncadd.s32 $0xFFFFFFC0  }
0x52: {  	[tilespmem:s22], [sflag:$0x4] =	stream.indirect.gather [hbm4b:s15+s8], $0x80, s19, s8, $0xb8;
	[tilespmem:$0x1E600] =	vst v63  }
0x53: {  	_ =	swait.ge [sflag:s23], $0x2000  }
0x54: {  	[sflag:s23] =	ssyncset.done $0x0  }
0x55: {  	[sflag:s23] =	ssyncadd.s32 $0xFFFFE000  }
0x56: {  	[spmem:s11] =	stream.indirect.scatter.add.f32 [tilespmem:s9], [sflag:$0x5], $0x80, s7, s8, $0xb8;
	[tilespmem:$0x1E600] =	vst v63  }
0x57: {  	_ =	swait.ge [sflag:s24], $0x2000  }
0x58: {  	[sflag:s24] =	ssyncset.done $0x0  }
0x59: {  	[sflag:s24] =	ssyncadd.s32 $0xFFFFE000  }
0x5a: {  	[spmem:s11] =	stream.indirect.scatter.add.f32 [tilespmem:s16], [sflag:$0x6], $0x80, s13, s8, $0xb8;
	[tilespmem:$0x1E600] =	vst v63  }
0x5b: {  	_ =	swait.ge [sflag:s25], $0x2000  }
0x5c: {  	[sflag:s25] =	ssyncset.done $0x0  }
0x5d: {  	[sflag:s25] =	ssyncadd.s32 $0xFFFFE000  }
0x5e: {  	[spmem:s11] =	stream.indirect.scatter.add.f32 [tilespmem:s20], [sflag:$0x7], $0x80, s17, s8, $0xb8;
	[tilespmem:$0x1E600] =	vst v63  }
0x5f: {  	_ =	swait.ge [sflag:s26], $0x2000  }
0x60: {  	[sflag:s26] =	ssyncset.done $0x0  }
0x61: {  	[sflag:s26] =	ssyncadd.s32 $0xFFFFE000  }
0x62: {  	[spmem:s11] =	stream.indirect.scatter.add.f32 [tilespmem:s22], [sflag:$0x8], $0x80, s21, s8, $0xb8;
	[tilespmem:$0x1E600] =	vst v63  }
0x63: {  	_ =	swait.ge [sflag:s28], $0x2000  }
0x64: {  	s4 =	rddreg [dreg:$0x1d]  }
0x65: {  	[sflag:s28] =	ssyncset.done $0x0;
	s0 =	sshrl.u32 s4, $0x3  }
0x66: {  	[sflag:s28] =	ssyncadd.s32 $0xFFFFE000;
	s3 =	sadd.s32 s14, s0  }
0x67: {  	[tilespmem:s7], [sflag:$0x9] =	stream.linear.gather [hbm4b:s3+s12], $0x40, $0x38;
	[tilespmem:$0x1E600] =	vst v63  }
0x68: {  	_ =	swait.ge [sflag:s6], $0x40  }
0x69: {  	[sflag:s6] =	ssyncset.done $0x0  }
0x6a: {  	s10 =	simm.s32 $0x100;
	[sflag:s6] =	ssyncadd.s32 $0xFFFFFFC0  }
0x6b: {  	[tilespmem:s9], [sflag:$0x1] =	stream.indirect.gather [hbm4b:s15+s8], $0x80, s10, s8, $0xb8;
	[tilespmem:$0x1E600] =	vst v63  }
0x6c: {  	_ =	swait.ge [sflag:s29], $0x2000  }
0x6d: {  	[sflag:s29] =	ssyncset.done $0x0  }
0x6e: {  	s10 =	rddreg [dreg:$0x1b];
	[sflag:s29] =	ssyncadd.s32 $0xFFFFE000  }
0x6f: {  	[tilespmem:s13], [sflag:$0x9] =	stream.linear.gather [hbm4b:s10+s12], $0x40, $0x38;
	[tilespmem:$0x1E600] =	vst v63  }
0x70: {  	_ =	swait.ge [sflag:s6], $0x40  }
0x71: {  	[sflag:s6] =	ssyncset.done $0x0  }
0x72: {  	s18 =	simm.s32 $0x140;
	[sflag:s6] =	ssyncadd.s32 $0xFFFFFFC0  }
0x73: {  	[tilespmem:s16], [sflag:$0x2] =	stream.indirect.gather [hbm4b:s15+s8], $0x80, s18, s8, $0xb8;
	[tilespmem:$0x1E600] =	vst v63  }
0x74: {  	_ =	swait.ge [sflag:s30], $0x2000  }
0x75: {  	[sflag:s30] =	ssyncset.done $0x0  }
0x76: {  	s0 =	rddreg [dreg:$0x1a];
	[sflag:s30] =	ssyncadd.s32 $0xFFFFE000  }
0x77: {  	[tilespmem:s17], [sflag:$0x9] =	stream.linear.gather [hbm4b:s0+s12], $0x40, $0x38;
	[tilespmem:$0x1E600] =	vst v63  }
0x78: {  	_ =	swait.ge [sflag:s6], $0x40  }
0x79: {  	[sflag:s6] =	ssyncset.done $0x0  }
0x7a: {  	s19 =	simm.s32 $0x180;
	[sflag:s6] =	ssyncadd.s32 $0xFFFFFFC0  }
0x7b: {  	[tilespmem:s20], [sflag:$0x3] =	stream.indirect.gather [hbm4b:s15+s8], $0x80, s19, s8, $0xb8;
	[tilespmem:$0x1E600] =	vst v63  }
0x7c: {  	_ =	swait.ge [sflag:s2], $0x2000  }
0x7d: {  	[sflag:s2] =	ssyncset.done $0x0  }
0x7e: {  	s18 =	rddreg [dreg:$0x1c];
	[sflag:s2] =	ssyncadd.s32 $0xFFFFE000  }
0x7f: {  	[tilespmem:s21], [sflag:$0x9] =	stream.linear.gather [hbm4b:s18+s12], $0x40, $0x38;
	[tilespmem:$0x1E600] =	vst v63  }
0x80: {  	s4 =	sadd.s32 $0x100, s4;
	s3 =	simm.s32 $0x400;
	_ =	swait.ge [sflag:s6], $0x40  }
0x81: {  	s31 =	sadd.s32 $0x20, s0;
	s19 =	sadd.s32 $0x20, s10;
	[sflag:s6] =	ssyncset.done $0x0  }
0x82: {  	s10 =	simm.s32 $0x1C0;
	s18 =	sadd.s32 $0x20, s18;
	[sflag:s6] =	ssyncadd.s32 $0xFFFFFFC0  }
.LBB2_2:
0x83: {  	[tilespmem:s22], [sflag:$0x4] =	stream.indirect.gather [hbm4b:s15+s8], $0x80, s10, s8, $0xb8;
	[tilespmem:$0x1E600] =	vst v63  }
0x84: {  	s10 =	smov.u32 s3  }
0x85: {  	p0 =	sne.s32 s3, $0x9400;
	s3 =	sadd.s32 $0x400, s3;
	_ =	swait.ge [sflag:s23], $0x2000  }
0x86: {  	[sflag:s23] =	ssyncset.done $0x0  }
0x87: {  	[sflag:s23] =	ssyncadd.s32 $0xFFFFE000  }
0x88: {  	[spmem:s11] =	stream.indirect.scatter.add.f32 [tilespmem:s9], [sflag:$0x5], $0x80, s7, s8, $0xb8;
	[tilespmem:$0x1E600] =	vst v63  }
0x89: {  	_ =	swait.ge [sflag:s24], $0x2000  }
0x8a: {  	[sflag:s24] =	ssyncset.done $0x0  }
0x8b: {  	[sflag:s24] =	ssyncadd.s32 $0xFFFFE000  }
0x8c: {  	[spmem:s11] =	stream.indirect.scatter.add.f32 [tilespmem:s16], [sflag:$0x6], $0x80, s13, s8, $0xb8;
	[tilespmem:$0x1E600] =	vst v63  }
0x8d: {  	_ =	swait.ge [sflag:s25], $0x2000  }
0x8e: {  	[sflag:s25] =	ssyncset.done $0x0  }
0x8f: {  	[sflag:s25] =	ssyncadd.s32 $0xFFFFE000  }
0x90: {  	[spmem:s11] =	stream.indirect.scatter.add.f32 [tilespmem:s20], [sflag:$0x7], $0x80, s17, s8, $0xb8;
	[tilespmem:$0x1E600] =	vst v63  }
0x91: {  	_ =	swait.ge [sflag:s26], $0x2000  }
0x92: {  	[sflag:s26] =	ssyncset.done $0x0  }
0x93: {  	[sflag:s26] =	ssyncadd.s32 $0xFFFFE000  }
0x94: {  	[spmem:s11] =	stream.indirect.scatter.add.f32 [tilespmem:s22], [sflag:$0x8], $0x80, s21, s8, $0xb8;
	[tilespmem:$0x1E600] =	vst v63  }
0x95: {  	_ =	swait.ge [sflag:s28], $0x2000  }
0x96: {  	s0 =	sshrl.u32 s4, $0x3;
	[sflag:s28] =	ssyncset.done $0x0  }
0x97: {  	s0 =	sadd.s32 s14, s0;
	[sflag:s28] =	ssyncadd.s32 $0xFFFFE000  }
0x98: {  	[tilespmem:s7], [sflag:$0x9] =	stream.linear.gather [hbm4b:s0+s12], $0x40, $0x38;
	[tilespmem:$0x1E600] =	vst v63  }
0x99: {  	_ =	swait.ge [sflag:s6], $0x40  }
0x9a: {  	s0 =	sshra.s32 s10, $0x2;
	[sflag:s6] =	ssyncset.done $0x0  }
0x9b: {  	s10 =	sadd.s32 $0x100, s0;
	[sflag:s6] =	ssyncadd.s32 $0xFFFFFFC0  }
0x9c: {  	[tilespmem:s9], [sflag:$0x1] =	stream.indirect.gather [hbm4b:s15+s8], $0x80, s10, s8, $0xb8;
	[tilespmem:$0x1E600] =	vst v63  }
0x9d: {  	_ =	swait.ge [sflag:s29], $0x2000  }
0x9e: {  	[sflag:s29] =	ssyncset.done $0x0  }
0x9f: {  	[sflag:s29] =	ssyncadd.s32 $0xFFFFE000  }
0xa0: {  	[tilespmem:s13], [sflag:$0x9] =	stream.linear.gather [hbm4b:s19+s12], $0x40, $0x38;
	[tilespmem:$0x1E600] =	vst v63  }
0xa1: {  	_ =	swait.ge [sflag:s6], $0x40  }
0xa2: {  	[sflag:s6] =	ssyncset.done $0x0  }
0xa3: {  	s10 =	sadd.s32 $0x140, s0;
	[sflag:s6] =	ssyncadd.s32 $0xFFFFFFC0  }
0xa4: {  	[tilespmem:s16], [sflag:$0x2] =	stream.indirect.gather [hbm4b:s15+s8], $0x80, s10, s8, $0xb8;
	[tilespmem:$0x1E600] =	vst v63  }
0xa5: {  	_ =	swait.ge [sflag:s30], $0x2000  }
0xa6: {  	[sflag:s30] =	ssyncset.done $0x0  }
0xa7: {  	[sflag:s30] =	ssyncadd.s32 $0xFFFFE000  }
0xa8: {  	[tilespmem:s17], [sflag:$0x9] =	stream.linear.gather [hbm4b:s31+s12], $0x40, $0x38;
	[tilespmem:$0x1E600] =	vst v63  }
0xa9: {  	_ =	swait.ge [sflag:s6], $0x40  }
0xaa: {  	[sflag:s6] =	ssyncset.done $0x0  }
0xab: {  	s10 =	sadd.s32 $0x180, s0;
	[sflag:s6] =	ssyncadd.s32 $0xFFFFFFC0  }
0xac: {  	[tilespmem:s20], [sflag:$0x3] =	stream.indirect.gather [hbm4b:s15+s8], $0x80, s10, s8, $0xb8;
	[tilespmem:$0x1E600] =	vst v63  }
0xad: {  	_ =	swait.ge [sflag:s2], $0x2000  }
0xae: {  	[sflag:s2] =	ssyncset.done $0x0  }
.Ltmp0:
0xaf: {  	[sflag:s2] =	ssyncadd.s32 $0xFFFFE000;
	(pc) =	sbr.rel @p0 .LBB2_2-.Ltmp0, $4  }
0xb0: {  	[tilespmem:s21], [sflag:$0x9] =	stream.linear.gather [hbm4b:s18+s12], $0x40, $0x38;
	[tilespmem:$0x1E600] =	vst v63  }
0xb1: {  	s4 =	sadd.s32 $0x100, s4;
	_ =	swait.ge [sflag:s6], $0x40  }
0xb2: {  	s19 =	sadd.s32 $0x20, s19;
	s18 =	sadd.s32 $0x20, s18;
	[sflag:s6] =	ssyncset.done $0x0  }
0xb3: {  	s31 =	sadd.s32 $0x20, s31;
	s10 =	sadd.s32 $0x1C0, s0;
	[sflag:s6] =	ssyncadd.s32 $0xFFFFFFC0  }
0xb4: {  	[tilespmem:s22], [sflag:$0x4] =	stream.indirect.gather [hbm4b:s15+s8], $0x80, s10, s8, $0xb8;
	[tilespmem:$0x1E600] =	vst v63  }
0xb5: {  	_ =	swait.ge [sflag:s23], $0x2000  }
0xb6: {  	[sflag:s23] =	ssyncset.done $0x0  }
0xb7: {  	[sflag:s23] =	ssyncadd.s32 $0xFFFFE000  }
0xb8: {  	[spmem:s11] =	stream.indirect.scatter.add.f32 [tilespmem:s9], [sflag:$0x9], $0x80, s7, s8, $0xb8;
	[tilespmem:$0x1E600] =	vst v63  }
0xb9: {  	_ =	swait.ge [sflag:s6], $0x2000  }
0xba: {  	[sflag:s6] =	ssyncset.done $0x0  }
0xbb: {  	[sflag:s6] =	ssyncadd.s32 $0xFFFFE000  }
0xbc: {  	_ =	swait.ge [sflag:s24], $0x2000  }
0xbd: {  	[sflag:s24] =	ssyncset.done $0x0  }
0xbe: {  	[sflag:s24] =	ssyncadd.s32 $0xFFFFE000  }
0xbf: {  	[spmem:s11] =	stream.indirect.scatter.add.f32 [tilespmem:s16], [sflag:$0x9], $0x80, s13, s8, $0xb8;
	[tilespmem:$0x1E600] =	vst v63  }
0xc0: {  	_ =	swait.ge [sflag:s6], $0x2000  }
0xc1: {  	[sflag:s6] =	ssyncset.done $0x0  }
0xc2: {  	[sflag:s6] =	ssyncadd.s32 $0xFFFFE000  }
0xc3: {  	_ =	swait.ge [sflag:s25], $0x2000  }
0xc4: {  	[sflag:s25] =	ssyncset.done $0x0  }
0xc5: {  	[sflag:s25] =	ssyncadd.s32 $0xFFFFE000  }
0xc6: {  	[spmem:s11] =	stream.indirect.scatter.add.f32 [tilespmem:s20], [sflag:$0x9], $0x80, s17, s8, $0xb8;
	[tilespmem:$0x1E600] =	vst v63  }
0xc7: {  	_ =	swait.ge [sflag:s6], $0x2000  }
0xc8: {  	[sflag:s6] =	ssyncset.done $0x0  }
0xc9: {  	[sflag:s6] =	ssyncadd.s32 $0xFFFFE000  }
0xca: {  	_ =	swait.ge [sflag:s26], $0x2000  }
0xcb: {  	[sflag:s26] =	ssyncset.done $0x0  }
0xcc: {  	[sflag:s26] =	ssyncadd.s32 $0xFFFFE000  }
0xcd: {  	[spmem:s11] =	stream.indirect.scatter.add.f32 [tilespmem:s22], [sflag:$0x9], $0x80, s21, s8, $0xb8;
	[tilespmem:$0x1E600] =	vst v63  }
0xce: {  	_ =	swait.ge [sflag:s6], $0x2000  }
0xcf: {  	s0 =	sld [smem:$0x7FD]  }
0xd0: {  	[sflag:s6] =	ssyncset.done $0x0  }
0xd1: {  	s3 =	simm.s32 $0x2980;
	[sflag:s6] =	ssyncadd.s32 $0xFFFFE000  }
0xd2: {  	[tilespmem:s3], [sflag:$0x9] =	stream.linear.gather [hbm4b:s0+s12], $0x10, $0x38;
	[tilespmem:$0x1E600] =	vst v63  }
0xd3: {  	_ =	swait.ge [sflag:s6], $0x10  }
0xd4: {  	[sflag:s6] =	ssyncset.done $0x0  }
0xd5: {  	s18 =	simm.s32 $0x10;
	s4 =	simm.s32 $0x2700;
	[sflag:s6] =	ssyncadd.s32 $0xFFFFFFF0  }
0xd6: {  	[tilespmem:s9], [sflag:$0x1] =	stream.indirect.gather [hbm4b:s15+s18], $0x80, s4, s18, $0xb8;
	[tilespmem:$0x1E600] =	vst v63  }
0xd7: {  	_ =	swait.ge [sflag:s23], $0x800  }
0xd8: {  	[sflag:s23] =	ssyncset.done $0x0  }
0xd9: {  	[sflag:s23] =	ssyncadd.s32 $0xFFFFF800  }
0xda: {  	[spmem:s11] =	stream.indirect.scatter.add.f32 [tilespmem:s9], [sflag:$0x9], $0x80, s3, s18, $0xb8;
	[tilespmem:$0x1E600] =	vst v63  }
0xdb: {  	_ =	swait.ge [sflag:s6], $0x800  }
0xdc: {  	[sflag:s6] =	ssyncset.done $0x0  }
0xdd: {  	[sflag:s6] =	ssyncadd.s32 $0xFFFFF800  }
0xde: {  	[bflag:$0x0] =	sbarrier.arrive $0xFFFF  }
0xdf: {  	[tilespmem:s9], [sflag:$0x9] =	stream.linear.gather [spmem:s1], $0x2000, $0x38;
	[tilespmem:$0x1E600] =	vst v63  }
0xe0: {  	_ =	swait.ge [sflag:s6], $0x2000  }
0xe1: {  	[sflag:s6] =	ssyncset.done $0x0  }
0xe2: {  	s19 =	rddreg [dreg:$0x3];
	[sflag:s6] =	ssyncadd.s32 $0xFFFFE000  }
0xe3: {  	[hbm4b:s19+s12] =	stream.linear.scatter [tilespmem:s9], [sflag:$0x9], $0x2000, $0x38;
	[tilespmem:$0x1E600] =	vst v63  }
0xe4: {  	_ =	swait.ge [sflag:s6], $0x2000  }
0xe5: {  	[sflag:s6] =	ssyncset.done $0x0  }
0xe6: {  	s31 =	rddreg [dreg:$0x10];
	[sflag:s6] =	ssyncadd.s32 $0xFFFFE000  }
0xe7: {  	[tilespmem:s9], [sflag:$0x9] =	stream.linear.gather [spmem:s31], $0x2000, $0x38;
	[tilespmem:$0x1E600] =	vst v63  }
0xe8: {  	_ =	swait.ge [sflag:s6], $0x2000  }
0xe9: {  	[sflag:s6] =	ssyncset.done $0x0  }
0xea: {  	s4 =	smov.u32 s1;
	s1 =	rddreg [dreg:$0x4];
	[sflag:s6] =	ssyncadd.s32 $0xFFFFE000  }
0xeb: {  	[hbm4b:s1+s12] =	stream.linear.scatter [tilespmem:s9], [sflag:$0x9], $0x2000, $0x38;
	[tilespmem:$0x1E600] =	vst v63  }
0xec: {  	_ =	swait.ge [sflag:s6], $0x2000  }
0xed: {  	[sflag:s6] =	ssyncset.done $0x0  }
0xee: {  	s3 =	rddreg [dreg:$0x11];
	[sflag:s6] =	ssyncadd.s32 $0xFFFFE000  }
0xef: {  	[tilespmem:s9], [sflag:$0x9] =	stream.linear.gather [spmem:s3], $0x2000, $0x38;
	[tilespmem:$0x1E600] =	vst v63  }
0xf0: {  	_ =	swait.ge [sflag:s6], $0x2000  }
0xf1: {  	[sflag:s6] =	ssyncset.done $0x0  }
0xf2: {  	s10 =	rddreg [dreg:$0x5];
	[sflag:s6] =	ssyncadd.s32 $0xFFFFE000  }
0xf3: {  	[hbm4b:s10+s12] =	stream.linear.scatter [tilespmem:s9], [sflag:$0x9], $0x2000, $0x38;
	[tilespmem:$0x1E600] =	vst v63  }
0xf4: {  	_ =	swait.ge [sflag:s6], $0x2000  }
0xf5: {  	[sflag:s6] =	ssyncset.done $0x0  }
0xf6: {  	s18 =	rddreg [dreg:$0x12];
	[sflag:s6] =	ssyncadd.s32 $0xFFFFE000  }
0xf7: {  	[tilespmem:s9], [sflag:$0x9] =	stream.linear.gather [spmem:s18], $0x2000, $0x38;
	[tilespmem:$0x1E600] =	vst v63  }
0xf8: {  	_ =	swait.ge [sflag:s6], $0x2000  }
0xf9: {  	[sflag:s6] =	ssyncset.done $0x0  }
0xfa: {  	s19 =	rddreg [dreg:$0x6];
	[sflag:s6] =	ssyncadd.s32 $0xFFFFE000  }
0xfb: {  	[hbm4b:s19+s12] =	stream.linear.scatter [tilespmem:s9], [sflag:$0x9], $0x2000, $0x38;
	[tilespmem:$0x1E600] =	vst v63  }
0xfc: {  	_ =	swait.ge [sflag:s6], $0x2000  }
0xfd: {  	[sflag:s6] =	ssyncset.done $0x0  }
0xfe: {  	s31 =	rddreg [dreg:$0x13];
	[sflag:s6] =	ssyncadd.s32 $0xFFFFE000  }
0xff: {  	[tilespmem:s9], [sflag:$0x9] =	stream.linear.gather [spmem:s31], $0x2000, $0x38;
	[tilespmem:$0x1E600] =	vst v63  }
0x100: {  	_ =	swait.ge [sflag:s6], $0x2000  }
0x101: {  	[sflag:s6] =	ssyncset.done $0x0  }
0x102: {  	s1 =	rddreg [dreg:$0x7];
	[sflag:s6] =	ssyncadd.s32 $0xFFFFE000  }
0x103: {  	[hbm4b:s1+s12] =	stream.linear.scatter [tilespmem:s9], [sflag:$0x9], $0x2000, $0x38;
	[tilespmem:$0x1E600] =	vst v63  }
0x104: {  	_ =	swait.ge [sflag:s6], $0x2000  }
0x105: {  	[sflag:s6] =	ssyncset.done $0x0  }
0x106: {  	s3 =	rddreg [dreg:$0x14];
	[sflag:s6] =	ssyncadd.s32 $0xFFFFE000  }
0x107: {  	[tilespmem:s9], [sflag:$0x9] =	stream.linear.gather [spmem:s3], $0x2000, $0x38;
	[tilespmem:$0x1E600] =	vst v63  }
0x108: {  	_ =	swait.ge [sflag:s6], $0x2000  }
0x109: {  	[sflag:s6] =	ssyncset.done $0x0  }
0x10a: {  	s10 =	rddreg [dreg:$0x8];
	[sflag:s6] =	ssyncadd.s32 $0xFFFFE000  }
0x10b: {  	[hbm4b:s10+s12] =	stream.linear.scatter [tilespmem:s9], [sflag:$0x9], $0x2000, $0x38;
	[tilespmem:$0x1E600] =	vst v63  }
0x10c: {  	_ =	swait.ge [sflag:s6], $0x2000  }
0x10d: {  	[sflag:s6] =	ssyncset.done $0x0  }
0x10e: {  	s18 =	rddreg [dreg:$0x15];
	[sflag:s6] =	ssyncadd.s32 $0xFFFFE000  }
0x10f: {  	[tilespmem:s9], [sflag:$0x9] =	stream.linear.gather [spmem:s18], $0x2000, $0x38;
	[tilespmem:$0x1E600] =	vst v63  }
0x110: {  	_ =	swait.ge [sflag:s6], $0x2000  }
0x111: {  	[sflag:s6] =	ssyncset.done $0x0  }
0x112: {  	s19 =	rddreg [dreg:$0x9];
	[sflag:s6] =	ssyncadd.s32 $0xFFFFE000  }
0x113: {  	[hbm4b:s19+s12] =	stream.linear.scatter [tilespmem:s9], [sflag:$0x9], $0x2000, $0x38;
	[tilespmem:$0x1E600] =	vst v63  }
0x114: {  	_ =	swait.ge [sflag:s6], $0x2000  }
0x115: {  	[sflag:s6] =	ssyncset.done $0x0  }
0x116: {  	s31 =	rddreg [dreg:$0x16];
	[sflag:s6] =	ssyncadd.s32 $0xFFFFE000  }
0x117: {  	[tilespmem:s9], [sflag:$0x9] =	stream.linear.gather [spmem:s31], $0x2000, $0x38;
	[tilespmem:$0x1E600] =	vst v63  }
0x118: {  	_ =	swait.ge [sflag:s6], $0x2000  }
0x119: {  	[sflag:s6] =	ssyncset.done $0x0  }
0x11a: {  	s1 =	rddreg [dreg:$0xa];
	[sflag:s6] =	ssyncadd.s32 $0xFFFFE000  }
0x11b: {  	[hbm4b:s1+s12] =	stream.linear.scatter [tilespmem:s9], [sflag:$0x9], $0x2000, $0x38;
	[tilespmem:$0x1E600] =	vst v63  }
0x11c: {  	_ =	swait.ge [sflag:s6], $0x2000  }
0x11d: {  	[sflag:s6] =	ssyncset.done $0x0  }
0x11e: {  	s3 =	rddreg [dreg:$0x17];
	[sflag:s6] =	ssyncadd.s32 $0xFFFFE000  }
0x11f: {  	[tilespmem:s9], [sflag:$0x9] =	stream.linear.gather [spmem:s3], $0x2000, $0x38;
	[tilespmem:$0x1E600] =	vst v63  }
0x120: {  	_ =	swait.ge [sflag:s6], $0x2000  }
0x121: {  	[sflag:s6] =	ssyncset.done $0x0  }
0x122: {  	s10 =	rddreg [dreg:$0xb];
	[sflag:s6] =	ssyncadd.s32 $0xFFFFE000  }
0x123: {  	[hbm4b:s10+s12] =	stream.linear.scatter [tilespmem:s9], [sflag:$0x9], $0x2000, $0x38;
	[tilespmem:$0x1E600] =	vst v63  }
0x124: {  	_ =	swait.ge [sflag:s6], $0x2000  }
0x125: {  	[sflag:s6] =	ssyncset.done $0x0  }
0x126: {  	s18 =	rddreg [dreg:$0x18];
	[sflag:s6] =	ssyncadd.s32 $0xFFFFE000  }
0x127: {  	[tilespmem:s9], [sflag:$0x9] =	stream.linear.gather [spmem:s18], $0x1C00, $0x38;
	[tilespmem:$0x1E600] =	vst v63  }
0x128: {  	_ =	swait.ge [sflag:s6], $0x1C00  }
0x129: {  	[sflag:s6] =	ssyncset.done $0x0  }
0x12a: {  	s19 =	rddreg [dreg:$0xc];
	[sflag:s6] =	ssyncadd.s32 $0xFFFFE400  }
0x12b: {  	[hbm4b:s19+s12] =	stream.linear.scatter [tilespmem:s9], [sflag:$0x9], $0x1C00, $0x38;
	[tilespmem:$0x1E600] =	vst v63  }
0x12c: {  	_ =	swait.ge [sflag:s6], $0x1C00  }
0x12d: {  	s5 =	sadd.s32 $0x1, s5;
	s31 =	rddreg [dreg:$0x19]  }
0x12e: {  	p0 =	sne.s32 s5, s31  }
.Ltmp1:
0x12f: {  	_ = 	snop;
	(pc) =	sbr.rel @p0 .LBB2_1-.Ltmp1, $3  }
0x130: {  	_ =	sdelay $0x1  }
0x131: {  	[sflag:s6] =	ssyncset.done $0x0  }
0x132: {  	[sflag:s6] =	ssyncadd.s32 $0xFFFFE400  }
0x133: {  	_ =	sfence.sel $0x180000  }
0x134: {  	[bflag:$0x0] =	sbarrier.arrive $0xFFFF  }
0x135: {  	_ =	strace $0x9000004A  }
0x136: {  	s0 =	stileid.u32;
	[bflag:$0x2] =	sbarrier.arrive $0xFFFF  }
0x137: {  	p0 =	sne.s32 s0, $0x0;
	s0 =	rddreg [dreg:$0x2]  }
0x138: {  	s0 =	sadd.s32 @!p0 $0x100000, s0  }
0x139: {  	[sflag:s0] =	ssyncadd.tile.s32 @!p0 $0x1;
	_ =	shalt  }
.Lfunc_end2:
_tile_overlayer_lowered:
.L_overlay_start_2:
0x13a: {  	(tag) =	ssettag $0x2  }
0x13b: {  	s0 =	rddreg [dreg:$0x0];
	s2 =	stileid.u32  }
0x13c: {  	s1 =	rddreg [dreg:$0x1];
	p0 =	sne.s32 s2, $0x0  }
0x13d: {  	s3 =	rddreg [dreg:$0x2];
	[bflag:$0x3] =	sbarrier.arrive $0xFFFF;
	s2 =	simm.s32 @!p0 $0x1C09  }
0x13e: {  	[timem:s3], [sflag:s2] =	dma.local @!p0 [hbm:s0], s1  }
0x13f: {  	s0 =	simm.s32 @!p0 $0x9  }
0x140: {  	_ =	swait.ge @!p0 [sflag:s0], s1  }
0x141: {  	s1 =	ssub.s32 @!p0 $0x0, s1;
	[sflag:s0] =	ssyncset.done @!p0 $0x0  }
0x142: {  	[sflag:s0] =	ssyncadd.s32 @!p0 s1  }
0x143: {  	[bflag:$0x3] =	sbarrier.arrive $0xFFFF  }
0x144: {  	_ =	shalt  }

// kernel: kernel.20.cloned.1.call-start
scs
__scs_entry_jumppad:
0x0: {  	(pc) =	sbr.rel $0x88, $3  }
0x1: {  	(tag) =	ssettag $0x0;
	lr =	simm.s32 $0x1  }
0x2: {  	[smem:$0x3F90] =	sst lr;
	_ =	strace $0xD0000000  }
0x3: {  	_ = 	snop  }
0x4: {  	_ = 	snop  }
0x5: {  	_ = 	snop  }
0x6: {  	_ = 	snop  }
0x7: {  	_ = 	snop  }
__scs_overlays_trampoline_lowered:
0x8: {  	[smem:$0x3F9F] =	sst s0  }
0x9: {  	[smem:$0x3FA0] =	sst s1  }
0xa: {  	[smem:$0x3FA1] =	sst s2  }
0xb: {  	[smem:$0x3FA2] =	sst s3  }
0xc: {  	[smem:$0x3FA3] =	sst s4  }
0xd: {  	[smem:$0x3FA4] =	sst s5  }
0xe: {  	[smem:$0x3FA5] =	sst s6  }
0xf: {  	[smem:$0x3FA6] =	sst s7  }
0x10: {  	[smem:$0x3FA7] =	sst s8  }
0x11: {  	[smem:$0x3FA8] =	sst s9;
	s0 =	simm.s32 @!p0 $0x0  }
0x12: {  	s1 =	sld [smem:$0x3F8E];
	s0 =	simm.s32 @p0 $0x1  }
0x13: {  	[smem:$0x3FA9] =	sst s0;
	s0 =	simm.s32 @!p1 $0x0  }
0x14: {  	s2 =	sld [smem:$0x3F8D];
	s0 =	simm.s32 @p1 $0x1  }
0x15: {  	[smem:$0x3FAA] =	sst s0;
	s0 =	simm.s32 @!p2 $0x0  }
0x16: {  	s3 =	sld [smem:$0x3FDB];
	s0 =	simm.s32 @p2 $0x1  }
0x17: {  	s4 =	simm.s32 $0x1BF5;
	[smem:$0x3FAC] =	sst s0  }
0x18: {  	s0 =	sld [smem:$0x3F8F];
	_ =	swait.ge [sflag:s4], $0x0  }
0x19: {  	s7 =	sld [smem:$0x3F90]  }
0x1a: {  	s8 =	sadd.s32 $0xFFFFE003, lr  }
0x1b: {  	s9 =	sadd.s32 $0xFFFFFEF7, lr;
	s5 =	simm.s32 $0xFFFFFFFF;
	p2 =	slt.u32 s8, $0xFFFFF086  }
0x1c: {  	p1 =	slt.u32 s9, $0xF7A;
	s5 =	simm.s32 @!p2 $0x0  }
0x1d: {  	s5 =	simm.s32 @p1 $0x1;
	p0 =	seq.s32 s7, s2  }
0x1e: {  	s7 =	smul.u32 @!p0 $0xF7A, s2;
	p2 =	seq.s32 @!p0 s5, $0x0  }
0x1f: {  	s9 =	smul.u32 $0xF7A, s1;
	s8 =	simm.s32 @!p0 $0x1BF5;
	p2 =	por !p2, p0  }
0x20: {  	[sflag:s8] =	ssyncset.s32 @!p0 $0xFFFFF086;
	s6 =	sadd.s32 @!p0 s3, s7;
	s7 =	simm.s32 @!p0 $0x108  }
0x21: {  	s3 =	sadd.s32 s3, s9;
	s6 =	sadd.s32 @!p0 $0x88, s6;
	s7 =	simm.s32 @p2 $0x1082  }
0x22: {  	[simem:s7], [sflag:s8] =	dma.local @!p0 [hbm:s6], $0xF7A  }
0x23: {  	s9 =	sor.u32 $0xD0000000, s2;
	s6 =	simm.s32 $0x108;
	_ =	swait.ge @!p0 [sflag:s8], $0x0  }
0x24: {  	s3 =	sadd.s32 $0x88, s3;
	s6 =	simm.s32 @!p1 $0x1082;
	[sflag:s4] =	ssyncset.s32 $0xFFFFF086  }
0x25: {  	[simem:s6], [sflag:s4] =	dma.local [hbm:s3], $0xF7A  }
0x26: {  	[smem:$0x3F90] =	sst s1;
	(tag) =	ssettag s2;
	_ =	strace s9  }
0x27: {  	s1 =	sld [smem:$0x3FA0]  }
0x28: {  	s2 =	sld [smem:$0x3FA1]  }
0x29: {  	s4 =	sld [smem:$0x3FA3]  }
0x2a: {  	p0 =	seq.s32 s5, $0x0;
	s5 =	sld [smem:$0x3FA4]  }
0x2b: {  	s6 =	sld [smem:$0x3FA5]  }
0x2c: {  	s7 =	sld [smem:$0x3FA6]  }
0x2d: {  	s3 =	simm.s32 $0x108;
	s8 =	sld [smem:$0x3FA7]  }
0x2e: {  	s3 =	simm.s32 @!p0 $0x1082;
	s9 =	sld [smem:$0x3FA8]  }
0x2f: {  	lr =	sadd.s32 s0, s3;
	s0 =	sld [smem:$0x3F9F]  }
0x30: {  	s3 =	sld [smem:$0x3FA2]  }
0x31: {  	[smem:$0x3FAB] =	sst s10  }
0x32: {  	s10 =	sld [smem:$0x3FA9];
	_ =	sdelay $0x3  }
0x33: {  	p0 =	seq.s32 s10, $0x1;
	s10 =	sld [smem:$0x3FAB];
	_ =	sdelay $0x3  }
0x34: {  	[smem:$0x3FAB] =	sst s10  }
0x35: {  	s10 =	sld [smem:$0x3FAA];
	_ =	sdelay $0x3  }
0x36: {  	p1 =	seq.s32 s10, $0x1;
	s10 =	sld [smem:$0x3FAB];
	_ =	sdelay $0x3  }
0x37: {  	[smem:$0x3FAB] =	sst s10  }
0x38: {  	s10 =	sld [smem:$0x3FAC]  }
0x39: {  	_ = 	snop;
	(pc) =	sbr.ind lr, $3  }
0x3a: {  	_ = 	snop  }
0x3b: {  	_ = 	snop  }
0x3c: {  	p2 =	seq.s32 s10, $0x1;
	s10 =	sld [smem:$0x3FAB]  }
0x3d: {  	_ =	shalt  }
0x3e: {  	_ =	shalt  }
0x3f: {  	_ =	shalt  }
0x40: {  	_ =	shalt  }
0x41: {  	_ =	shalt  }
0x42: {  	_ =	shalt  }
0x43: {  	_ =	shalt  }
0x44: {  	_ =	shalt  }
0x45: {  	_ =	shalt  }
0x46: {  	_ =	shalt  }
0x47: {  	_ =	shalt  }
0x48: {  	_ =	shalt  }
0x49: {  	_ =	shalt  }
0x4a: {  	_ =	shalt  }
0x4b: {  	_ =	shalt  }
0x4c: {  	_ =	shalt  }
0x4d: {  	_ =	shalt  }
0x4e: {  	_ =	shalt  }
0x4f: {  	_ =	shalt  }
0x50: {  	_ =	shalt  }
0x51: {  	_ =	shalt  }
0x52: {  	_ =	shalt  }
0x53: {  	_ =	shalt  }
0x54: {  	_ =	shalt  }
0x55: {  	_ =	shalt  }
0x56: {  	_ =	shalt  }
0x57: {  	_ =	shalt  }
0x58: {  	_ =	shalt  }
0x59: {  	_ =	shalt  }
0x5a: {  	_ =	shalt  }
0x5b: {  	_ =	shalt  }
0x5c: {  	_ =	shalt  }
0x5d: {  	_ =	shalt  }
0x5e: {  	_ =	shalt  }
0x5f: {  	_ =	shalt  }
0x60: {  	_ =	shalt  }
0x61: {  	_ =	shalt  }
0x62: {  	_ =	shalt  }
0x63: {  	_ =	shalt  }
0x64: {  	_ =	shalt  }
0x65: {  	_ =	shalt  }
0x66: {  	_ =	shalt  }
0x67: {  	_ =	shalt  }
0x68: {  	_ =	shalt  }
0x69: {  	_ =	shalt  }
0x6a: {  	_ =	shalt  }
0x6b: {  	_ =	shalt  }
0x6c: {  	_ =	shalt  }
0x6d: {  	_ =	shalt  }
0x6e: {  	_ =	shalt  }
0x6f: {  	_ =	shalt  }
0x70: {  	_ =	shalt  }
0x71: {  	_ =	shalt  }
0x72: {  	_ =	shalt  }
0x73: {  	_ =	shalt  }
0x74: {  	_ =	shalt  }
0x75: {  	_ =	shalt  }
0x76: {  	_ =	shalt  }
0x77: {  	_ =	shalt  }
0x78: {  	_ =	shalt  }
0x79: {  	_ =	shalt  }
0x7a: {  	_ =	shalt  }
0x7b: {  	_ =	shalt  }
0x7c: {  	_ =	shalt  }
0x7d: {  	_ =	shalt  }
0x7e: {  	_ =	shalt  }
0x7f: {  	_ =	shalt  }
0x80: {  	_ =	shalt  }
0x81: {  	_ =	shalt  }
0x82: {  	_ =	shalt  }
0x83: {  	_ =	shalt  }
0x84: {  	_ =	shalt  }
0x85: {  	_ =	shalt  }
0x86: {  	_ =	shalt  }
0x87: {  	_ =	shalt  }
.Lfunc_end0:
.L_simem_size_0:
called_computation.2_lowered:
.L_overlay_start_0:
0x88: {  	s2 =	sld [smem:$0x3FD9]  }
0x89: {  	s3 =	sld [smem:$0x3FFE];
	_ =	sdelay $0x1  }
0x8a: {  	s1 =	srdreg.scid  }
0x8b: {  	s0 =	sand.u32 $0x1, s1  }
0x8c: {  	s16 =	sshll.u32 s0, $0xA;
	s2 =	sadd.s32 s3, s2  }
0x8d: {  	s2 =	sadd.s32 s2, s16  }
0x8e: {  	[smem:$0x3FB7] =	sst s2  }
0x8f: {  	_ = 	snop  }
0x90: {  	(tm) =	ssettm $0x1  }
0x91: {  	s17 =	sld [smem:$0x3FFB];
	_ =	sdelay $0x3  }
0x92: {  	_ =	strace s17  }
0x93: {  	s2 =	sld [smem:$0x3FFC];
	_ =	sdelay $0x3  }
0x94: {  	_ =	strace s2  }
0x95: {  	s2 =	sld [smem:$0x3FFD];
	_ =	sdelay $0x3  }
0x96: {  	_ =	strace s2  }
0x97: {  	_ =	strace $0x8FFFFFFF  }
0x98: {  	s18 =	sld [smem:$0x3FDB];
	_ =	sdelay $0x1  }
0x99: {  	s19 =	simm.s32 $_scs_section_size  }
0x9a: {  	s4 =	simm.s32 $_size__tile_overlayer_lowered;
	s5 =	simm.s32 $_tile_overlayer_lowered  }
0x9b: {  	s22 =	simm.s32 $0x1BFF;
	s21 =	sshll.u32 s5, $0x1;
	s2 =	sadd.s32 s19, s18  }
0x9c: {  	s6 =	simm.s32 $0x0;
	s20 =	sshll.u32 s4, $0x1;
	s4 =	sadd.s32 s21, s2  }
0x9d: {  	[timem:s6], [sflag:s22] =	dma.local [hbm:s4], s20  }
0x9e: {  	_ =	swait.ge [sflag:s22], s20  }
0x9f: {  	s3 =	ssub.s32 $0x0, s20;
	[sflag:s22] =	ssyncset.done $0x0  }
0xa0: {  	[sflag:s22] =	ssyncadd.s32 s3;
	_ =	sdelay $0x1  }
0xa1: {  	s23 =	simm.s32 $0x1B8B  }
0xa2: {  	_ =	swait.ge [sflag:s23], $0x1  }
0xa3: {  	[sflag:s23] =	ssyncset.done $0x0  }
0xa4: {  	s25 =	simm.s32 $0x1B8E;
	s24 =	sld [smem:$0x3FFE];
	[sflag:s23] =	ssyncadd.s32 $0xFFFFFFFF  }
0xa5: {  	s26 =	simm.s32 $execute0_lowered;
	[smem:$0x3FD2] =	sst s25  }
0xa6: {  	s4 =	sshll.u32 s26, $0x1;
	_ =	strace $0x8000004C;
	[dreg:$0x1] =	wrdreg $0xFFFFFFFF  }
0xa7: {  	s28 =	simm.s32 $_size_execute0_lowered;
	s2 =	sadd.s32 s2, s4;
	[dreg:$0x0] =	wrdreg $0x0  }
0xa8: {  	s4 =	sshll.u32 s28, $0x1;
	[dreg:$0x2] =	wrdreg s2  }
0xa9: {  	[dreg:$0x3] =	wrdreg s4  }
0xaa: {  	[dreg:$0x4] =	wrdreg $0xC0  }
0xab: {  	_ =	task [dreg:s6], $0x5FFFF  }
0xac: {  	[dreg:$0x1] =	wrdreg $0xFFFFFFFF  }
0xad: {  	[dreg:$0x0] =	wrdreg $0x60  }
0xae: {  	[dreg:$0x2] =	wrdreg s24  }
0xaf: {  	[dreg:$0x3] =	wrdreg $0xAA000  }
0xb0: {  	[dreg:$0x4] =	wrdreg $0x9  }
0xb1: {  	_ =	task.clear_ibuf [dreg:s6], $0x5FFFF;
	_ =	strace $0x9000004C  }
0xb2: {  	s29 =	simm.s32 $0x9;
	_ =	strace $0x8000004E  }
0xb3: {  	_ =	swait.ge [sflag:s29], $0x1  }
0xb4: {  	[sflag:s29] =	ssyncadd.s32 $0xFFFFFFFF  }
0xb5: {  	_ =	strace $0x9000004E  }
0xb6: {  	_ =	sfence  }
0xb7: {  	s30 =	sld [smem:$0x0];
	_ =	sdelay $0x2  }
0xb8: {  	s31 =	sshll.u32 s1, $0xD;
	s1 =	sshrl.u32 s1, $0x2  }
0xb9: {  	s3 =	sand.u32 $0x4000, s31;
	s1 =	sadd.s32 s1, s30  }
0xba: {  	s0 =	sor.u32 s3, s0;
	s1 =	sshll.u32 s1, $0x11  }
0xbb: {  	s0 =	sor.u32 s1, s0  }
0xbc: {  	s0 =	sadd.s32 $0x8F2B, s0  }
0xbd: {  	[sflag:s0] =	ssyncadd.remote.s32 $0x1  }
0xbe: {  	_ =	sfence.sel $0xFFFF  }
0xbf: {  	[dreg:$0x0] =	wrdreg $0xFFFFFFFF;
	(pc) =	sbr.abs _section_cstart, $3  }
0xc0: {  	[dreg:$0x1] =	wrdreg $0xFFFFFFFF  }
0xc1: {  	_ =	task.clear_ibuf [dreg:s6], $0x2FFFF;
	_ =	strace $0x9FFFFFFF  }
0xc2: {  	(tm) =	ssettm $0x7FFFFFFF  }
0xc3: {  	_ =	shalt  }
tec
execute0_lowered:
.L_overlay_start_1:
0x0: {  	(tag) =	ssettag $0x1  }
0x1: {  	s0 =	srdreg.scid;
	s14 =	stileid.u32  }
0x2: {  	s4 =	rddreg [dreg:$0x0];
	s28 =	simm.s32 $0x5;
	s29 =	simm.s32 $0x6  }
0x3: {  	s1 =	sand.u32 $0x1, s0;
	s3 =	smul.u32 $0x13C00, s14;
	s6 =	sadd.s32 $0x41800, s4  }
0x4: {  	s22 =	smul.u32 $0x2710, s14;
	s0 =	sshll.u32 s1, $0x4;
	s23 =	ssub.s32 $0x2, s1  }
0x5: {  	s5 =	smul.u32 $0x13C000, s1;
	s0 =	sor.u32 s14, s0;
	s7 =	sshrl.u32 s23, $0x1  }
0x6: {  	s8 =	sadd.s32 $0x2000, s3;
	s10 =	sadd.s32 $0x4000, s3;
	s13 =	sadd.s32 $0x8000, s3  }
0x7: {  	s16 =	sadd.s32 $0xA000, s3;
	s17 =	sadd.s32 $0xC000, s3;
	s18 =	sadd.s32 $0xE000, s3  }
0x8: {  	s2 =	smul.u32 $0x2710, s0;
	s0 =	ssub.s32 s23, s7;
	s24 =	sadd.s32 s3, s5  }
0x9: {  	s9 =	sadd.s32 s5, s8;
	s26 =	sadd.s32 s5, s10;
	s11 =	sadd.s32 s5, s13  }
0xa: {  	s12 =	sadd.s32 s5, s16;
	s15 =	sadd.s32 s5, s17;
	s19 =	sadd.s32 s5, s18  }
0xb: {  	s23 =	smul.u32 $0x4F000, s14;
	s14 =	sadd.s32 $0xE000, s4;
	s7 =	sshrl.u32 s24, $0x3  }
0xc: {  	s9 =	sshrl.u32 s9, $0x3;
	s11 =	sshrl.u32 s11, $0x3;
	s7 =	sadd.s32 s6, s7  }
0xd: {  	s25 =	sadd.s32 s6, s9;
	s9 =	sadd.s32 $0x6000, s3;
	[dreg:$0x3] =	wrdreg s7  }
0xe: {  	s11 =	sadd.s32 s6, s11;
	[dreg:$0x4] =	wrdreg s25;
	s7 =	sshrl.u32 s26, $0x3  }
0xf: {  	s31 =	sadd.s32 s5, s9;
	[dreg:$0x7] =	wrdreg s11;
	s11 =	sshrl.u32 s19, $0x3  }
0x10: {  	s19 =	sadd.s32 $0x10000, s3;
	s3 =	sadd.s32 $0x12000, s3;
	s7 =	sadd.s32 s6, s7  }
0x11: {  	s20 =	sadd.s32 s6, s11;
	[dreg:$0x5] =	wrdreg s7;
	s7 =	sshrl.u32 s31, $0x3  }
0x12: {  	s21 =	sadd.s32 s5, s19;
	s11 =	rddreg [dreg:$0x1];
	s7 =	sadd.s32 s6, s7  }
0x13: {  	s5 =	sadd.s32 s5, s3;
	[dreg:$0x6] =	wrdreg s7;
	s7 =	sshrl.u32 s12, $0x3  }
0x14: {  	[dreg:$0xa] =	wrdreg s20;
	s5 =	sshrl.u32 s5, $0x3;
	s7 =	sadd.s32 s6, s7  }
0x15: {  	s5 =	sadd.s32 s6, s5;
	[dreg:$0x8] =	wrdreg s7;
	s7 =	sshrl.u32 s15, $0x3  }
0x16: {  	s2 =	sshrl.u32 s2, $0x3;
	[dreg:$0xc] =	wrdreg s5;
	s7 =	sadd.s32 s6, s7  }
0x17: {  	s12 =	simm.s32 $0x0;
	[dreg:$0x9] =	wrdreg s7;
	s7 =	sshrl.u32 s21, $0x3  }
0x18: {  	s24 =	sadd.s32 s2, s4;
	[smem:$0x7FF] =	sst s12;
	s7 =	sadd.s32 s6, s7  }
0x19: {  	s15 =	sadd.s32 $0x1A600, s4;
	s4 =	sadd.s32 $0x17E00, s4;
	[dreg:$0xb] =	wrdreg s7  }
0x1a: {  	s26 =	sadd.s32 $0x4200, s24;
	_ =	strace $0x8000004D;
	[dreg:$0xd] =	wrdreg s4  }
0x1b: {  	s1 =	smul.u32 $0x27100, s1;
	s31 =	sadd.s32 s8, s11;
	[dreg:$0xe] =	wrdreg s26  }
0x1c: {  	s30 =	simm.s32 $0x7;
	s6 =	sadd.s32 s10, s11;
	[dreg:$0x10] =	wrdreg s31  }
0x1d: {  	s1 =	sadd.s32 s22, s1;
	s7 =	sadd.s32 s9, s11;
	[dreg:$0x11] =	wrdreg s6  }
0x1e: {  	s0 =	smax.u32 s0, $0x1;
	s8 =	sadd.s32 s13, s11;
	[dreg:$0x12] =	wrdreg s7  }
0x1f: {  	s25 =	sshrl.u32 s23, $0x2;
	s9 =	sadd.s32 s16, s11;
	[dreg:$0x13] =	wrdreg s8  }
0x20: {  	s23 =	sadd.s32 $0x100, s1;
	s10 =	sadd.s32 s17, s11;
	[dreg:$0x14] =	wrdreg s9  }
0x21: {  	s13 =	sadd.s32 s18, s11;
	s18 =	sadd.s32 $0x180, s1;
	[dreg:$0x15] =	wrdreg s10  }
0x22: {  	s20 =	sadd.s32 $0x1C0, s1;
	s16 =	sadd.s32 s19, s11;
	[dreg:$0x16] =	wrdreg s13  }
0x23: {  	s22 =	sshrl.u32 s20, $0x3;
	s17 =	sadd.s32 s3, s11;
	[dreg:$0x17] =	wrdreg s16  }
0x24: {  	s20 =	simm.s32 $0x6A00;
	s5 =	sadd.s32 s14, s2;
	[dreg:$0x18] =	wrdreg s17  }
0x25: {  	s24 =	sadd.s32 $0x8, s5;
	s19 =	sadd.s32 $0x140, s1;
	[dreg:$0x19] =	wrdreg s0  }
0x26: {  	s4 =	sadd.s32 s25, s11;
	s0 =	sshrl.u32 s18, $0x3;
	[dreg:$0x1d] =	wrdreg s23  }
0x27: {  	s2 =	sshrl.u32 s19, $0x3;
	[dreg:$0x1e] =	wrdreg s24;
	s25 =	sadd.s32 $0x10, s5  }
0x28: {  	s26 =	sadd.s32 $0x18, s5;
	[dreg:$0xf] =	wrdreg s5;
	s31 =	sadd.s32 $0x4E0, s5  }
0x29: {  	s6 =	simm.s32 $0x9;
	s7 =	simm.s32 $0x2780;
	s8 =	simm.s32 $0x40  }
0x2a: {  	s9 =	simm.s32 $0x2A00;
	s13 =	simm.s32 $0x2800;
	s16 =	simm.s32 $0x4A00  }
0x2b: {  	s17 =	simm.s32 $0x2880;
	s23 =	simm.s32 $0x1;
	[dreg:$0x1f] =	wrdreg s25  }
0x2c: {  	s24 =	simm.s32 $0x2;
	s5 =	simm.s32 $0x0;
	[smem:$0x7FC] =	sst s26  }
0x2d: {  	s0 =	sadd.s32 s0, s14;
	s21 =	sadd.s32 s2, s14;
	[smem:$0x7FD] =	sst s31  }
0x2e: {  	s25 =	simm.s32 $0x3;
	s26 =	simm.s32 $0x4;
	[dreg:$0x1a] =	wrdreg s0  }
0x2f: {  	s2 =	simm.s32 $0x8;
	[dreg:$0x1b] =	wrdreg s21;
	s0 =	sadd.s32 s22, s14  }
0x30: {  	s21 =	simm.s32 $0x2900;
	s22 =	simm.s32 $0x8A00;
	[dreg:$0x1c] =	wrdreg s0  }
.LBB2_1:
0x31: {  	s0 =	rddreg [dreg:$0xe]  }
0x32: {  	[tilespmem:s12], [sflag:$0x9] =	stream.linear.gather [hbm4b:s0+s12], $0x2710, $0x38;
	[tilespmem:$0x1E600] =	vst v63  }
0x33: {  	s3 =	stileid.u32;
	_ =	swait.ge [sflag:s6], $0x2710  }
0x34: {  	s10 =	sshrl.u32 s4, $0x3;
	s3 =	sshll.u32 s3, $0x6;
	[sflag:s6] =	ssyncset.done $0x0  }
0x35: {  	s3 =	sor.u32 $0x1C09, s3;
	s18 =	rddreg [dreg:$0xd];
	[sflag:s6] =	ssyncadd.s32 $0xFFFFD8F0  }
0x36: {  	[spmem:s10], [sflag:s3] =	dma.local [hbm:s18], $0x2780  }
0x37: {  	_ =	swait.ge [sflag:s6], $0x2780  }
0x38: {  	[sflag:s6] =	ssyncset.done $0x0  }
0x39: {  	[sflag:s6] =	ssyncadd.s32 $0xFFFFD880  }
0x3a: {  	[bflag:$0x0] =	sbarrier.arrive $0xFFFF  }
0x3b: {  	s19 =	rddreg [dreg:$0xf]  }
0x3c: {  	[tilespmem:s7], [sflag:$0x9] =	stream.linear.gather [hbm4b:s19+s12], $0x40, $0x38;
	[tilespmem:$0x1E600] =	vst v63  }
0x3d: {  	_ =	swait.ge [sflag:s6], $0x40  }
0x3e: {  	[sflag:s6] =	ssyncset.done $0x0  }
0x3f: {  	[sflag:s6] =	ssyncadd.s32 $0xFFFFFFC0  }
0x40: {  	[tilespmem:s9], [sflag:$0x1] =	stream.indirect.gather [hbm4b:s15+s8], $0x80, s12, s8, $0xb8;
	[tilespmem:$0x1E600] =	vst v63  }
0x41: {  	s3 =	rddreg [dreg:$0x1e]  }
0x42: {  	[tilespmem:s13], [sflag:$0x9] =	stream.linear.gather [hbm4b:s3+s12], $0x40, $0x38;
	[tilespmem:$0x1E600] =	vst v63  }
0x43: {  	_ =	swait.ge [sflag:s6], $0x40  }
0x44: {  	[sflag:s6] =	ssyncset.done $0x0  }
0x45: {  	[sflag:s6] =	ssyncadd.s32 $0xFFFFFFC0  }
0x46: {  	[tilespmem:s16], [sflag:$0x2] =	stream.indirect.gather [hbm4b:s15+s8], $0x80, s8, s8, $0xb8;
	[tilespmem:$0x1E600] =	vst v63  }
0x47: {  	s1 =	smov.u32 s4;
	s4 =	rddreg [dreg:$0x1f]  }
0x48: {  	[tilespmem:s17], [sflag:$0x9] =	stream.linear.gather [hbm4b:s4+s12], $0x40, $0x38;
	[tilespmem:$0x1E600] =	vst v63  }
0x49: {  	_ =	swait.ge [sflag:s6], $0x40  }
0x4a: {  	[sflag:s6] =	ssyncset.done $0x0  }
0x4b: {  	s10 =	simm.s32 $0x80;
	s18 =	sld [smem:$0x7FC];
	[sflag:s6] =	ssyncadd.s32 $0xFFFFFFC0  }
0x4c: {  	[tilespmem:s20], [sflag:$0x3] =	stream.indirect.gather [hbm4b:s15+s8], $0x80, s10, s8, $0xb8;
	[tilespmem:$0x1E600] =	vst v63  }
0x4d: {  	_ = 	snop  }
0x4e: {  	[tilespmem:s21], [sflag:$0x9] =	stream.linear.gather [hbm4b:s18+s12], $0x40, $0x38;
	[tilespmem:$0x1E600] =	vst v63  }
0x4f: {  	_ =	swait.ge [sflag:s6], $0x40  }
0x50: {  	[sflag:s6] =	ssyncset.done $0x0  }
0x51: {  	s19 =	simm.s32 $0xC0;
	[sflag:s6] =	ssyncadd.s32 $0xFFFFFFC0  }
0x52: {  	[tilespmem:s22], [sflag:$0x4] =	stream.indirect.gather [hbm4b:s15+s8], $0x80, s19, s8, $0xb8;
	[tilespmem:$0x1E600] =	vst v63  }
0x53: {  	_ =	swait.ge [sflag:s23], $0x2000  }
0x54: {  	[sflag:s23] =	ssyncset.done $0x0  }
0x55: {  	[sflag:s23] =	ssyncadd.s32 $0xFFFFE000  }
0x56: {  	[spmem:s11] =	stream.indirect.scatter.add.f32 [tilespmem:s9], [sflag:$0x5], $0x80, s7, s8, $0xb8;
	[tilespmem:$0x1E600] =	vst v63  }
0x57: {  	_ =	swait.ge [sflag:s24], $0x2000  }
0x58: {  	[sflag:s24] =	ssyncset.done $0x0  }
0x59: {  	[sflag:s24] =	ssyncadd.s32 $0xFFFFE000  }
0x5a: {  	[spmem:s11] =	stream.indirect.scatter.add.f32 [tilespmem:s16], [sflag:$0x6], $0x80, s13, s8, $0xb8;
	[tilespmem:$0x1E600] =	vst v63  }
0x5b: {  	_ =	swait.ge [sflag:s25], $0x2000  }
0x5c: {  	[sflag:s25] =	ssyncset.done $0x0  }
0x5d: {  	[sflag:s25] =	ssyncadd.s32 $0xFFFFE000  }
0x5e: {  	[spmem:s11] =	stream.indirect.scatter.add.f32 [tilespmem:s20], [sflag:$0x7], $0x80, s17, s8, $0xb8;
	[tilespmem:$0x1E600] =	vst v63  }
0x5f: {  	_ =	swait.ge [sflag:s26], $0x2000  }
0x60: {  	[sflag:s26] =	ssyncset.done $0x0  }
0x61: {  	[sflag:s26] =	ssyncadd.s32 $0xFFFFE000  }
0x62: {  	[spmem:s11] =	stream.indirect.scatter.add.f32 [tilespmem:s22], [sflag:$0x8], $0x80, s21, s8, $0xb8;
	[tilespmem:$0x1E600] =	vst v63  }
0x63: {  	_ =	swait.ge [sflag:s28], $0x2000  }
0x64: {  	s4 =	rddreg [dreg:$0x1d]  }
0x65: {  	[sflag:s28] =	ssyncset.done $0x0;
	s0 =	sshrl.u32 s4, $0x3  }
0x66: {  	[sflag:s28] =	ssyncadd.s32 $0xFFFFE000;
	s3 =	sadd.s32 s14, s0  }
0x67: {  	[tilespmem:s7], [sflag:$0x9] =	stream.linear.gather [hbm4b:s3+s12], $0x40, $0x38;
	[tilespmem:$0x1E600] =	vst v63  }
0x68: {  	_ =	swait.ge [sflag:s6], $0x40  }
0x69: {  	[sflag:s6] =	ssyncset.done $0x0  }
0x6a: {  	s10 =	simm.s32 $0x100;
	[sflag:s6] =	ssyncadd.s32 $0xFFFFFFC0  }
0x6b: {  	[tilespmem:s9], [sflag:$0x1] =	stream.indirect.gather [hbm4b:s15+s8], $0x80, s10, s8, $0xb8;
	[tilespmem:$0x1E600] =	vst v63  }
0x6c: {  	_ =	swait.ge [sflag:s29], $0x2000  }
0x6d: {  	[sflag:s29] =	ssyncset.done $0x0  }
0x6e: {  	s10 =	rddreg [dreg:$0x1b];
	[sflag:s29] =	ssyncadd.s32 $0xFFFFE000  }
0x6f: {  	[tilespmem:s13], [sflag:$0x9] =	stream.linear.gather [hbm4b:s10+s12], $0x40, $0x38;
	[tilespmem:$0x1E600] =	vst v63  }
0x70: {  	_ =	swait.ge [sflag:s6], $0x40  }
0x71: {  	[sflag:s6] =	ssyncset.done $0x0  }
0x72: {  	s18 =	simm.s32 $0x140;
	[sflag:s6] =	ssyncadd.s32 $0xFFFFFFC0  }
0x73: {  	[tilespmem:s16], [sflag:$0x2] =	stream.indirect.gather [hbm4b:s15+s8], $0x80, s18, s8, $0xb8;
	[tilespmem:$0x1E600] =	vst v63  }
0x74: {  	_ =	swait.ge [sflag:s30], $0x2000  }
0x75: {  	[sflag:s30] =	ssyncset.done $0x0  }
0x76: {  	s0 =	rddreg [dreg:$0x1a];
	[sflag:s30] =	ssyncadd.s32 $0xFFFFE000  }
0x77: {  	[tilespmem:s17], [sflag:$0x9] =	stream.linear.gather [hbm4b:s0+s12], $0x40, $0x38;
	[tilespmem:$0x1E600] =	vst v63  }
0x78: {  	_ =	swait.ge [sflag:s6], $0x40  }
0x79: {  	[sflag:s6] =	ssyncset.done $0x0  }
0x7a: {  	s19 =	simm.s32 $0x180;
	[sflag:s6] =	ssyncadd.s32 $0xFFFFFFC0  }
0x7b: {  	[tilespmem:s20], [sflag:$0x3] =	stream.indirect.gather [hbm4b:s15+s8], $0x80, s19, s8, $0xb8;
	[tilespmem:$0x1E600] =	vst v63  }
0x7c: {  	_ =	swait.ge [sflag:s2], $0x2000  }
0x7d: {  	[sflag:s2] =	ssyncset.done $0x0  }
0x7e: {  	s18 =	rddreg [dreg:$0x1c];
	[sflag:s2] =	ssyncadd.s32 $0xFFFFE000  }
0x7f: {  	[tilespmem:s21], [sflag:$0x9] =	stream.linear.gather [hbm4b:s18+s12], $0x40, $0x38;
	[tilespmem:$0x1E600] =	vst v63  }
0x80: {  	s4 =	sadd.s32 $0x100, s4;
	s3 =	simm.s32 $0x400;
	_ =	swait.ge [sflag:s6], $0x40  }
0x81: {  	s31 =	sadd.s32 $0x20, s0;
	s19 =	sadd.s32 $0x20, s10;
	[sflag:s6] =	ssyncset.done $0x0  }
0x82: {  	s10 =	simm.s32 $0x1C0;
	s18 =	sadd.s32 $0x20, s18;
	[sflag:s6] =	ssyncadd.s32 $0xFFFFFFC0  }
.LBB2_2:
0x83: {  	[tilespmem:s22], [sflag:$0x4] =	stream.indirect.gather [hbm4b:s15+s8], $0x80, s10, s8, $0xb8;
	[tilespmem:$0x1E600] =	vst v63  }
0x84: {  	s10 =	smov.u32 s3  }
0x85: {  	p0 =	sne.s32 s3, $0x9400;
	s3 =	sadd.s32 $0x400, s3;
	_ =	swait.ge [sflag:s23], $0x2000  }
0x86: {  	[sflag:s23] =	ssyncset.done $0x0  }
0x87: {  	[sflag:s23] =	ssyncadd.s32 $0xFFFFE000  }
0x88: {  	[spmem:s11] =	stream.indirect.scatter.add.f32 [tilespmem:s9], [sflag:$0x5], $0x80, s7, s8, $0xb8;
	[tilespmem:$0x1E600] =	vst v63  }
0x89: {  	_ =	swait.ge [sflag:s24], $0x2000  }
0x8a: {  	[sflag:s24] =	ssyncset.done $0x0  }
0x8b: {  	[sflag:s24] =	ssyncadd.s32 $0xFFFFE000  }
0x8c: {  	[spmem:s11] =	stream.indirect.scatter.add.f32 [tilespmem:s16], [sflag:$0x6], $0x80, s13, s8, $0xb8;
	[tilespmem:$0x1E600] =	vst v63  }
0x8d: {  	_ =	swait.ge [sflag:s25], $0x2000  }
0x8e: {  	[sflag:s25] =	ssyncset.done $0x0  }
0x8f: {  	[sflag:s25] =	ssyncadd.s32 $0xFFFFE000  }
0x90: {  	[spmem:s11] =	stream.indirect.scatter.add.f32 [tilespmem:s20], [sflag:$0x7], $0x80, s17, s8, $0xb8;
	[tilespmem:$0x1E600] =	vst v63  }
0x91: {  	_ =	swait.ge [sflag:s26], $0x2000  }
0x92: {  	[sflag:s26] =	ssyncset.done $0x0  }
0x93: {  	[sflag:s26] =	ssyncadd.s32 $0xFFFFE000  }
0x94: {  	[spmem:s11] =	stream.indirect.scatter.add.f32 [tilespmem:s22], [sflag:$0x8], $0x80, s21, s8, $0xb8;
	[tilespmem:$0x1E600] =	vst v63  }
0x95: {  	_ =	swait.ge [sflag:s28], $0x2000  }
0x96: {  	s0 =	sshrl.u32 s4, $0x3;
	[sflag:s28] =	ssyncset.done $0x0  }
0x97: {  	s0 =	sadd.s32 s14, s0;
	[sflag:s28] =	ssyncadd.s32 $0xFFFFE000  }
0x98: {  	[tilespmem:s7], [sflag:$0x9] =	stream.linear.gather [hbm4b:s0+s12], $0x40, $0x38;
	[tilespmem:$0x1E600] =	vst v63  }
0x99: {  	_ =	swait.ge [sflag:s6], $0x40  }
0x9a: {  	s0 =	sshra.s32 s10, $0x2;
	[sflag:s6] =	ssyncset.done $0x0  }
0x9b: {  	s10 =	sadd.s32 $0x100, s0;
	[sflag:s6] =	ssyncadd.s32 $0xFFFFFFC0  }
0x9c: {  	[tilespmem:s9], [sflag:$0x1] =	stream.indirect.gather [hbm4b:s15+s8], $0x80, s10, s8, $0xb8;
	[tilespmem:$0x1E600] =	vst v63  }
0x9d: {  	_ =	swait.ge [sflag:s29], $0x2000  }
0x9e: {  	[sflag:s29] =	ssyncset.done $0x0  }
0x9f: {  	[sflag:s29] =	ssyncadd.s32 $0xFFFFE000  }
0xa0: {  	[tilespmem:s13], [sflag:$0x9] =	stream.linear.gather [hbm4b:s19+s12], $0x40, $0x38;
	[tilespmem:$0x1E600] =	vst v63  }
0xa1: {  	_ =	swait.ge [sflag:s6], $0x40  }
0xa2: {  	[sflag:s6] =	ssyncset.done $0x0  }
0xa3: {  	s10 =	sadd.s32 $0x140, s0;
	[sflag:s6] =	ssyncadd.s32 $0xFFFFFFC0  }
0xa4: {  	[tilespmem:s16], [sflag:$0x2] =	stream.indirect.gather [hbm4b:s15+s8], $0x80, s10, s8, $0xb8;
	[tilespmem:$0x1E600] =	vst v63  }
0xa5: {  	_ =	swait.ge [sflag:s30], $0x2000  }
0xa6: {  	[sflag:s30] =	ssyncset.done $0x0  }
0xa7: {  	[sflag:s30] =	ssyncadd.s32 $0xFFFFE000  }
0xa8: {  	[tilespmem:s17], [sflag:$0x9] =	stream.linear.gather [hbm4b:s31+s12], $0x40, $0x38;
	[tilespmem:$0x1E600] =	vst v63  }
0xa9: {  	_ =	swait.ge [sflag:s6], $0x40  }
0xaa: {  	[sflag:s6] =	ssyncset.done $0x0  }
0xab: {  	s10 =	sadd.s32 $0x180, s0;
	[sflag:s6] =	ssyncadd.s32 $0xFFFFFFC0  }
0xac: {  	[tilespmem:s20], [sflag:$0x3] =	stream.indirect.gather [hbm4b:s15+s8], $0x80, s10, s8, $0xb8;
	[tilespmem:$0x1E600] =	vst v63  }
0xad: {  	_ =	swait.ge [sflag:s2], $0x2000  }
0xae: {  	[sflag:s2] =	ssyncset.done $0x0  }
.Ltmp0:
0xaf: {  	[sflag:s2] =	ssyncadd.s32 $0xFFFFE000;
	(pc) =	sbr.rel @p0 .LBB2_2-.Ltmp0, $4  }
0xb0: {  	[tilespmem:s21], [sflag:$0x9] =	stream.linear.gather [hbm4b:s18+s12], $0x40, $0x38;
	[tilespmem:$0x1E600] =	vst v63  }
0xb1: {  	s4 =	sadd.s32 $0x100, s4;
	_ =	swait.ge [sflag:s6], $0x40  }
0xb2: {  	s19 =	sadd.s32 $0x20, s19;
	s18 =	sadd.s32 $0x20, s18;
	[sflag:s6] =	ssyncset.done $0x0  }
0xb3: {  	s31 =	sadd.s32 $0x20, s31;
	s10 =	sadd.s32 $0x1C0, s0;
	[sflag:s6] =	ssyncadd.s32 $0xFFFFFFC0  }
0xb4: {  	[tilespmem:s22], [sflag:$0x4] =	stream.indirect.gather [hbm4b:s15+s8], $0x80, s10, s8, $0xb8;
	[tilespmem:$0x1E600] =	vst v63  }
0xb5: {  	_ =	swait.ge [sflag:s23], $0x2000  }
0xb6: {  	[sflag:s23] =	ssyncset.done $0x0  }
0xb7: {  	[sflag:s23] =	ssyncadd.s32 $0xFFFFE000  }
0xb8: {  	[spmem:s11] =	stream.indirect.scatter.add.f32 [tilespmem:s9], [sflag:$0x9], $0x80, s7, s8, $0xb8;
	[tilespmem:$0x1E600] =	vst v63  }
0xb9: {  	_ =	swait.ge [sflag:s6], $0x2000  }
0xba: {  	[sflag:s6] =	ssyncset.done $0x0  }
0xbb: {  	[sflag:s6] =	ssyncadd.s32 $0xFFFFE000  }
0xbc: {  	_ =	swait.ge [sflag:s24], $0x2000  }
0xbd: {  	[sflag:s24] =	ssyncset.done $0x0  }
0xbe: {  	[sflag:s24] =	ssyncadd.s32 $0xFFFFE000  }
0xbf: {  	[spmem:s11] =	stream.indirect.scatter.add.f32 [tilespmem:s16], [sflag:$0x9], $0x80, s13, s8, $0xb8;
	[tilespmem:$0x1E600] =	vst v63  }
0xc0: {  	_ =	swait.ge [sflag:s6], $0x2000  }
0xc1: {  	[sflag:s6] =	ssyncset.done $0x0  }
0xc2: {  	[sflag:s6] =	ssyncadd.s32 $0xFFFFE000  }
0xc3: {  	_ =	swait.ge [sflag:s25], $0x2000  }
0xc4: {  	[sflag:s25] =	ssyncset.done $0x0  }
0xc5: {  	[sflag:s25] =	ssyncadd.s32 $0xFFFFE000  }
0xc6: {  	[spmem:s11] =	stream.indirect.scatter.add.f32 [tilespmem:s20], [sflag:$0x9], $0x80, s17, s8, $0xb8;
	[tilespmem:$0x1E600] =	vst v63  }
0xc7: {  	_ =	swait.ge [sflag:s6], $0x2000  }
0xc8: {  	[sflag:s6] =	ssyncset.done $0x0  }
0xc9: {  	[sflag:s6] =	ssyncadd.s32 $0xFFFFE000  }
0xca: {  	_ =	swait.ge [sflag:s26], $0x2000  }
0xcb: {  	[sflag:s26] =	ssyncset.done $0x0  }
0xcc: {  	[sflag:s26] =	ssyncadd.s32 $0xFFFFE000  }
0xcd: {  	[spmem:s11] =	stream.indirect.scatter.add.f32 [tilespmem:s22], [sflag:$0x9], $0x80, s21, s8, $0xb8;
	[tilespmem:$0x1E600] =	vst v63  }
0xce: {  	_ =	swait.ge [sflag:s6], $0x2000  }
0xcf: {  	s0 =	sld [smem:$0x7FD]  }
0xd0: {  	[sflag:s6] =	ssyncset.done $0x0  }
0xd1: {  	s3 =	simm.s32 $0x2980;
	[sflag:s6] =	ssyncadd.s32 $0xFFFFE000  }
0xd2: {  	[tilespmem:s3], [sflag:$0x9] =	stream.linear.gather [hbm4b:s0+s12], $0x10, $0x38;
	[tilespmem:$0x1E600] =	vst v63  }
0xd3: {  	_ =	swait.ge [sflag:s6], $0x10  }
0xd4: {  	[sflag:s6] =	ssyncset.done $0x0  }
0xd5: {  	s18 =	simm.s32 $0x10;
	s4 =	simm.s32 $0x2700;
	[sflag:s6] =	ssyncadd.s32 $0xFFFFFFF0  }
0xd6: {  	[tilespmem:s9], [sflag:$0x1] =	stream.indirect.gather [hbm4b:s15+s18], $0x80, s4, s18, $0xb8;
	[tilespmem:$0x1E600] =	vst v63  }
0xd7: {  	_ =	swait.ge [sflag:s23], $0x800  }
0xd8: {  	[sflag:s23] =	ssyncset.done $0x0  }
0xd9: {  	[sflag:s23] =	ssyncadd.s32 $0xFFFFF800  }
0xda: {  	[spmem:s11] =	stream.indirect.scatter.add.f32 [tilespmem:s9], [sflag:$0x9], $0x80, s3, s18, $0xb8;
	[tilespmem:$0x1E600] =	vst v63  }
0xdb: {  	_ =	swait.ge [sflag:s6], $0x800  }
0xdc: {  	[sflag:s6] =	ssyncset.done $0x0  }
0xdd: {  	[sflag:s6] =	ssyncadd.s32 $0xFFFFF800  }
0xde: {  	[bflag:$0x0] =	sbarrier.arrive $0xFFFF  }
0xdf: {  	[tilespmem:s9], [sflag:$0x9] =	stream.linear.gather [spmem:s1], $0x2000, $0x38;
	[tilespmem:$0x1E600] =	vst v63  }
0xe0: {  	_ =	swait.ge [sflag:s6], $0x2000  }
0xe1: {  	[sflag:s6] =	ssyncset.done $0x0  }
0xe2: {  	s19 =	rddreg [dreg:$0x3];
	[sflag:s6] =	ssyncadd.s32 $0xFFFFE000  }
0xe3: {  	[hbm4b:s19+s12] =	stream.linear.scatter [tilespmem:s9], [sflag:$0x9], $0x2000, $0x38;
	[tilespmem:$0x1E600] =	vst v63  }
0xe4: {  	_ =	swait.ge [sflag:s6], $0x2000  }
0xe5: {  	[sflag:s6] =	ssyncset.done $0x0  }
0xe6: {  	s31 =	rddreg [dreg:$0x10];
	[sflag:s6] =	ssyncadd.s32 $0xFFFFE000  }
0xe7: {  	[tilespmem:s9], [sflag:$0x9] =	stream.linear.gather [spmem:s31], $0x2000, $0x38;
	[tilespmem:$0x1E600] =	vst v63  }
0xe8: {  	_ =	swait.ge [sflag:s6], $0x2000  }
0xe9: {  	[sflag:s6] =	ssyncset.done $0x0  }
0xea: {  	s4 =	smov.u32 s1;
	s1 =	rddreg [dreg:$0x4];
	[sflag:s6] =	ssyncadd.s32 $0xFFFFE000  }
0xeb: {  	[hbm4b:s1+s12] =	stream.linear.scatter [tilespmem:s9], [sflag:$0x9], $0x2000, $0x38;
	[tilespmem:$0x1E600] =	vst v63  }
0xec: {  	_ =	swait.ge [sflag:s6], $0x2000  }
0xed: {  	[sflag:s6] =	ssyncset.done $0x0  }
0xee: {  	s3 =	rddreg [dreg:$0x11];
	[sflag:s6] =	ssyncadd.s32 $0xFFFFE000  }
0xef: {  	[tilespmem:s9], [sflag:$0x9] =	stream.linear.gather [spmem:s3], $0x2000, $0x38;
	[tilespmem:$0x1E600] =	vst v63  }
0xf0: {  	_ =	swait.ge [sflag:s6], $0x2000  }
0xf1: {  	[sflag:s6] =	ssyncset.done $0x0  }
0xf2: {  	s10 =	rddreg [dreg:$0x5];
	[sflag:s6] =	ssyncadd.s32 $0xFFFFE000  }
0xf3: {  	[hbm4b:s10+s12] =	stream.linear.scatter [tilespmem:s9], [sflag:$0x9], $0x2000, $0x38;
	[tilespmem:$0x1E600] =	vst v63  }
0xf4: {  	_ =	swait.ge [sflag:s6], $0x2000  }
0xf5: {  	[sflag:s6] =	ssyncset.done $0x0  }
0xf6: {  	s18 =	rddreg [dreg:$0x12];
	[sflag:s6] =	ssyncadd.s32 $0xFFFFE000  }
0xf7: {  	[tilespmem:s9], [sflag:$0x9] =	stream.linear.gather [spmem:s18], $0x2000, $0x38;
	[tilespmem:$0x1E600] =	vst v63  }
0xf8: {  	_ =	swait.ge [sflag:s6], $0x2000  }
0xf9: {  	[sflag:s6] =	ssyncset.done $0x0  }
0xfa: {  	s19 =	rddreg [dreg:$0x6];
	[sflag:s6] =	ssyncadd.s32 $0xFFFFE000  }
0xfb: {  	[hbm4b:s19+s12] =	stream.linear.scatter [tilespmem:s9], [sflag:$0x9], $0x2000, $0x38;
	[tilespmem:$0x1E600] =	vst v63  }
0xfc: {  	_ =	swait.ge [sflag:s6], $0x2000  }
0xfd: {  	[sflag:s6] =	ssyncset.done $0x0  }
0xfe: {  	s31 =	rddreg [dreg:$0x13];
	[sflag:s6] =	ssyncadd.s32 $0xFFFFE000  }
0xff: {  	[tilespmem:s9], [sflag:$0x9] =	stream.linear.gather [spmem:s31], $0x2000, $0x38;
	[tilespmem:$0x1E600] =	vst v63  }
0x100: {  	_ =	swait.ge [sflag:s6], $0x2000  }
0x101: {  	[sflag:s6] =	ssyncset.done $0x0  }
0x102: {  	s1 =	rddreg [dreg:$0x7];
	[sflag:s6] =	ssyncadd.s32 $0xFFFFE000  }
0x103: {  	[hbm4b:s1+s12] =	stream.linear.scatter [tilespmem:s9], [sflag:$0x9], $0x2000, $0x38;
	[tilespmem:$0x1E600] =	vst v63  }
0x104: {  	_ =	swait.ge [sflag:s6], $0x2000  }
0x105: {  	[sflag:s6] =	ssyncset.done $0x0  }
0x106: {  	s3 =	rddreg [dreg:$0x14];
	[sflag:s6] =	ssyncadd.s32 $0xFFFFE000  }
0x107: {  	[tilespmem:s9], [sflag:$0x9] =	stream.linear.gather [spmem:s3], $0x2000, $0x38;
	[tilespmem:$0x1E600] =	vst v63  }
0x108: {  	_ =	swait.ge [sflag:s6], $0x2000  }
0x109: {  	[sflag:s6] =	ssyncset.done $0x0  }
0x10a: {  	s10 =	rddreg [dreg:$0x8];
	[sflag:s6] =	ssyncadd.s32 $0xFFFFE000  }
0x10b: {  	[hbm4b:s10+s12] =	stream.linear.scatter [tilespmem:s9], [sflag:$0x9], $0x2000, $0x38;
	[tilespmem:$0x1E600] =	vst v63  }
0x10c: {  	_ =	swait.ge [sflag:s6], $0x2000  }
0x10d: {  	[sflag:s6] =	ssyncset.done $0x0  }
0x10e: {  	s18 =	rddreg [dreg:$0x15];
	[sflag:s6] =	ssyncadd.s32 $0xFFFFE000  }
0x10f: {  	[tilespmem:s9], [sflag:$0x9] =	stream.linear.gather [spmem:s18], $0x2000, $0x38;
	[tilespmem:$0x1E600] =	vst v63  }
0x110: {  	_ =	swait.ge [sflag:s6], $0x2000  }
0x111: {  	[sflag:s6] =	ssyncset.done $0x0  }
0x112: {  	s19 =	rddreg [dreg:$0x9];
	[sflag:s6] =	ssyncadd.s32 $0xFFFFE000  }
0x113: {  	[hbm4b:s19+s12] =	stream.linear.scatter [tilespmem:s9], [sflag:$0x9], $0x2000, $0x38;
	[tilespmem:$0x1E600] =	vst v63  }
0x114: {  	_ =	swait.ge [sflag:s6], $0x2000  }
0x115: {  	[sflag:s6] =	ssyncset.done $0x0  }
0x116: {  	s31 =	rddreg [dreg:$0x16];
	[sflag:s6] =	ssyncadd.s32 $0xFFFFE000  }
0x117: {  	[tilespmem:s9], [sflag:$0x9] =	stream.linear.gather [spmem:s31], $0x2000, $0x38;
	[tilespmem:$0x1E600] =	vst v63  }
0x118: {  	_ =	swait.ge [sflag:s6], $0x2000  }
0x119: {  	[sflag:s6] =	ssyncset.done $0x0  }
0x11a: {  	s1 =	rddreg [dreg:$0xa];
	[sflag:s6] =	ssyncadd.s32 $0xFFFFE000  }
0x11b: {  	[hbm4b:s1+s12] =	stream.linear.scatter [tilespmem:s9], [sflag:$0x9], $0x2000, $0x38;
	[tilespmem:$0x1E600] =	vst v63  }
0x11c: {  	_ =	swait.ge [sflag:s6], $0x2000  }
0x11d: {  	[sflag:s6] =	ssyncset.done $0x0  }
0x11e: {  	s3 =	rddreg [dreg:$0x17];
	[sflag:s6] =	ssyncadd.s32 $0xFFFFE000  }
0x11f: {  	[tilespmem:s9], [sflag:$0x9] =	stream.linear.gather [spmem:s3], $0x2000, $0x38;
	[tilespmem:$0x1E600] =	vst v63  }
0x120: {  	_ =	swait.ge [sflag:s6], $0x2000  }
0x121: {  	[sflag:s6] =	ssyncset.done $0x0  }
0x122: {  	s10 =	rddreg [dreg:$0xb];
	[sflag:s6] =	ssyncadd.s32 $0xFFFFE000  }
0x123: {  	[hbm4b:s10+s12] =	stream.linear.scatter [tilespmem:s9], [sflag:$0x9], $0x2000, $0x38;
	[tilespmem:$0x1E600] =	vst v63  }
0x124: {  	_ =	swait.ge [sflag:s6], $0x2000  }
0x125: {  	[sflag:s6] =	ssyncset.done $0x0  }
0x126: {  	s18 =	rddreg [dreg:$0x18];
	[sflag:s6] =	ssyncadd.s32 $0xFFFFE000  }
0x127: {  	[tilespmem:s9], [sflag:$0x9] =	stream.linear.gather [spmem:s18], $0x1C00, $0x38;
	[tilespmem:$0x1E600] =	vst v63  }
0x128: {  	_ =	swait.ge [sflag:s6], $0x1C00  }
0x129: {  	[sflag:s6] =	ssyncset.done $0x0  }
0x12a: {  	s19 =	rddreg [dreg:$0xc];
	[sflag:s6] =	ssyncadd.s32 $0xFFFFE400  }
0x12b: {  	[hbm4b:s19+s12] =	stream.linear.scatter [tilespmem:s9], [sflag:$0x9], $0x1C00, $0x38;
	[tilespmem:$0x1E600] =	vst v63  }
0x12c: {  	_ =	swait.ge [sflag:s6], $0x1C00  }
0x12d: {  	s5 =	sadd.s32 $0x1, s5;
	s31 =	rddreg [dreg:$0x19]  }
0x12e: {  	p0 =	sne.s32 s5, s31  }
.Ltmp1:
0x12f: {  	_ = 	snop;
	(pc) =	sbr.rel @p0 .LBB2_1-.Ltmp1, $3  }
0x130: {  	_ =	sdelay $0x1  }
0x131: {  	[sflag:s6] =	ssyncset.done $0x0  }
0x132: {  	[sflag:s6] =	ssyncadd.s32 $0xFFFFE400  }
0x133: {  	_ =	sfence.sel $0x180000  }
0x134: {  	[bflag:$0x0] =	sbarrier.arrive $0xFFFF  }
0x135: {  	_ =	strace $0x9000004D  }
0x136: {  	s0 =	stileid.u32;
	[bflag:$0x2] =	sbarrier.arrive $0xFFFF  }
0x137: {  	p0 =	sne.s32 s0, $0x0;
	s0 =	rddreg [dreg:$0x2]  }
0x138: {  	s0 =	sadd.s32 @!p0 $0x100000, s0  }
0x139: {  	[sflag:s0] =	ssyncadd.tile.s32 @!p0 $0x1;
	_ =	shalt  }
.Lfunc_end2:
_tile_overlayer_lowered:
.L_overlay_start_2:
0x13a: {  	(tag) =	ssettag $0x2  }
0x13b: {  	s0 =	rddreg [dreg:$0x0];
	s2 =	stileid.u32  }
0x13c: {  	s1 =	rddreg [dreg:$0x1];
	p0 =	sne.s32 s2, $0x0  }
0x13d: {  	s3 =	rddreg [dreg:$0x2];
	[bflag:$0x3] =	sbarrier.arrive $0xFFFF;
	s2 =	simm.s32 @!p0 $0x1C09  }
0x13e: {  	[timem:s3], [sflag:s2] =	dma.local @!p0 [hbm:s0], s1  }
0x13f: {  	s0 =	simm.s32 @!p0 $0x9  }
0x140: {  	_ =	swait.ge @!p0 [sflag:s0], s1  }
0x141: {  	s1 =	ssub.s32 @!p0 $0x0, s1;
	[sflag:s0] =	ssyncset.done @!p0 $0x0  }
0x142: {  	[sflag:s0] =	ssyncadd.s32 @!p0 s1  }
0x143: {  	[bflag:$0x3] =	sbarrier.arrive $0xFFFF  }
0x144: {  	_ =	shalt  }

// kernel: kernel.23.cloned.1.call-start
scs
__scs_entry_jumppad:
0x0: {  	(pc) =	sbr.rel $0x88, $3  }
0x1: {  	(tag) =	ssettag $0x0;
	lr =	simm.s32 $0x1  }
0x2: {  	[smem:$0x3F90] =	sst lr;
	_ =	strace $0xD0000000  }
0x3: {  	_ = 	snop  }
0x4: {  	_ = 	snop  }
0x5: {  	_ = 	snop  }
0x6: {  	_ = 	snop  }
0x7: {  	_ = 	snop  }
__scs_overlays_trampoline_lowered:
0x8: {  	[smem:$0x3F9F] =	sst s0  }
0x9: {  	[smem:$0x3FA0] =	sst s1  }
0xa: {  	[smem:$0x3FA1] =	sst s2  }
0xb: {  	[smem:$0x3FA2] =	sst s3  }
0xc: {  	[smem:$0x3FA3] =	sst s4  }
0xd: {  	[smem:$0x3FA4] =	sst s5  }
0xe: {  	[smem:$0x3FA5] =	sst s6  }
0xf: {  	[smem:$0x3FA6] =	sst s7  }
0x10: {  	[smem:$0x3FA7] =	sst s8  }
0x11: {  	[smem:$0x3FA8] =	sst s9;
	s0 =	simm.s32 @!p0 $0x0  }
0x12: {  	s1 =	sld [smem:$0x3F8E];
	s0 =	simm.s32 @p0 $0x1  }
0x13: {  	[smem:$0x3FA9] =	sst s0;
	s0 =	simm.s32 @!p1 $0x0  }
0x14: {  	s2 =	sld [smem:$0x3F8D];
	s0 =	simm.s32 @p1 $0x1  }
0x15: {  	[smem:$0x3FAA] =	sst s0;
	s0 =	simm.s32 @!p2 $0x0  }
0x16: {  	s3 =	sld [smem:$0x3FDB];
	s0 =	simm.s32 @p2 $0x1  }
0x17: {  	s4 =	simm.s32 $0x1BF5;
	[smem:$0x3FAC] =	sst s0  }
0x18: {  	s0 =	sld [smem:$0x3F8F];
	_ =	swait.ge [sflag:s4], $0x0  }
0x19: {  	s7 =	sld [smem:$0x3F90]  }
0x1a: {  	s8 =	sadd.s32 $0xFFFFE003, lr  }
0x1b: {  	s9 =	sadd.s32 $0xFFFFFEF7, lr;
	s5 =	simm.s32 $0xFFFFFFFF;
	p2 =	slt.u32 s8, $0xFFFFF086  }
0x1c: {  	p1 =	slt.u32 s9, $0xF7A;
	s5 =	simm.s32 @!p2 $0x0  }
0x1d: {  	s5 =	simm.s32 @p1 $0x1;
	p0 =	seq.s32 s7, s2  }
0x1e: {  	s7 =	smul.u32 @!p0 $0xF7A, s2;
	p2 =	seq.s32 @!p0 s5, $0x0  }
0x1f: {  	s9 =	smul.u32 $0xF7A, s1;
	s8 =	simm.s32 @!p0 $0x1BF5;
	p2 =	por !p2, p0  }
0x20: {  	[sflag:s8] =	ssyncset.s32 @!p0 $0xFFFFF086;
	s6 =	sadd.s32 @!p0 s3, s7;
	s7 =	simm.s32 @!p0 $0x108  }
0x21: {  	s3 =	sadd.s32 s3, s9;
	s6 =	sadd.s32 @!p0 $0x88, s6;
	s7 =	simm.s32 @p2 $0x1082  }
0x22: {  	[simem:s7], [sflag:s8] =	dma.local @!p0 [hbm:s6], $0xF7A  }
0x23: {  	s9 =	sor.u32 $0xD0000000, s2;
	s6 =	simm.s32 $0x108;
	_ =	swait.ge @!p0 [sflag:s8], $0x0  }
0x24: {  	s3 =	sadd.s32 $0x88, s3;
	s6 =	simm.s32 @!p1 $0x1082;
	[sflag:s4] =	ssyncset.s32 $0xFFFFF086  }
0x25: {  	[simem:s6], [sflag:s4] =	dma.local [hbm:s3], $0xF7A  }
0x26: {  	[smem:$0x3F90] =	sst s1;
	(tag) =	ssettag s2;
	_ =	strace s9  }
0x27: {  	s1 =	sld [smem:$0x3FA0]  }
0x28: {  	s2 =	sld [smem:$0x3FA1]  }
0x29: {  	s4 =	sld [smem:$0x3FA3]  }
0x2a: {  	p0 =	seq.s32 s5, $0x0;
	s5 =	sld [smem:$0x3FA4]  }
0x2b: {  	s6 =	sld [smem:$0x3FA5]  }
0x2c: {  	s7 =	sld [smem:$0x3FA6]  }
0x2d: {  	s3 =	simm.s32 $0x108;
	s8 =	sld [smem:$0x3FA7]  }
0x2e: {  	s3 =	simm.s32 @!p0 $0x1082;
	s9 =	sld [smem:$0x3FA8]  }
0x2f: {  	lr =	sadd.s32 s0, s3;
	s0 =	sld [smem:$0x3F9F]  }
0x30: {  	s3 =	sld [smem:$0x3FA2]  }
0x31: {  	[smem:$0x3FAB] =	sst s10  }
0x32: {  	s10 =	sld [smem:$0x3FA9];
	_ =	sdelay $0x3  }
0x33: {  	p0 =	seq.s32 s10, $0x1;
	s10 =	sld [smem:$0x3FAB];
	_ =	sdelay $0x3  }
0x34: {  	[smem:$0x3FAB] =	sst s10  }
0x35: {  	s10 =	sld [smem:$0x3FAA];
	_ =	sdelay $0x3  }
0x36: {  	p1 =	seq.s32 s10, $0x1;
	s10 =	sld [smem:$0x3FAB];
	_ =	sdelay $0x3  }
0x37: {  	[smem:$0x3FAB] =	sst s10  }
0x38: {  	s10 =	sld [smem:$0x3FAC]  }
0x39: {  	_ = 	snop;
	(pc) =	sbr.ind lr, $3  }
0x3a: {  	_ = 	snop  }
0x3b: {  	_ = 	snop  }
0x3c: {  	p2 =	seq.s32 s10, $0x1;
	s10 =	sld [smem:$0x3FAB]  }
0x3d: {  	_ =	shalt  }
0x3e: {  	_ =	shalt  }
0x3f: {  	_ =	shalt  }
0x40: {  	_ =	shalt  }
0x41: {  	_ =	shalt  }
0x42: {  	_ =	shalt  }
0x43: {  	_ =	shalt  }
0x44: {  	_ =	shalt  }
0x45: {  	_ =	shalt  }
0x46: {  	_ =	shalt  }
0x47: {  	_ =	shalt  }
0x48: {  	_ =	shalt  }
0x49: {  	_ =	shalt  }
0x4a: {  	_ =	shalt  }
0x4b: {  	_ =	shalt  }
0x4c: {  	_ =	shalt  }
0x4d: {  	_ =	shalt  }
0x4e: {  	_ =	shalt  }
0x4f: {  	_ =	shalt  }
0x50: {  	_ =	shalt  }
0x51: {  	_ =	shalt  }
0x52: {  	_ =	shalt  }
0x53: {  	_ =	shalt  }
0x54: {  	_ =	shalt  }
0x55: {  	_ =	shalt  }
0x56: {  	_ =	shalt  }
0x57: {  	_ =	shalt  }
0x58: {  	_ =	shalt  }
0x59: {  	_ =	shalt  }
0x5a: {  	_ =	shalt  }
0x5b: {  	_ =	shalt  }
0x5c: {  	_ =	shalt  }
0x5d: {  	_ =	shalt  }
0x5e: {  	_ =	shalt  }
0x5f: {  	_ =	shalt  }
0x60: {  	_ =	shalt  }
0x61: {  	_ =	shalt  }
0x62: {  	_ =	shalt  }
0x63: {  	_ =	shalt  }
0x64: {  	_ =	shalt  }
0x65: {  	_ =	shalt  }
0x66: {  	_ =	shalt  }
0x67: {  	_ =	shalt  }
0x68: {  	_ =	shalt  }
0x69: {  	_ =	shalt  }
0x6a: {  	_ =	shalt  }
0x6b: {  	_ =	shalt  }
0x6c: {  	_ =	shalt  }
0x6d: {  	_ =	shalt  }
0x6e: {  	_ =	shalt  }
0x6f: {  	_ =	shalt  }
0x70: {  	_ =	shalt  }
0x71: {  	_ =	shalt  }
0x72: {  	_ =	shalt  }
0x73: {  	_ =	shalt  }
0x74: {  	_ =	shalt  }
0x75: {  	_ =	shalt  }
0x76: {  	_ =	shalt  }
0x77: {  	_ =	shalt  }
0x78: {  	_ =	shalt  }
0x79: {  	_ =	shalt  }
0x7a: {  	_ =	shalt  }
0x7b: {  	_ =	shalt  }
0x7c: {  	_ =	shalt  }
0x7d: {  	_ =	shalt  }
0x7e: {  	_ =	shalt  }
0x7f: {  	_ =	shalt  }
0x80: {  	_ =	shalt  }
0x81: {  	_ =	shalt  }
0x82: {  	_ =	shalt  }
0x83: {  	_ =	shalt  }
0x84: {  	_ =	shalt  }
0x85: {  	_ =	shalt  }
0x86: {  	_ =	shalt  }
0x87: {  	_ =	shalt  }
.Lfunc_end0:
.L_simem_size_0:
called_computation.3_lowered:
.L_overlay_start_0:
0x88: {  	s2 =	sld [smem:$0x3FD9]  }
0x89: {  	s3 =	sld [smem:$0x3FFE];
	_ =	sdelay $0x1  }
0x8a: {  	s1 =	srdreg.scid  }
0x8b: {  	s0 =	sand.u32 $0x1, s1  }
0x8c: {  	s16 =	sshll.u32 s0, $0xA;
	s2 =	sadd.s32 s3, s2  }
0x8d: {  	s2 =	sadd.s32 s2, s16  }
0x8e: {  	[smem:$0x3FB7] =	sst s2  }
0x8f: {  	_ = 	snop  }
0x90: {  	(tm) =	ssettm $0x1  }
0x91: {  	s17 =	sld [smem:$0x3FFB];
	_ =	sdelay $0x3  }
0x92: {  	_ =	strace s17  }
0x93: {  	s2 =	sld [smem:$0x3FFC];
	_ =	sdelay $0x3  }
0x94: {  	_ =	strace s2  }
0x95: {  	s2 =	sld [smem:$0x3FFD];
	_ =	sdelay $0x3  }
0x96: {  	_ =	strace s2  }
0x97: {  	_ =	strace $0x8FFFFFFF  }
0x98: {  	s18 =	sld [smem:$0x3FDB];
	_ =	sdelay $0x1  }
0x99: {  	s19 =	simm.s32 $_scs_section_size  }
0x9a: {  	s4 =	simm.s32 $_size__tile_overlayer_lowered;
	s5 =	simm.s32 $_tile_overlayer_lowered  }
0x9b: {  	s22 =	simm.s32 $0x1BFF;
	s21 =	sshll.u32 s5, $0x1;
	s2 =	sadd.s32 s19, s18  }
0x9c: {  	s6 =	simm.s32 $0x0;
	s20 =	sshll.u32 s4, $0x1;
	s4 =	sadd.s32 s21, s2  }
0x9d: {  	[timem:s6], [sflag:s22] =	dma.local [hbm:s4], s20  }
0x9e: {  	_ =	swait.ge [sflag:s22], s20  }
0x9f: {  	s3 =	ssub.s32 $0x0, s20;
	[sflag:s22] =	ssyncset.done $0x0  }
0xa0: {  	[sflag:s22] =	ssyncadd.s32 s3;
	_ =	sdelay $0x1  }
0xa1: {  	s23 =	simm.s32 $0x1B8B  }
0xa2: {  	_ =	swait.ge [sflag:s23], $0x1  }
0xa3: {  	[sflag:s23] =	ssyncset.done $0x0  }
0xa4: {  	s25 =	simm.s32 $0x1B8E;
	s24 =	sld [smem:$0x3FFE];
	[sflag:s23] =	ssyncadd.s32 $0xFFFFFFFF  }
0xa5: {  	s26 =	simm.s32 $execute0_lowered;
	[smem:$0x3FD2] =	sst s25  }
0xa6: {  	s4 =	sshll.u32 s26, $0x1;
	_ =	strace $0x8000004F;
	[dreg:$0x1] =	wrdreg $0xFFFFFFFF  }
0xa7: {  	s28 =	simm.s32 $_size_execute0_lowered;
	s2 =	sadd.s32 s2, s4;
	[dreg:$0x0] =	wrdreg $0x0  }
0xa8: {  	s4 =	sshll.u32 s28, $0x1;
	[dreg:$0x2] =	wrdreg s2  }
0xa9: {  	[dreg:$0x3] =	wrdreg s4  }
0xaa: {  	[dreg:$0x4] =	wrdreg $0xC0  }
0xab: {  	_ =	task [dreg:s6], $0x5FFFF  }
0xac: {  	[dreg:$0x1] =	wrdreg $0xFFFFFFFF  }
0xad: {  	[dreg:$0x0] =	wrdreg $0x60  }
0xae: {  	[dreg:$0x2] =	wrdreg s24  }
0xaf: {  	[dreg:$0x3] =	wrdreg $0xAA000  }
0xb0: {  	[dreg:$0x4] =	wrdreg $0x9  }
0xb1: {  	_ =	task.clear_ibuf [dreg:s6], $0x5FFFF;
	_ =	strace $0x9000004F  }
0xb2: {  	s29 =	simm.s32 $0x9;
	_ =	strace $0x80000051  }
0xb3: {  	_ =	swait.ge [sflag:s29], $0x1  }
0xb4: {  	[sflag:s29] =	ssyncadd.s32 $0xFFFFFFFF  }
0xb5: {  	_ =	strace $0x90000051  }
0xb6: {  	_ =	sfence  }
0xb7: {  	s30 =	sld [smem:$0x0];
	_ =	sdelay $0x2  }
0xb8: {  	s31 =	sshll.u32 s1, $0xD;
	s1 =	sshrl.u32 s1, $0x2  }
0xb9: {  	s3 =	sand.u32 $0x4000, s31;
	s1 =	sadd.s32 s1, s30  }
0xba: {  	s0 =	sor.u32 s3, s0;
	s1 =	sshll.u32 s1, $0x11  }
0xbb: {  	s0 =	sor.u32 s1, s0  }
0xbc: {  	s0 =	sadd.s32 $0x8F2B, s0  }
0xbd: {  	[sflag:s0] =	ssyncadd.remote.s32 $0x1  }
0xbe: {  	_ =	sfence.sel $0xFFFF  }
0xbf: {  	[dreg:$0x0] =	wrdreg $0xFFFFFFFF;
	(pc) =	sbr.abs _section_cstart, $3  }
0xc0: {  	[dreg:$0x1] =	wrdreg $0xFFFFFFFF  }
0xc1: {  	_ =	task.clear_ibuf [dreg:s6], $0x2FFFF;
	_ =	strace $0x9FFFFFFF  }
0xc2: {  	(tm) =	ssettm $0x7FFFFFFF  }
0xc3: {  	_ =	shalt  }
tec
execute0_lowered:
.L_overlay_start_1:
0x0: {  	(tag) =	ssettag $0x1  }
0x1: {  	s0 =	srdreg.scid;
	s14 =	stileid.u32  }
0x2: {  	s4 =	rddreg [dreg:$0x0];
	s28 =	simm.s32 $0x5;
	s29 =	simm.s32 $0x6  }
0x3: {  	s1 =	sand.u32 $0x1, s0;
	s3 =	smul.u32 $0x13C00, s14;
	s6 =	sadd.s32 $0x41800, s4  }
0x4: {  	s22 =	smul.u32 $0x2710, s14;
	s0 =	sshll.u32 s1, $0x4;
	s23 =	ssub.s32 $0x2, s1  }
0x5: {  	s5 =	smul.u32 $0x13C000, s1;
	s0 =	sor.u32 s14, s0;
	s7 =	sshrl.u32 s23, $0x1  }
0x6: {  	s8 =	sadd.s32 $0x2000, s3;
	s10 =	sadd.s32 $0x4000, s3;
	s13 =	sadd.s32 $0x8000, s3  }
0x7: {  	s16 =	sadd.s32 $0xA000, s3;
	s17 =	sadd.s32 $0xC000, s3;
	s18 =	sadd.s32 $0xE000, s3  }
0x8: {  	s2 =	smul.u32 $0x2710, s0;
	s0 =	ssub.s32 s23, s7;
	s24 =	sadd.s32 s3, s5  }
0x9: {  	s9 =	sadd.s32 s5, s8;
	s26 =	sadd.s32 s5, s10;
	s11 =	sadd.s32 s5, s13  }
0xa: {  	s12 =	sadd.s32 s5, s16;
	s15 =	sadd.s32 s5, s17;
	s19 =	sadd.s32 s5, s18  }
0xb: {  	s23 =	smul.u32 $0x4F000, s14;
	s14 =	sadd.s32 $0xE000, s4;
	s7 =	sshrl.u32 s24, $0x3  }
0xc: {  	s9 =	sshrl.u32 s9, $0x3;
	s11 =	sshrl.u32 s11, $0x3;
	s7 =	sadd.s32 s6, s7  }
0xd: {  	s25 =	sadd.s32 s6, s9;
	s9 =	sadd.s32 $0x6000, s3;
	[dreg:$0x3] =	wrdreg s7  }
0xe: {  	s11 =	sadd.s32 s6, s11;
	[dreg:$0x4] =	wrdreg s25;
	s7 =	sshrl.u32 s26, $0x3  }
0xf: {  	s31 =	sadd.s32 s5, s9;
	[dreg:$0x7] =	wrdreg s11;
	s11 =	sshrl.u32 s19, $0x3  }
0x10: {  	s19 =	sadd.s32 $0x10000, s3;
	s3 =	sadd.s32 $0x12000, s3;
	s7 =	sadd.s32 s6, s7  }
0x11: {  	s20 =	sadd.s32 s6, s11;
	[dreg:$0x5] =	wrdreg s7;
	s7 =	sshrl.u32 s31, $0x3  }
0x12: {  	s21 =	sadd.s32 s5, s19;
	s11 =	rddreg [dreg:$0x1];
	s7 =	sadd.s32 s6, s7  }
0x13: {  	s5 =	sadd.s32 s5, s3;
	[dreg:$0x6] =	wrdreg s7;
	s7 =	sshrl.u32 s12, $0x3  }
0x14: {  	[dreg:$0xa] =	wrdreg s20;
	s5 =	sshrl.u32 s5, $0x3;
	s7 =	sadd.s32 s6, s7  }
0x15: {  	s5 =	sadd.s32 s6, s5;
	[dreg:$0x8] =	wrdreg s7;
	s7 =	sshrl.u32 s15, $0x3  }
0x16: {  	s2 =	sshrl.u32 s2, $0x3;
	[dreg:$0xc] =	wrdreg s5;
	s7 =	sadd.s32 s6, s7  }
0x17: {  	s12 =	simm.s32 $0x0;
	[dreg:$0x9] =	wrdreg s7;
	s7 =	sshrl.u32 s21, $0x3  }
0x18: {  	s24 =	sadd.s32 s2, s4;
	[smem:$0x7FF] =	sst s12;
	s7 =	sadd.s32 s6, s7  }
0x19: {  	s15 =	sadd.s32 $0x1A600, s4;
	s4 =	sadd.s32 $0x17E00, s4;
	[dreg:$0xb] =	wrdreg s7  }
0x1a: {  	s26 =	sadd.s32 $0x4200, s24;
	_ =	strace $0x80000050;
	[dreg:$0xd] =	wrdreg s4  }
0x1b: {  	s1 =	smul.u32 $0x27100, s1;
	s31 =	sadd.s32 s8, s11;
	[dreg:$0xe] =	wrdreg s26  }
0x1c: {  	s30 =	simm.s32 $0x7;
	s6 =	sadd.s32 s10, s11;
	[dreg:$0x10] =	wrdreg s31  }
0x1d: {  	s1 =	sadd.s32 s22, s1;
	s7 =	sadd.s32 s9, s11;
	[dreg:$0x11] =	wrdreg s6  }
0x1e: {  	s0 =	smax.u32 s0, $0x1;
	s8 =	sadd.s32 s13, s11;
	[dreg:$0x12] =	wrdreg s7  }
0x1f: {  	s25 =	sshrl.u32 s23, $0x2;
	s9 =	sadd.s32 s16, s11;
	[dreg:$0x13] =	wrdreg s8  }
0x20: {  	s23 =	sadd.s32 $0x100, s1;
	s10 =	sadd.s32 s17, s11;
	[dreg:$0x14] =	wrdreg s9  }
0x21: {  	s13 =	sadd.s32 s18, s11;
	s18 =	sadd.s32 $0x180, s1;
	[dreg:$0x15] =	wrdreg s10  }
0x22: {  	s20 =	sadd.s32 $0x1C0, s1;
	s16 =	sadd.s32 s19, s11;
	[dreg:$0x16] =	wrdreg s13  }
0x23: {  	s22 =	sshrl.u32 s20, $0x3;
	s17 =	sadd.s32 s3, s11;
	[dreg:$0x17] =	wrdreg s16  }
0x24: {  	s20 =	simm.s32 $0x6A00;
	s5 =	sadd.s32 s14, s2;
	[dreg:$0x18] =	wrdreg s17  }
0x25: {  	s24 =	sadd.s32 $0x8, s5;
	s19 =	sadd.s32 $0x140, s1;
	[dreg:$0x19] =	wrdreg s0  }
0x26: {  	s4 =	sadd.s32 s25, s11;
	s0 =	sshrl.u32 s18, $0x3;
	[dreg:$0x1d] =	wrdreg s23  }
0x27: {  	s2 =	sshrl.u32 s19, $0x3;
	[dreg:$0x1e] =	wrdreg s24;
	s25 =	sadd.s32 $0x10, s5  }
0x28: {  	s26 =	sadd.s32 $0x18, s5;
	[dreg:$0xf] =	wrdreg s5;
	s31 =	sadd.s32 $0x4E0, s5  }
0x29: {  	s6 =	simm.s32 $0x9;
	s7 =	simm.s32 $0x2780;
	s8 =	simm.s32 $0x40  }
0x2a: {  	s9 =	simm.s32 $0x2A00;
	s13 =	simm.s32 $0x2800;
	s16 =	simm.s32 $0x4A00  }
0x2b: {  	s17 =	simm.s32 $0x2880;
	s23 =	simm.s32 $0x1;
	[dreg:$0x1f] =	wrdreg s25  }
0x2c: {  	s24 =	simm.s32 $0x2;
	s5 =	simm.s32 $0x0;
	[smem:$0x7FC] =	sst s26  }
0x2d: {  	s0 =	sadd.s32 s0, s14;
	s21 =	sadd.s32 s2, s14;
	[smem:$0x7FD] =	sst s31  }
0x2e: {  	s25 =	simm.s32 $0x3;
	s26 =	simm.s32 $0x4;
	[dreg:$0x1a] =	wrdreg s0  }
0x2f: {  	s2 =	simm.s32 $0x8;
	[dreg:$0x1b] =	wrdreg s21;
	s0 =	sadd.s32 s22, s14  }
0x30: {  	s21 =	simm.s32 $0x2900;
	s22 =	simm.s32 $0x8A00;
	[dreg:$0x1c] =	wrdreg s0  }
.LBB2_1:
0x31: {  	s0 =	rddreg [dreg:$0xe]  }
0x32: {  	[tilespmem:s12], [sflag:$0x9] =	stream.linear.gather [hbm4b:s0+s12], $0x2710, $0x38;
	[tilespmem:$0x1E600] =	vst v63  }
0x33: {  	s3 =	stileid.u32;
	_ =	swait.ge [sflag:s6], $0x2710  }
0x34: {  	s10 =	sshrl.u32 s4, $0x3;
	s3 =	sshll.u32 s3, $0x6;
	[sflag:s6] =	ssyncset.done $0x0  }
0x35: {  	s3 =	sor.u32 $0x1C09, s3;
	s18 =	rddreg [dreg:$0xd];
	[sflag:s6] =	ssyncadd.s32 $0xFFFFD8F0  }
0x36: {  	[spmem:s10], [sflag:s3] =	dma.local [hbm:s18], $0x2780  }
0x37: {  	_ =	swait.ge [sflag:s6], $0x2780  }
0x38: {  	[sflag:s6] =	ssyncset.done $0x0  }
0x39: {  	[sflag:s6] =	ssyncadd.s32 $0xFFFFD880  }
0x3a: {  	[bflag:$0x0] =	sbarrier.arrive $0xFFFF  }
0x3b: {  	s19 =	rddreg [dreg:$0xf]  }
0x3c: {  	[tilespmem:s7], [sflag:$0x9] =	stream.linear.gather [hbm4b:s19+s12], $0x40, $0x38;
	[tilespmem:$0x1E600] =	vst v63  }
0x3d: {  	_ =	swait.ge [sflag:s6], $0x40  }
0x3e: {  	[sflag:s6] =	ssyncset.done $0x0  }
0x3f: {  	[sflag:s6] =	ssyncadd.s32 $0xFFFFFFC0  }
0x40: {  	[tilespmem:s9], [sflag:$0x1] =	stream.indirect.gather [hbm4b:s15+s8], $0x80, s12, s8, $0xb8;
	[tilespmem:$0x1E600] =	vst v63  }
0x41: {  	s3 =	rddreg [dreg:$0x1e]  }
0x42: {  	[tilespmem:s13], [sflag:$0x9] =	stream.linear.gather [hbm4b:s3+s12], $0x40, $0x38;
	[tilespmem:$0x1E600] =	vst v63  }
0x43: {  	_ =	swait.ge [sflag:s6], $0x40  }
0x44: {  	[sflag:s6] =	ssyncset.done $0x0  }
0x45: {  	[sflag:s6] =	ssyncadd.s32 $0xFFFFFFC0  }
0x46: {  	[tilespmem:s16], [sflag:$0x2] =	stream.indirect.gather [hbm4b:s15+s8], $0x80, s8, s8, $0xb8;
	[tilespmem:$0x1E600] =	vst v63  }
0x47: {  	s1 =	smov.u32 s4;
	s4 =	rddreg [dreg:$0x1f]  }
0x48: {  	[tilespmem:s17], [sflag:$0x9] =	stream.linear.gather [hbm4b:s4+s12], $0x40, $0x38;
	[tilespmem:$0x1E600] =	vst v63  }
0x49: {  	_ =	swait.ge [sflag:s6], $0x40  }
0x4a: {  	[sflag:s6] =	ssyncset.done $0x0  }
0x4b: {  	s10 =	simm.s32 $0x80;
	s18 =	sld [smem:$0x7FC];
	[sflag:s6] =	ssyncadd.s32 $0xFFFFFFC0  }
0x4c: {  	[tilespmem:s20], [sflag:$0x3] =	stream.indirect.gather [hbm4b:s15+s8], $0x80, s10, s8, $0xb8;
	[tilespmem:$0x1E600] =	vst v63  }
0x4d: {  	_ = 	snop  }
0x4e: {  	[tilespmem:s21], [sflag:$0x9] =	stream.linear.gather [hbm4b:s18+s12], $0x40, $0x38;
	[tilespmem:$0x1E600] =	vst v63  }
0x4f: {  	_ =	swait.ge [sflag:s6], $0x40  }
0x50: {  	[sflag:s6] =	ssyncset.done $0x0  }
0x51: {  	s19 =	simm.s32 $0xC0;
	[sflag:s6] =	ssyncadd.s32 $0xFFFFFFC0  }
0x52: {  	[tilespmem:s22], [sflag:$0x4] =	stream.indirect.gather [hbm4b:s15+s8], $0x80, s19, s8, $0xb8;
	[tilespmem:$0x1E600] =	vst v63  }
0x53: {  	_ =	swait.ge [sflag:s23], $0x2000  }
0x54: {  	[sflag:s23] =	ssyncset.done $0x0  }
0x55: {  	[sflag:s23] =	ssyncadd.s32 $0xFFFFE000  }
0x56: {  	[spmem:s11] =	stream.indirect.scatter.add.f32 [tilespmem:s9], [sflag:$0x5], $0x80, s7, s8, $0xb8;
	[tilespmem:$0x1E600] =	vst v63  }
0x57: {  	_ =	swait.ge [sflag:s24], $0x2000  }
0x58: {  	[sflag:s24] =	ssyncset.done $0x0  }
0x59: {  	[sflag:s24] =	ssyncadd.s32 $0xFFFFE000  }
0x5a: {  	[spmem:s11] =	stream.indirect.scatter.add.f32 [tilespmem:s16], [sflag:$0x6], $0x80, s13, s8, $0xb8;
	[tilespmem:$0x1E600] =	vst v63  }
0x5b: {  	_ =	swait.ge [sflag:s25], $0x2000  }
0x5c: {  	[sflag:s25] =	ssyncset.done $0x0  }
0x5d: {  	[sflag:s25] =	ssyncadd.s32 $0xFFFFE000  }
0x5e: {  	[spmem:s11] =	stream.indirect.scatter.add.f32 [tilespmem:s20], [sflag:$0x7], $0x80, s17, s8, $0xb8;
	[tilespmem:$0x1E600] =	vst v63  }
0x5f: {  	_ =	swait.ge [sflag:s26], $0x2000  }
0x60: {  	[sflag:s26] =	ssyncset.done $0x0  }
0x61: {  	[sflag:s26] =	ssyncadd.s32 $0xFFFFE000  }
0x62: {  	[spmem:s11] =	stream.indirect.scatter.add.f32 [tilespmem:s22], [sflag:$0x8], $0x80, s21, s8, $0xb8;
	[tilespmem:$0x1E600] =	vst v63  }
0x63: {  	_ =	swait.ge [sflag:s28], $0x2000  }
0x64: {  	s4 =	rddreg [dreg:$0x1d]  }
0x65: {  	[sflag:s28] =	ssyncset.done $0x0;
	s0 =	sshrl.u32 s4, $0x3  }
0x66: {  	[sflag:s28] =	ssyncadd.s32 $0xFFFFE000;
	s3 =	sadd.s32 s14, s0  }
0x67: {  	[tilespmem:s7], [sflag:$0x9] =	stream.linear.gather [hbm4b:s3+s12], $0x40, $0x38;
	[tilespmem:$0x1E600] =	vst v63  }
0x68: {  	_ =	swait.ge [sflag:s6], $0x40  }
0x69: {  	[sflag:s6] =	ssyncset.done $0x0  }
0x6a: {  	s10 =	simm.s32 $0x100;
	[sflag:s6] =	ssyncadd.s32 $0xFFFFFFC0  }
0x6b: {  	[tilespmem:s9], [sflag:$0x1] =	stream.indirect.gather [hbm4b:s15+s8], $0x80, s10, s8, $0xb8;
	[tilespmem:$0x1E600] =	vst v63  }
0x6c: {  	_ =	swait.ge [sflag:s29], $0x2000  }
0x6d: {  	[sflag:s29] =	ssyncset.done $0x0  }
0x6e: {  	s10 =	rddreg [dreg:$0x1b];
	[sflag:s29] =	ssyncadd.s32 $0xFFFFE000  }
0x6f: {  	[tilespmem:s13], [sflag:$0x9] =	stream.linear.gather [hbm4b:s10+s12], $0x40, $0x38;
	[tilespmem:$0x1E600] =	vst v63  }
0x70: {  	_ =	swait.ge [sflag:s6], $0x40  }
0x71: {  	[sflag:s6] =	ssyncset.done $0x0  }
0x72: {  	s18 =	simm.s32 $0x140;
	[sflag:s6] =	ssyncadd.s32 $0xFFFFFFC0  }
0x73: {  	[tilespmem:s16], [sflag:$0x2] =	stream.indirect.gather [hbm4b:s15+s8], $0x80, s18, s8, $0xb8;
	[tilespmem:$0x1E600] =	vst v63  }
0x74: {  	_ =	swait.ge [sflag:s30], $0x2000  }
0x75: {  	[sflag:s30] =	ssyncset.done $0x0  }
0x76: {  	s0 =	rddreg [dreg:$0x1a];
	[sflag:s30] =	ssyncadd.s32 $0xFFFFE000  }
0x77: {  	[tilespmem:s17], [sflag:$0x9] =	stream.linear.gather [hbm4b:s0+s12], $0x40, $0x38;
	[tilespmem:$0x1E600] =	vst v63  }
0x78: {  	_ =	swait.ge [sflag:s6], $0x40  }
0x79: {  	[sflag:s6] =	ssyncset.done $0x0  }
0x7a: {  	s19 =	simm.s32 $0x180;
	[sflag:s6] =	ssyncadd.s32 $0xFFFFFFC0  }
0x7b: {  	[tilespmem:s20], [sflag:$0x3] =	stream.indirect.gather [hbm4b:s15+s8], $0x80, s19, s8, $0xb8;
	[tilespmem:$0x1E600] =	vst v63  }
0x7c: {  	_ =	swait.ge [sflag:s2], $0x2000  }
0x7d: {  	[sflag:s2] =	ssyncset.done $0x0  }
0x7e: {  	s18 =	rddreg [dreg:$0x1c];
	[sflag:s2] =	ssyncadd.s32 $0xFFFFE000  }
0x7f: {  	[tilespmem:s21], [sflag:$0x9] =	stream.linear.gather [hbm4b:s18+s12], $0x40, $0x38;
	[tilespmem:$0x1E600] =	vst v63  }
0x80: {  	s4 =	sadd.s32 $0x100, s4;
	s3 =	simm.s32 $0x400;
	_ =	swait.ge [sflag:s6], $0x40  }
0x81: {  	s31 =	sadd.s32 $0x20, s0;
	s19 =	sadd.s32 $0x20, s10;
	[sflag:s6] =	ssyncset.done $0x0  }
0x82: {  	s10 =	simm.s32 $0x1C0;
	s18 =	sadd.s32 $0x20, s18;
	[sflag:s6] =	ssyncadd.s32 $0xFFFFFFC0  }
.LBB2_2:
0x83: {  	[tilespmem:s22], [sflag:$0x4] =	stream.indirect.gather [hbm4b:s15+s8], $0x80, s10, s8, $0xb8;
	[tilespmem:$0x1E600] =	vst v63  }
0x84: {  	s10 =	smov.u32 s3  }
0x85: {  	p0 =	sne.s32 s3, $0x9400;
	s3 =	sadd.s32 $0x400, s3;
	_ =	swait.ge [sflag:s23], $0x2000  }
0x86: {  	[sflag:s23] =	ssyncset.done $0x0  }
0x87: {  	[sflag:s23] =	ssyncadd.s32 $0xFFFFE000  }
0x88: {  	[spmem:s11] =	stream.indirect.scatter.add.f32 [tilespmem:s9], [sflag:$0x5], $0x80, s7, s8, $0xb8;
	[tilespmem:$0x1E600] =	vst v63  }
0x89: {  	_ =	swait.ge [sflag:s24], $0x2000  }
0x8a: {  	[sflag:s24] =	ssyncset.done $0x0  }
0x8b: {  	[sflag:s24] =	ssyncadd.s32 $0xFFFFE000  }
0x8c: {  	[spmem:s11] =	stream.indirect.scatter.add.f32 [tilespmem:s16], [sflag:$0x6], $0x80, s13, s8, $0xb8;
	[tilespmem:$0x1E600] =	vst v63  }
0x8d: {  	_ =	swait.ge [sflag:s25], $0x2000  }
0x8e: {  	[sflag:s25] =	ssyncset.done $0x0  }
0x8f: {  	[sflag:s25] =	ssyncadd.s32 $0xFFFFE000  }
0x90: {  	[spmem:s11] =	stream.indirect.scatter.add.f32 [tilespmem:s20], [sflag:$0x7], $0x80, s17, s8, $0xb8;
	[tilespmem:$0x1E600] =	vst v63  }
0x91: {  	_ =	swait.ge [sflag:s26], $0x2000  }
0x92: {  	[sflag:s26] =	ssyncset.done $0x0  }
0x93: {  	[sflag:s26] =	ssyncadd.s32 $0xFFFFE000  }
0x94: {  	[spmem:s11] =	stream.indirect.scatter.add.f32 [tilespmem:s22], [sflag:$0x8], $0x80, s21, s8, $0xb8;
	[tilespmem:$0x1E600] =	vst v63  }
0x95: {  	_ =	swait.ge [sflag:s28], $0x2000  }
0x96: {  	s0 =	sshrl.u32 s4, $0x3;
	[sflag:s28] =	ssyncset.done $0x0  }
0x97: {  	s0 =	sadd.s32 s14, s0;
	[sflag:s28] =	ssyncadd.s32 $0xFFFFE000  }
0x98: {  	[tilespmem:s7], [sflag:$0x9] =	stream.linear.gather [hbm4b:s0+s12], $0x40, $0x38;
	[tilespmem:$0x1E600] =	vst v63  }
0x99: {  	_ =	swait.ge [sflag:s6], $0x40  }
0x9a: {  	s0 =	sshra.s32 s10, $0x2;
	[sflag:s6] =	ssyncset.done $0x0  }
0x9b: {  	s10 =	sadd.s32 $0x100, s0;
	[sflag:s6] =	ssyncadd.s32 $0xFFFFFFC0  }
0x9c: {  	[tilespmem:s9], [sflag:$0x1] =	stream.indirect.gather [hbm4b:s15+s8], $0x80, s10, s8, $0xb8;
	[tilespmem:$0x1E600] =	vst v63  }
0x9d: {  	_ =	swait.ge [sflag:s29], $0x2000  }
0x9e: {  	[sflag:s29] =	ssyncset.done $0x0  }
0x9f: {  	[sflag:s29] =	ssyncadd.s32 $0xFFFFE000  }
0xa0: {  	[tilespmem:s13], [sflag:$0x9] =	stream.linear.gather [hbm4b:s19+s12], $0x40, $0x38;
	[tilespmem:$0x1E600] =	vst v63  }
0xa1: {  	_ =	swait.ge [sflag:s6], $0x40  }
0xa2: {  	[sflag:s6] =	ssyncset.done $0x0  }
0xa3: {  	s10 =	sadd.s32 $0x140, s0;
	[sflag:s6] =	ssyncadd.s32 $0xFFFFFFC0  }
0xa4: {  	[tilespmem:s16], [sflag:$0x2] =	stream.indirect.gather [hbm4b:s15+s8], $0x80, s10, s8, $0xb8;
	[tilespmem:$0x1E600] =	vst v63  }
0xa5: {  	_ =	swait.ge [sflag:s30], $0x2000  }
0xa6: {  	[sflag:s30] =	ssyncset.done $0x0  }
0xa7: {  	[sflag:s30] =	ssyncadd.s32 $0xFFFFE000  }
0xa8: {  	[tilespmem:s17], [sflag:$0x9] =	stream.linear.gather [hbm4b:s31+s12], $0x40, $0x38;
	[tilespmem:$0x1E600] =	vst v63  }
0xa9: {  	_ =	swait.ge [sflag:s6], $0x40  }
0xaa: {  	[sflag:s6] =	ssyncset.done $0x0  }
0xab: {  	s10 =	sadd.s32 $0x180, s0;
	[sflag:s6] =	ssyncadd.s32 $0xFFFFFFC0  }
0xac: {  	[tilespmem:s20], [sflag:$0x3] =	stream.indirect.gather [hbm4b:s15+s8], $0x80, s10, s8, $0xb8;
	[tilespmem:$0x1E600] =	vst v63  }
0xad: {  	_ =	swait.ge [sflag:s2], $0x2000  }
0xae: {  	[sflag:s2] =	ssyncset.done $0x0  }
.Ltmp0:
0xaf: {  	[sflag:s2] =	ssyncadd.s32 $0xFFFFE000;
	(pc) =	sbr.rel @p0 .LBB2_2-.Ltmp0, $4  }
0xb0: {  	[tilespmem:s21], [sflag:$0x9] =	stream.linear.gather [hbm4b:s18+s12], $0x40, $0x38;
	[tilespmem:$0x1E600] =	vst v63  }
0xb1: {  	s4 =	sadd.s32 $0x100, s4;
	_ =	swait.ge [sflag:s6], $0x40  }
0xb2: {  	s19 =	sadd.s32 $0x20, s19;
	s18 =	sadd.s32 $0x20, s18;
	[sflag:s6] =	ssyncset.done $0x0  }
0xb3: {  	s31 =	sadd.s32 $0x20, s31;
	s10 =	sadd.s32 $0x1C0, s0;
	[sflag:s6] =	ssyncadd.s32 $0xFFFFFFC0  }
0xb4: {  	[tilespmem:s22], [sflag:$0x4] =	stream.indirect.gather [hbm4b:s15+s8], $0x80, s10, s8, $0xb8;
	[tilespmem:$0x1E600] =	vst v63  }
0xb5: {  	_ =	swait.ge [sflag:s23], $0x2000  }
0xb6: {  	[sflag:s23] =	ssyncset.done $0x0  }
0xb7: {  	[sflag:s23] =	ssyncadd.s32 $0xFFFFE000  }
0xb8: {  	[spmem:s11] =	stream.indirect.scatter.add.f32 [tilespmem:s9], [sflag:$0x9], $0x80, s7, s8, $0xb8;
	[tilespmem:$0x1E600] =	vst v63  }
0xb9: {  	_ =	swait.ge [sflag:s6], $0x2000  }
0xba: {  	[sflag:s6] =	ssyncset.done $0x0  }
0xbb: {  	[sflag:s6] =	ssyncadd.s32 $0xFFFFE000  }
0xbc: {  	_ =	swait.ge [sflag:s24], $0x2000  }
0xbd: {  	[sflag:s24] =	ssyncset.done $0x0  }
0xbe: {  	[sflag:s24] =	ssyncadd.s32 $0xFFFFE000  }
0xbf: {  	[spmem:s11] =	stream.indirect.scatter.add.f32 [tilespmem:s16], [sflag:$0x9], $0x80, s13, s8, $0xb8;
	[tilespmem:$0x1E600] =	vst v63  }
0xc0: {  	_ =	swait.ge [sflag:s6], $0x2000  }
0xc1: {  	[sflag:s6] =	ssyncset.done $0x0  }
0xc2: {  	[sflag:s6] =	ssyncadd.s32 $0xFFFFE000  }
0xc3: {  	_ =	swait.ge [sflag:s25], $0x2000  }
0xc4: {  	[sflag:s25] =	ssyncset.done $0x0  }
0xc5: {  	[sflag:s25] =	ssyncadd.s32 $0xFFFFE000  }
0xc6: {  	[spmem:s11] =	stream.indirect.scatter.add.f32 [tilespmem:s20], [sflag:$0x9], $0x80, s17, s8, $0xb8;
	[tilespmem:$0x1E600] =	vst v63  }
0xc7: {  	_ =	swait.ge [sflag:s6], $0x2000  }
0xc8: {  	[sflag:s6] =	ssyncset.done $0x0  }
0xc9: {  	[sflag:s6] =	ssyncadd.s32 $0xFFFFE000  }
0xca: {  	_ =	swait.ge [sflag:s26], $0x2000  }
0xcb: {  	[sflag:s26] =	ssyncset.done $0x0  }
0xcc: {  	[sflag:s26] =	ssyncadd.s32 $0xFFFFE000  }
0xcd: {  	[spmem:s11] =	stream.indirect.scatter.add.f32 [tilespmem:s22], [sflag:$0x9], $0x80, s21, s8, $0xb8;
	[tilespmem:$0x1E600] =	vst v63  }
0xce: {  	_ =	swait.ge [sflag:s6], $0x2000  }
0xcf: {  	s0 =	sld [smem:$0x7FD]  }
0xd0: {  	[sflag:s6] =	ssyncset.done $0x0  }
0xd1: {  	s3 =	simm.s32 $0x2980;
	[sflag:s6] =	ssyncadd.s32 $0xFFFFE000  }
0xd2: {  	[tilespmem:s3], [sflag:$0x9] =	stream.linear.gather [hbm4b:s0+s12], $0x10, $0x38;
	[tilespmem:$0x1E600] =	vst v63  }
0xd3: {  	_ =	swait.ge [sflag:s6], $0x10  }
0xd4: {  	[sflag:s6] =	ssyncset.done $0x0  }
0xd5: {  	s18 =	simm.s32 $0x10;
	s4 =	simm.s32 $0x2700;
	[sflag:s6] =	ssyncadd.s32 $0xFFFFFFF0  }
0xd6: {  	[tilespmem:s9], [sflag:$0x1] =	stream.indirect.gather [hbm4b:s15+s18], $0x80, s4, s18, $0xb8;
	[tilespmem:$0x1E600] =	vst v63  }
0xd7: {  	_ =	swait.ge [sflag:s23], $0x800  }
0xd8: {  	[sflag:s23] =	ssyncset.done $0x0  }
0xd9: {  	[sflag:s23] =	ssyncadd.s32 $0xFFFFF800  }
0xda: {  	[spmem:s11] =	stream.indirect.scatter.add.f32 [tilespmem:s9], [sflag:$0x9], $0x80, s3, s18, $0xb8;
	[tilespmem:$0x1E600] =	vst v63  }
0xdb: {  	_ =	swait.ge [sflag:s6], $0x800  }
0xdc: {  	[sflag:s6] =	ssyncset.done $0x0  }
0xdd: {  	[sflag:s6] =	ssyncadd.s32 $0xFFFFF800  }
0xde: {  	[bflag:$0x0] =	sbarrier.arrive $0xFFFF  }
0xdf: {  	[tilespmem:s9], [sflag:$0x9] =	stream.linear.gather [spmem:s1], $0x2000, $0x38;
	[tilespmem:$0x1E600] =	vst v63  }
0xe0: {  	_ =	swait.ge [sflag:s6], $0x2000  }
0xe1: {  	[sflag:s6] =	ssyncset.done $0x0  }
0xe2: {  	s19 =	rddreg [dreg:$0x3];
	[sflag:s6] =	ssyncadd.s32 $0xFFFFE000  }
0xe3: {  	[hbm4b:s19+s12] =	stream.linear.scatter [tilespmem:s9], [sflag:$0x9], $0x2000, $0x38;
	[tilespmem:$0x1E600] =	vst v63  }
0xe4: {  	_ =	swait.ge [sflag:s6], $0x2000  }
0xe5: {  	[sflag:s6] =	ssyncset.done $0x0  }
0xe6: {  	s31 =	rddreg [dreg:$0x10];
	[sflag:s6] =	ssyncadd.s32 $0xFFFFE000  }
0xe7: {  	[tilespmem:s9], [sflag:$0x9] =	stream.linear.gather [spmem:s31], $0x2000, $0x38;
	[tilespmem:$0x1E600] =	vst v63  }
0xe8: {  	_ =	swait.ge [sflag:s6], $0x2000  }
0xe9: {  	[sflag:s6] =	ssyncset.done $0x0  }
0xea: {  	s4 =	smov.u32 s1;
	s1 =	rddreg [dreg:$0x4];
	[sflag:s6] =	ssyncadd.s32 $0xFFFFE000  }
0xeb: {  	[hbm4b:s1+s12] =	stream.linear.scatter [tilespmem:s9], [sflag:$0x9], $0x2000, $0x38;
	[tilespmem:$0x1E600] =	vst v63  }
0xec: {  	_ =	swait.ge [sflag:s6], $0x2000  }
0xed: {  	[sflag:s6] =	ssyncset.done $0x0  }
0xee: {  	s3 =	rddreg [dreg:$0x11];
	[sflag:s6] =	ssyncadd.s32 $0xFFFFE000  }
0xef: {  	[tilespmem:s9], [sflag:$0x9] =	stream.linear.gather [spmem:s3], $0x2000, $0x38;
	[tilespmem:$0x1E600] =	vst v63  }
0xf0: {  	_ =	swait.ge [sflag:s6], $0x2000  }
0xf1: {  	[sflag:s6] =	ssyncset.done $0x0  }
0xf2: {  	s10 =	rddreg [dreg:$0x5];
	[sflag:s6] =	ssyncadd.s32 $0xFFFFE000  }
0xf3: {  	[hbm4b:s10+s12] =	stream.linear.scatter [tilespmem:s9], [sflag:$0x9], $0x2000, $0x38;
	[tilespmem:$0x1E600] =	vst v63  }
0xf4: {  	_ =	swait.ge [sflag:s6], $0x2000  }
0xf5: {  	[sflag:s6] =	ssyncset.done $0x0  }
0xf6: {  	s18 =	rddreg [dreg:$0x12];
	[sflag:s6] =	ssyncadd.s32 $0xFFFFE000  }
0xf7: {  	[tilespmem:s9], [sflag:$0x9] =	stream.linear.gather [spmem:s18], $0x2000, $0x38;
	[tilespmem:$0x1E600] =	vst v63  }
0xf8: {  	_ =	swait.ge [sflag:s6], $0x2000  }
0xf9: {  	[sflag:s6] =	ssyncset.done $0x0  }
0xfa: {  	s19 =	rddreg [dreg:$0x6];
	[sflag:s6] =	ssyncadd.s32 $0xFFFFE000  }
0xfb: {  	[hbm4b:s19+s12] =	stream.linear.scatter [tilespmem:s9], [sflag:$0x9], $0x2000, $0x38;
	[tilespmem:$0x1E600] =	vst v63  }
0xfc: {  	_ =	swait.ge [sflag:s6], $0x2000  }
0xfd: {  	[sflag:s6] =	ssyncset.done $0x0  }
0xfe: {  	s31 =	rddreg [dreg:$0x13];
	[sflag:s6] =	ssyncadd.s32 $0xFFFFE000  }
0xff: {  	[tilespmem:s9], [sflag:$0x9] =	stream.linear.gather [spmem:s31], $0x2000, $0x38;
	[tilespmem:$0x1E600] =	vst v63  }
0x100: {  	_ =	swait.ge [sflag:s6], $0x2000  }
0x101: {  	[sflag:s6] =	ssyncset.done $0x0  }
0x102: {  	s1 =	rddreg [dreg:$0x7];
	[sflag:s6] =	ssyncadd.s32 $0xFFFFE000  }
0x103: {  	[hbm4b:s1+s12] =	stream.linear.scatter [tilespmem:s9], [sflag:$0x9], $0x2000, $0x38;
	[tilespmem:$0x1E600] =	vst v63  }
0x104: {  	_ =	swait.ge [sflag:s6], $0x2000  }
0x105: {  	[sflag:s6] =	ssyncset.done $0x0  }
0x106: {  	s3 =	rddreg [dreg:$0x14];
	[sflag:s6] =	ssyncadd.s32 $0xFFFFE000  }
0x107: {  	[tilespmem:s9], [sflag:$0x9] =	stream.linear.gather [spmem:s3], $0x2000, $0x38;
	[tilespmem:$0x1E600] =	vst v63  }
0x108: {  	_ =	swait.ge [sflag:s6], $0x2000  }
0x109: {  	[sflag:s6] =	ssyncset.done $0x0  }
0x10a: {  	s10 =	rddreg [dreg:$0x8];
	[sflag:s6] =	ssyncadd.s32 $0xFFFFE000  }
0x10b: {  	[hbm4b:s10+s12] =	stream.linear.scatter [tilespmem:s9], [sflag:$0x9], $0x2000, $0x38;
	[tilespmem:$0x1E600] =	vst v63  }
0x10c: {  	_ =	swait.ge [sflag:s6], $0x2000  }
0x10d: {  	[sflag:s6] =	ssyncset.done $0x0  }
0x10e: {  	s18 =	rddreg [dreg:$0x15];
	[sflag:s6] =	ssyncadd.s32 $0xFFFFE000  }
0x10f: {  	[tilespmem:s9], [sflag:$0x9] =	stream.linear.gather [spmem:s18], $0x2000, $0x38;
	[tilespmem:$0x1E600] =	vst v63  }
0x110: {  	_ =	swait.ge [sflag:s6], $0x2000  }
0x111: {  	[sflag:s6] =	ssyncset.done $0x0  }
0x112: {  	s19 =	rddreg [dreg:$0x9];
	[sflag:s6] =	ssyncadd.s32 $0xFFFFE000  }
0x113: {  	[hbm4b:s19+s12] =	stream.linear.scatter [tilespmem:s9], [sflag:$0x9], $0x2000, $0x38;
	[tilespmem:$0x1E600] =	vst v63  }
0x114: {  	_ =	swait.ge [sflag:s6], $0x2000  }
0x115: {  	[sflag:s6] =	ssyncset.done $0x0  }
0x116: {  	s31 =	rddreg [dreg:$0x16];
	[sflag:s6] =	ssyncadd.s32 $0xFFFFE000  }
0x117: {  	[tilespmem:s9], [sflag:$0x9] =	stream.linear.gather [spmem:s31], $0x2000, $0x38;
	[tilespmem:$0x1E600] =	vst v63  }
0x118: {  	_ =	swait.ge [sflag:s6], $0x2000  }
0x119: {  	[sflag:s6] =	ssyncset.done $0x0  }
0x11a: {  	s1 =	rddreg [dreg:$0xa];
	[sflag:s6] =	ssyncadd.s32 $0xFFFFE000  }
0x11b: {  	[hbm4b:s1+s12] =	stream.linear.scatter [tilespmem:s9], [sflag:$0x9], $0x2000, $0x38;
	[tilespmem:$0x1E600] =	vst v63  }
0x11c: {  	_ =	swait.ge [sflag:s6], $0x2000  }
0x11d: {  	[sflag:s6] =	ssyncset.done $0x0  }
0x11e: {  	s3 =	rddreg [dreg:$0x17];
	[sflag:s6] =	ssyncadd.s32 $0xFFFFE000  }
0x11f: {  	[tilespmem:s9], [sflag:$0x9] =	stream.linear.gather [spmem:s3], $0x2000, $0x38;
	[tilespmem:$0x1E600] =	vst v63  }
0x120: {  	_ =	swait.ge [sflag:s6], $0x2000  }
0x121: {  	[sflag:s6] =	ssyncset.done $0x0  }
0x122: {  	s10 =	rddreg [dreg:$0xb];
	[sflag:s6] =	ssyncadd.s32 $0xFFFFE000  }
0x123: {  	[hbm4b:s10+s12] =	stream.linear.scatter [tilespmem:s9], [sflag:$0x9], $0x2000, $0x38;
	[tilespmem:$0x1E600] =	vst v63  }
0x124: {  	_ =	swait.ge [sflag:s6], $0x2000  }
0x125: {  	[sflag:s6] =	ssyncset.done $0x0  }
0x126: {  	s18 =	rddreg [dreg:$0x18];
	[sflag:s6] =	ssyncadd.s32 $0xFFFFE000  }
0x127: {  	[tilespmem:s9], [sflag:$0x9] =	stream.linear.gather [spmem:s18], $0x1C00, $0x38;
	[tilespmem:$0x1E600] =	vst v63  }
0x128: {  	_ =	swait.ge [sflag:s6], $0x1C00  }
0x129: {  	[sflag:s6] =	ssyncset.done $0x0  }
0x12a: {  	s19 =	rddreg [dreg:$0xc];
	[sflag:s6] =	ssyncadd.s32 $0xFFFFE400  }
0x12b: {  	[hbm4b:s19+s12] =	stream.linear.scatter [tilespmem:s9], [sflag:$0x9], $0x1C00, $0x38;
	[tilespmem:$0x1E600] =	vst v63  }
0x12c: {  	_ =	swait.ge [sflag:s6], $0x1C00  }
0x12d: {  	s5 =	sadd.s32 $0x1, s5;
	s31 =	rddreg [dreg:$0x19]  }
0x12e: {  	p0 =	sne.s32 s5, s31  }
.Ltmp1:
0x12f: {  	_ = 	snop;
	(pc) =	sbr.rel @p0 .LBB2_1-.Ltmp1, $3  }
0x130: {  	_ =	sdelay $0x1  }
0x131: {  	[sflag:s6] =	ssyncset.done $0x0  }
0x132: {  	[sflag:s6] =	ssyncadd.s32 $0xFFFFE400  }
0x133: {  	_ =	sfence.sel $0x180000  }
0x134: {  	[bflag:$0x0] =	sbarrier.arrive $0xFFFF  }
0x135: {  	_ =	strace $0x90000050  }
0x136: {  	s0 =	stileid.u32;
	[bflag:$0x2] =	sbarrier.arrive $0xFFFF  }
0x137: {  	p0 =	sne.s32 s0, $0x0;
	s0 =	rddreg [dreg:$0x2]  }
0x138: {  	s0 =	sadd.s32 @!p0 $0x100000, s0  }
0x139: {  	[sflag:s0] =	ssyncadd.tile.s32 @!p0 $0x1;
	_ =	shalt  }
.Lfunc_end2:
_tile_overlayer_lowered:
.L_overlay_start_2:
0x13a: {  	(tag) =	ssettag $0x2  }
0x13b: {  	s0 =	rddreg [dreg:$0x0];
	s2 =	stileid.u32  }
0x13c: {  	s1 =	rddreg [dreg:$0x1];
	p0 =	sne.s32 s2, $0x0  }
0x13d: {  	s3 =	rddreg [dreg:$0x2];
	[bflag:$0x3] =	sbarrier.arrive $0xFFFF;
	s2 =	simm.s32 @!p0 $0x1C09  }
0x13e: {  	[timem:s3], [sflag:s2] =	dma.local @!p0 [hbm:s0], s1  }
0x13f: {  	s0 =	simm.s32 @!p0 $0x9  }
0x140: {  	_ =	swait.ge @!p0 [sflag:s0], s1  }
0x141: {  	s1 =	ssub.s32 @!p0 $0x0, s1;
	[sflag:s0] =	ssyncset.done @!p0 $0x0  }
0x142: {  	[sflag:s0] =	ssyncadd.s32 @!p0 s1  }
0x143: {  	[bflag:$0x3] =	sbarrier.arrive $0xFFFF  }
0x144: {  	_ =	shalt  }

</sc_bundles>
